<compile_context>
chip_gen: v7x
topology: tpu7x:2x2x1
jax: 0.10.2.dev20260603
libtpu: 0.0.44.dev20260713+nightly
codegen_flags: <defaults>
</compile_context>

<pallas_src>
import functools

import jax
import jax.numpy as jnp
from jax import lax
from jax.experimental import pallas as pl
from jax.experimental.pallas import tpu as pltpu
from jax.experimental.pallas import tpu_sc as plsc

_CLS_W = 10.0
_REG_W = 8.0
_ALPHA = 0.25

_B, _T, _M, _FW, _D = 256, 128, 20, 8, 3
_BT = _B * _T
_ROW = _FW * _D
_NEL = _BT * _ROW

_BB = 8
_G = _B // _BB
_BC = 32
_GC = _B // _BC

_NW = 32
_NPW = _NEL // _NW
_CHUNK = 128
_NCH = _NPW // _CHUNK
_GRP = 24
_NGRP = _NCH // _GRP


def _hdot(a, b, dims=((1,), (0,))):
    return lax.dot_general(a, b, (dims, ((), ())),
                           precision=lax.Precision.HIGHEST)


def _tc_main_body(poses_ref, anc_ref, idx_ref, t24_ref, mode_ref):
    i = pl.program_id(0)
    at = anc_ref[0, 0]
    a2 = jnp.sum(at * at, axis=0)

    jj = lax.broadcasted_iota(jnp.int32, (_ROW, 128), 0)
    rr = lax.broadcasted_iota(jnp.int32, (_ROW, 128), 1)
    s3 = ((jj % _FW) * 16 + 3 + (jj // _FW) * 4 == rr).astype(jnp.float32)
    kk = lax.broadcasted_iota(jnp.int32, (16, 128), 0)
    r2 = lax.broadcasted_iota(jnp.int32, (16, 128), 1)
    sxy = ((kk // 2) * 16 + 3 + (kk % 2) * 4 == r2).astype(jnp.float32)

    tt24 = lax.broadcasted_iota(jnp.int32, (_ROW, 128), 1)
    lanes = _BB * 128

    sel = jnp.concatenate([sxy, s3], axis=0)
    pb = jnp.concatenate([poses_ref[b] for b in range(_BB)], axis=1)
    y = _hdot(sel, pb)
    xy = y[:16, :]
    xy2 = jnp.sum(xy * xy, axis=0, keepdims=True)
    cross = _hdot(at, xy, dims=((0,), (0,)))
    d2 = (xy2 - 2.0 * cross) + a2[:, None]
    miota = lax.broadcasted_iota(jnp.int32, (_M, lanes), 0)
    dmin = jnp.min(d2, axis=0, keepdims=True)
    mode = jnp.min(jnp.where(d2 <= dmin, miota, _M), axis=0,
                   keepdims=True)

    for b in range(_BB):
        t24_ref[b] = y[16:, b * 128:(b + 1) * 128]
        mode_b = mode[:, b * 128:(b + 1) * 128]
        bglob = i * _BB + b
        idx_ref[b] = ((bglob * _M + mode_b) * _ROW + jj) * 128 + tt24
        mode_ref[b] = mode_b


_tc_main = pl.pallas_call(
    _tc_main_body,
    grid=(_G,),
    in_specs=[
        pl.BlockSpec((_BB, 128, 128), lambda i: (i, 0, 0)),
        pl.BlockSpec((1, 1, 16, _M), lambda i: (0, 0, 0, 0)),
    ],
    out_specs=[
        pl.BlockSpec((_BB, _ROW, 128), lambda i: (i, 0, 0)),
        pl.BlockSpec((_BB, _ROW, 128), lambda i: (i, 0, 0)),
        pl.BlockSpec((_BB, 1, 128), lambda i: (i, 0, 0)),
    ],
    out_shape=[
        jax.ShapeDtypeStruct((_B, _ROW, 128), jnp.int32),
        jax.ShapeDtypeStruct((_B, _ROW, 128), jnp.float32),
        jax.ShapeDtypeStruct((_B, 1, 128), jnp.int32),
    ],
)


def _tc_focal_body(cls0_ref, cls1_ref, mode_ref, f0_ref, f1_ref):
    mode3 = mode_ref[:, 0, :]
    mio3 = lax.broadcasted_iota(jnp.int32, (_M, _BB, 128), 0)
    onehot = (mio3 == mode3[None, :, :]).astype(jnp.float32)
    for cls_ref, f_ref in ((cls0_ref, f0_ref), (cls1_ref, f1_ref)):
        pred = cls_ref[...]
        e = jnp.exp(-jnp.abs(pred))
        p = jnp.where(pred >= 0.0, 1.0 / (1.0 + e), e / (1.0 + e))
        pt = (1.0 - p) * onehot + p * (1.0 - onehot)
        fw = (_ALPHA * onehot + (1.0 - _ALPHA) * (1.0 - onehot)) * pt * pt
        bce = (jnp.maximum(pred, 0.0) - pred * onehot + jnp.log(1.0 + e))
        f_ref[...] = jnp.full((1, 1, 128), jnp.sum(bce * fw), jnp.float32)


_tc_focal = pl.pallas_call(
    _tc_focal_body,
    grid=(_G,),
    in_specs=[
        pl.BlockSpec((_M, _BB, 128), lambda i: (0, i, 0)),
        pl.BlockSpec((_M, _BB, 128), lambda i: (0, i, 0)),
        pl.BlockSpec((_BB, 1, 128), lambda i: (i, 0, 0)),
    ],
    out_specs=[
        pl.BlockSpec((1, 1, 128), lambda i: (i, 0, 0)),
        pl.BlockSpec((1, 1, 128), lambda i: (i, 0, 0)),
    ],
    out_shape=[
        jax.ShapeDtypeStruct((_G, 1, 128), jnp.float32),
        jax.ShapeDtypeStruct((_G, 1, 128), jnp.float32),
    ],
)


def _tc_reg_body(g0_ref, g1_ref, t_ref, o0_ref, o1_ref):
    t = t_ref[...]
    o0_ref[...] = jnp.full((1, 1, 128), jnp.sum(jnp.abs(g0_ref[...] - t)),
                           jnp.float32)
    o1_ref[...] = jnp.full((1, 1, 128), jnp.sum(jnp.abs(g1_ref[...] - t)),
                           jnp.float32)


_tc_reg = pl.pallas_call(
    _tc_reg_body,
    grid=(_GC,),
    in_specs=[
        pl.BlockSpec((_BC, _ROW, 128), lambda i: (i, 0, 0)),
        pl.BlockSpec((_BC, _ROW, 128), lambda i: (i, 0, 0)),
        pl.BlockSpec((_BC, _ROW, 128), lambda i: (i, 0, 0)),
    ],
    out_specs=[
        pl.BlockSpec((1, 1, 128), lambda i: (i, 0, 0)),
        pl.BlockSpec((1, 1, 128), lambda i: (i, 0, 0)),
    ],
    out_shape=[
        jax.ShapeDtypeStruct((_GC, 1, 128), jnp.float32),
        jax.ShapeDtypeStruct((_GC, 1, 128), jnp.float32),
    ],
)


def _sc_gather_body(idx_hbm, t0_hbm, t1_hbm, o0_hbm, o1_hbm,
                    idx_v, v0, v1, s0, s1):
    wid = lax.axis_index("s") * 2 + lax.axis_index("c")
    base = wid * _NPW
    pltpu.sync_copy(idx_hbm.at[pl.ds(base, _NPW)], idx_v)

    def fire(g):
        for k in range(_GRP):
            sl = pl.ds((g * _GRP + k) * _CHUNK, _CHUNK)
            pltpu.async_copy(t0_hbm.at[idx_v.at[sl]], v0.at[sl], s0)
            pltpu.async_copy(t1_hbm.at[idx_v.at[sl]], v1.at[sl], s1)

    def drain(g):
        for k in range(_GRP):
            sl = pl.ds((g * _GRP + k) * _CHUNK, _CHUNK)
            pltpu.make_async_copy(t0_hbm.at[idx_v.at[sl]], v0.at[sl], s0).wait()
            pltpu.make_async_copy(t1_hbm.at[idx_v.at[sl]], v1.at[sl], s1).wait()

    fire(0)

    def group(g, _):
        fire(g)
        drain(g - 1)
        return ()

    lax.fori_loop(1, _NGRP, group, (), unroll=False)
    drain(_NGRP - 1)
    pltpu.sync_copy(v0, o0_hbm.at[pl.ds(base, _NPW)])
    pltpu.sync_copy(v1, o1_hbm.at[pl.ds(base, _NPW)])


@functools.cache
def _sc_gather():
    return pl.kernel(
        _sc_gather_body,
        mesh=plsc.VectorSubcoreMesh(core_axis_name="c", subcore_axis_name="s"),
        compiler_params=pltpu.CompilerParams(use_tc_tiling_on_sc=False),
        out_type=[jax.ShapeDtypeStruct((_NEL,), jnp.float32)] * 2,
        scratch_types=[
            pltpu.VMEM((_NPW,), jnp.int32),
            pltpu.VMEM((_NPW,), jnp.float32),
            pltpu.VMEM((_NPW,), jnp.float32),
            pltpu.SemaphoreType.DMA,
            pltpu.SemaphoreType.DMA,
        ],
    )


def kernel(diff_traj_reg_0, diff_traj_cls_0, diff_traj_reg_1, diff_traj_cls_1,
           future_ego_n_to_ego_curr, anchor):
    poses_f = jnp.transpose(future_ego_n_to_ego_curr,
                            (0, 2, 3, 4, 1)).reshape(_B, 128, 128)
    cls0_t = jnp.transpose(diff_traj_cls_0, (2, 0, 1))
    cls1_t = jnp.transpose(diff_traj_cls_1, (2, 0, 1))
    anc_t = jnp.transpose(anchor, (0, 1, 3, 2))
    tab0 = jnp.transpose(diff_traj_reg_0, (0, 2, 4, 3, 1)).reshape(-1)
    tab1 = jnp.transpose(diff_traj_reg_1, (0, 2, 4, 3, 1)).reshape(-1)

    idx3, t24, mode3 = _tc_main(poses_f, anc_t)
    g0f, g1f = _sc_gather()(idx3.reshape(-1), tab0, tab1)
    f0p, f1p = _tc_focal(cls0_t, cls1_t, mode3)
    r0p, r1p = _tc_reg(g0f.reshape(_B, _ROW, 128),
                       g1f.reshape(_B, _ROW, 128), t24)

    n_cls = float(_BT * _M)
    n_reg = float(_NEL)
    cls0_l = jnp.sum(f0p[:, 0, 0]) / n_cls
    cls1_l = jnp.sum(f1p[:, 0, 0]) / n_cls
    reg0_l = jnp.sum(r0p[:, 0, 0]) / n_reg
    reg1_l = jnp.sum(r1p[:, 0, 0]) / n_reg
    return (cls0_l * _CLS_W + reg0_l * _REG_W
            + cls1_l * _CLS_W + reg1_l * _REG_W)

# --- scband reference (transcript-rebuilt; emitter-appended) ---
"""Pipeline reference for scband-diffusion-trajectory-loss-24318104830015 (READ-ONLY COPY).

The authoritative reference and input builder live on the scoring server;
editing this copy changes nothing except your own understanding.
"""

import jax, jax.numpy as jnp
import numpy as np

CLS_W = 10.0
REG_W = 8.0
GAMMA = 2.0
ALPHA = 0.25


def _focal(pred, target):
    p = jax.nn.sigmoid(pred)
    pt = (1.0 - p) * target + p * (1.0 - target)
    fw = (ALPHA * target + (1.0 - ALPHA) * (1.0 - target)) * jnp.power(pt, GAMMA)
    bce = jnp.maximum(pred, 0.0) - pred * target + jnp.log1p(jnp.exp(-jnp.abs(pred)))
    return jnp.mean(bce * fw)


def _forward(reg_list, cls_list, poses, anchor):
    bs, T, num_mode, fwin, d = reg_list[0].shape
    # convert_pose_rdf_to_trajectory_rdf: extract translation from 4x4 poses
    target_traj = poses[..., :3, 3]  # [B, T, 8, 3]
    flat = target_traj[..., :2].reshape(bs, T, 1, fwin * 2)  # unsqueeze(2).flatten(-2)
    dist = jnp.linalg.norm(flat - anchor, axis=-1)  # [B, T, 20]
    mode_idx = jnp.argmin(dist, axis=-1)  # [B, T]
    idx = jnp.broadcast_to(mode_idx[:, :, None, None, None], (bs, T, 1, fwin, d))
    total = 0.0
    for traj_reg, traj_cls in zip(reg_list, cls_list):
        onehot = jax.nn.one_hot(mode_idx, num_mode, dtype=traj_cls.dtype)  # scatter_ of 1s
        cls_loss = _focal(traj_cls, onehot)
        best_reg = jnp.take_along_axis(traj_reg, idx, axis=2).squeeze(2)
        reg_loss = jnp.mean(jnp.abs(best_reg - target_traj))
        total = total + cls_loss * CLS_W + reg_loss * REG_W
    return total


def setup_inputs(seed: int = 0) -> dict:
    key = jax.random.key(seed)
    ks = jax.random.split(key, 6)
    B, T, M, FW, D = 256, 128, 20, 8, 3
    inp = {
        "diff_traj_reg_0": jax.random.normal(ks[0], (B, T, M, FW, D), dtype=jnp.float32),
        "diff_traj_cls_0": jax.random.normal(ks[1], (B, T, M), dtype=jnp.float32),
        "diff_traj_reg_1": jax.random.normal(ks[2], (B, T, M, FW, D), dtype=jnp.float32),
        "diff_traj_cls_1": jax.random.normal(ks[3], (B, T, M), dtype=jnp.float32),
        "future_ego_n_to_ego_curr": jax.random.normal(ks[4], (B, T, FW, 4, 4), dtype=jnp.float32),
    }
    centers = jax.random.normal(ks[5], (M, FW, 2), dtype=jnp.float32) * 5.0
    # anchor buffer: [None, None] + flatten(-2) + gt_scale_factor
    inp["anchor"] = centers.reshape(1, 1, M, FW * 2) * 0.1
    return inp


def reference(diff_traj_reg_0, diff_traj_cls_0, diff_traj_reg_1, diff_traj_cls_1, future_ego_n_to_ego_curr, anchor):
    return _forward(
        [diff_traj_reg_0, diff_traj_reg_1],
        [diff_traj_cls_0, diff_traj_cls_1],
        future_ego_n_to_ego_curr,
        anchor,
    )

if __name__ == "__main__":
    import jax
    _d = setup_inputs()
    print(jax.jit(kernel)(*tuple(_d.values())))

</pallas_src>

<mosaic_0001>
#map = affine_map<(d0, d1) -> (0)>
module attributes {stable_mosaic.version = 14 : i64} {
  func.func @_sc_gather_body(%arg0: i32, %arg1: i32, %arg2: memref<786432xi32, #tpu.memory_space<hbm>>, %arg3: memref<15728640xf32, #tpu.memory_space<hbm>>, %arg4: memref<15728640xf32, #tpu.memory_space<hbm>>, %arg5: memref<786432xf32, #tpu.memory_space<hbm>>, %arg6: memref<786432xf32, #tpu.memory_space<hbm>>, %arg7: memref<24576xi32, #tpu.memory_space<vmem>>, %arg8: memref<24576xf32, #tpu.memory_space<vmem>>, %arg9: memref<24576xf32, #tpu.memory_space<vmem>>, %arg10: memref<!tpu.dma_semaphore, #tpu.memory_space<semaphore_mem>>, %arg11: memref<!tpu.dma_semaphore, #tpu.memory_space<semaphore_mem>>) attributes {dimension_semantics = [#tpu.dimension_semantics<core_parallel>, #tpu.dimension_semantics<subcore_parallel>], iteration_bounds = array<i64: 2, 16>, scalar_prefetch = 0 : i64, scratch_operands = 5 : i64, tpu.core_type = #tpu.core_type<sc_vector_subcore>, window_params = [{transform_indices = #map}, {transform_indices = #map}, {transform_indices = #map}, {transform_indices = #map}, {transform_indices = #map}]} {
    %mul3A = arith.constant 2 : i32
    %mul3A_0 = arith.muli %arg1, %mul3A : i32
    %add3A = arith.addi %mul3A_0, %arg0 : i32
    %mul3A_1 = arith.constant 24576 : i32
    %mul3A_2 = arith.muli %add3A, %mul3A_1 : i32
    "tpu.region"() ({
      %run_scoped3A = tpu.sem_alloc : memref<!tpu.dma_semaphore, #tpu.memory_space<semaphore_mem>>
      %dma_start3A_581 = tpu.memref_slice %arg2[%mul3A_2] : memref<786432xi32, #tpu.memory_space<hbm>> -> memref<24576xi32, #tpu.memory_space<hbm>>
      %dma_start3A_582 = tpu.memref_slice %arg2[%mul3A_2] : memref<786432xi32, #tpu.memory_space<hbm>> -> memref<24576xi32, #tpu.memory_space<hbm>>
      tpu.enqueue_dma source(%dma_start3A_582 : memref<24576xi32, #tpu.memory_space<hbm>>) target(%arg7 : memref<24576xi32, #tpu.memory_space<vmem>>) target_semaphore(%run_scoped3A : memref<!tpu.dma_semaphore, #tpu.memory_space<semaphore_mem>>)
      %dma_wait3A_583 = tpu.memref_slice %arg2[%mul3A_2] : memref<786432xi32, #tpu.memory_space<hbm>> -> memref<24576xi32, #tpu.memory_space<hbm>>
      %dma_wait3A_584 = tpu.memref_slice %arg2[%mul3A_2] : memref<786432xi32, #tpu.memory_space<hbm>> -> memref<24576xi32, #tpu.memory_space<hbm>>
      tpu.wait_dma2 semaphore(%run_scoped3A : memref<!tpu.dma_semaphore, #tpu.memory_space<semaphore_mem>>) src(%dma_wait3A_584 : memref<24576xi32, #tpu.memory_space<hbm>>) dst(%arg7 : memref<24576xi32, #tpu.memory_space<vmem>>)
      tpu.yield
    }) : () -> ()
    %dma_start3A = arith.constant 0 : i32
    %dma_start3A_3 = tpu.memref_slice %arg8[%dma_start3A] : memref<24576xf32, #tpu.memory_space<vmem>> -> memref<128xf32, #tpu.memory_space<vmem>>
    %dma_start3A_4 = arith.constant 0 : i32
    %dma_start3A_5 = tpu.memref_slice %arg7[%dma_start3A_4] : memref<24576xi32, #tpu.memory_space<vmem>> -> memref<128xi32, #tpu.memory_space<vmem>>
    %dma_start3A_6 = arith.constant 0 : i32
    %dma_start3A_7 = tpu.memref_slice %arg3[%dma_start3A_6] : memref<15728640xf32, #tpu.memory_space<hbm>> -> memref<15728640xf32, #tpu.memory_space<hbm>>
    tpu.enqueue_indirect_dma source(%dma_start3A_7 : memref<15728640xf32, #tpu.memory_space<hbm>>) target(%dma_start3A_3 : memref<128xf32, #tpu.memory_space<vmem>>) offsets(%dma_start3A_5 : memref<128xi32, #tpu.memory_space<vmem>>) semaphore(%arg10 : memref<!tpu.dma_semaphore, #tpu.memory_space<semaphore_mem>>)
    %dma_start3A_8 = arith.constant 0 : i32
    %dma_start3A_9 = tpu.memref_slice %arg9[%dma_start3A_8] : memref<24576xf32, #tpu.memory_space<vmem>> -> memref<128xf32, #tpu.memory_space<vmem>>
    %dma_start3A_10 = arith.constant 0 : i32
    %dma_start3A_11 = tpu.memref_slice %arg7[%dma_start3A_10] : memref<24576xi32, #tpu.memory_space<vmem>> -> memref<128xi32, #tpu.memory_space<vmem>>
    %dma_start3A_12 = arith.constant 0 : i32
    %dma_start3A_13 = tpu.memref_slice %arg4[%dma_start3A_12] : memref<15728640xf32, #tpu.memory_space<hbm>> -> memref<15728640xf32, #tpu.memory_space<hbm>>
    tpu.enqueue_indirect_dma source(%dma_start3A_13 : memref<15728640xf32, #tpu.memory_space<hbm>>) target(%dma_start3A_9 : memref<128xf32, #tpu.memory_space<vmem>>) offsets(%dma_start3A_11 : memref<128xi32, #tpu.memory_space<vmem>>) semaphore(%arg11 : memref<!tpu.dma_semaphore, #tpu.memory_space<semaphore_mem>>)
    %dma_start3A_14 = arith.constant 128 : i32
    %dma_start3A_15 = tpu.memref_slice %arg8[%dma_start3A_14] : memref<24576xf32, #tpu.memory_space<vmem>> -> memref<128xf32, #tpu.memory_space<vmem>>
    %dma_start3A_16 = arith.constant 128 : i32
    %dma_start3A_17 = tpu.memref_slice %arg7[%dma_start3A_16] : memref<24576xi32, #tpu.memory_space<vmem>> -> memref<128xi32, #tpu.memory_space<vmem>>
    %dma_start3A_18 = arith.constant 0 : i32
    %dma_start3A_19 = tpu.memref_slice %arg3[%dma_start3A_18] : memref<15728640xf32, #tpu.memory_space<hbm>> -> memref<15728640xf32, #tpu.memory_space<hbm>>
    tpu.enqueue_indirect_dma source(%dma_start3A_19 : memref<15728640xf32, #tpu.memory_space<hbm>>) target(%dma_start3A_15 : memref<128xf32, #tpu.memory_space<vmem>>) offsets(%dma_start3A_17 : memref<128xi32, #tpu.memory_space<vmem>>) semaphore(%arg10 : memref<!tpu.dma_semaphore, #tpu.memory_space<semaphore_mem>>)
    %dma_start3A_20 = arith.constant 128 : i32
    %dma_start3A_21 = tpu.memref_slice %arg9[%dma_start3A_20] : memref<24576xf32, #tpu.memory_space<vmem>> -> memref<128xf32, #tpu.memory_space<vmem>>
    %dma_start3A_22 = arith.constant 128 : i32
    %dma_start3A_23 = tpu.memref_slice %arg7[%dma_start3A_22] : memref<24576xi32, #tpu.memory_space<vmem>> -> memref<128xi32, #tpu.memory_space<vmem>>
    %dma_start3A_24 = arith.constant 0 : i32
    %dma_start3A_25 = tpu.memref_slice %arg4[%dma_start3A_24] : memref<15728640xf32, #tpu.memory_space<hbm>> -> memref<15728640xf32, #tpu.memory_space<hbm>>
    tpu.enqueue_indirect_dma source(%dma_start3A_25 : memref<15728640xf32, #tpu.memory_space<hbm>>) target(%dma_start3A_21 : memref<128xf32, #tpu.memory_space<vmem>>) offsets(%dma_start3A_23 : memref<128xi32, #tpu.memory_space<vmem>>) semaphore(%arg11 : memref<!tpu.dma_semaphore, #tpu.memory_space<semaphore_mem>>)
    %dma_start3A_26 = arith.constant 256 : i32
    %dma_start3A_27 = tpu.memref_slice %arg8[%dma_start3A_26] : memref<24576xf32, #tpu.memory_space<vmem>> -> memref<128xf32, #tpu.memory_space<vmem>>
    %dma_start3A_28 = arith.constant 256 : i32
    %dma_start3A_29 = tpu.memref_slice %arg7[%dma_start3A_28] : memref<24576xi32, #tpu.memory_space<vmem>> -> memref<128xi32, #tpu.memory_space<vmem>>
    %dma_start3A_30 = arith.constant 0 : i32
    %dma_start3A_31 = tpu.memref_slice %arg3[%dma_start3A_30] : memref<15728640xf32, #tpu.memory_space<hbm>> -> memref<15728640xf32, #tpu.memory_space<hbm>>
    tpu.enqueue_indirect_dma source(%dma_start3A_31 : memref<15728640xf32, #tpu.memory_space<hbm>>) target(%dma_start3A_27 : memref<128xf32, #tpu.memory_space<vmem>>) offsets(%dma_start3A_29 : memref<128xi32, #tpu.memory_space<vmem>>) semaphore(%arg10 : memref<!tpu.dma_semaphore, #tpu.memory_space<semaphore_mem>>)
    %dma_start3A_32 = arith.constant 256 : i32
    %dma_start3A_33 = tpu.memref_slice %arg9[%dma_start3A_32] : memref<24576xf32, #tpu.memory_space<vmem>> -> memref<128xf32, #tpu.memory_space<vmem>>
    %dma_start3A_34 = arith.constant 256 : i32
    %dma_start3A_35 = tpu.memref_slice %arg7[%dma_start3A_34] : memref<24576xi32, #tpu.memory_space<vmem>> -> memref<128xi32, #tpu.memory_space<vmem>>
    %dma_start3A_36 = arith.constant 0 : i32
    %dma_start3A_37 = tpu.memref_slice %arg4[%dma_start3A_36] : memref<15728640xf32, #tpu.memory_space<hbm>> -> memref<15728640xf32, #tpu.memory_space<hbm>>
    tpu.enqueue_indirect_dma source(%dma_start3A_37 : memref<15728640xf32, #tpu.memory_space<hbm>>) target(%dma_start3A_33 : memref<128xf32, #tpu.memory_space<vmem>>) offsets(%dma_start3A_35 : memref<128xi32, #tpu.memory_space<vmem>>) semaphore(%arg11 : memref<!tpu.dma_semaphore, #tpu.memory_space<semaphore_mem>>)
    %dma_start3A_38 = arith.constant 384 : i32
    %dma_start3A_39 = tpu.memref_slice %arg8[%dma_start3A_38] : memref<24576xf32, #tpu.memory_space<vmem>> -> memref<128xf32, #tpu.memory_space<vmem>>
    %dma_start3A_40 = arith.constant 384 : i32
    %dma_start3A_41 = tpu.memref_slice %arg7[%dma_start3A_40] : memref<24576xi32, #tpu.memory_space<vmem>> -> memref<128xi32, #tpu.memory_space<vmem>>
    %dma_start3A_42 = arith.constant 0 : i32
    %dma_start3A_43 = tpu.memref_slice %arg3[%dma_start3A_42] : memref<15728640xf32, #tpu.memory_space<hbm>> -> memref<15728640xf32, #tpu.memory_space<hbm>>
    tpu.enqueue_indirect_dma source(%dma_start3A_43 : memref<15728640xf32, #tpu.memory_space<hbm>>) target(%dma_start3A_39 : memref<128xf32, #tpu.memory_space<vmem>>) offsets(%dma_start3A_41 : memref<128xi32, #tpu.memory_space<vmem>>) semaphore(%arg10 : memref<!tpu.dma_semaphore, #tpu.memory_space<semaphore_mem>>)
    %dma_start3A_44 = arith.constant 384 : i32
    %dma_start3A_45 = tpu.memref_slice %arg9[%dma_start3A_44] : memref<24576xf32, #tpu.memory_space<vmem>> -> memref<128xf32, #tpu.memory_space<vmem>>
    %dma_start3A_46 = arith.constant 384 : i32
    %dma_start3A_47 = tpu.memref_slice %arg7[%dma_start3A_46] : memref<24576xi32, #tpu.memory_space<vmem>> -> memref<128xi32, #tpu.memory_space<vmem>>
    %dma_start3A_48 = arith.constant 0 : i32
    %dma_start3A_49 = tpu.memref_slice %arg4[%dma_start3A_48] : memref<15728640xf32, #tpu.memory_space<hbm>> -> memref<15728640xf32, #tpu.memory_space<hbm>>
    tpu.enqueue_indirect_dma source(%dma_start3A_49 : memref<15728640xf32, #tpu.memory_space<hbm>>) target(%dma_start3A_45 : memref<128xf32, #tpu.memory_space<vmem>>) offsets(%dma_start3A_47 : memref<128xi32, #tpu.memory_space<vmem>>) semaphore(%arg11 : memref<!tpu.dma_semaphore, #tpu.memory_space<semaphore_mem>>)
    %dma_start3A_50 = arith.constant 512 : i32
    %dma_start3A_51 = tpu.memref_slice %arg8[%dma_start3A_50] : memref<24576xf32, #tpu.memory_space<vmem>> -> memref<128xf32, #tpu.memory_space<vmem>>
    %dma_start3A_52 = arith.constant 512 : i32
    %dma_start3A_53 = tpu.memref_slice %arg7[%dma_start3A_52] : memref<24576xi32, #tpu.memory_space<vmem>> -> memref<128xi32, #tpu.memory_space<vmem>>
    %dma_start3A_54 = arith.constant 0 : i32
    %dma_start3A_55 = tpu.memref_slice %arg3[%dma_start3A_54] : memref<15728640xf32, #tpu.memory_space<hbm>> -> memref<15728640xf32, #tpu.memory_space<hbm>>
    tpu.enqueue_indirect_dma source(%dma_start3A_55 : memref<15728640xf32, #tpu.memory_space<hbm>>) target(%dma_start3A_51 : memref<128xf32, #tpu.memory_space<vmem>>) offsets(%dma_start3A_53 : memref<128xi32, #tpu.memory_space<vmem>>) semaphore(%arg10 : memref<!tpu.dma_semaphore, #tpu.memory_space<semaphore_mem>>)
    %dma_start3A_56 = arith.constant 512 : i32
    %dma_start3A_57 = tpu.memref_slice %arg9[%dma_start3A_56] : memref<24576xf32, #tpu.memory_space<vmem>> -> memref<128xf32, #tpu.memory_space<vmem>>
    %dma_start3A_58 = arith.constant 512 : i32
    %dma_start3A_59 = tpu.memref_slice %arg7[%dma_start3A_58] : memref<24576xi32, #tpu.memory_space<vmem>> -> memref<128xi32, #tpu.memory_space<vmem>>
    %dma_start3A_60 = arith.constant 0 : i32
    %dma_start3A_61 = tpu.memref_slice %arg4[%dma_start3A_60] : memref<15728640xf32, #tpu.memory_space<hbm>> -> memref<15728640xf32, #tpu.memory_space<hbm>>
    tpu.enqueue_indirect_dma source(%dma_start3A_61 : memref<15728640xf32, #tpu.memory_space<hbm>>) target(%dma_start3A_57 : memref<128xf32, #tpu.memory_space<vmem>>) offsets(%dma_start3A_59 : memref<128xi32, #tpu.memory_space<vmem>>) semaphore(%arg11 : memref<!tpu.dma_semaphore, #tpu.memory_space<semaphore_mem>>)
    %dma_start3A_62 = arith.constant 640 : i32
    %dma_start3A_63 = tpu.memref_slice %arg8[%dma_start3A_62] : memref<24576xf32, #tpu.memory_space<vmem>> -> memref<128xf32, #tpu.memory_space<vmem>>
    %dma_start3A_64 = arith.constant 640 : i32
    %dma_start3A_65 = tpu.memref_slice %arg7[%dma_start3A_64] : memref<24576xi32, #tpu.memory_space<vmem>> -> memref<128xi32, #tpu.memory_space<vmem>>
    %dma_start3A_66 = arith.constant 0 : i32
    %dma_start3A_67 = tpu.memref_slice %arg3[%dma_start3A_66] : memref<15728640xf32, #tpu.memory_space<hbm>> -> memref<15728640xf32, #tpu.memory_space<hbm>>
    tpu.enqueue_indirect_dma source(%dma_start3A_67 : memref<15728640xf32, #tpu.memory_space<hbm>>) target(%dma_start3A_63 : memref<128xf32, #tpu.memory_space<vmem>>) offsets(%dma_start3A_65 : memref<128xi32, #tpu.memory_space<vmem>>) semaphore(%arg10 : memref<!tpu.dma_semaphore, #tpu.memory_space<semaphore_mem>>)
    %dma_start3A_68 = arith.constant 640 : i32
    %dma_start3A_69 = tpu.memref_slice %arg9[%dma_start3A_68] : memref<24576xf32, #tpu.memory_space<vmem>> -> memref<128xf32, #tpu.memory_space<vmem>>
    %dma_start3A_70 = arith.constant 640 : i32
    %dma_start3A_71 = tpu.memref_slice %arg7[%dma_start3A_70] : memref<24576xi32, #tpu.memory_space<vmem>> -> memref<128xi32, #tpu.memory_space<vmem>>
    %dma_start3A_72 = arith.constant 0 : i32
    %dma_start3A_73 = tpu.memref_slice %arg4[%dma_start3A_72] : memref<15728640xf32, #tpu.memory_space<hbm>> -> memref<15728640xf32, #tpu.memory_space<hbm>>
    tpu.enqueue_indirect_dma source(%dma_start3A_73 : memref<15728640xf32, #tpu.memory_space<hbm>>) target(%dma_start3A_69 : memref<128xf32, #tpu.memory_space<vmem>>) offsets(%dma_start3A_71 : memref<128xi32, #tpu.memory_space<vmem>>) semaphore(%arg11 : memref<!tpu.dma_semaphore, #tpu.memory_space<semaphore_mem>>)
    %dma_start3A_74 = arith.constant 768 : i32
    %dma_start3A_75 = tpu.memref_slice %arg8[%dma_start3A_74] : memref<24576xf32, #tpu.memory_space<vmem>> -> memref<128xf32, #tpu.memory_space<vmem>>
    %dma_start3A_76 = arith.constant 768 : i32
    %dma_start3A_77 = tpu.memref_slice %arg7[%dma_start3A_76] : memref<24576xi32, #tpu.memory_space<vmem>> -> memref<128xi32, #tpu.memory_space<vmem>>
    %dma_start3A_78 = arith.constant 0 : i32
    %dma_start3A_79 = tpu.memref_slice %arg3[%dma_start3A_78] : memref<15728640xf32, #tpu.memory_space<hbm>> -> memref<15728640xf32, #tpu.memory_space<hbm>>
    tpu.enqueue_indirect_dma source(%dma_start3A_79 : memref<15728640xf32, #tpu.memory_space<hbm>>) target(%dma_start3A_75 : memref<128xf32, #tpu.memory_space<vmem>>) offsets(%dma_start3A_77 : memref<128xi32, #tpu.memory_space<vmem>>) semaphore(%arg10 : memref<!tpu.dma_semaphore, #tpu.memory_space<semaphore_mem>>)
    %dma_start3A_80 = arith.constant 768 : i32
    %dma_start3A_81 = tpu.memref_slice %arg9[%dma_start3A_80] : memref<24576xf32, #tpu.memory_space<vmem>> -> memref<128xf32, #tpu.memory_space<vmem>>
    %dma_start3A_82 = arith.constant 768 : i32
    %dma_start3A_83 = tpu.memref_slice %arg7[%dma_start3A_82] : memref<24576xi32, #tpu.memory_space<vmem>> -> memref<128xi32, #tpu.memory_space<vmem>>
    %dma_start3A_84 = arith.constant 0 : i32
    %dma_start3A_85 = tpu.memref_slice %arg4[%dma_start3A_84] : memref<15728640xf32, #tpu.memory_space<hbm>> -> memref<15728640xf32, #tpu.memory_space<hbm>>
    tpu.enqueue_indirect_dma source(%dma_start3A_85 : memref<15728640xf32, #tpu.memory_space<hbm>>) target(%dma_start3A_81 : memref<128xf32, #tpu.memory_space<vmem>>) offsets(%dma_start3A_83 : memref<128xi32, #tpu.memory_space<vmem>>) semaphore(%arg11 : memref<!tpu.dma_semaphore, #tpu.memory_space<semaphore_mem>>)
    %dma_start3A_86 = arith.constant 896 : i32
    %dma_start3A_87 = tpu.memref_slice %arg8[%dma_start3A_86] : memref<24576xf32, #tpu.memory_space<vmem>> -> memref<128xf32, #tpu.memory_space<vmem>>
    %dma_start3A_88 = arith.constant 896 : i32
    %dma_start3A_89 = tpu.memref_slice %arg7[%dma_start3A_88] : memref<24576xi32, #tpu.memory_space<vmem>> -> memref<128xi32, #tpu.memory_space<vmem>>
    %dma_start3A_90 = arith.constant 0 : i32
    %dma_start3A_91 = tpu.memref_slice %arg3[%dma_start3A_90] : memref<15728640xf32, #tpu.memory_space<hbm>> -> memref<15728640xf32, #tpu.memory_space<hbm>>
    tpu.enqueue_indirect_dma source(%dma_start3A_91 : memref<15728640xf32, #tpu.memory_space<hbm>>) target(%dma_start3A_87 : memref<128xf32, #tpu.memory_space<vmem>>) offsets(%dma_start3A_89 : memref<128xi32, #tpu.memory_space<vmem>>) semaphore(%arg10 : memref<!tpu.dma_semaphore, #tpu.memory_space<semaphore_mem>>)
    %dma_start3A_92 = arith.constant 896 : i32
    %dma_start3A_93 = tpu.memref_slice %arg9[%dma_start3A_92] : memref<24576xf32, #tpu.memory_space<vmem>> -> memref<128xf32, #tpu.memory_space<vmem>>
    %dma_start3A_94 = arith.constant 896 : i32
    %dma_start3A_95 = tpu.memref_slice %arg7[%dma_start3A_94] : memref<24576xi32, #tpu.memory_space<vmem>> -> memref<128xi32, #tpu.memory_space<vmem>>
    %dma_start3A_96 = arith.constant 0 : i32
    %dma_start3A_97 = tpu.memref_slice %arg4[%dma_start3A_96] : memref<15728640xf32, #tpu.memory_space<hbm>> -> memref<15728640xf32, #tpu.memory_space<hbm>>
    tpu.enqueue_indirect_dma source(%dma_start3A_97 : memref<15728640xf32, #tpu.memory_space<hbm>>) target(%dma_start3A_93 : memref<128xf32, #tpu.memory_space<vmem>>) offsets(%dma_start3A_95 : memref<128xi32, #tpu.memory_space<vmem>>) semaphore(%arg11 : memref<!tpu.dma_semaphore, #tpu.memory_space<semaphore_mem>>)
    %dma_start3A_98 = arith.constant 1024 : i32
    %dma_start3A_99 = tpu.memref_slice %arg8[%dma_start3A_98] : memref<24576xf32, #tpu.memory_space<vmem>> -> memref<128xf32, #tpu.memory_space<vmem>>
    %dma_start3A_100 = arith.constant 1024 : i32
    %dma_start3A_101 = tpu.memref_slice %arg7[%dma_start3A_100] : memref<24576xi32, #tpu.memory_space<vmem>> -> memref<128xi32, #tpu.memory_space<vmem>>
    %dma_start3A_102 = arith.constant 0 : i32
    %dma_start3A_103 = tpu.memref_slice %arg3[%dma_start3A_102] : memref<15728640xf32, #tpu.memory_space<hbm>> -> memref<15728640xf32, #tpu.memory_space<hbm>>
    tpu.enqueue_indirect_dma source(%dma_start3A_103 : memref<15728640xf32, #tpu.memory_space<hbm>>) target(%dma_start3A_99 : memref<128xf32, #tpu.memory_space<vmem>>) offsets(%dma_start3A_101 : memref<128xi32, #tpu.memory_space<vmem>>) semaphore(%arg10 : memref<!tpu.dma_semaphore, #tpu.memory_space<semaphore_mem>>)
    %dma_start3A_104 = arith.constant 1024 : i32
    %dma_start3A_105 = tpu.memref_slice %arg9[%dma_start3A_104] : memref<24576xf32, #tpu.memory_space<vmem>> -> memref<128xf32, #tpu.memory_space<vmem>>
    %dma_start3A_106 = arith.constant 1024 : i32
    %dma_start3A_107 = tpu.memref_slice %arg7[%dma_start3A_106] : memref<24576xi32, #tpu.memory_space<vmem>> -> memref<128xi32, #tpu.memory_space<vmem>>
    %dma_start3A_108 = arith.constant 0 : i32
    %dma_start3A_109 = tpu.memref_slice %arg4[%dma_start3A_108] : memref<15728640xf32, #tpu.memory_space<hbm>> -> memref<15728640xf32, #tpu.memory_space<hbm>>
    tpu.enqueue_indirect_dma source(%dma_start3A_109 : memref<15728640xf32, #tpu.memory_space<hbm>>) target(%dma_start3A_105 : memref<128xf32, #tpu.memory_space<vmem>>) offsets(%dma_start3A_107 : memref<128xi32, #tpu.memory_space<vmem>>) semaphore(%arg11 : memref<!tpu.dma_semaphore, #tpu.memory_space<semaphore_mem>>)
    %dma_start3A_110 = arith.constant 1152 : i32
    %dma_start3A_111 = tpu.memref_slice %arg8[%dma_start3A_110] : memref<24576xf32, #tpu.memory_space<vmem>> -> memref<128xf32, #tpu.memory_space<vmem>>
    %dma_start3A_112 = arith.constant 1152 : i32
    %dma_start3A_113 = tpu.memref_slice %arg7[%dma_start3A_112] : memref<24576xi32, #tpu.memory_space<vmem>> -> memref<128xi32, #tpu.memory_space<vmem>>
    %dma_start3A_114 = arith.constant 0 : i32
    %dma_start3A_115 = tpu.memref_slice %arg3[%dma_start3A_114] : memref<15728640xf32, #tpu.memory_space<hbm>> -> memref<15728640xf32, #tpu.memory_space<hbm>>
    tpu.enqueue_indirect_dma source(%dma_start3A_115 : memref<15728640xf32, #tpu.memory_space<hbm>>) target(%dma_start3A_111 : memref<128xf32, #tpu.memory_space<vmem>>) offsets(%dma_start3A_113 : memref<128xi32, #tpu.memory_space<vmem>>) semaphore(%arg10 : memref<!tpu.dma_semaphore, #tpu.memory_space<semaphore_mem>>)
    %dma_start3A_116 = arith.constant 1152 : i32
    %dma_start3A_117 = tpu.memref_slice %arg9[%dma_start3A_116] : memref<24576xf32, #tpu.memory_space<vmem>> -> memref<128xf32, #tpu.memory_space<vmem>>
    %dma_start3A_118 = arith.constant 1152 : i32
    %dma_start3A_119 = tpu.memref_slice %arg7[%dma_start3A_118] : memref<24576xi32, #tpu.memory_space<vmem>> -> memref<128xi32, #tpu.memory_space<vmem>>
    %dma_start3A_120 = arith.constant 0 : i32
    %dma_start3A_121 = tpu.memref_slice %arg4[%dma_start3A_120] : memref<15728640xf32, #tpu.memory_space<hbm>> -> memref<15728640xf32, #tpu.memory_space<hbm>>
    tpu.enqueue_indirect_dma source(%dma_start3A_121 : memref<15728640xf32, #tpu.memory_space<hbm>>) target(%dma_start3A_117 : memref<128xf32, #tpu.memory_space<vmem>>) offsets(%dma_start3A_119 : memref<128xi32, #tpu.memory_space<vmem>>) semaphore(%arg11 : memref<!tpu.dma_semaphore, #tpu.memory_space<semaphore_mem>>)
    %dma_start3A_122 = arith.constant 1280 : i32
    %dma_start3A_123 = tpu.memref_slice %arg8[%dma_start3A_122] : memref<24576xf32, #tpu.memory_space<vmem>> -> memref<128xf32, #tpu.memory_space<vmem>>
    %dma_start3A_124 = arith.constant 1280 : i32
    %dma_start3A_125 = tpu.memref_slice %arg7[%dma_start3A_124] : memref<24576xi32, #tpu.memory_space<vmem>> -> memref<128xi32, #tpu.memory_space<vmem>>
    %dma_start3A_126 = arith.constant 0 : i32
    %dma_start3A_127 = tpu.memref_slice %arg3[%dma_start3A_126] : memref<15728640xf32, #tpu.memory_space<hbm>> -> memref<15728640xf32, #tpu.memory_space<hbm>>
    tpu.enqueue_indirect_dma source(%dma_start3A_127 : memref<15728640xf32, #tpu.memory_space<hbm>>) target(%dma_start3A_123 : memref<128xf32, #tpu.memory_space<vmem>>) offsets(%dma_start3A_125 : memref<128xi32, #tpu.memory_space<vmem>>) semaphore(%arg10 : memref<!tpu.dma_semaphore, #tpu.memory_space<semaphore_mem>>)
    %dma_start3A_128 = arith.constant 1280 : i32
    %dma_start3A_129 = tpu.memref_slice %arg9[%dma_start3A_128] : memref<24576xf32, #tpu.memory_space<vmem>> -> memref<128xf32, #tpu.memory_space<vmem>>
    %dma_start3A_130 = arith.constant 1280 : i32
    %dma_start3A_131 = tpu.memref_slice %arg7[%dma_start3A_130] : memref<24576xi32, #tpu.memory_space<vmem>> -> memref<128xi32, #tpu.memory_space<vmem>>
    %dma_start3A_132 = arith.constant 0 : i32
    %dma_start3A_133 = tpu.memref_slice %arg4[%dma_start3A_132] : memref<15728640xf32, #tpu.memory_space<hbm>> -> memref<15728640xf32, #tpu.memory_space<hbm>>
    tpu.enqueue_indirect_dma source(%dma_start3A_133 : memref<15728640xf32, #tpu.memory_space<hbm>>) target(%dma_start3A_129 : memref<128xf32, #tpu.memory_space<vmem>>) offsets(%dma_start3A_131 : memref<128xi32, #tpu.memory_space<vmem>>) semaphore(%arg11 : memref<!tpu.dma_semaphore, #tpu.memory_space<semaphore_mem>>)
    %dma_start3A_134 = arith.constant 1408 : i32
    %dma_start3A_135 = tpu.memref_slice %arg8[%dma_start3A_134] : memref<24576xf32, #tpu.memory_space<vmem>> -> memref<128xf32, #tpu.memory_space<vmem>>
    %dma_start3A_136 = arith.constant 1408 : i32
    %dma_start3A_137 = tpu.memref_slice %arg7[%dma_start3A_136] : memref<24576xi32, #tpu.memory_space<vmem>> -> memref<128xi32, #tpu.memory_space<vmem>>
    %dma_start3A_138 = arith.constant 0 : i32
    %dma_start3A_139 = tpu.memref_slice %arg3[%dma_start3A_138] : memref<15728640xf32, #tpu.memory_space<hbm>> -> memref<15728640xf32, #tpu.memory_space<hbm>>
    tpu.enqueue_indirect_dma source(%dma_start3A_139 : memref<15728640xf32, #tpu.memory_space<hbm>>) target(%dma_start3A_135 : memref<128xf32, #tpu.memory_space<vmem>>) offsets(%dma_start3A_137 : memref<128xi32, #tpu.memory_space<vmem>>) semaphore(%arg10 : memref<!tpu.dma_semaphore, #tpu.memory_space<semaphore_mem>>)
    %dma_start3A_140 = arith.constant 1408 : i32
    %dma_start3A_141 = tpu.memref_slice %arg9[%dma_start3A_140] : memref<24576xf32, #tpu.memory_space<vmem>> -> memref<128xf32, #tpu.memory_space<vmem>>
    %dma_start3A_142 = arith.constant 1408 : i32
    %dma_start3A_143 = tpu.memref_slice %arg7[%dma_start3A_142] : memref<24576xi32, #tpu.memory_space<vmem>> -> memref<128xi32, #tpu.memory_space<vmem>>
    %dma_start3A_144 = arith.constant 0 : i32
    %dma_start3A_145 = tpu.memref_slice %arg4[%dma_start3A_144] : memref<15728640xf32, #tpu.memory_space<hbm>> -> memref<15728640xf32, #tpu.memory_space<hbm>>
    tpu.enqueue_indirect_dma source(%dma_start3A_145 : memref<15728640xf32, #tpu.memory_space<hbm>>) target(%dma_start3A_141 : memref<128xf32, #tpu.memory_space<vmem>>) offsets(%dma_start3A_143 : memref<128xi32, #tpu.memory_space<vmem>>) semaphore(%arg11 : memref<!tpu.dma_semaphore, #tpu.memory_space<semaphore_mem>>)
    %dma_start3A_146 = arith.constant 1536 : i32
    %dma_start3A_147 = tpu.memref_slice %arg8[%dma_start3A_146] : memref<24576xf32, #tpu.memory_space<vmem>> -> memref<128xf32, #tpu.memory_space<vmem>>
    %dma_start3A_148 = arith.constant 1536 : i32
    %dma_start3A_149 = tpu.memref_slice %arg7[%dma_start3A_148] : memref<24576xi32, #tpu.memory_space<vmem>> -> memref<128xi32, #tpu.memory_space<vmem>>
    %dma_start3A_150 = arith.constant 0 : i32
    %dma_start3A_151 = tpu.memref_slice %arg3[%dma_start3A_150] : memref<15728640xf32, #tpu.memory_space<hbm>> -> memref<15728640xf32, #tpu.memory_space<hbm>>
    tpu.enqueue_indirect_dma source(%dma_start3A_151 : memref<15728640xf32, #tpu.memory_space<hbm>>) target(%dma_start3A_147 : memref<128xf32, #tpu.memory_space<vmem>>) offsets(%dma_start3A_149 : memref<128xi32, #tpu.memory_space<vmem>>) semaphore(%arg10 : memref<!tpu.dma_semaphore, #tpu.memory_space<semaphore_mem>>)
    %dma_start3A_152 = arith.constant 1536 : i32
    %dma_start3A_153 = tpu.memref_slice %arg9[%dma_start3A_152] : memref<24576xf32, #tpu.memory_space<vmem>> -> memref<128xf32, #tpu.memory_space<vmem>>
    %dma_start3A_154 = arith.constant 1536 : i32
    %dma_start3A_155 = tpu.memref_slice %arg7[%dma_start3A_154] : memref<24576xi32, #tpu.memory_space<vmem>> -> memref<128xi32, #tpu.memory_space<vmem>>
    %dma_start3A_156 = arith.constant 0 : i32
    %dma_start3A_157 = tpu.memref_slice %arg4[%dma_start3A_156] : memref<15728640xf32, #tpu.memory_space<hbm>> -> memref<15728640xf32, #tpu.memory_space<hbm>>
    tpu.enqueue_indirect_dma source(%dma_start3A_157 : memref<15728640xf32, #tpu.memory_space<hbm>>) target(%dma_start3A_153 : memref<128xf32, #tpu.memory_space<vmem>>) offsets(%dma_start3A_155 : memref<128xi32, #tpu.memory_space<vmem>>) semaphore(%arg11 : memref<!tpu.dma_semaphore, #tpu.memory_space<semaphore_mem>>)
    %dma_start3A_158 = arith.constant 1664 : i32
    %dma_start3A_159 = tpu.memref_slice %arg8[%dma_start3A_158] : memref<24576xf32, #tpu.memory_space<vmem>> -> memref<128xf32, #tpu.memory_space<vmem>>
    %dma_start3A_160 = arith.constant 1664 : i32
    %dma_start3A_161 = tpu.memref_slice %arg7[%dma_start3A_160] : memref<24576xi32, #tpu.memory_space<vmem>> -> memref<128xi32, #tpu.memory_space<vmem>>
    %dma_start3A_162 = arith.constant 0 : i32
    %dma_start3A_163 = tpu.memref_slice %arg3[%dma_start3A_162] : memref<15728640xf32, #tpu.memory_space<hbm>> -> memref<15728640xf32, #tpu.memory_space<hbm>>
    tpu.enqueue_indirect_dma source(%dma_start3A_163 : memref<15728640xf32, #tpu.memory_space<hbm>>) target(%dma_start3A_159 : memref<128xf32, #tpu.memory_space<vmem>>) offsets(%dma_start3A_161 : memref<128xi32, #tpu.memory_space<vmem>>) semaphore(%arg10 : memref<!tpu.dma_semaphore, #tpu.memory_space<semaphore_mem>>)
    %dma_start3A_164 = arith.constant 1664 : i32
    %dma_start3A_165 = tpu.memref_slice %arg9[%dma_start3A_164] : memref<24576xf32, #tpu.memory_space<vmem>> -> memref<128xf32, #tpu.memory_space<vmem>>
    %dma_start3A_166 = arith.constant 1664 : i32
    %dma_start3A_167 = tpu.memref_slice %arg7[%dma_start3A_166] : memref<24576xi32, #tpu.memory_space<vmem>> -> memref<128xi32, #tpu.memory_space<vmem>>
    %dma_start3A_168 = arith.constant 0 : i32
    %dma_start3A_169 = tpu.memref_slice %arg4[%dma_start3A_168] : memref<15728640xf32, #tpu.memory_space<hbm>> -> memref<15728640xf32, #tpu.memory_space<hbm>>
    tpu.enqueue_indirect_dma source(%dma_start3A_169 : memref<15728640xf32, #tpu.memory_space<hbm>>) target(%dma_start3A_165 : memref<128xf32, #tpu.memory_space<vmem>>) offsets(%dma_start3A_167 : memref<128xi32, #tpu.memory_space<vmem>>) semaphore(%arg11 : memref<!tpu.dma_semaphore, #tpu.memory_space<semaphore_mem>>)
    %dma_start3A_170 = arith.constant 1792 : i32
    %dma_start3A_171 = tpu.memref_slice %arg8[%dma_start3A_170] : memref<24576xf32, #tpu.memory_space<vmem>> -> memref<128xf32, #tpu.memory_space<vmem>>
    %dma_start3A_172 = arith.constant 1792 : i32
    %dma_start3A_173 = tpu.memref_slice %arg7[%dma_start3A_172] : memref<24576xi32, #tpu.memory_space<vmem>> -> memref<128xi32, #tpu.memory_space<vmem>>
    %dma_start3A_174 = arith.constant 0 : i32
    %dma_start3A_175 = tpu.memref_slice %arg3[%dma_start3A_174] : memref<15728640xf32, #tpu.memory_space<hbm>> -> memref<15728640xf32, #tpu.memory_space<hbm>>
    tpu.enqueue_indirect_dma source(%dma_start3A_175 : memref<15728640xf32, #tpu.memory_space<hbm>>) target(%dma_start3A_171 : memref<128xf32, #tpu.memory_space<vmem>>) offsets(%dma_start3A_173 : memref<128xi32, #tpu.memory_space<vmem>>) semaphore(%arg10 : memref<!tpu.dma_semaphore, #tpu.memory_space<semaphore_mem>>)
    %dma_start3A_176 = arith.constant 1792 : i32
    %dma_start3A_177 = tpu.memref_slice %arg9[%dma_start3A_176] : memref<24576xf32, #tpu.memory_space<vmem>> -> memref<128xf32, #tpu.memory_space<vmem>>
    %dma_start3A_178 = arith.constant 1792 : i32
    %dma_start3A_179 = tpu.memref_slice %arg7[%dma_start3A_178] : memref<24576xi32, #tpu.memory_space<vmem>> -> memref<128xi32, #tpu.memory_space<vmem>>
    %dma_start3A_180 = arith.constant 0 : i32
    %dma_start3A_181 = tpu.memref_slice %arg4[%dma_start3A_180] : memref<15728640xf32, #tpu.memory_space<hbm>> -> memref<15728640xf32, #tpu.memory_space<hbm>>
    tpu.enqueue_indirect_dma source(%dma_start3A_181 : memref<15728640xf32, #tpu.memory_space<hbm>>) target(%dma_start3A_177 : memref<128xf32, #tpu.memory_space<vmem>>) offsets(%dma_start3A_179 : memref<128xi32, #tpu.memory_space<vmem>>) semaphore(%arg11 : memref<!tpu.dma_semaphore, #tpu.memory_space<semaphore_mem>>)
    %dma_start3A_182 = arith.constant 1920 : i32
    %dma_start3A_183 = tpu.memref_slice %arg8[%dma_start3A_182] : memref<24576xf32, #tpu.memory_space<vmem>> -> memref<128xf32, #tpu.memory_space<vmem>>
    %dma_start3A_184 = arith.constant 1920 : i32
    %dma_start3A_185 = tpu.memref_slice %arg7[%dma_start3A_184] : memref<24576xi32, #tpu.memory_space<vmem>> -> memref<128xi32, #tpu.memory_space<vmem>>
    %dma_start3A_186 = arith.constant 0 : i32
    %dma_start3A_187 = tpu.memref_slice %arg3[%dma_start3A_186] : memref<15728640xf32, #tpu.memory_space<hbm>> -> memref<15728640xf32, #tpu.memory_space<hbm>>
    tpu.enqueue_indirect_dma source(%dma_start3A_187 : memref<15728640xf32, #tpu.memory_space<hbm>>) target(%dma_start3A_183 : memref<128xf32, #tpu.memory_space<vmem>>) offsets(%dma_start3A_185 : memref<128xi32, #tpu.memory_space<vmem>>) semaphore(%arg10 : memref<!tpu.dma_semaphore, #tpu.memory_space<semaphore_mem>>)
    %dma_start3A_188 = arith.constant 1920 : i32
    %dma_start3A_189 = tpu.memref_slice %arg9[%dma_start3A_188] : memref<24576xf32, #tpu.memory_space<vmem>> -> memref<128xf32, #tpu.memory_space<vmem>>
    %dma_start3A_190 = arith.constant 1920 : i32
    %dma_start3A_191 = tpu.memref_slice %arg7[%dma_start3A_190] : memref<24576xi32, #tpu.memory_space<vmem>> -> memref<128xi32, #tpu.memory_space<vmem>>
    %dma_start3A_192 = arith.constant 0 : i32
    %dma_start3A_193 = tpu.memref_slice %arg4[%dma_start3A_192] : memref<15728640xf32, #tpu.memory_space<hbm>> -> memref<15728640xf32, #tpu.memory_space<hbm>>
    tpu.enqueue_indirect_dma source(%dma_start3A_193 : memref<15728640xf32, #tpu.memory_space<hbm>>) target(%dma_start3A_189 : memref<128xf32, #tpu.memory_space<vmem>>) offsets(%dma_start3A_191 : memref<128xi32, #tpu.memory_space<vmem>>) semaphore(%arg11 : memref<!tpu.dma_semaphore, #tpu.memory_space<semaphore_mem>>)
    %dma_start3A_194 = arith.constant 2048 : i32
    %dma_start3A_195 = tpu.memref_slice %arg8[%dma_start3A_194] : memref<24576xf32, #tpu.memory_space<vmem>> -> memref<128xf32, #tpu.memory_space<vmem>>
    %dma_start3A_196 = arith.constant 2048 : i32
    %dma_start3A_197 = tpu.memref_slice %arg7[%dma_start3A_196] : memref<24576xi32, #tpu.memory_space<vmem>> -> memref<128xi32, #tpu.memory_space<vmem>>
    %dma_start3A_198 = arith.constant 0 : i32
    %dma_start3A_199 = tpu.memref_slice %arg3[%dma_start3A_198] : memref<15728640xf32, #tpu.memory_space<hbm>> -> memref<15728640xf32, #tpu.memory_space<hbm>>
    tpu.enqueue_indirect_dma source(%dma_start3A_199 : memref<15728640xf32, #tpu.memory_space<hbm>>) target(%dma_start3A_195 : memref<128xf32, #tpu.memory_space<vmem>>) offsets(%dma_start3A_197 : memref<128xi32, #tpu.memory_space<vmem>>) semaphore(%arg10 : memref<!tpu.dma_semaphore, #tpu.memory_space<semaphore_mem>>)
    %dma_start3A_200 = arith.constant 2048 : i32
    %dma_start3A_201 = tpu.memref_slice %arg9[%dma_start3A_200] : memref<24576xf32, #tpu.memory_space<vmem>> -> memref<128xf32, #tpu.memory_space<vmem>>
    %dma_start3A_202 = arith.constant 2048 : i32
    %dma_start3A_203 = tpu.memref_slice %arg7[%dma_start3A_202] : memref<24576xi32, #tpu.memory_space<vmem>> -> memref<128xi32, #tpu.memory_space<vmem>>
    %dma_start3A_204 = arith.constant 0 : i32
    %dma_start3A_205 = tpu.memref_slice %arg4[%dma_start3A_204] : memref<15728640xf32, #tpu.memory_space<hbm>> -> memref<15728640xf32, #tpu.memory_space<hbm>>
    tpu.enqueue_indirect_dma source(%dma_start3A_205 : memref<15728640xf32, #tpu.memory_space<hbm>>) target(%dma_start3A_201 : memref<128xf32, #tpu.memory_space<vmem>>) offsets(%dma_start3A_203 : memref<128xi32, #tpu.memory_space<vmem>>) semaphore(%arg11 : memref<!tpu.dma_semaphore, #tpu.memory_space<semaphore_mem>>)
    %dma_start3A_206 = arith.constant 2176 : i32
    %dma_start3A_207 = tpu.memref_slice %arg8[%dma_start3A_206] : memref<24576xf32, #tpu.memory_space<vmem>> -> memref<128xf32, #tpu.memory_space<vmem>>
    %dma_start3A_208 = arith.constant 2176 : i32
    %dma_start3A_209 = tpu.memref_slice %arg7[%dma_start3A_208] : memref<24576xi32, #tpu.memory_space<vmem>> -> memref<128xi32, #tpu.memory_space<vmem>>
    %dma_start3A_210 = arith.constant 0 : i32
    %dma_start3A_211 = tpu.memref_slice %arg3[%dma_start3A_210] : memref<15728640xf32, #tpu.memory_space<hbm>> -> memref<15728640xf32, #tpu.memory_space<hbm>>
    tpu.enqueue_indirect_dma source(%dma_start3A_211 : memref<15728640xf32, #tpu.memory_space<hbm>>) target(%dma_start3A_207 : memref<128xf32, #tpu.memory_space<vmem>>) offsets(%dma_start3A_209 : memref<128xi32, #tpu.memory_space<vmem>>) semaphore(%arg10 : memref<!tpu.dma_semaphore, #tpu.memory_space<semaphore_mem>>)
    %dma_start3A_212 = arith.constant 2176 : i32
    %dma_start3A_213 = tpu.memref_slice %arg9[%dma_start3A_212] : memref<24576xf32, #tpu.memory_space<vmem>> -> memref<128xf32, #tpu.memory_space<vmem>>
    %dma_start3A_214 = arith.constant 2176 : i32
    %dma_start3A_215 = tpu.memref_slice %arg7[%dma_start3A_214] : memref<24576xi32, #tpu.memory_space<vmem>> -> memref<128xi32, #tpu.memory_space<vmem>>
    %dma_start3A_216 = arith.constant 0 : i32
    %dma_start3A_217 = tpu.memref_slice %arg4[%dma_start3A_216] : memref<15728640xf32, #tpu.memory_space<hbm>> -> memref<15728640xf32, #tpu.memory_space<hbm>>
    tpu.enqueue_indirect_dma source(%dma_start3A_217 : memref<15728640xf32, #tpu.memory_space<hbm>>) target(%dma_start3A_213 : memref<128xf32, #tpu.memory_space<vmem>>) offsets(%dma_start3A_215 : memref<128xi32, #tpu.memory_space<vmem>>) semaphore(%arg11 : memref<!tpu.dma_semaphore, #tpu.memory_space<semaphore_mem>>)
    %dma_start3A_218 = arith.constant 2304 : i32
    %dma_start3A_219 = tpu.memref_slice %arg8[%dma_start3A_218] : memref<24576xf32, #tpu.memory_space<vmem>> -> memref<128xf32, #tpu.memory_space<vmem>>
    %dma_start3A_220 = arith.constant 2304 : i32
    %dma_start3A_221 = tpu.memref_slice %arg7[%dma_start3A_220] : memref<24576xi32, #tpu.memory_space<vmem>> -> memref<128xi32, #tpu.memory_space<vmem>>
    %dma_start3A_222 = arith.constant 0 : i32
    %dma_start3A_223 = tpu.memref_slice %arg3[%dma_start3A_222] : memref<15728640xf32, #tpu.memory_space<hbm>> -> memref<15728640xf32, #tpu.memory_space<hbm>>
    tpu.enqueue_indirect_dma source(%dma_start3A_223 : memref<15728640xf32, #tpu.memory_space<hbm>>) target(%dma_start3A_219 : memref<128xf32, #tpu.memory_space<vmem>>) offsets(%dma_start3A_221 : memref<128xi32, #tpu.memory_space<vmem>>) semaphore(%arg10 : memref<!tpu.dma_semaphore, #tpu.memory_space<semaphore_mem>>)
    %dma_start3A_224 = arith.constant 2304 : i32
    %dma_start3A_225 = tpu.memref_slice %arg9[%dma_start3A_224] : memref<24576xf32, #tpu.memory_space<vmem>> -> memref<128xf32, #tpu.memory_space<vmem>>
    %dma_start3A_226 = arith.constant 2304 : i32
    %dma_start3A_227 = tpu.memref_slice %arg7[%dma_start3A_226] : memref<24576xi32, #tpu.memory_space<vmem>> -> memref<128xi32, #tpu.memory_space<vmem>>
    %dma_start3A_228 = arith.constant 0 : i32
    %dma_start3A_229 = tpu.memref_slice %arg4[%dma_start3A_228] : memref<15728640xf32, #tpu.memory_space<hbm>> -> memref<15728640xf32, #tpu.memory_space<hbm>>
    tpu.enqueue_indirect_dma source(%dma_start3A_229 : memref<15728640xf32, #tpu.memory_space<hbm>>) target(%dma_start3A_225 : memref<128xf32, #tpu.memory_space<vmem>>) offsets(%dma_start3A_227 : memref<128xi32, #tpu.memory_space<vmem>>) semaphore(%arg11 : memref<!tpu.dma_semaphore, #tpu.memory_space<semaphore_mem>>)
    %dma_start3A_230 = arith.constant 2432 : i32
    %dma_start3A_231 = tpu.memref_slice %arg8[%dma_start3A_230] : memref<24576xf32, #tpu.memory_space<vmem>> -> memref<128xf32, #tpu.memory_space<vmem>>
    %dma_start3A_232 = arith.constant 2432 : i32
    %dma_start3A_233 = tpu.memref_slice %arg7[%dma_start3A_232] : memref<24576xi32, #tpu.memory_space<vmem>> -> memref<128xi32, #tpu.memory_space<vmem>>
    %dma_start3A_234 = arith.constant 0 : i32
    %dma_start3A_235 = tpu.memref_slice %arg3[%dma_start3A_234] : memref<15728640xf32, #tpu.memory_space<hbm>> -> memref<15728640xf32, #tpu.memory_space<hbm>>
    tpu.enqueue_indirect_dma source(%dma_start3A_235 : memref<15728640xf32, #tpu.memory_space<hbm>>) target(%dma_start3A_231 : memref<128xf32, #tpu.memory_space<vmem>>) offsets(%dma_start3A_233 : memref<128xi32, #tpu.memory_space<vmem>>) semaphore(%arg10 : memref<!tpu.dma_semaphore, #tpu.memory_space<semaphore_mem>>)
    %dma_start3A_236 = arith.constant 2432 : i32
    %dma_start3A_237 = tpu.memref_slice %arg9[%dma_start3A_236] : memref<24576xf32, #tpu.memory_space<vmem>> -> memref<128xf32, #tpu.memory_space<vmem>>
    %dma_start3A_238 = arith.constant 2432 : i32
    %dma_start3A_239 = tpu.memref_slice %arg7[%dma_start3A_238] : memref<24576xi32, #tpu.memory_space<vmem>> -> memref<128xi32, #tpu.memory_space<vmem>>
    %dma_start3A_240 = arith.constant 0 : i32
    %dma_start3A_241 = tpu.memref_slice %arg4[%dma_start3A_240] : memref<15728640xf32, #tpu.memory_space<hbm>> -> memref<15728640xf32, #tpu.memory_space<hbm>>
    tpu.enqueue_indirect_dma source(%dma_start3A_241 : memref<15728640xf32, #tpu.memory_space<hbm>>) target(%dma_start3A_237 : memref<128xf32, #tpu.memory_space<vmem>>) offsets(%dma_start3A_239 : memref<128xi32, #tpu.memory_space<vmem>>) semaphore(%arg11 : memref<!tpu.dma_semaphore, #tpu.memory_space<semaphore_mem>>)
    %dma_start3A_242 = arith.constant 2560 : i32
    %dma_start3A_243 = tpu.memref_slice %arg8[%dma_start3A_242] : memref<24576xf32, #tpu.memory_space<vmem>> -> memref<128xf32, #tpu.memory_space<vmem>>
    %dma_start3A_244 = arith.constant 2560 : i32
    %dma_start3A_245 = tpu.memref_slice %arg7[%dma_start3A_244] : memref<24576xi32, #tpu.memory_space<vmem>> -> memref<128xi32, #tpu.memory_space<vmem>>
    %dma_start3A_246 = arith.constant 0 : i32
    %dma_start3A_247 = tpu.memref_slice %arg3[%dma_start3A_246] : memref<15728640xf32, #tpu.memory_space<hbm>> -> memref<15728640xf32, #tpu.memory_space<hbm>>
    tpu.enqueue_indirect_dma source(%dma_start3A_247 : memref<15728640xf32, #tpu.memory_space<hbm>>) target(%dma_start3A_243 : memref<128xf32, #tpu.memory_space<vmem>>) offsets(%dma_start3A_245 : memref<128xi32, #tpu.memory_space<vmem>>) semaphore(%arg10 : memref<!tpu.dma_semaphore, #tpu.memory_space<semaphore_mem>>)
    %dma_start3A_248 = arith.constant 2560 : i32
    %dma_start3A_249 = tpu.memref_slice %arg9[%dma_start3A_248] : memref<24576xf32, #tpu.memory_space<vmem>> -> memref<128xf32, #tpu.memory_space<vmem>>
    %dma_start3A_250 = arith.constant 2560 : i32
    %dma_start3A_251 = tpu.memref_slice %arg7[%dma_start3A_250] : memref<24576xi32, #tpu.memory_space<vmem>> -> memref<128xi32, #tpu.memory_space<vmem>>
    %dma_start3A_252 = arith.constant 0 : i32
    %dma_start3A_253 = tpu.memref_slice %arg4[%dma_start3A_252] : memref<15728640xf32, #tpu.memory_space<hbm>> -> memref<15728640xf32, #tpu.memory_space<hbm>>
    tpu.enqueue_indirect_dma source(%dma_start3A_253 : memref<15728640xf32, #tpu.memory_space<hbm>>) target(%dma_start3A_249 : memref<128xf32, #tpu.memory_space<vmem>>) offsets(%dma_start3A_251 : memref<128xi32, #tpu.memory_space<vmem>>) semaphore(%arg11 : memref<!tpu.dma_semaphore, #tpu.memory_space<semaphore_mem>>)
    %dma_start3A_254 = arith.constant 2688 : i32
    %dma_start3A_255 = tpu.memref_slice %arg8[%dma_start3A_254] : memref<24576xf32, #tpu.memory_space<vmem>> -> memref<128xf32, #tpu.memory_space<vmem>>
    %dma_start3A_256 = arith.constant 2688 : i32
    %dma_start3A_257 = tpu.memref_slice %arg7[%dma_start3A_256] : memref<24576xi32, #tpu.memory_space<vmem>> -> memref<128xi32, #tpu.memory_space<vmem>>
    %dma_start3A_258 = arith.constant 0 : i32
    %dma_start3A_259 = tpu.memref_slice %arg3[%dma_start3A_258] : memref<15728640xf32, #tpu.memory_space<hbm>> -> memref<15728640xf32, #tpu.memory_space<hbm>>
    tpu.enqueue_indirect_dma source(%dma_start3A_259 : memref<15728640xf32, #tpu.memory_space<hbm>>) target(%dma_start3A_255 : memref<128xf32, #tpu.memory_space<vmem>>) offsets(%dma_start3A_257 : memref<128xi32, #tpu.memory_space<vmem>>) semaphore(%arg10 : memref<!tpu.dma_semaphore, #tpu.memory_space<semaphore_mem>>)
    %dma_start3A_260 = arith.constant 2688 : i32
    %dma_start3A_261 = tpu.memref_slice %arg9[%dma_start3A_260] : memref<24576xf32, #tpu.memory_space<vmem>> -> memref<128xf32, #tpu.memory_space<vmem>>
    %dma_start3A_262 = arith.constant 2688 : i32
    %dma_start3A_263 = tpu.memref_slice %arg7[%dma_start3A_262] : memref<24576xi32, #tpu.memory_space<vmem>> -> memref<128xi32, #tpu.memory_space<vmem>>
    %dma_start3A_264 = arith.constant 0 : i32
    %dma_start3A_265 = tpu.memref_slice %arg4[%dma_start3A_264] : memref<15728640xf32, #tpu.memory_space<hbm>> -> memref<15728640xf32, #tpu.memory_space<hbm>>
    tpu.enqueue_indirect_dma source(%dma_start3A_265 : memref<15728640xf32, #tpu.memory_space<hbm>>) target(%dma_start3A_261 : memref<128xf32, #tpu.memory_space<vmem>>) offsets(%dma_start3A_263 : memref<128xi32, #tpu.memory_space<vmem>>) semaphore(%arg11 : memref<!tpu.dma_semaphore, #tpu.memory_space<semaphore_mem>>)
    %dma_start3A_266 = arith.constant 2816 : i32
    %dma_start3A_267 = tpu.memref_slice %arg8[%dma_start3A_266] : memref<24576xf32, #tpu.memory_space<vmem>> -> memref<128xf32, #tpu.memory_space<vmem>>
    %dma_start3A_268 = arith.constant 2816 : i32
    %dma_start3A_269 = tpu.memref_slice %arg7[%dma_start3A_268] : memref<24576xi32, #tpu.memory_space<vmem>> -> memref<128xi32, #tpu.memory_space<vmem>>
    %dma_start3A_270 = arith.constant 0 : i32
    %dma_start3A_271 = tpu.memref_slice %arg3[%dma_start3A_270] : memref<15728640xf32, #tpu.memory_space<hbm>> -> memref<15728640xf32, #tpu.memory_space<hbm>>
    tpu.enqueue_indirect_dma source(%dma_start3A_271 : memref<15728640xf32, #tpu.memory_space<hbm>>) target(%dma_start3A_267 : memref<128xf32, #tpu.memory_space<vmem>>) offsets(%dma_start3A_269 : memref<128xi32, #tpu.memory_space<vmem>>) semaphore(%arg10 : memref<!tpu.dma_semaphore, #tpu.memory_space<semaphore_mem>>)
    %dma_start3A_272 = arith.constant 2816 : i32
    %dma_start3A_273 = tpu.memref_slice %arg9[%dma_start3A_272] : memref<24576xf32, #tpu.memory_space<vmem>> -> memref<128xf32, #tpu.memory_space<vmem>>
    %dma_start3A_274 = arith.constant 2816 : i32
    %dma_start3A_275 = tpu.memref_slice %arg7[%dma_start3A_274] : memref<24576xi32, #tpu.memory_space<vmem>> -> memref<128xi32, #tpu.memory_space<vmem>>
    %dma_start3A_276 = arith.constant 0 : i32
    %dma_start3A_277 = tpu.memref_slice %arg4[%dma_start3A_276] : memref<15728640xf32, #tpu.memory_space<hbm>> -> memref<15728640xf32, #tpu.memory_space<hbm>>
    tpu.enqueue_indirect_dma source(%dma_start3A_277 : memref<15728640xf32, #tpu.memory_space<hbm>>) target(%dma_start3A_273 : memref<128xf32, #tpu.memory_space<vmem>>) offsets(%dma_start3A_275 : memref<128xi32, #tpu.memory_space<vmem>>) semaphore(%arg11 : memref<!tpu.dma_semaphore, #tpu.memory_space<semaphore_mem>>)
    %dma_start3A_278 = arith.constant 2944 : i32
    %dma_start3A_279 = tpu.memref_slice %arg8[%dma_start3A_278] : memref<24576xf32, #tpu.memory_space<vmem>> -> memref<128xf32, #tpu.memory_space<vmem>>
    %dma_start3A_280 = arith.constant 2944 : i32
    %dma_start3A_281 = tpu.memref_slice %arg7[%dma_start3A_280] : memref<24576xi32, #tpu.memory_space<vmem>> -> memref<128xi32, #tpu.memory_space<vmem>>
    %dma_start3A_282 = arith.constant 0 : i32
    %dma_start3A_283 = tpu.memref_slice %arg3[%dma_start3A_282] : memref<15728640xf32, #tpu.memory_space<hbm>> -> memref<15728640xf32, #tpu.memory_space<hbm>>
    tpu.enqueue_indirect_dma source(%dma_start3A_283 : memref<15728640xf32, #tpu.memory_space<hbm>>) target(%dma_start3A_279 : memref<128xf32, #tpu.memory_space<vmem>>) offsets(%dma_start3A_281 : memref<128xi32, #tpu.memory_space<vmem>>) semaphore(%arg10 : memref<!tpu.dma_semaphore, #tpu.memory_space<semaphore_mem>>)
    %dma_start3A_284 = arith.constant 2944 : i32
    %dma_start3A_285 = tpu.memref_slice %arg9[%dma_start3A_284] : memref<24576xf32, #tpu.memory_space<vmem>> -> memref<128xf32, #tpu.memory_space<vmem>>
    %dma_start3A_286 = arith.constant 2944 : i32
    %dma_start3A_287 = tpu.memref_slice %arg7[%dma_start3A_286] : memref<24576xi32, #tpu.memory_space<vmem>> -> memref<128xi32, #tpu.memory_space<vmem>>
    %dma_start3A_288 = arith.constant 0 : i32
    %dma_start3A_289 = tpu.memref_slice %arg4[%dma_start3A_288] : memref<15728640xf32, #tpu.memory_space<hbm>> -> memref<15728640xf32, #tpu.memory_space<hbm>>
    tpu.enqueue_indirect_dma source(%dma_start3A_289 : memref<15728640xf32, #tpu.memory_space<hbm>>) target(%dma_start3A_285 : memref<128xf32, #tpu.memory_space<vmem>>) offsets(%dma_start3A_287 : memref<128xi32, #tpu.memory_space<vmem>>) semaphore(%arg11 : memref<!tpu.dma_semaphore, #tpu.memory_space<semaphore_mem>>)
    %scan3A = arith.constant 1 : i32
    %scan3A_290 = arith.constant 7 : i32
    %scan3A_291 = arith.addi %scan3A, %scan3A_290 : i32
    %scan3A_292 = arith.constant 1 : i32
    scf.for %scan3A_581 = %scan3A to %scan3A_291 step %scan3A_292  : i32 {
      %mul3A_582 = arith.constant 24 : i32
      %mul3A_583 = arith.muli %scan3A_581, %mul3A_582 : i32
      %add3A_584 = arith.constant 0 : i32
      %add3A_585 = arith.addi %mul3A_583, %add3A_584 : i32
      %mul3A_586 = arith.constant 128 : i32
      %mul3A_587 = arith.muli %add3A_585, %mul3A_586 : i32
      %dma_start3A_588 = tpu.memref_slice %arg8[%mul3A_587] : memref<24576xf32, #tpu.memory_space<vmem>> -> memref<128xf32, #tpu.memory_space<vmem>>
      %dma_start3A_589 = tpu.memref_slice %arg7[%mul3A_587] : memref<24576xi32, #tpu.memory_space<vmem>> -> memref<128xi32, #tpu.memory_space<vmem>>
      %dma_start3A_590 = arith.constant 0 : i32
      %dma_start3A_591 = tpu.memref_slice %arg3[%dma_start3A_590] : memref<15728640xf32, #tpu.memory_space<hbm>> -> memref<15728640xf32, #tpu.memory_space<hbm>>
      tpu.enqueue_indirect_dma source(%dma_start3A_591 : memref<15728640xf32, #tpu.memory_space<hbm>>) target(%dma_start3A_588 : memref<128xf32, #tpu.memory_space<vmem>>) offsets(%dma_start3A_589 : memref<128xi32, #tpu.memory_space<vmem>>) semaphore(%arg10 : memref<!tpu.dma_semaphore, #tpu.memory_space<semaphore_mem>>)
      %dma_start3A_592 = tpu.memref_slice %arg9[%mul3A_587] : memref<24576xf32, #tpu.memory_space<vmem>> -> memref<128xf32, #tpu.memory_space<vmem>>
      %dma_start3A_593 = tpu.memref_slice %arg7[%mul3A_587] : memref<24576xi32, #tpu.memory_space<vmem>> -> memref<128xi32, #tpu.memory_space<vmem>>
      %dma_start3A_594 = arith.constant 0 : i32
      %dma_start3A_595 = tpu.memref_slice %arg4[%dma_start3A_594] : memref<15728640xf32, #tpu.memory_space<hbm>> -> memref<15728640xf32, #tpu.memory_space<hbm>>
      tpu.enqueue_indirect_dma source(%dma_start3A_595 : memref<15728640xf32, #tpu.memory_space<hbm>>) target(%dma_start3A_592 : memref<128xf32, #tpu.memory_space<vmem>>) offsets(%dma_start3A_593 : memref<128xi32, #tpu.memory_space<vmem>>) semaphore(%arg11 : memref<!tpu.dma_semaphore, #tpu.memory_space<semaphore_mem>>)
      %mul3A_596 = arith.constant 24 : i32
      %mul3A_597 = arith.muli %scan3A_581, %mul3A_596 : i32
      %add3A_598 = arith.constant 1 : i32
      %add3A_599 = arith.addi %mul3A_597, %add3A_598 : i32
      %mul3A_600 = arith.constant 128 : i32
      %mul3A_601 = arith.muli %add3A_599, %mul3A_600 : i32
      %dma_start3A_602 = tpu.memref_slice %arg8[%mul3A_601] : memref<24576xf32, #tpu.memory_space<vmem>> -> memref<128xf32, #tpu.memory_space<vmem>>
      %dma_start3A_603 = tpu.memref_slice %arg7[%mul3A_601] : memref<24576xi32, #tpu.memory_space<vmem>> -> memref<128xi32, #tpu.memory_space<vmem>>
      %dma_start3A_604 = arith.constant 0 : i32
      %dma_start3A_605 = tpu.memref_slice %arg3[%dma_start3A_604] : memref<15728640xf32, #tpu.memory_space<hbm>> -> memref<15728640xf32, #tpu.memory_space<hbm>>
      tpu.enqueue_indirect_dma source(%dma_start3A_605 : memref<15728640xf32, #tpu.memory_space<hbm>>) target(%dma_start3A_602 : memref<128xf32, #tpu.memory_space<vmem>>) offsets(%dma_start3A_603 : memref<128xi32, #tpu.memory_space<vmem>>) semaphore(%arg10 : memref<!tpu.dma_semaphore, #tpu.memory_space<semaphore_mem>>)
      %dma_start3A_606 = tpu.memref_slice %arg9[%mul3A_601] : memref<24576xf32, #tpu.memory_space<vmem>> -> memref<128xf32, #tpu.memory_space<vmem>>
      %dma_start3A_607 = tpu.memref_slice %arg7[%mul3A_601] : memref<24576xi32, #tpu.memory_space<vmem>> -> memref<128xi32, #tpu.memory_space<vmem>>
      %dma_start3A_608 = arith.constant 0 : i32
      %dma_start3A_609 = tpu.memref_slice %arg4[%dma_start3A_608] : memref<15728640xf32, #tpu.memory_space<hbm>> -> memref<15728640xf32, #tpu.memory_space<hbm>>
      tpu.enqueue_indirect_dma source(%dma_start3A_609 : memref<15728640xf32, #tpu.memory_space<hbm>>) target(%dma_start3A_606 : memref<128xf32, #tpu.memory_space<vmem>>) offsets(%dma_start3A_607 : memref<128xi32, #tpu.memory_space<vmem>>) semaphore(%arg11 : memref<!tpu.dma_semaphore, #tpu.memory_space<semaphore_mem>>)
      %mul3A_610 = arith.constant 24 : i32
      %mul3A_611 = arith.muli %scan3A_581, %mul3A_610 : i32
      %add3A_612 = arith.constant 2 : i32
      %add3A_613 = arith.addi %mul3A_611, %add3A_612 : i32
      %mul3A_614 = arith.constant 128 : i32
      %mul3A_615 = arith.muli %add3A_613, %mul3A_614 : i32
      %dma_start3A_616 = tpu.memref_slice %arg8[%mul3A_615] : memref<24576xf32, #tpu.memory_space<vmem>> -> memref<128xf32, #tpu.memory_space<vmem>>
      %dma_start3A_617 = tpu.memref_slice %arg7[%mul3A_615] : memref<24576xi32, #tpu.memory_space<vmem>> -> memref<128xi32, #tpu.memory_space<vmem>>
      %dma_start3A_618 = arith.constant 0 : i32
      %dma_start3A_619 = tpu.memref_slice %arg3[%dma_start3A_618] : memref<15728640xf32, #tpu.memory_space<hbm>> -> memref<15728640xf32, #tpu.memory_space<hbm>>
      tpu.enqueue_indirect_dma source(%dma_start3A_619 : memref<15728640xf32, #tpu.memory_space<hbm>>) target(%dma_start3A_616 : memref<128xf32, #tpu.memory_space<vmem>>) offsets(%dma_start3A_617 : memref<128xi32, #tpu.memory_space<vmem>>) semaphore(%arg10 : memref<!tpu.dma_semaphore, #tpu.memory_space<semaphore_mem>>)
      %dma_start3A_620 = tpu.memref_slice %arg9[%mul3A_615] : memref<24576xf32, #tpu.memory_space<vmem>> -> memref<128xf32, #tpu.memory_space<vmem>>
      %dma_start3A_621 = tpu.memref_slice %arg7[%mul3A_615] : memref<24576xi32, #tpu.memory_space<vmem>> -> memref<128xi32, #tpu.memory_space<vmem>>
      %dma_start3A_622 = arith.constant 0 : i32
      %dma_start3A_623 = tpu.memref_slice %arg4[%dma_start3A_622] : memref<15728640xf32, #tpu.memory_space<hbm>> -> memref<15728640xf32, #tpu.memory_space<hbm>>
      tpu.enqueue_indirect_dma source(%dma_start3A_623 : memref<15728640xf32, #tpu.memory_space<hbm>>) target(%dma_start3A_620 : memref<128xf32, #tpu.memory_space<vmem>>) offsets(%dma_start3A_621 : memref<128xi32, #tpu.memory_space<vmem>>) semaphore(%arg11 : memref<!tpu.dma_semaphore, #tpu.memory_space<semaphore_mem>>)
      %mul3A_624 = arith.constant 24 : i32
      %mul3A_625 = arith.muli %scan3A_581, %mul3A_624 : i32
      %add3A_626 = arith.constant 3 : i32
      %add3A_627 = arith.addi %mul3A_625, %add3A_626 : i32
      %mul3A_628 = arith.constant 128 : i32
      %mul3A_629 = arith.muli %add3A_627, %mul3A_628 : i32
      %dma_start3A_630 = tpu.memref_slice %arg8[%mul3A_629] : memref<24576xf32, #tpu.memory_space<vmem>> -> memref<128xf32, #tpu.memory_space<vmem>>
      %dma_start3A_631 = tpu.memref_slice %arg7[%mul3A_629] : memref<24576xi32, #tpu.memory_space<vmem>> -> memref<128xi32, #tpu.memory_space<vmem>>
      %dma_start3A_632 = arith.constant 0 : i32
      %dma_start3A_633 = tpu.memref_slice %arg3[%dma_start3A_632] : memref<15728640xf32, #tpu.memory_space<hbm>> -> memref<15728640xf32, #tpu.memory_space<hbm>>
      tpu.enqueue_indirect_dma source(%dma_start3A_633 : memref<15728640xf32, #tpu.memory_space<hbm>>) target(%dma_start3A_630 : memref<128xf32, #tpu.memory_space<vmem>>) offsets(%dma_start3A_631 : memref<128xi32, #tpu.memory_space<vmem>>) semaphore(%arg10 : memref<!tpu.dma_semaphore, #tpu.memory_space<semaphore_mem>>)
      %dma_start3A_634 = tpu.memref_slice %arg9[%mul3A_629] : memref<24576xf32, #tpu.memory_space<vmem>> -> memref<128xf32, #tpu.memory_space<vmem>>
      %dma_start3A_635 = tpu.memref_slice %arg7[%mul3A_629] : memref<24576xi32, #tpu.memory_space<vmem>> -> memref<128xi32, #tpu.memory_space<vmem>>
      %dma_start3A_636 = arith.constant 0 : i32
      %dma_start3A_637 = tpu.memref_slice %arg4[%dma_start3A_636] : memref<15728640xf32, #tpu.memory_space<hbm>> -> memref<15728640xf32, #tpu.memory_space<hbm>>
      tpu.enqueue_indirect_dma source(%dma_start3A_637 : memref<15728640xf32, #tpu.memory_space<hbm>>) target(%dma_start3A_634 : memref<128xf32, #tpu.memory_space<vmem>>) offsets(%dma_start3A_635 : memref<128xi32, #tpu.memory_space<vmem>>) semaphore(%arg11 : memref<!tpu.dma_semaphore, #tpu.memory_space<semaphore_mem>>)
      %mul3A_638 = arith.constant 24 : i32
      %mul3A_639 = arith.muli %scan3A_581, %mul3A_638 : i32
      %add3A_640 = arith.constant 4 : i32
      %add3A_641 = arith.addi %mul3A_639, %add3A_640 : i32
      %mul3A_642 = arith.constant 128 : i32
      %mul3A_643 = arith.muli %add3A_641, %mul3A_642 : i32
      %dma_start3A_644 = tpu.memref_slice %arg8[%mul3A_643] : memref<24576xf32, #tpu.memory_space<vmem>> -> memref<128xf32, #tpu.memory_space<vmem>>
      %dma_start3A_645 = tpu.memref_slice %arg7[%mul3A_643] : memref<24576xi32, #tpu.memory_space<vmem>> -> memref<128xi32, #tpu.memory_space<vmem>>
      %dma_start3A_646 = arith.constant 0 : i32
      %dma_start3A_647 = tpu.memref_slice %arg3[%dma_start3A_646] : memref<15728640xf32, #tpu.memory_space<hbm>> -> memref<15728640xf32, #tpu.memory_space<hbm>>
      tpu.enqueue_indirect_dma source(%dma_start3A_647 : memref<15728640xf32, #tpu.memory_space<hbm>>) target(%dma_start3A_644 : memref<128xf32, #tpu.memory_space<vmem>>) offsets(%dma_start3A_645 : memref<128xi32, #tpu.memory_space<vmem>>) semaphore(%arg10 : memref<!tpu.dma_semaphore, #tpu.memory_space<semaphore_mem>>)
      %dma_start3A_648 = tpu.memref_slice %arg9[%mul3A_643] : memref<24576xf32, #tpu.memory_space<vmem>> -> memref<128xf32, #tpu.memory_space<vmem>>
      %dma_start3A_649 = tpu.memref_slice %arg7[%mul3A_643] : memref<24576xi32, #tpu.memory_space<vmem>> -> memref<128xi32, #tpu.memory_space<vmem>>
      %dma_start3A_650 = arith.constant 0 : i32
      %dma_start3A_651 = tpu.memref_slice %arg4[%dma_start3A_650] : memref<15728640xf32, #tpu.memory_space<hbm>> -> memref<15728640xf32, #tpu.memory_space<hbm>>
      tpu.enqueue_indirect_dma source(%dma_start3A_651 : memref<15728640xf32, #tpu.memory_space<hbm>>) target(%dma_start3A_648 : memref<128xf32, #tpu.memory_space<vmem>>) offsets(%dma_start3A_649 : memref<128xi32, #tpu.memory_space<vmem>>) semaphore(%arg11 : memref<!tpu.dma_semaphore, #tpu.memory_space<semaphore_mem>>)
      %mul3A_652 = arith.constant 24 : i32
      %mul3A_653 = arith.muli %scan3A_581, %mul3A_652 : i32
      %add3A_654 = arith.constant 5 : i32
      %add3A_655 = arith.addi %mul3A_653, %add3A_654 : i32
      %mul3A_656 = arith.constant 128 : i32
      %mul3A_657 = arith.muli %add3A_655, %mul3A_656 : i32
      %dma_start3A_658 = tpu.memref_slice %arg8[%mul3A_657] : memref<24576xf32, #tpu.memory_space<vmem>> -> memref<128xf32, #tpu.memory_space<vmem>>
      %dma_start3A_659 = tpu.memref_slice %arg7[%mul3A_657] : memref<24576xi32, #tpu.memory_space<vmem>> -> memref<128xi32, #tpu.memory_space<vmem>>
      %dma_start3A_660 = arith.constant 0 : i32
      %dma_start3A_661 = tpu.memref_slice %arg3[%dma_start3A_660] : memref<15728640xf32, #tpu.memory_space<hbm>> -> memref<15728640xf32, #tpu.memory_space<hbm>>
      tpu.enqueue_indirect_dma source(%dma_start3A_661 : memref<15728640xf32, #tpu.memory_space<hbm>>) target(%dma_start3A_658 : memref<128xf32, #tpu.memory_space<vmem>>) offsets(%dma_start3A_659 : memref<128xi32, #tpu.memory_space<vmem>>) semaphore(%arg10 : memref<!tpu.dma_semaphore, #tpu.memory_space<semaphore_mem>>)
      %dma_start3A_662 = tpu.memref_slice %arg9[%mul3A_657] : memref<24576xf32, #tpu.memory_space<vmem>> -> memref<128xf32, #tpu.memory_space<vmem>>
      %dma_start3A_663 = tpu.memref_slice %arg7[%mul3A_657] : memref<24576xi32, #tpu.memory_space<vmem>> -> memref<128xi32, #tpu.memory_space<vmem>>
      %dma_start3A_664 = arith.constant 0 : i32
      %dma_start3A_665 = tpu.memref_slice %arg4[%dma_start3A_664] : memref<15728640xf32, #tpu.memory_space<hbm>> -> memref<15728640xf32, #tpu.memory_space<hbm>>
      tpu.enqueue_indirect_dma source(%dma_start3A_665 : memref<15728640xf32, #tpu.memory_space<hbm>>) target(%dma_start3A_662 : memref<128xf32, #tpu.memory_space<vmem>>) offsets(%dma_start3A_663 : memref<128xi32, #tpu.memory_space<vmem>>) semaphore(%arg11 : memref<!tpu.dma_semaphore, #tpu.memory_space<semaphore_mem>>)
      %mul3A_666 = arith.constant 24 : i32
      %mul3A_667 = arith.muli %scan3A_581, %mul3A_666 : i32
      %add3A_668 = arith.constant 6 : i32
      %add3A_669 = arith.addi %mul3A_667, %add3A_668 : i32
      %mul3A_670 = arith.constant 128 : i32
      %mul3A_671 = arith.muli %add3A_669, %mul3A_670 : i32
      %dma_start3A_672 = tpu.memref_slice %arg8[%mul3A_671] : memref<24576xf32, #tpu.memory_space<vmem>> -> memref<128xf32, #tpu.memory_space<vmem>>
      %dma_start3A_673 = tpu.memref_slice %arg7[%mul3A_671] : memref<24576xi32, #tpu.memory_space<vmem>> -> memref<128xi32, #tpu.memory_space<vmem>>
      %dma_start3A_674 = arith.constant 0 : i32
      %dma_start3A_675 = tpu.memref_slice %arg3[%dma_start3A_674] : memref<15728640xf32, #tpu.memory_space<hbm>> -> memref<15728640xf32, #tpu.memory_space<hbm>>
      tpu.enqueue_indirect_dma source(%dma_start3A_675 : memref<15728640xf32, #tpu.memory_space<hbm>>) target(%dma_start3A_672 : memref<128xf32, #tpu.memory_space<vmem>>) offsets(%dma_start3A_673 : memref<128xi32, #tpu.memory_space<vmem>>) semaphore(%arg10 : memref<!tpu.dma_semaphore, #tpu.memory_space<semaphore_mem>>)
      %dma_start3A_676 = tpu.memref_slice %arg9[%mul3A_671] : memref<24576xf32, #tpu.memory_space<vmem>> -> memref<128xf32, #tpu.memory_space<vmem>>
      %dma_start3A_677 = tpu.memref_slice %arg7[%mul3A_671] : memref<24576xi32, #tpu.memory_space<vmem>> -> memref<128xi32, #tpu.memory_space<vmem>>
      %dma_start3A_678 = arith.constant 0 : i32
      %dma_start3A_679 = tpu.memref_slice %arg4[%dma_start3A_678] : memref<15728640xf32, #tpu.memory_space<hbm>> -> memref<15728640xf32, #tpu.memory_space<hbm>>
      tpu.enqueue_indirect_dma source(%dma_start3A_679 : memref<15728640xf32, #tpu.memory_space<hbm>>) target(%dma_start3A_676 : memref<128xf32, #tpu.memory_space<vmem>>) offsets(%dma_start3A_677 : memref<128xi32, #tpu.memory_space<vmem>>) semaphore(%arg11 : memref<!tpu.dma_semaphore, #tpu.memory_space<semaphore_mem>>)
      %mul3A_680 = arith.constant 24 : i32
      %mul3A_681 = arith.muli %scan3A_581, %mul3A_680 : i32
      %add3A_682 = arith.constant 7 : i32
      %add3A_683 = arith.addi %mul3A_681, %add3A_682 : i32
      %mul3A_684 = arith.constant 128 : i32
      %mul3A_685 = arith.muli %add3A_683, %mul3A_684 : i32
      %dma_start3A_686 = tpu.memref_slice %arg8[%mul3A_685] : memref<24576xf32, #tpu.memory_space<vmem>> -> memref<128xf32, #tpu.memory_space<vmem>>
      %dma_start3A_687 = tpu.memref_slice %arg7[%mul3A_685] : memref<24576xi32, #tpu.memory_space<vmem>> -> memref<128xi32, #tpu.memory_space<vmem>>
      %dma_start3A_688 = arith.constant 0 : i32
      %dma_start3A_689 = tpu.memref_slice %arg3[%dma_start3A_688] : memref<15728640xf32, #tpu.memory_space<hbm>> -> memref<15728640xf32, #tpu.memory_space<hbm>>
      tpu.enqueue_indirect_dma source(%dma_start3A_689 : memref<15728640xf32, #tpu.memory_space<hbm>>) target(%dma_start3A_686 : memref<128xf32, #tpu.memory_space<vmem>>) offsets(%dma_start3A_687 : memref<128xi32, #tpu.memory_space<vmem>>) semaphore(%arg10 : memref<!tpu.dma_semaphore, #tpu.memory_space<semaphore_mem>>)
      %dma_start3A_690 = tpu.memref_slice %arg9[%mul3A_685] : memref<24576xf32, #tpu.memory_space<vmem>> -> memref<128xf32, #tpu.memory_space<vmem>>
      %dma_start3A_691 = tpu.memref_slice %arg7[%mul3A_685] : memref<24576xi32, #tpu.memory_space<vmem>> -> memref<128xi32, #tpu.memory_space<vmem>>
      %dma_start3A_692 = arith.constant 0 : i32
      %dma_start3A_693 = tpu.memref_slice %arg4[%dma_start3A_692] : memref<15728640xf32, #tpu.memory_space<hbm>> -> memref<15728640xf32, #tpu.memory_space<hbm>>
      tpu.enqueue_indirect_dma source(%dma_start3A_693 : memref<15728640xf32, #tpu.memory_space<hbm>>) target(%dma_start3A_690 : memref<128xf32, #tpu.memory_space<vmem>>) offsets(%dma_start3A_691 : memref<128xi32, #tpu.memory_space<vmem>>) semaphore(%arg11 : memref<!tpu.dma_semaphore, #tpu.memory_space<semaphore_mem>>)
      %mul3A_694 = arith.constant 24 : i32
      %mul3A_695 = arith.muli %scan3A_581, %mul3A_694 : i32
      %add3A_696 = arith.constant 8 : i32
      %add3A_697 = arith.addi %mul3A_695, %add3A_696 : i32
      %mul3A_698 = arith.constant 128 : i32
      %mul3A_699 = arith.muli %add3A_697, %mul3A_698 : i32
      %dma_start3A_700 = tpu.memref_slice %arg8[%mul3A_699] : memref<24576xf32, #tpu.memory_space<vmem>> -> memref<128xf32, #tpu.memory_space<vmem>>
      %dma_start3A_701 = tpu.memref_slice %arg7[%mul3A_699] : memref<24576xi32, #tpu.memory_space<vmem>> -> memref<128xi32, #tpu.memory_space<vmem>>
      %dma_start3A_702 = arith.constant 0 : i32
      %dma_start3A_703 = tpu.memref_slice %arg3[%dma_start3A_702] : memref<15728640xf32, #tpu.memory_space<hbm>> -> memref<15728640xf32, #tpu.memory_space<hbm>>
      tpu.enqueue_indirect_dma source(%dma_start3A_703 : memref<15728640xf32, #tpu.memory_space<hbm>>) target(%dma_start3A_700 : memref<128xf32, #tpu.memory_space<vmem>>) offsets(%dma_start3A_701 : memref<128xi32, #tpu.memory_space<vmem>>) semaphore(%arg10 : memref<!tpu.dma_semaphore, #tpu.memory_space<semaphore_mem>>)
      %dma_start3A_704 = tpu.memref_slice %arg9[%mul3A_699] : memref<24576xf32, #tpu.memory_space<vmem>> -> memref<128xf32, #tpu.memory_space<vmem>>
      %dma_start3A_705 = tpu.memref_slice %arg7[%mul3A_699] : memref<24576xi32, #tpu.memory_space<vmem>> -> memref<128xi32, #tpu.memory_space<vmem>>
      %dma_start3A_706 = arith.constant 0 : i32
      %dma_start3A_707 = tpu.memref_slice %arg4[%dma_start3A_706] : memref<15728640xf32, #tpu.memory_space<hbm>> -> memref<15728640xf32, #tpu.memory_space<hbm>>
      tpu.enqueue_indirect_dma source(%dma_start3A_707 : memref<15728640xf32, #tpu.memory_space<hbm>>) target(%dma_start3A_704 : memref<128xf32, #tpu.memory_space<vmem>>) offsets(%dma_start3A_705 : memref<128xi32, #tpu.memory_space<vmem>>) semaphore(%arg11 : memref<!tpu.dma_semaphore, #tpu.memory_space<semaphore_mem>>)
      %mul3A_708 = arith.constant 24 : i32
      %mul3A_709 = arith.muli %scan3A_581, %mul3A_708 : i32
      %add3A_710 = arith.constant 9 : i32
      %add3A_711 = arith.addi %mul3A_709, %add3A_710 : i32
      %mul3A_712 = arith.constant 128 : i32
      %mul3A_713 = arith.muli %add3A_711, %mul3A_712 : i32
      %dma_start3A_714 = tpu.memref_slice %arg8[%mul3A_713] : memref<24576xf32, #tpu.memory_space<vmem>> -> memref<128xf32, #tpu.memory_space<vmem>>
      %dma_start3A_715 = tpu.memref_slice %arg7[%mul3A_713] : memref<24576xi32, #tpu.memory_space<vmem>> -> memref<128xi32, #tpu.memory_space<vmem>>
      %dma_start3A_716 = arith.constant 0 : i32
      %dma_start3A_717 = tpu.memref_slice %arg3[%dma_start3A_716] : memref<15728640xf32, #tpu.memory_space<hbm>> -> memref<15728640xf32, #tpu.memory_space<hbm>>
      tpu.enqueue_indirect_dma source(%dma_start3A_717 : memref<15728640xf32, #tpu.memory_space<hbm>>) target(%dma_start3A_714 : memref<128xf32, #tpu.memory_space<vmem>>) offsets(%dma_start3A_715 : memref<128xi32, #tpu.memory_space<vmem>>) semaphore(%arg10 : memref<!tpu.dma_semaphore, #tpu.memory_space<semaphore_mem>>)
      %dma_start3A_718 = tpu.memref_slice %arg9[%mul3A_713] : memref<24576xf32, #tpu.memory_space<vmem>> -> memref<128xf32, #tpu.memory_space<vmem>>
      %dma_start3A_719 = tpu.memref_slice %arg7[%mul3A_713] : memref<24576xi32, #tpu.memory_space<vmem>> -> memref<128xi32, #tpu.memory_space<vmem>>
      %dma_start3A_720 = arith.constant 0 : i32
      %dma_start3A_721 = tpu.memref_slice %arg4[%dma_start3A_720] : memref<15728640xf32, #tpu.memory_space<hbm>> -> memref<15728640xf32, #tpu.memory_space<hbm>>
      tpu.enqueue_indirect_dma source(%dma_start3A_721 : memref<15728640xf32, #tpu.memory_space<hbm>>) target(%dma_start3A_718 : memref<128xf32, #tpu.memory_space<vmem>>) offsets(%dma_start3A_719 : memref<128xi32, #tpu.memory_space<vmem>>) semaphore(%arg11 : memref<!tpu.dma_semaphore, #tpu.memory_space<semaphore_mem>>)
      %mul3A_722 = arith.constant 24 : i32
      %mul3A_723 = arith.muli %scan3A_581, %mul3A_722 : i32
      %add3A_724 = arith.constant 10 : i32
      %add3A_725 = arith.addi %mul3A_723, %add3A_724 : i32
      %mul3A_726 = arith.constant 128 : i32
      %mul3A_727 = arith.muli %add3A_725, %mul3A_726 : i32
      %dma_start3A_728 = tpu.memref_slice %arg8[%mul3A_727] : memref<24576xf32, #tpu.memory_space<vmem>> -> memref<128xf32, #tpu.memory_space<vmem>>
      %dma_start3A_729 = tpu.memref_slice %arg7[%mul3A_727] : memref<24576xi32, #tpu.memory_space<vmem>> -> memref<128xi32, #tpu.memory_space<vmem>>
      %dma_start3A_730 = arith.constant 0 : i32
      %dma_start3A_731 = tpu.memref_slice %arg3[%dma_start3A_730] : memref<15728640xf32, #tpu.memory_space<hbm>> -> memref<15728640xf32, #tpu.memory_space<hbm>>
      tpu.enqueue_indirect_dma source(%dma_start3A_731 : memref<15728640xf32, #tpu.memory_space<hbm>>) target(%dma_start3A_728 : memref<128xf32, #tpu.memory_space<vmem>>) offsets(%dma_start3A_729 : memref<128xi32, #tpu.memory_space<vmem>>) semaphore(%arg10 : memref<!tpu.dma_semaphore, #tpu.memory_space<semaphore_mem>>)
      %dma_start3A_732 = tpu.memref_slice %arg9[%mul3A_727] : memref<24576xf32, #tpu.memory_space<vmem>> -> memref<128xf32, #tpu.memory_space<vmem>>
      %dma_start3A_733 = tpu.memref_slice %arg7[%mul3A_727] : memref<24576xi32, #tpu.memory_space<vmem>> -> memref<128xi32, #tpu.memory_space<vmem>>
      %dma_start3A_734 = arith.constant 0 : i32
      %dma_start3A_735 = tpu.memref_slice %arg4[%dma_start3A_734] : memref<15728640xf32, #tpu.memory_space<hbm>> -> memref<15728640xf32, #tpu.memory_space<hbm>>
      tpu.enqueue_indirect_dma source(%dma_start3A_735 : memref<15728640xf32, #tpu.memory_space<hbm>>) target(%dma_start3A_732 : memref<128xf32, #tpu.memory_space<vmem>>) offsets(%dma_start3A_733 : memref<128xi32, #tpu.memory_space<vmem>>) semaphore(%arg11 : memref<!tpu.dma_semaphore, #tpu.memory_space<semaphore_mem>>)
      %mul3A_736 = arith.constant 24 : i32
      %mul3A_737 = arith.muli %scan3A_581, %mul3A_736 : i32
      %add3A_738 = arith.constant 11 : i32
      %add3A_739 = arith.addi %mul3A_737, %add3A_738 : i32
      %mul3A_740 = arith.constant 128 : i32
      %mul3A_741 = arith.muli %add3A_739, %mul3A_740 : i32
      %dma_start3A_742 = tpu.memref_slice %arg8[%mul3A_741] : memref<24576xf32, #tpu.memory_space<vmem>> -> memref<128xf32, #tpu.memory_space<vmem>>
      %dma_start3A_743 = tpu.memref_slice %arg7[%mul3A_741] : memref<24576xi32, #tpu.memory_space<vmem>> -> memref<128xi32, #tpu.memory_space<vmem>>
      %dma_start3A_744 = arith.constant 0 : i32
      %dma_start3A_745 = tpu.memref_slice %arg3[%dma_start3A_744] : memref<15728640xf32, #tpu.memory_space<hbm>> -> memref<15728640xf32, #tpu.memory_space<hbm>>
      tpu.enqueue_indirect_dma source(%dma_start3A_745 : memref<15728640xf32, #tpu.memory_space<hbm>>) target(%dma_start3A_742 : memref<128xf32, #tpu.memory_space<vmem>>) offsets(%dma_start3A_743 : memref<128xi32, #tpu.memory_space<vmem>>) semaphore(%arg10 : memref<!tpu.dma_semaphore, #tpu.memory_space<semaphore_mem>>)
      %dma_start3A_746 = tpu.memref_slice %arg9[%mul3A_741] : memref<24576xf32, #tpu.memory_space<vmem>> -> memref<128xf32, #tpu.memory_space<vmem>>
      %dma_start3A_747 = tpu.memref_slice %arg7[%mul3A_741] : memref<24576xi32, #tpu.memory_space<vmem>> -> memref<128xi32, #tpu.memory_space<vmem>>
      %dma_start3A_748 = arith.constant 0 : i32
      %dma_start3A_749 = tpu.memref_slice %arg4[%dma_start3A_748] : memref<15728640xf32, #tpu.memory_space<hbm>> -> memref<15728640xf32, #tpu.memory_space<hbm>>
      tpu.enqueue_indirect_dma source(%dma_start3A_749 : memref<15728640xf32, #tpu.memory_space<hbm>>) target(%dma_start3A_746 : memref<128xf32, #tpu.memory_space<vmem>>) offsets(%dma_start3A_747 : memref<128xi32, #tpu.memory_space<vmem>>) semaphore(%arg11 : memref<!tpu.dma_semaphore, #tpu.memory_space<semaphore_mem>>)
      %mul3A_750 = arith.constant 24 : i32
      %mul3A_751 = arith.muli %scan3A_581, %mul3A_750 : i32
      %add3A_752 = arith.constant 12 : i32
      %add3A_753 = arith.addi %mul3A_751, %add3A_752 : i32
      %mul3A_754 = arith.constant 128 : i32
      %mul3A_755 = arith.muli %add3A_753, %mul3A_754 : i32
      %dma_start3A_756 = tpu.memref_slice %arg8[%mul3A_755] : memref<24576xf32, #tpu.memory_space<vmem>> -> memref<128xf32, #tpu.memory_space<vmem>>
      %dma_start3A_757 = tpu.memref_slice %arg7[%mul3A_755] : memref<24576xi32, #tpu.memory_space<vmem>> -> memref<128xi32, #tpu.memory_space<vmem>>
      %dma_start3A_758 = arith.constant 0 : i32
      %dma_start3A_759 = tpu.memref_slice %arg3[%dma_start3A_758] : memref<15728640xf32, #tpu.memory_space<hbm>> -> memref<15728640xf32, #tpu.memory_space<hbm>>
      tpu.enqueue_indirect_dma source(%dma_start3A_759 : memref<15728640xf32, #tpu.memory_space<hbm>>) target(%dma_start3A_756 : memref<128xf32, #tpu.memory_space<vmem>>) offsets(%dma_start3A_757 : memref<128xi32, #tpu.memory_space<vmem>>) semaphore(%arg10 : memref<!tpu.dma_semaphore, #tpu.memory_space<semaphore_mem>>)
      %dma_start3A_760 = tpu.memref_slice %arg9[%mul3A_755] : memref<24576xf32, #tpu.memory_space<vmem>> -> memref<128xf32, #tpu.memory_space<vmem>>
      %dma_start3A_761 = tpu.memref_slice %arg7[%mul3A_755] : memref<24576xi32, #tpu.memory_space<vmem>> -> memref<128xi32, #tpu.memory_space<vmem>>
      %dma_start3A_762 = arith.constant 0 : i32
      %dma_start3A_763 = tpu.memref_slice %arg4[%dma_start3A_762] : memref<15728640xf32, #tpu.memory_space<hbm>> -> memref<15728640xf32, #tpu.memory_space<hbm>>
      tpu.enqueue_indirect_dma source(%dma_start3A_763 : memref<15728640xf32, #tpu.memory_space<hbm>>) target(%dma_start3A_760 : memref<128xf32, #tpu.memory_space<vmem>>) offsets(%dma_start3A_761 : memref<128xi32, #tpu.memory_space<vmem>>) semaphore(%arg11 : memref<!tpu.dma_semaphore, #tpu.memory_space<semaphore_mem>>)
      %mul3A_764 = arith.constant 24 : i32
      %mul3A_765 = arith.muli %scan3A_581, %mul3A_764 : i32
      %add3A_766 = arith.constant 13 : i32
      %add3A_767 = arith.addi %mul3A_765, %add3A_766 : i32
      %mul3A_768 = arith.constant 128 : i32
      %mul3A_769 = arith.muli %add3A_767, %mul3A_768 : i32
      %dma_start3A_770 = tpu.memref_slice %arg8[%mul3A_769] : memref<24576xf32, #tpu.memory_space<vmem>> -> memref<128xf32, #tpu.memory_space<vmem>>
      %dma_start3A_771 = tpu.memref_slice %arg7[%mul3A_769] : memref<24576xi32, #tpu.memory_space<vmem>> -> memref<128xi32, #tpu.memory_space<vmem>>
      %dma_start3A_772 = arith.constant 0 : i32
      %dma_start3A_773 = tpu.memref_slice %arg3[%dma_start3A_772] : memref<15728640xf32, #tpu.memory_space<hbm>> -> memref<15728640xf32, #tpu.memory_space<hbm>>
      tpu.enqueue_indirect_dma source(%dma_start3A_773 : memref<15728640xf32, #tpu.memory_space<hbm>>) target(%dma_start3A_770 : memref<128xf32, #tpu.memory_space<vmem>>) offsets(%dma_start3A_771 : memref<128xi32, #tpu.memory_space<vmem>>) semaphore(%arg10 : memref<!tpu.dma_semaphore, #tpu.memory_space<semaphore_mem>>)
      %dma_start3A_774 = tpu.memref_slice %arg9[%mul3A_769] : memref<24576xf32, #tpu.memory_space<vmem>> -> memref<128xf32, #tpu.memory_space<vmem>>
      %dma_start3A_775 = tpu.memref_slice %arg7[%mul3A_769] : memref<24576xi32, #tpu.memory_space<vmem>> -> memref<128xi32, #tpu.memory_space<vmem>>
      %dma_start3A_776 = arith.constant 0 : i32
      %dma_start3A_777 = tpu.memref_slice %arg4[%dma_start3A_776] : memref<15728640xf32, #tpu.memory_space<hbm>> -> memref<15728640xf32, #tpu.memory_space<hbm>>
      tpu.enqueue_indirect_dma source(%dma_start3A_777 : memref<15728640xf32, #tpu.memory_space<hbm>>) target(%dma_start3A_774 : memref<128xf32, #tpu.memory_space<vmem>>) offsets(%dma_start3A_775 : memref<128xi32, #tpu.memory_space<vmem>>) semaphore(%arg11 : memref<!tpu.dma_semaphore, #tpu.memory_space<semaphore_mem>>)
      %mul3A_778 = arith.constant 24 : i32
      %mul3A_779 = arith.muli %scan3A_581, %mul3A_778 : i32
      %add3A_780 = arith.constant 14 : i32
      %add3A_781 = arith.addi %mul3A_779, %add3A_780 : i32
      %mul3A_782 = arith.constant 128 : i32
      %mul3A_783 = arith.muli %add3A_781, %mul3A_782 : i32
      %dma_start3A_784 = tpu.memref_slice %arg8[%mul3A_783] : memref<24576xf32, #tpu.memory_space<vmem>> -> memref<128xf32, #tpu.memory_space<vmem>>
      %dma_start3A_785 = tpu.memref_slice %arg7[%mul3A_783] : memref<24576xi32, #tpu.memory_space<vmem>> -> memref<128xi32, #tpu.memory_space<vmem>>
      %dma_start3A_786 = arith.constant 0 : i32
      %dma_start3A_787 = tpu.memref_slice %arg3[%dma_start3A_786] : memref<15728640xf32, #tpu.memory_space<hbm>> -> memref<15728640xf32, #tpu.memory_space<hbm>>
      tpu.enqueue_indirect_dma source(%dma_start3A_787 : memref<15728640xf32, #tpu.memory_space<hbm>>) target(%dma_start3A_784 : memref<128xf32, #tpu.memory_space<vmem>>) offsets(%dma_start3A_785 : memref<128xi32, #tpu.memory_space<vmem>>) semaphore(%arg10 : memref<!tpu.dma_semaphore, #tpu.memory_space<semaphore_mem>>)
      %dma_start3A_788 = tpu.memref_slice %arg9[%mul3A_783] : memref<24576xf32, #tpu.memory_space<vmem>> -> memref<128xf32, #tpu.memory_space<vmem>>
      %dma_start3A_789 = tpu.memref_slice %arg7[%mul3A_783] : memref<24576xi32, #tpu.memory_space<vmem>> -> memref<128xi32, #tpu.memory_space<vmem>>
      %dma_start3A_790 = arith.constant 0 : i32
      %dma_start3A_791 = tpu.memref_slice %arg4[%dma_start3A_790] : memref<15728640xf32, #tpu.memory_space<hbm>> -> memref<15728640xf32, #tpu.memory_space<hbm>>
      tpu.enqueue_indirect_dma source(%dma_start3A_791 : memref<15728640xf32, #tpu.memory_space<hbm>>) target(%dma_start3A_788 : memref<128xf32, #tpu.memory_space<vmem>>) offsets(%dma_start3A_789 : memref<128xi32, #tpu.memory_space<vmem>>) semaphore(%arg11 : memref<!tpu.dma_semaphore, #tpu.memory_space<semaphore_mem>>)
      %mul3A_792 = arith.constant 24 : i32
      %mul3A_793 = arith.muli %scan3A_581, %mul3A_792 : i32
      %add3A_794 = arith.constant 15 : i32
      %add3A_795 = arith.addi %mul3A_793, %add3A_794 : i32
      %mul3A_796 = arith.constant 128 : i32
      %mul3A_797 = arith.muli %add3A_795, %mul3A_796 : i32
      %dma_start3A_798 = tpu.memref_slice %arg8[%mul3A_797] : memref<24576xf32, #tpu.memory_space<vmem>> -> memref<128xf32, #tpu.memory_space<vmem>>
      %dma_start3A_799 = tpu.memref_slice %arg7[%mul3A_797] : memref<24576xi32, #tpu.memory_space<vmem>> -> memref<128xi32, #tpu.memory_space<vmem>>
      %dma_start3A_800 = arith.constant 0 : i32
      %dma_start3A_801 = tpu.memref_slice %arg3[%dma_start3A_800] : memref<15728640xf32, #tpu.memory_space<hbm>> -> memref<15728640xf32, #tpu.memory_space<hbm>>
      tpu.enqueue_indirect_dma source(%dma_start3A_801 : memref<15728640xf32, #tpu.memory_space<hbm>>) target(%dma_start3A_798 : memref<128xf32, #tpu.memory_space<vmem>>) offsets(%dma_start3A_799 : memref<128xi32, #tpu.memory_space<vmem>>) semaphore(%arg10 : memref<!tpu.dma_semaphore, #tpu.memory_space<semaphore_mem>>)
      %dma_start3A_802 = tpu.memref_slice %arg9[%mul3A_797] : memref<24576xf32, #tpu.memory_space<vmem>> -> memref<128xf32, #tpu.memory_space<vmem>>
      %dma_start3A_803 = tpu.memref_slice %arg7[%mul3A_797] : memref<24576xi32, #tpu.memory_space<vmem>> -> memref<128xi32, #tpu.memory_space<vmem>>
      %dma_start3A_804 = arith.constant 0 : i32
      %dma_start3A_805 = tpu.memref_slice %arg4[%dma_start3A_804] : memref<15728640xf32, #tpu.memory_space<hbm>> -> memref<15728640xf32, #tpu.memory_space<hbm>>
      tpu.enqueue_indirect_dma source(%dma_start3A_805 : memref<15728640xf32, #tpu.memory_space<hbm>>) target(%dma_start3A_802 : memref<128xf32, #tpu.memory_space<vmem>>) offsets(%dma_start3A_803 : memref<128xi32, #tpu.memory_space<vmem>>) semaphore(%arg11 : memref<!tpu.dma_semaphore, #tpu.memory_space<semaphore_mem>>)
      %mul3A_806 = arith.constant 24 : i32
      %mul3A_807 = arith.muli %scan3A_581, %mul3A_806 : i32
      %add3A_808 = arith.constant 16 : i32
      %add3A_809 = arith.addi %mul3A_807, %add3A_808 : i32
      %mul3A_810 = arith.constant 128 : i32
      %mul3A_811 = arith.muli %add3A_809, %mul3A_810 : i32
      %dma_start3A_812 = tpu.memref_slice %arg8[%mul3A_811] : memref<24576xf32, #tpu.memory_space<vmem>> -> memref<128xf32, #tpu.memory_space<vmem>>
      %dma_start3A_813 = tpu.memref_slice %arg7[%mul3A_811] : memref<24576xi32, #tpu.memory_space<vmem>> -> memref<128xi32, #tpu.memory_space<vmem>>
      %dma_start3A_814 = arith.constant 0 : i32
      %dma_start3A_815 = tpu.memref_slice %arg3[%dma_start3A_814] : memref<15728640xf32, #tpu.memory_space<hbm>> -> memref<15728640xf32, #tpu.memory_space<hbm>>
      tpu.enqueue_indirect_dma source(%dma_start3A_815 : memref<15728640xf32, #tpu.memory_space<hbm>>) target(%dma_start3A_812 : memref<128xf32, #tpu.memory_space<vmem>>) offsets(%dma_start3A_813 : memref<128xi32, #tpu.memory_space<vmem>>) semaphore(%arg10 : memref<!tpu.dma_semaphore, #tpu.memory_space<semaphore_mem>>)
      %dma_start3A_816 = tpu.memref_slice %arg9[%mul3A_811] : memref<24576xf32, #tpu.memory_space<vmem>> -> memref<128xf32, #tpu.memory_space<vmem>>
      %dma_start3A_817 = tpu.memref_slice %arg7[%mul3A_811] : memref<24576xi32, #tpu.memory_space<vmem>> -> memref<128xi32, #tpu.memory_space<vmem>>
      %dma_start3A_818 = arith.constant 0 : i32
      %dma_start3A_819 = tpu.memref_slice %arg4[%dma_start3A_818] : memref<15728640xf32, #tpu.memory_space<hbm>> -> memref<15728640xf32, #tpu.memory_space<hbm>>
      tpu.enqueue_indirect_dma source(%dma_start3A_819 : memref<15728640xf32, #tpu.memory_space<hbm>>) target(%dma_start3A_816 : memref<128xf32, #tpu.memory_space<vmem>>) offsets(%dma_start3A_817 : memref<128xi32, #tpu.memory_space<vmem>>) semaphore(%arg11 : memref<!tpu.dma_semaphore, #tpu.memory_space<semaphore_mem>>)
      %mul3A_820 = arith.constant 24 : i32
      %mul3A_821 = arith.muli %scan3A_581, %mul3A_820 : i32
      %add3A_822 = arith.constant 17 : i32
      %add3A_823 = arith.addi %mul3A_821, %add3A_822 : i32
      %mul3A_824 = arith.constant 128 : i32
      %mul3A_825 = arith.muli %add3A_823, %mul3A_824 : i32
      %dma_start3A_826 = tpu.memref_slice %arg8[%mul3A_825] : memref<24576xf32, #tpu.memory_space<vmem>> -> memref<128xf32, #tpu.memory_space<vmem>>
      %dma_start3A_827 = tpu.memref_slice %arg7[%mul3A_825] : memref<24576xi32, #tpu.memory_space<vmem>> -> memref<128xi32, #tpu.memory_space<vmem>>
      %dma_start3A_828 = arith.constant 0 : i32
      %dma_start3A_829 = tpu.memref_slice %arg3[%dma_start3A_828] : memref<15728640xf32, #tpu.memory_space<hbm>> -> memref<15728640xf32, #tpu.memory_space<hbm>>
      tpu.enqueue_indirect_dma source(%dma_start3A_829 : memref<15728640xf32, #tpu.memory_space<hbm>>) target(%dma_start3A_826 : memref<128xf32, #tpu.memory_space<vmem>>) offsets(%dma_start3A_827 : memref<128xi32, #tpu.memory_space<vmem>>) semaphore(%arg10 : memref<!tpu.dma_semaphore, #tpu.memory_space<semaphore_mem>>)
      %dma_start3A_830 = tpu.memref_slice %arg9[%mul3A_825] : memref<24576xf32, #tpu.memory_space<vmem>> -> memref<128xf32, #tpu.memory_space<vmem>>
      %dma_start3A_831 = tpu.memref_slice %arg7[%mul3A_825] : memref<24576xi32, #tpu.memory_space<vmem>> -> memref<128xi32, #tpu.memory_space<vmem>>
      %dma_start3A_832 = arith.constant 0 : i32
      %dma_start3A_833 = tpu.memref_slice %arg4[%dma_start3A_832] : memref<15728640xf32, #tpu.memory_space<hbm>> -> memref<15728640xf32, #tpu.memory_space<hbm>>
      tpu.enqueue_indirect_dma source(%dma_start3A_833 : memref<15728640xf32, #tpu.memory_space<hbm>>) target(%dma_start3A_830 : memref<128xf32, #tpu.memory_space<vmem>>) offsets(%dma_start3A_831 : memref<128xi32, #tpu.memory_space<vmem>>) semaphore(%arg11 : memref<!tpu.dma_semaphore, #tpu.memory_space<semaphore_mem>>)
      %mul3A_834 = arith.constant 24 : i32
      %mul3A_835 = arith.muli %scan3A_581, %mul3A_834 : i32
      %add3A_836 = arith.constant 18 : i32
      %add3A_837 = arith.addi %mul3A_835, %add3A_836 : i32
      %mul3A_838 = arith.constant 128 : i32
      %mul3A_839 = arith.muli %add3A_837, %mul3A_838 : i32
      %dma_start3A_840 = tpu.memref_slice %arg8[%mul3A_839] : memref<24576xf32, #tpu.memory_space<vmem>> -> memref<128xf32, #tpu.memory_space<vmem>>
      %dma_start3A_841 = tpu.memref_slice %arg7[%mul3A_839] : memref<24576xi32, #tpu.memory_space<vmem>> -> memref<128xi32, #tpu.memory_space<vmem>>
      %dma_start3A_842 = arith.constant 0 : i32
      %dma_start3A_843 = tpu.memref_slice %arg3[%dma_start3A_842] : memref<15728640xf32, #tpu.memory_space<hbm>> -> memref<15728640xf32, #tpu.memory_space<hbm>>
      tpu.enqueue_indirect_dma source(%dma_start3A_843 : memref<15728640xf32, #tpu.memory_space<hbm>>) target(%dma_start3A_840 : memref<128xf32, #tpu.memory_space<vmem>>) offsets(%dma_start3A_841 : memref<128xi32, #tpu.memory_space<vmem>>) semaphore(%arg10 : memref<!tpu.dma_semaphore, #tpu.memory_space<semaphore_mem>>)
      %dma_start3A_844 = tpu.memref_slice %arg9[%mul3A_839] : memref<24576xf32, #tpu.memory_space<vmem>> -> memref<128xf32, #tpu.memory_space<vmem>>
      %dma_start3A_845 = tpu.memref_slice %arg7[%mul3A_839] : memref<24576xi32, #tpu.memory_space<vmem>> -> memref<128xi32, #tpu.memory_space<vmem>>
      %dma_start3A_846 = arith.constant 0 : i32
      %dma_start3A_847 = tpu.memref_slice %arg4[%dma_start3A_846] : memref<15728640xf32, #tpu.memory_space<hbm>> -> memref<15728640xf32, #tpu.memory_space<hbm>>
      tpu.enqueue_indirect_dma source(%dma_start3A_847 : memref<15728640xf32, #tpu.memory_space<hbm>>) target(%dma_start3A_844 : memref<128xf32, #tpu.memory_space<vmem>>) offsets(%dma_start3A_845 : memref<128xi32, #tpu.memory_space<vmem>>) semaphore(%arg11 : memref<!tpu.dma_semaphore, #tpu.memory_space<semaphore_mem>>)
      %mul3A_848 = arith.constant 24 : i32
      %mul3A_849 = arith.muli %scan3A_581, %mul3A_848 : i32
      %add3A_850 = arith.constant 19 : i32
      %add3A_851 = arith.addi %mul3A_849, %add3A_850 : i32
      %mul3A_852 = arith.constant 128 : i32
      %mul3A_853 = arith.muli %add3A_851, %mul3A_852 : i32
      %dma_start3A_854 = tpu.memref_slice %arg8[%mul3A_853] : memref<24576xf32, #tpu.memory_space<vmem>> -> memref<128xf32, #tpu.memory_space<vmem>>
      %dma_start3A_855 = tpu.memref_slice %arg7[%mul3A_853] : memref<24576xi32, #tpu.memory_space<vmem>> -> memref<128xi32, #tpu.memory_space<vmem>>
      %dma_start3A_856 = arith.constant 0 : i32
      %dma_start3A_857 = tpu.memref_slice %arg3[%dma_start3A_856] : memref<15728640xf32, #tpu.memory_space<hbm>> -> memref<15728640xf32, #tpu.memory_space<hbm>>
      tpu.enqueue_indirect_dma source(%dma_start3A_857 : memref<15728640xf32, #tpu.memory_space<hbm>>) target(%dma_start3A_854 : memref<128xf32, #tpu.memory_space<vmem>>) offsets(%dma_start3A_855 : memref<128xi32, #tpu.memory_space<vmem>>) semaphore(%arg10 : memref<!tpu.dma_semaphore, #tpu.memory_space<semaphore_mem>>)
      %dma_start3A_858 = tpu.memref_slice %arg9[%mul3A_853] : memref<24576xf32, #tpu.memory_space<vmem>> -> memref<128xf32, #tpu.memory_space<vmem>>
      %dma_start3A_859 = tpu.memref_slice %arg7[%mul3A_853] : memref<24576xi32, #tpu.memory_space<vmem>> -> memref<128xi32, #tpu.memory_space<vmem>>
      %dma_start3A_860 = arith.constant 0 : i32
      %dma_start3A_861 = tpu.memref_slice %arg4[%dma_start3A_860] : memref<15728640xf32, #tpu.memory_space<hbm>> -> memref<15728640xf32, #tpu.memory_space<hbm>>
      tpu.enqueue_indirect_dma source(%dma_start3A_861 : memref<15728640xf32, #tpu.memory_space<hbm>>) target(%dma_start3A_858 : memref<128xf32, #tpu.memory_space<vmem>>) offsets(%dma_start3A_859 : memref<128xi32, #tpu.memory_space<vmem>>) semaphore(%arg11 : memref<!tpu.dma_semaphore, #tpu.memory_space<semaphore_mem>>)
      %mul3A_862 = arith.constant 24 : i32
      %mul3A_863 = arith.muli %scan3A_581, %mul3A_862 : i32
      %add3A_864 = arith.constant 20 : i32
      %add3A_865 = arith.addi %mul3A_863, %add3A_864 : i32
      %mul3A_866 = arith.constant 128 : i32
      %mul3A_867 = arith.muli %add3A_865, %mul3A_866 : i32
      %dma_start3A_868 = tpu.memref_slice %arg8[%mul3A_867] : memref<24576xf32, #tpu.memory_space<vmem>> -> memref<128xf32, #tpu.memory_space<vmem>>
      %dma_start3A_869 = tpu.memref_slice %arg7[%mul3A_867] : memref<24576xi32, #tpu.memory_space<vmem>> -> memref<128xi32, #tpu.memory_space<vmem>>
      %dma_start3A_870 = arith.constant 0 : i32
      %dma_start3A_871 = tpu.memref_slice %arg3[%dma_start3A_870] : memref<15728640xf32, #tpu.memory_space<hbm>> -> memref<15728640xf32, #tpu.memory_space<hbm>>
      tpu.enqueue_indirect_dma source(%dma_start3A_871 : memref<15728640xf32, #tpu.memory_space<hbm>>) target(%dma_start3A_868 : memref<128xf32, #tpu.memory_space<vmem>>) offsets(%dma_start3A_869 : memref<128xi32, #tpu.memory_space<vmem>>) semaphore(%arg10 : memref<!tpu.dma_semaphore, #tpu.memory_space<semaphore_mem>>)
      %dma_start3A_872 = tpu.memref_slice %arg9[%mul3A_867] : memref<24576xf32, #tpu.memory_space<vmem>> -> memref<128xf32, #tpu.memory_space<vmem>>
      %dma_start3A_873 = tpu.memref_slice %arg7[%mul3A_867] : memref<24576xi32, #tpu.memory_space<vmem>> -> memref<128xi32, #tpu.memory_space<vmem>>
      %dma_start3A_874 = arith.constant 0 : i32
      %dma_start3A_875 = tpu.memref_slice %arg4[%dma_start3A_874] : memref<15728640xf32, #tpu.memory_space<hbm>> -> memref<15728640xf32, #tpu.memory_space<hbm>>
      tpu.enqueue_indirect_dma source(%dma_start3A_875 : memref<15728640xf32, #tpu.memory_space<hbm>>) target(%dma_start3A_872 : memref<128xf32, #tpu.memory_space<vmem>>) offsets(%dma_start3A_873 : memref<128xi32, #tpu.memory_space<vmem>>) semaphore(%arg11 : memref<!tpu.dma_semaphore, #tpu.memory_space<semaphore_mem>>)
      %mul3A_876 = arith.constant 24 : i32
      %mul3A_877 = arith.muli %scan3A_581, %mul3A_876 : i32
      %add3A_878 = arith.constant 21 : i32
      %add3A_879 = arith.addi %mul3A_877, %add3A_878 : i32
      %mul3A_880 = arith.constant 128 : i32
      %mul3A_881 = arith.muli %add3A_879, %mul3A_880 : i32
      %dma_start3A_882 = tpu.memref_slice %arg8[%mul3A_881] : memref<24576xf32, #tpu.memory_space<vmem>> -> memref<128xf32, #tpu.memory_space<vmem>>
      %dma_start3A_883 = tpu.memref_slice %arg7[%mul3A_881] : memref<24576xi32, #tpu.memory_space<vmem>> -> memref<128xi32, #tpu.memory_space<vmem>>
      %dma_start3A_884 = arith.constant 0 : i32
      %dma_start3A_885 = tpu.memref_slice %arg3[%dma_start3A_884] : memref<15728640xf32, #tpu.memory_space<hbm>> -> memref<15728640xf32, #tpu.memory_space<hbm>>
      tpu.enqueue_indirect_dma source(%dma_start3A_885 : memref<15728640xf32, #tpu.memory_space<hbm>>) target(%dma_start3A_882 : memref<128xf32, #tpu.memory_space<vmem>>) offsets(%dma_start3A_883 : memref<128xi32, #tpu.memory_space<vmem>>) semaphore(%arg10 : memref<!tpu.dma_semaphore, #tpu.memory_space<semaphore_mem>>)
      %dma_start3A_886 = tpu.memref_slice %arg9[%mul3A_881] : memref<24576xf32, #tpu.memory_space<vmem>> -> memref<128xf32, #tpu.memory_space<vmem>>
      %dma_start3A_887 = tpu.memref_slice %arg7[%mul3A_881] : memref<24576xi32, #tpu.memory_space<vmem>> -> memref<128xi32, #tpu.memory_space<vmem>>
      %dma_start3A_888 = arith.constant 0 : i32
      %dma_start3A_889 = tpu.memref_slice %arg4[%dma_start3A_888] : memref<15728640xf32, #tpu.memory_space<hbm>> -> memref<15728640xf32, #tpu.memory_space<hbm>>
      tpu.enqueue_indirect_dma source(%dma_start3A_889 : memref<15728640xf32, #tpu.memory_space<hbm>>) target(%dma_start3A_886 : memref<128xf32, #tpu.memory_space<vmem>>) offsets(%dma_start3A_887 : memref<128xi32, #tpu.memory_space<vmem>>) semaphore(%arg11 : memref<!tpu.dma_semaphore, #tpu.memory_space<semaphore_mem>>)
      %mul3A_890 = arith.constant 24 : i32
      %mul3A_891 = arith.muli %scan3A_581, %mul3A_890 : i32
      %add3A_892 = arith.constant 22 : i32
      %add3A_893 = arith.addi %mul3A_891, %add3A_892 : i32
      %mul3A_894 = arith.constant 128 : i32
      %mul3A_895 = arith.muli %add3A_893, %mul3A_894 : i32
      %dma_start3A_896 = tpu.memref_slice %arg8[%mul3A_895] : memref<24576xf32, #tpu.memory_space<vmem>> -> memref<128xf32, #tpu.memory_space<vmem>>
      %dma_start3A_897 = tpu.memref_slice %arg7[%mul3A_895] : memref<24576xi32, #tpu.memory_space<vmem>> -> memref<128xi32, #tpu.memory_space<vmem>>
      %dma_start3A_898 = arith.constant 0 : i32
      %dma_start3A_899 = tpu.memref_slice %arg3[%dma_start3A_898] : memref<15728640xf32, #tpu.memory_space<hbm>> -> memref<15728640xf32, #tpu.memory_space<hbm>>
      tpu.enqueue_indirect_dma source(%dma_start3A_899 : memref<15728640xf32, #tpu.memory_space<hbm>>) target(%dma_start3A_896 : memref<128xf32, #tpu.memory_space<vmem>>) offsets(%dma_start3A_897 : memref<128xi32, #tpu.memory_space<vmem>>) semaphore(%arg10 : memref<!tpu.dma_semaphore, #tpu.memory_space<semaphore_mem>>)
      %dma_start3A_900 = tpu.memref_slice %arg9[%mul3A_895] : memref<24576xf32, #tpu.memory_space<vmem>> -> memref<128xf32, #tpu.memory_space<vmem>>
      %dma_start3A_901 = tpu.memref_slice %arg7[%mul3A_895] : memref<24576xi32, #tpu.memory_space<vmem>> -> memref<128xi32, #tpu.memory_space<vmem>>
      %dma_start3A_902 = arith.constant 0 : i32
      %dma_start3A_903 = tpu.memref_slice %arg4[%dma_start3A_902] : memref<15728640xf32, #tpu.memory_space<hbm>> -> memref<15728640xf32, #tpu.memory_space<hbm>>
      tpu.enqueue_indirect_dma source(%dma_start3A_903 : memref<15728640xf32, #tpu.memory_space<hbm>>) target(%dma_start3A_900 : memref<128xf32, #tpu.memory_space<vmem>>) offsets(%dma_start3A_901 : memref<128xi32, #tpu.memory_space<vmem>>) semaphore(%arg11 : memref<!tpu.dma_semaphore, #tpu.memory_space<semaphore_mem>>)
      %mul3A_904 = arith.constant 24 : i32
      %mul3A_905 = arith.muli %scan3A_581, %mul3A_904 : i32
      %add3A_906 = arith.constant 23 : i32
      %add3A_907 = arith.addi %mul3A_905, %add3A_906 : i32
      %mul3A_908 = arith.constant 128 : i32
      %mul3A_909 = arith.muli %add3A_907, %mul3A_908 : i32
      %dma_start3A_910 = tpu.memref_slice %arg8[%mul3A_909] : memref<24576xf32, #tpu.memory_space<vmem>> -> memref<128xf32, #tpu.memory_space<vmem>>
      %dma_start3A_911 = tpu.memref_slice %arg7[%mul3A_909] : memref<24576xi32, #tpu.memory_space<vmem>> -> memref<128xi32, #tpu.memory_space<vmem>>
      %dma_start3A_912 = arith.constant 0 : i32
      %dma_start3A_913 = tpu.memref_slice %arg3[%dma_start3A_912] : memref<15728640xf32, #tpu.memory_space<hbm>> -> memref<15728640xf32, #tpu.memory_space<hbm>>
      tpu.enqueue_indirect_dma source(%dma_start3A_913 : memref<15728640xf32, #tpu.memory_space<hbm>>) target(%dma_start3A_910 : memref<128xf32, #tpu.memory_space<vmem>>) offsets(%dma_start3A_911 : memref<128xi32, #tpu.memory_space<vmem>>) semaphore(%arg10 : memref<!tpu.dma_semaphore, #tpu.memory_space<semaphore_mem>>)
      %dma_start3A_914 = tpu.memref_slice %arg9[%mul3A_909] : memref<24576xf32, #tpu.memory_space<vmem>> -> memref<128xf32, #tpu.memory_space<vmem>>
      %dma_start3A_915 = tpu.memref_slice %arg7[%mul3A_909] : memref<24576xi32, #tpu.memory_space<vmem>> -> memref<128xi32, #tpu.memory_space<vmem>>
      %dma_start3A_916 = arith.constant 0 : i32
      %dma_start3A_917 = tpu.memref_slice %arg4[%dma_start3A_916] : memref<15728640xf32, #tpu.memory_space<hbm>> -> memref<15728640xf32, #tpu.memory_space<hbm>>
      tpu.enqueue_indirect_dma source(%dma_start3A_917 : memref<15728640xf32, #tpu.memory_space<hbm>>) target(%dma_start3A_914 : memref<128xf32, #tpu.memory_space<vmem>>) offsets(%dma_start3A_915 : memref<128xi32, #tpu.memory_space<vmem>>) semaphore(%arg11 : memref<!tpu.dma_semaphore, #tpu.memory_space<semaphore_mem>>)
      %sub3A = arith.constant 1 : i32
      %sub3A_918 = arith.subi %scan3A_581, %sub3A : i32
      %mul3A_919 = arith.constant 24 : i32
      %mul3A_920 = arith.muli %sub3A_918, %mul3A_919 : i32
      %add3A_921 = arith.constant 0 : i32
      %add3A_922 = arith.addi %mul3A_920, %add3A_921 : i32
      %mul3A_923 = arith.constant 128 : i32
      %mul3A_924 = arith.muli %add3A_922, %mul3A_923 : i32
      %dma_wait3A_925 = tpu.memref_slice %arg8[%mul3A_924] : memref<24576xf32, #tpu.memory_space<vmem>> -> memref<128xf32, #tpu.memory_space<vmem>>
      %dma_wait3A_926 = tpu.memref_slice %arg7[%mul3A_924] : memref<24576xi32, #tpu.memory_space<vmem>> -> memref<128xi32, #tpu.memory_space<vmem>>
      %dma_wait3A_927 = arith.constant 0 : i32
      %dma_wait3A_928 = tpu.memref_slice %arg3[%dma_wait3A_927] : memref<15728640xf32, #tpu.memory_space<hbm>> -> memref<15728640xf32, #tpu.memory_space<hbm>>
      tpu.wait_indirect_dma semaphore(%arg10 : memref<!tpu.dma_semaphore, #tpu.memory_space<semaphore_mem>>) src(%dma_wait3A_928 : memref<15728640xf32, #tpu.memory_space<hbm>>) dst(%dma_wait3A_925 : memref<128xf32, #tpu.memory_space<vmem>>)
      %dma_wait3A_929 = tpu.memref_slice %arg9[%mul3A_924] : memref<24576xf32, #tpu.memory_space<vmem>> -> memref<128xf32, #tpu.memory_space<vmem>>
      %dma_wait3A_930 = tpu.memref_slice %arg7[%mul3A_924] : memref<24576xi32, #tpu.memory_space<vmem>> -> memref<128xi32, #tpu.memory_space<vmem>>
      %dma_wait3A_931 = arith.constant 0 : i32
      %dma_wait3A_932 = tpu.memref_slice %arg4[%dma_wait3A_931] : memref<15728640xf32, #tpu.memory_space<hbm>> -> memref<15728640xf32, #tpu.memory_space<hbm>>
      tpu.wait_indirect_dma semaphore(%arg11 : memref<!tpu.dma_semaphore, #tpu.memory_space<semaphore_mem>>) src(%dma_wait3A_932 : memref<15728640xf32, #tpu.memory_space<hbm>>) dst(%dma_wait3A_929 : memref<128xf32, #tpu.memory_space<vmem>>)
      %mul3A_933 = arith.constant 24 : i32
      %mul3A_934 = arith.muli %sub3A_918, %mul3A_933 : i32
      %add3A_935 = arith.constant 1 : i32
      %add3A_936 = arith.addi %mul3A_934, %add3A_935 : i32
      %mul3A_937 = arith.constant 128 : i32
      %mul3A_938 = arith.muli %add3A_936, %mul3A_937 : i32
      %dma_wait3A_939 = tpu.memref_slice %arg8[%mul3A_938] : memref<24576xf32, #tpu.memory_space<vmem>> -> memref<128xf32, #tpu.memory_space<vmem>>
      %dma_wait3A_940 = tpu.memref_slice %arg7[%mul3A_938] : memref<24576xi32, #tpu.memory_space<vmem>> -> memref<128xi32, #tpu.memory_space<vmem>>
      %dma_wait3A_941 = arith.constant 0 : i32
      %dma_wait3A_942 = tpu.memref_slice %arg3[%dma_wait3A_941] : memref<15728640xf32, #tpu.memory_space<hbm>> -> memref<15728640xf32, #tpu.memory_space<hbm>>
      tpu.wait_indirect_dma semaphore(%arg10 : memref<!tpu.dma_semaphore, #tpu.memory_space<semaphore_mem>>) src(%dma_wait3A_942 : memref<15728640xf32, #tpu.memory_space<hbm>>) dst(%dma_wait3A_939 : memref<128xf32, #tpu.memory_space<vmem>>)
      %dma_wait3A_943 = tpu.memref_slice %arg9[%mul3A_938] : memref<24576xf32, #tpu.memory_space<vmem>> -> memref<128xf32, #tpu.memory_space<vmem>>
      %dma_wait3A_944 = tpu.memref_slice %arg7[%mul3A_938] : memref<24576xi32, #tpu.memory_space<vmem>> -> memref<128xi32, #tpu.memory_space<vmem>>
      %dma_wait3A_945 = arith.constant 0 : i32
      %dma_wait3A_946 = tpu.memref_slice %arg4[%dma_wait3A_945] : memref<15728640xf32, #tpu.memory_space<hbm>> -> memref<15728640xf32, #tpu.memory_space<hbm>>
      tpu.wait_indirect_dma semaphore(%arg11 : memref<!tpu.dma_semaphore, #tpu.memory_space<semaphore_mem>>) src(%dma_wait3A_946 : memref<15728640xf32, #tpu.memory_space<hbm>>) dst(%dma_wait3A_943 : memref<128xf32, #tpu.memory_space<vmem>>)
      %mul3A_947 = arith.constant 24 : i32
      %mul3A_948 = arith.muli %sub3A_918, %mul3A_947 : i32
      %add3A_949 = arith.constant 2 : i32
      %add3A_950 = arith.addi %mul3A_948, %add3A_949 : i32
      %mul3A_951 = arith.constant 128 : i32
      %mul3A_952 = arith.muli %add3A_950, %mul3A_951 : i32
      %dma_wait3A_953 = tpu.memref_slice %arg8[%mul3A_952] : memref<24576xf32, #tpu.memory_space<vmem>> -> memref<128xf32, #tpu.memory_space<vmem>>
      %dma_wait3A_954 = tpu.memref_slice %arg7[%mul3A_952] : memref<24576xi32, #tpu.memory_space<vmem>> -> memref<128xi32, #tpu.memory_space<vmem>>
      %dma_wait3A_955 = arith.constant 0 : i32
      %dma_wait3A_956 = tpu.memref_slice %arg3[%dma_wait3A_955] : memref<15728640xf32, #tpu.memory_space<hbm>> -> memref<15728640xf32, #tpu.memory_space<hbm>>
      tpu.wait_indirect_dma semaphore(%arg10 : memref<!tpu.dma_semaphore, #tpu.memory_space<semaphore_mem>>) src(%dma_wait3A_956 : memref<15728640xf32, #tpu.memory_space<hbm>>) dst(%dma_wait3A_953 : memref<128xf32, #tpu.memory_space<vmem>>)
      %dma_wait3A_957 = tpu.memref_slice %arg9[%mul3A_952] : memref<24576xf32, #tpu.memory_space<vmem>> -> memref<128xf32, #tpu.memory_space<vmem>>
      %dma_wait3A_958 = tpu.memref_slice %arg7[%mul3A_952] : memref<24576xi32, #tpu.memory_space<vmem>> -> memref<128xi32, #tpu.memory_space<vmem>>
      %dma_wait3A_959 = arith.constant 0 : i32
      %dma_wait3A_960 = tpu.memref_slice %arg4[%dma_wait3A_959] : memref<15728640xf32, #tpu.memory_space<hbm>> -> memref<15728640xf32, #tpu.memory_space<hbm>>
      tpu.wait_indirect_dma semaphore(%arg11 : memref<!tpu.dma_semaphore, #tpu.memory_space<semaphore_mem>>) src(%dma_wait3A_960 : memref<15728640xf32, #tpu.memory_space<hbm>>) dst(%dma_wait3A_957 : memref<128xf32, #tpu.memory_space<vmem>>)
      %mul3A_961 = arith.constant 24 : i32
      %mul3A_962 = arith.muli %sub3A_918, %mul3A_961 : i32
      %add3A_963 = arith.constant 3 : i32
      %add3A_964 = arith.addi %mul3A_962, %add3A_963 : i32
      %mul3A_965 = arith.constant 128 : i32
      %mul3A_966 = arith.muli %add3A_964, %mul3A_965 : i32
      %dma_wait3A_967 = tpu.memref_slice %arg8[%mul3A_966] : memref<24576xf32, #tpu.memory_space<vmem>> -> memref<128xf32, #tpu.memory_space<vmem>>
      %dma_wait3A_968 = tpu.memref_slice %arg7[%mul3A_966] : memref<24576xi32, #tpu.memory_space<vmem>> -> memref<128xi32, #tpu.memory_space<vmem>>
      %dma_wait3A_969 = arith.constant 0 : i32
      %dma_wait3A_970 = tpu.memref_slice %arg3[%dma_wait3A_969] : memref<15728640xf32, #tpu.memory_space<hbm>> -> memref<15728640xf32, #tpu.memory_space<hbm>>
      tpu.wait_indirect_dma semaphore(%arg10 : memref<!tpu.dma_semaphore, #tpu.memory_space<semaphore_mem>>) src(%dma_wait3A_970 : memref<15728640xf32, #tpu.memory_space<hbm>>) dst(%dma_wait3A_967 : memref<128xf32, #tpu.memory_space<vmem>>)
      %dma_wait3A_971 = tpu.memref_slice %arg9[%mul3A_966] : memref<24576xf32, #tpu.memory_space<vmem>> -> memref<128xf32, #tpu.memory_space<vmem>>
      %dma_wait3A_972 = tpu.memref_slice %arg7[%mul3A_966] : memref<24576xi32, #tpu.memory_space<vmem>> -> memref<128xi32, #tpu.memory_space<vmem>>
      %dma_wait3A_973 = arith.constant 0 : i32
      %dma_wait3A_974 = tpu.memref_slice %arg4[%dma_wait3A_973] : memref<15728640xf32, #tpu.memory_space<hbm>> -> memref<15728640xf32, #tpu.memory_space<hbm>>
      tpu.wait_indirect_dma semaphore(%arg11 : memref<!tpu.dma_semaphore, #tpu.memory_space<semaphore_mem>>) src(%dma_wait3A_974 : memref<15728640xf32, #tpu.memory_space<hbm>>) dst(%dma_wait3A_971 : memref<128xf32, #tpu.memory_space<vmem>>)
      %mul3A_975 = arith.constant 24 : i32
      %mul3A_976 = arith.muli %sub3A_918, %mul3A_975 : i32
      %add3A_977 = arith.constant 4 : i32
      %add3A_978 = arith.addi %mul3A_976, %add3A_977 : i32
      %mul3A_979 = arith.constant 128 : i32
      %mul3A_980 = arith.muli %add3A_978, %mul3A_979 : i32
      %dma_wait3A_981 = tpu.memref_slice %arg8[%mul3A_980] : memref<24576xf32, #tpu.memory_space<vmem>> -> memref<128xf32, #tpu.memory_space<vmem>>
      %dma_wait3A_982 = tpu.memref_slice %arg7[%mul3A_980] : memref<24576xi32, #tpu.memory_space<vmem>> -> memref<128xi32, #tpu.memory_space<vmem>>
      %dma_wait3A_983 = arith.constant 0 : i32
      %dma_wait3A_984 = tpu.memref_slice %arg3[%dma_wait3A_983] : memref<15728640xf32, #tpu.memory_space<hbm>> -> memref<15728640xf32, #tpu.memory_space<hbm>>
      tpu.wait_indirect_dma semaphore(%arg10 : memref<!tpu.dma_semaphore, #tpu.memory_space<semaphore_mem>>) src(%dma_wait3A_984 : memref<15728640xf32, #tpu.memory_space<hbm>>) dst(%dma_wait3A_981 : memref<128xf32, #tpu.memory_space<vmem>>)
      %dma_wait3A_985 = tpu.memref_slice %arg9[%mul3A_980] : memref<24576xf32, #tpu.memory_space<vmem>> -> memref<128xf32, #tpu.memory_space<vmem>>
      %dma_wait3A_986 = tpu.memref_slice %arg7[%mul3A_980] : memref<24576xi32, #tpu.memory_space<vmem>> -> memref<128xi32, #tpu.memory_space<vmem>>
      %dma_wait3A_987 = arith.constant 0 : i32
      %dma_wait3A_988 = tpu.memref_slice %arg4[%dma_wait3A_987] : memref<15728640xf32, #tpu.memory_space<hbm>> -> memref<15728640xf32, #tpu.memory_space<hbm>>
      tpu.wait_indirect_dma semaphore(%arg11 : memref<!tpu.dma_semaphore, #tpu.memory_space<semaphore_mem>>) src(%dma_wait3A_988 : memref<15728640xf32, #tpu.memory_space<hbm>>) dst(%dma_wait3A_985 : memref<128xf32, #tpu.memory_space<vmem>>)
      %mul3A_989 = arith.constant 24 : i32
      %mul3A_990 = arith.muli %sub3A_918, %mul3A_989 : i32
      %add3A_991 = arith.constant 5 : i32
      %add3A_992 = arith.addi %mul3A_990, %add3A_991 : i32
      %mul3A_993 = arith.constant 128 : i32
      %mul3A_994 = arith.muli %add3A_992, %mul3A_993 : i32
      %dma_wait3A_995 = tpu.memref_slice %arg8[%mul3A_994] : memref<24576xf32, #tpu.memory_space<vmem>> -> memref<128xf32, #tpu.memory_space<vmem>>
      %dma_wait3A_996 = tpu.memref_slice %arg7[%mul3A_994] : memref<24576xi32, #tpu.memory_space<vmem>> -> memref<128xi32, #tpu.memory_space<vmem>>
      %dma_wait3A_997 = arith.constant 0 : i32
      %dma_wait3A_998 = tpu.memref_slice %arg3[%dma_wait3A_997] : memref<15728640xf32, #tpu.memory_space<hbm>> -> memref<15728640xf32, #tpu.memory_space<hbm>>
      tpu.wait_indirect_dma semaphore(%arg10 : memref<!tpu.dma_semaphore, #tpu.memory_space<semaphore_mem>>) src(%dma_wait3A_998 : memref<15728640xf32, #tpu.memory_space<hbm>>) dst(%dma_wait3A_995 : memref<128xf32, #tpu.memory_space<vmem>>)
      %dma_wait3A_999 = tpu.memref_slice %arg9[%mul3A_994] : memref<24576xf32, #tpu.memory_space<vmem>> -> memref<128xf32, #tpu.memory_space<vmem>>
      %dma_wait3A_1000 = tpu.memref_slice %arg7[%mul3A_994] : memref<24576xi32, #tpu.memory_space<vmem>> -> memref<128xi32, #tpu.memory_space<vmem>>
      %dma_wait3A_1001 = arith.constant 0 : i32
      %dma_wait3A_1002 = tpu.memref_slice %arg4[%dma_wait3A_1001] : memref<15728640xf32, #tpu.memory_space<hbm>> -> memref<15728640xf32, #tpu.memory_space<hbm>>
      tpu.wait_indirect_dma semaphore(%arg11 : memref<!tpu.dma_semaphore, #tpu.memory_space<semaphore_mem>>) src(%dma_wait3A_1002 : memref<15728640xf32, #tpu.memory_space<hbm>>) dst(%dma_wait3A_999 : memref<128xf32, #tpu.memory_space<vmem>>)
      %mul3A_1003 = arith.constant 24 : i32
      %mul3A_1004 = arith.muli %sub3A_918, %mul3A_1003 : i32
      %add3A_1005 = arith.constant 6 : i32
      %add3A_1006 = arith.addi %mul3A_1004, %add3A_1005 : i32
      %mul3A_1007 = arith.constant 128 : i32
      %mul3A_1008 = arith.muli %add3A_1006, %mul3A_1007 : i32
      %dma_wait3A_1009 = tpu.memref_slice %arg8[%mul3A_1008] : memref<24576xf32, #tpu.memory_space<vmem>> -> memref<128xf32, #tpu.memory_space<vmem>>
      %dma_wait3A_1010 = tpu.memref_slice %arg7[%mul3A_1008] : memref<24576xi32, #tpu.memory_space<vmem>> -> memref<128xi32, #tpu.memory_space<vmem>>
      %dma_wait3A_1011 = arith.constant 0 : i32
      %dma_wait3A_1012 = tpu.memref_slice %arg3[%dma_wait3A_1011] : memref<15728640xf32, #tpu.memory_space<hbm>> -> memref<15728640xf32, #tpu.memory_space<hbm>>
      tpu.wait_indirect_dma semaphore(%arg10 : memref<!tpu.dma_semaphore, #tpu.memory_space<semaphore_mem>>) src(%dma_wait3A_1012 : memref<15728640xf32, #tpu.memory_space<hbm>>) dst(%dma_wait3A_1009 : memref<128xf32, #tpu.memory_space<vmem>>)
      %dma_wait3A_1013 = tpu.memref_slice %arg9[%mul3A_1008] : memref<24576xf32, #tpu.memory_space<vmem>> -> memref<128xf32, #tpu.memory_space<vmem>>
      %dma_wait3A_1014 = tpu.memref_slice %arg7[%mul3A_1008] : memref<24576xi32, #tpu.memory_space<vmem>> -> memref<128xi32, #tpu.memory_space<vmem>>
      %dma_wait3A_1015 = arith.constant 0 : i32
      %dma_wait3A_1016 = tpu.memref_slice %arg4[%dma_wait3A_1015] : memref<15728640xf32, #tpu.memory_space<hbm>> -> memref<15728640xf32, #tpu.memory_space<hbm>>
      tpu.wait_indirect_dma semaphore(%arg11 : memref<!tpu.dma_semaphore, #tpu.memory_space<semaphore_mem>>) src(%dma_wait3A_1016 : memref<15728640xf32, #tpu.memory_space<hbm>>) dst(%dma_wait3A_1013 : memref<128xf32, #tpu.memory_space<vmem>>)
      %mul3A_1017 = arith.constant 24 : i32
      %mul3A_1018 = arith.muli %sub3A_918, %mul3A_1017 : i32
      %add3A_1019 = arith.constant 7 : i32
      %add3A_1020 = arith.addi %mul3A_1018, %add3A_1019 : i32
      %mul3A_1021 = arith.constant 128 : i32
      %mul3A_1022 = arith.muli %add3A_1020, %mul3A_1021 : i32
      %dma_wait3A_1023 = tpu.memref_slice %arg8[%mul3A_1022] : memref<24576xf32, #tpu.memory_space<vmem>> -> memref<128xf32, #tpu.memory_space<vmem>>
      %dma_wait3A_1024 = tpu.memref_slice %arg7[%mul3A_1022] : memref<24576xi32, #tpu.memory_space<vmem>> -> memref<128xi32, #tpu.memory_space<vmem>>
      %dma_wait3A_1025 = arith.constant 0 : i32
      %dma_wait3A_1026 = tpu.memref_slice %arg3[%dma_wait3A_1025] : memref<15728640xf32, #tpu.memory_space<hbm>> -> memref<15728640xf32, #tpu.memory_space<hbm>>
      tpu.wait_indirect_dma semaphore(%arg10 : memref<!tpu.dma_semaphore, #tpu.memory_space<semaphore_mem>>) src(%dma_wait3A_1026 : memref<15728640xf32, #tpu.memory_space<hbm>>) dst(%dma_wait3A_1023 : memref<128xf32, #tpu.memory_space<vmem>>)
      %dma_wait3A_1027 = tpu.memref_slice %arg9[%mul3A_1022] : memref<24576xf32, #tpu.memory_space<vmem>> -> memref<128xf32, #tpu.memory_space<vmem>>
      %dma_wait3A_1028 = tpu.memref_slice %arg7[%mul3A_1022] : memref<24576xi32, #tpu.memory_space<vmem>> -> memref<128xi32, #tpu.memory_space<vmem>>
      %dma_wait3A_1029 = arith.constant 0 : i32
      %dma_wait3A_1030 = tpu.memref_slice %arg4[%dma_wait3A_1029] : memref<15728640xf32, #tpu.memory_space<hbm>> -> memref<15728640xf32, #tpu.memory_space<hbm>>
      tpu.wait_indirect_dma semaphore(%arg11 : memref<!tpu.dma_semaphore, #tpu.memory_space<semaphore_mem>>) src(%dma_wait3A_1030 : memref<15728640xf32, #tpu.memory_space<hbm>>) dst(%dma_wait3A_1027 : memref<128xf32, #tpu.memory_space<vmem>>)
      %mul3A_1031 = arith.constant 24 : i32
      %mul3A_1032 = arith.muli %sub3A_918, %mul3A_1031 : i32
      %add3A_1033 = arith.constant 8 : i32
      %add3A_1034 = arith.addi %mul3A_1032, %add3A_1033 : i32
      %mul3A_1035 = arith.constant 128 : i32
      %mul3A_1036 = arith.muli %add3A_1034, %mul3A_1035 : i32
      %dma_wait3A_1037 = tpu.memref_slice %arg8[%mul3A_1036] : memref<24576xf32, #tpu.memory_space<vmem>> -> memref<128xf32, #tpu.memory_space<vmem>>
      %dma_wait3A_1038 = tpu.memref_slice %arg7[%mul3A_1036] : memref<24576xi32, #tpu.memory_space<vmem>> -> memref<128xi32, #tpu.memory_space<vmem>>
      %dma_wait3A_1039 = arith.constant 0 : i32
      %dma_wait3A_1040 = tpu.memref_slice %arg3[%dma_wait3A_1039] : memref<15728640xf32, #tpu.memory_space<hbm>> -> memref<15728640xf32, #tpu.memory_space<hbm>>
      tpu.wait_indirect_dma semaphore(%arg10 : memref<!tpu.dma_semaphore, #tpu.memory_space<semaphore_mem>>) src(%dma_wait3A_1040 : memref<15728640xf32, #tpu.memory_space<hbm>>) dst(%dma_wait3A_1037 : memref<128xf32, #tpu.memory_space<vmem>>)
      %dma_wait3A_1041 = tpu.memref_slice %arg9[%mul3A_1036] : memref<24576xf32, #tpu.memory_space<vmem>> -> memref<128xf32, #tpu.memory_space<vmem>>
      %dma_wait3A_1042 = tpu.memref_slice %arg7[%mul3A_1036] : memref<24576xi32, #tpu.memory_space<vmem>> -> memref<128xi32, #tpu.memory_space<vmem>>
      %dma_wait3A_1043 = arith.constant 0 : i32
      %dma_wait3A_1044 = tpu.memref_slice %arg4[%dma_wait3A_1043] : memref<15728640xf32, #tpu.memory_space<hbm>> -> memref<15728640xf32, #tpu.memory_space<hbm>>
      tpu.wait_indirect_dma semaphore(%arg11 : memref<!tpu.dma_semaphore, #tpu.memory_space<semaphore_mem>>) src(%dma_wait3A_1044 : memref<15728640xf32, #tpu.memory_space<hbm>>) dst(%dma_wait3A_1041 : memref<128xf32, #tpu.memory_space<vmem>>)
      %mul3A_1045 = arith.constant 24 : i32
      %mul3A_1046 = arith.muli %sub3A_918, %mul3A_1045 : i32
      %add3A_1047 = arith.constant 9 : i32
      %add3A_1048 = arith.addi %mul3A_1046, %add3A_1047 : i32
      %mul3A_1049 = arith.constant 128 : i32
      %mul3A_1050 = arith.muli %add3A_1048, %mul3A_1049 : i32
      %dma_wait3A_1051 = tpu.memref_slice %arg8[%mul3A_1050] : memref<24576xf32, #tpu.memory_space<vmem>> -> memref<128xf32, #tpu.memory_space<vmem>>
      %dma_wait3A_1052 = tpu.memref_slice %arg7[%mul3A_1050] : memref<24576xi32, #tpu.memory_space<vmem>> -> memref<128xi32, #tpu.memory_space<vmem>>
      %dma_wait3A_1053 = arith.constant 0 : i32
      %dma_wait3A_1054 = tpu.memref_slice %arg3[%dma_wait3A_1053] : memref<15728640xf32, #tpu.memory_space<hbm>> -> memref<15728640xf32, #tpu.memory_space<hbm>>
      tpu.wait_indirect_dma semaphore(%arg10 : memref<!tpu.dma_semaphore, #tpu.memory_space<semaphore_mem>>) src(%dma_wait3A_1054 : memref<15728640xf32, #tpu.memory_space<hbm>>) dst(%dma_wait3A_1051 : memref<128xf32, #tpu.memory_space<vmem>>)
      %dma_wait3A_1055 = tpu.memref_slice %arg9[%mul3A_1050] : memref<24576xf32, #tpu.memory_space<vmem>> -> memref<128xf32, #tpu.memory_space<vmem>>
      %dma_wait3A_1056 = tpu.memref_slice %arg7[%mul3A_1050] : memref<24576xi32, #tpu.memory_space<vmem>> -> memref<128xi32, #tpu.memory_space<vmem>>
      %dma_wait3A_1057 = arith.constant 0 : i32
      %dma_wait3A_1058 = tpu.memref_slice %arg4[%dma_wait3A_1057] : memref<15728640xf32, #tpu.memory_space<hbm>> -> memref<15728640xf32, #tpu.memory_space<hbm>>
      tpu.wait_indirect_dma semaphore(%arg11 : memref<!tpu.dma_semaphore, #tpu.memory_space<semaphore_mem>>) src(%dma_wait3A_1058 : memref<15728640xf32, #tpu.memory_space<hbm>>) dst(%dma_wait3A_1055 : memref<128xf32, #tpu.memory_space<vmem>>)
      %mul3A_1059 = arith.constant 24 : i32
      %mul3A_1060 = arith.muli %sub3A_918, %mul3A_1059 : i32
      %add3A_1061 = arith.constant 10 : i32
      %add3A_1062 = arith.addi %mul3A_1060, %add3A_1061 : i32
      %mul3A_1063 = arith.constant 128 : i32
      %mul3A_1064 = arith.muli %add3A_1062, %mul3A_1063 : i32
      %dma_wait3A_1065 = tpu.memref_slice %arg8[%mul3A_1064] : memref<24576xf32, #tpu.memory_space<vmem>> -> memref<128xf32, #tpu.memory_space<vmem>>
      %dma_wait3A_1066 = tpu.memref_slice %arg7[%mul3A_1064] : memref<24576xi32, #tpu.memory_space<vmem>> -> memref<128xi32, #tpu.memory_space<vmem>>
      %dma_wait3A_1067 = arith.constant 0 : i32
      %dma_wait3A_1068 = tpu.memref_slice %arg3[%dma_wait3A_1067] : memref<15728640xf32, #tpu.memory_space<hbm>> -> memref<15728640xf32, #tpu.memory_space<hbm>>
      tpu.wait_indirect_dma semaphore(%arg10 : memref<!tpu.dma_semaphore, #tpu.memory_space<semaphore_mem>>) src(%dma_wait3A_1068 : memref<15728640xf32, #tpu.memory_space<hbm>>) dst(%dma_wait3A_1065 : memref<128xf32, #tpu.memory_space<vmem>>)
      %dma_wait3A_1069 = tpu.memref_slice %arg9[%mul3A_1064] : memref<24576xf32, #tpu.memory_space<vmem>> -> memref<128xf32, #tpu.memory_space<vmem>>
      %dma_wait3A_1070 = tpu.memref_slice %arg7[%mul3A_1064] : memref<24576xi32, #tpu.memory_space<vmem>> -> memref<128xi32, #tpu.memory_space<vmem>>
      %dma_wait3A_1071 = arith.constant 0 : i32
      %dma_wait3A_1072 = tpu.memref_slice %arg4[%dma_wait3A_1071] : memref<15728640xf32, #tpu.memory_space<hbm>> -> memref<15728640xf32, #tpu.memory_space<hbm>>
      tpu.wait_indirect_dma semaphore(%arg11 : memref<!tpu.dma_semaphore, #tpu.memory_space<semaphore_mem>>) src(%dma_wait3A_1072 : memref<15728640xf32, #tpu.memory_space<hbm>>) dst(%dma_wait3A_1069 : memref<128xf32, #tpu.memory_space<vmem>>)
      %mul3A_1073 = arith.constant 24 : i32
      %mul3A_1074 = arith.muli %sub3A_918, %mul3A_1073 : i32
      %add3A_1075 = arith.constant 11 : i32
      %add3A_1076 = arith.addi %mul3A_1074, %add3A_1075 : i32
      %mul3A_1077 = arith.constant 128 : i32
      %mul3A_1078 = arith.muli %add3A_1076, %mul3A_1077 : i32
      %dma_wait3A_1079 = tpu.memref_slice %arg8[%mul3A_1078] : memref<24576xf32, #tpu.memory_space<vmem>> -> memref<128xf32, #tpu.memory_space<vmem>>
      %dma_wait3A_1080 = tpu.memref_slice %arg7[%mul3A_1078] : memref<24576xi32, #tpu.memory_space<vmem>> -> memref<128xi32, #tpu.memory_space<vmem>>
      %dma_wait3A_1081 = arith.constant 0 : i32
      %dma_wait3A_1082 = tpu.memref_slice %arg3[%dma_wait3A_1081] : memref<15728640xf32, #tpu.memory_space<hbm>> -> memref<15728640xf32, #tpu.memory_space<hbm>>
      tpu.wait_indirect_dma semaphore(%arg10 : memref<!tpu.dma_semaphore, #tpu.memory_space<semaphore_mem>>) src(%dma_wait3A_1082 : memref<15728640xf32, #tpu.memory_space<hbm>>) dst(%dma_wait3A_1079 : memref<128xf32, #tpu.memory_space<vmem>>)
      %dma_wait3A_1083 = tpu.memref_slice %arg9[%mul3A_1078] : memref<24576xf32, #tpu.memory_space<vmem>> -> memref<128xf32, #tpu.memory_space<vmem>>
      %dma_wait3A_1084 = tpu.memref_slice %arg7[%mul3A_1078] : memref<24576xi32, #tpu.memory_space<vmem>> -> memref<128xi32, #tpu.memory_space<vmem>>
      %dma_wait3A_1085 = arith.constant 0 : i32
      %dma_wait3A_1086 = tpu.memref_slice %arg4[%dma_wait3A_1085] : memref<15728640xf32, #tpu.memory_space<hbm>> -> memref<15728640xf32, #tpu.memory_space<hbm>>
      tpu.wait_indirect_dma semaphore(%arg11 : memref<!tpu.dma_semaphore, #tpu.memory_space<semaphore_mem>>) src(%dma_wait3A_1086 : memref<15728640xf32, #tpu.memory_space<hbm>>) dst(%dma_wait3A_1083 : memref<128xf32, #tpu.memory_space<vmem>>)
      %mul3A_1087 = arith.constant 24 : i32
      %mul3A_1088 = arith.muli %sub3A_918, %mul3A_1087 : i32
      %add3A_1089 = arith.constant 12 : i32
      %add3A_1090 = arith.addi %mul3A_1088, %add3A_1089 : i32
      %mul3A_1091 = arith.constant 128 : i32
      %mul3A_1092 = arith.muli %add3A_1090, %mul3A_1091 : i32
      %dma_wait3A_1093 = tpu.memref_slice %arg8[%mul3A_1092] : memref<24576xf32, #tpu.memory_space<vmem>> -> memref<128xf32, #tpu.memory_space<vmem>>
      %dma_wait3A_1094 = tpu.memref_slice %arg7[%mul3A_1092] : memref<24576xi32, #tpu.memory_space<vmem>> -> memref<128xi32, #tpu.memory_space<vmem>>
      %dma_wait3A_1095 = arith.constant 0 : i32
      %dma_wait3A_1096 = tpu.memref_slice %arg3[%dma_wait3A_1095] : memref<15728640xf32, #tpu.memory_space<hbm>> -> memref<15728640xf32, #tpu.memory_space<hbm>>
      tpu.wait_indirect_dma semaphore(%arg10 : memref<!tpu.dma_semaphore, #tpu.memory_space<semaphore_mem>>) src(%dma_wait3A_1096 : memref<15728640xf32, #tpu.memory_space<hbm>>) dst(%dma_wait3A_1093 : memref<128xf32, #tpu.memory_space<vmem>>)
      %dma_wait3A_1097 = tpu.memref_slice %arg9[%mul3A_1092] : memref<24576xf32, #tpu.memory_space<vmem>> -> memref<128xf32, #tpu.memory_space<vmem>>
      %dma_wait3A_1098 = tpu.memref_slice %arg7[%mul3A_1092] : memref<24576xi32, #tpu.memory_space<vmem>> -> memref<128xi32, #tpu.memory_space<vmem>>
      %dma_wait3A_1099 = arith.constant 0 : i32
      %dma_wait3A_1100 = tpu.memref_slice %arg4[%dma_wait3A_1099] : memref<15728640xf32, #tpu.memory_space<hbm>> -> memref<15728640xf32, #tpu.memory_space<hbm>>
      tpu.wait_indirect_dma semaphore(%arg11 : memref<!tpu.dma_semaphore, #tpu.memory_space<semaphore_mem>>) src(%dma_wait3A_1100 : memref<15728640xf32, #tpu.memory_space<hbm>>) dst(%dma_wait3A_1097 : memref<128xf32, #tpu.memory_space<vmem>>)
      %mul3A_1101 = arith.constant 24 : i32
      %mul3A_1102 = arith.muli %sub3A_918, %mul3A_1101 : i32
      %add3A_1103 = arith.constant 13 : i32
      %add3A_1104 = arith.addi %mul3A_1102, %add3A_1103 : i32
      %mul3A_1105 = arith.constant 128 : i32
      %mul3A_1106 = arith.muli %add3A_1104, %mul3A_1105 : i32
      %dma_wait3A_1107 = tpu.memref_slice %arg8[%mul3A_1106] : memref<24576xf32, #tpu.memory_space<vmem>> -> memref<128xf32, #tpu.memory_space<vmem>>
      %dma_wait3A_1108 = tpu.memref_slice %arg7[%mul3A_1106] : memref<24576xi32, #tpu.memory_space<vmem>> -> memref<128xi32, #tpu.memory_space<vmem>>
      %dma_wait3A_1109 = arith.constant 0 : i32
      %dma_wait3A_1110 = tpu.memref_slice %arg3[%dma_wait3A_1109] : memref<15728640xf32, #tpu.memory_space<hbm>> -> memref<15728640xf32, #tpu.memory_space<hbm>>
      tpu.wait_indirect_dma semaphore(%arg10 : memref<!tpu.dma_semaphore, #tpu.memory_space<semaphore_mem>>) src(%dma_wait3A_1110 : memref<15728640xf32, #tpu.memory_space<hbm>>) dst(%dma_wait3A_1107 : memref<128xf32, #tpu.memory_space<vmem>>)
      %dma_wait3A_1111 = tpu.memref_slice %arg9[%mul3A_1106] : memref<24576xf32, #tpu.memory_space<vmem>> -> memref<128xf32, #tpu.memory_space<vmem>>
      %dma_wait3A_1112 = tpu.memref_slice %arg7[%mul3A_1106] : memref<24576xi32, #tpu.memory_space<vmem>> -> memref<128xi32, #tpu.memory_space<vmem>>
      %dma_wait3A_1113 = arith.constant 0 : i32
      %dma_wait3A_1114 = tpu.memref_slice %arg4[%dma_wait3A_1113] : memref<15728640xf32, #tpu.memory_space<hbm>> -> memref<15728640xf32, #tpu.memory_space<hbm>>
      tpu.wait_indirect_dma semaphore(%arg11 : memref<!tpu.dma_semaphore, #tpu.memory_space<semaphore_mem>>) src(%dma_wait3A_1114 : memref<15728640xf32, #tpu.memory_space<hbm>>) dst(%dma_wait3A_1111 : memref<128xf32, #tpu.memory_space<vmem>>)
      %mul3A_1115 = arith.constant 24 : i32
      %mul3A_1116 = arith.muli %sub3A_918, %mul3A_1115 : i32
      %add3A_1117 = arith.constant 14 : i32
      %add3A_1118 = arith.addi %mul3A_1116, %add3A_1117 : i32
      %mul3A_1119 = arith.constant 128 : i32
      %mul3A_1120 = arith.muli %add3A_1118, %mul3A_1119 : i32
      %dma_wait3A_1121 = tpu.memref_slice %arg8[%mul3A_1120] : memref<24576xf32, #tpu.memory_space<vmem>> -> memref<128xf32, #tpu.memory_space<vmem>>
      %dma_wait3A_1122 = tpu.memref_slice %arg7[%mul3A_1120] : memref<24576xi32, #tpu.memory_space<vmem>> -> memref<128xi32, #tpu.memory_space<vmem>>
      %dma_wait3A_1123 = arith.constant 0 : i32
      %dma_wait3A_1124 = tpu.memref_slice %arg3[%dma_wait3A_1123] : memref<15728640xf32, #tpu.memory_space<hbm>> -> memref<15728640xf32, #tpu.memory_space<hbm>>
      tpu.wait_indirect_dma semaphore(%arg10 : memref<!tpu.dma_semaphore, #tpu.memory_space<semaphore_mem>>) src(%dma_wait3A_1124 : memref<15728640xf32, #tpu.memory_space<hbm>>) dst(%dma_wait3A_1121 : memref<128xf32, #tpu.memory_space<vmem>>)
      %dma_wait3A_1125 = tpu.memref_slice %arg9[%mul3A_1120] : memref<24576xf32, #tpu.memory_space<vmem>> -> memref<128xf32, #tpu.memory_space<vmem>>
      %dma_wait3A_1126 = tpu.memref_slice %arg7[%mul3A_1120] : memref<24576xi32, #tpu.memory_space<vmem>> -> memref<128xi32, #tpu.memory_space<vmem>>
      %dma_wait3A_1127 = arith.constant 0 : i32
      %dma_wait3A_1128 = tpu.memref_slice %arg4[%dma_wait3A_1127] : memref<15728640xf32, #tpu.memory_space<hbm>> -> memref<15728640xf32, #tpu.memory_space<hbm>>
      tpu.wait_indirect_dma semaphore(%arg11 : memref<!tpu.dma_semaphore, #tpu.memory_space<semaphore_mem>>) src(%dma_wait3A_1128 : memref<15728640xf32, #tpu.memory_space<hbm>>) dst(%dma_wait3A_1125 : memref<128xf32, #tpu.memory_space<vmem>>)
      %mul3A_1129 = arith.constant 24 : i32
      %mul3A_1130 = arith.muli %sub3A_918, %mul3A_1129 : i32
      %add3A_1131 = arith.constant 15 : i32
      %add3A_1132 = arith.addi %mul3A_1130, %add3A_1131 : i32
      %mul3A_1133 = arith.constant 128 : i32
      %mul3A_1134 = arith.muli %add3A_1132, %mul3A_1133 : i32
      %dma_wait3A_1135 = tpu.memref_slice %arg8[%mul3A_1134] : memref<24576xf32, #tpu.memory_space<vmem>> -> memref<128xf32, #tpu.memory_space<vmem>>
      %dma_wait3A_1136 = tpu.memref_slice %arg7[%mul3A_1134] : memref<24576xi32, #tpu.memory_space<vmem>> -> memref<128xi32, #tpu.memory_space<vmem>>
      %dma_wait3A_1137 = arith.constant 0 : i32
      %dma_wait3A_1138 = tpu.memref_slice %arg3[%dma_wait3A_1137] : memref<15728640xf32, #tpu.memory_space<hbm>> -> memref<15728640xf32, #tpu.memory_space<hbm>>
      tpu.wait_indirect_dma semaphore(%arg10 : memref<!tpu.dma_semaphore, #tpu.memory_space<semaphore_mem>>) src(%dma_wait3A_1138 : memref<15728640xf32, #tpu.memory_space<hbm>>) dst(%dma_wait3A_1135 : memref<128xf32, #tpu.memory_space<vmem>>)
      %dma_wait3A_1139 = tpu.memref_slice %arg9[%mul3A_1134] : memref<24576xf32, #tpu.memory_space<vmem>> -> memref<128xf32, #tpu.memory_space<vmem>>
      %dma_wait3A_1140 = tpu.memref_slice %arg7[%mul3A_1134] : memref<24576xi32, #tpu.memory_space<vmem>> -> memref<128xi32, #tpu.memory_space<vmem>>
      %dma_wait3A_1141 = arith.constant 0 : i32
      %dma_wait3A_1142 = tpu.memref_slice %arg4[%dma_wait3A_1141] : memref<15728640xf32, #tpu.memory_space<hbm>> -> memref<15728640xf32, #tpu.memory_space<hbm>>
      tpu.wait_indirect_dma semaphore(%arg11 : memref<!tpu.dma_semaphore, #tpu.memory_space<semaphore_mem>>) src(%dma_wait3A_1142 : memref<15728640xf32, #tpu.memory_space<hbm>>) dst(%dma_wait3A_1139 : memref<128xf32, #tpu.memory_space<vmem>>)
      %mul3A_1143 = arith.constant 24 : i32
      %mul3A_1144 = arith.muli %sub3A_918, %mul3A_1143 : i32
      %add3A_1145 = arith.constant 16 : i32
      %add3A_1146 = arith.addi %mul3A_1144, %add3A_1145 : i32
      %mul3A_1147 = arith.constant 128 : i32
      %mul3A_1148 = arith.muli %add3A_1146, %mul3A_1147 : i32
      %dma_wait3A_1149 = tpu.memref_slice %arg8[%mul3A_1148] : memref<24576xf32, #tpu.memory_space<vmem>> -> memref<128xf32, #tpu.memory_space<vmem>>
      %dma_wait3A_1150 = tpu.memref_slice %arg7[%mul3A_1148] : memref<24576xi32, #tpu.memory_space<vmem>> -> memref<128xi32, #tpu.memory_space<vmem>>
      %dma_wait3A_1151 = arith.constant 0 : i32
      %dma_wait3A_1152 = tpu.memref_slice %arg3[%dma_wait3A_1151] : memref<15728640xf32, #tpu.memory_space<hbm>> -> memref<15728640xf32, #tpu.memory_space<hbm>>
      tpu.wait_indirect_dma semaphore(%arg10 : memref<!tpu.dma_semaphore, #tpu.memory_space<semaphore_mem>>) src(%dma_wait3A_1152 : memref<15728640xf32, #tpu.memory_space<hbm>>) dst(%dma_wait3A_1149 : memref<128xf32, #tpu.memory_space<vmem>>)
      %dma_wait3A_1153 = tpu.memref_slice %arg9[%mul3A_1148] : memref<24576xf32, #tpu.memory_space<vmem>> -> memref<128xf32, #tpu.memory_space<vmem>>
      %dma_wait3A_1154 = tpu.memref_slice %arg7[%mul3A_1148] : memref<24576xi32, #tpu.memory_space<vmem>> -> memref<128xi32, #tpu.memory_space<vmem>>
      %dma_wait3A_1155 = arith.constant 0 : i32
      %dma_wait3A_1156 = tpu.memref_slice %arg4[%dma_wait3A_1155] : memref<15728640xf32, #tpu.memory_space<hbm>> -> memref<15728640xf32, #tpu.memory_space<hbm>>
      tpu.wait_indirect_dma semaphore(%arg11 : memref<!tpu.dma_semaphore, #tpu.memory_space<semaphore_mem>>) src(%dma_wait3A_1156 : memref<15728640xf32, #tpu.memory_space<hbm>>) dst(%dma_wait3A_1153 : memref<128xf32, #tpu.memory_space<vmem>>)
      %mul3A_1157 = arith.constant 24 : i32
      %mul3A_1158 = arith.muli %sub3A_918, %mul3A_1157 : i32
      %add3A_1159 = arith.constant 17 : i32
      %add3A_1160 = arith.addi %mul3A_1158, %add3A_1159 : i32
      %mul3A_1161 = arith.constant 128 : i32
      %mul3A_1162 = arith.muli %add3A_1160, %mul3A_1161 : i32
      %dma_wait3A_1163 = tpu.memref_slice %arg8[%mul3A_1162] : memref<24576xf32, #tpu.memory_space<vmem>> -> memref<128xf32, #tpu.memory_space<vmem>>
      %dma_wait3A_1164 = tpu.memref_slice %arg7[%mul3A_1162] : memref<24576xi32, #tpu.memory_space<vmem>> -> memref<128xi32, #tpu.memory_space<vmem>>
      %dma_wait3A_1165 = arith.constant 0 : i32
      %dma_wait3A_1166 = tpu.memref_slice %arg3[%dma_wait3A_1165] : memref<15728640xf32, #tpu.memory_space<hbm>> -> memref<15728640xf32, #tpu.memory_space<hbm>>
      tpu.wait_indirect_dma semaphore(%arg10 : memref<!tpu.dma_semaphore, #tpu.memory_space<semaphore_mem>>) src(%dma_wait3A_1166 : memref<15728640xf32, #tpu.memory_space<hbm>>) dst(%dma_wait3A_1163 : memref<128xf32, #tpu.memory_space<vmem>>)
      %dma_wait3A_1167 = tpu.memref_slice %arg9[%mul3A_1162] : memref<24576xf32, #tpu.memory_space<vmem>> -> memref<128xf32, #tpu.memory_space<vmem>>
      %dma_wait3A_1168 = tpu.memref_slice %arg7[%mul3A_1162] : memref<24576xi32, #tpu.memory_space<vmem>> -> memref<128xi32, #tpu.memory_space<vmem>>
      %dma_wait3A_1169 = arith.constant 0 : i32
      %dma_wait3A_1170 = tpu.memref_slice %arg4[%dma_wait3A_1169] : memref<15728640xf32, #tpu.memory_space<hbm>> -> memref<15728640xf32, #tpu.memory_space<hbm>>
      tpu.wait_indirect_dma semaphore(%arg11 : memref<!tpu.dma_semaphore, #tpu.memory_space<semaphore_mem>>) src(%dma_wait3A_1170 : memref<15728640xf32, #tpu.memory_space<hbm>>) dst(%dma_wait3A_1167 : memref<128xf32, #tpu.memory_space<vmem>>)
      %mul3A_1171 = arith.constant 24 : i32
      %mul3A_1172 = arith.muli %sub3A_918, %mul3A_1171 : i32
      %add3A_1173 = arith.constant 18 : i32
      %add3A_1174 = arith.addi %mul3A_1172, %add3A_1173 : i32
      %mul3A_1175 = arith.constant 128 : i32
      %mul3A_1176 = arith.muli %add3A_1174, %mul3A_1175 : i32
      %dma_wait3A_1177 = tpu.memref_slice %arg8[%mul3A_1176] : memref<24576xf32, #tpu.memory_space<vmem>> -> memref<128xf32, #tpu.memory_space<vmem>>
      %dma_wait3A_1178 = tpu.memref_slice %arg7[%mul3A_1176] : memref<24576xi32, #tpu.memory_space<vmem>> -> memref<128xi32, #tpu.memory_space<vmem>>
      %dma_wait3A_1179 = arith.constant 0 : i32
      %dma_wait3A_1180 = tpu.memref_slice %arg3[%dma_wait3A_1179] : memref<15728640xf32, #tpu.memory_space<hbm>> -> memref<15728640xf32, #tpu.memory_space<hbm>>
      tpu.wait_indirect_dma semaphore(%arg10 : memref<!tpu.dma_semaphore, #tpu.memory_space<semaphore_mem>>) src(%dma_wait3A_1180 : memref<15728640xf32, #tpu.memory_space<hbm>>) dst(%dma_wait3A_1177 : memref<128xf32, #tpu.memory_space<vmem>>)
      %dma_wait3A_1181 = tpu.memref_slice %arg9[%mul3A_1176] : memref<24576xf32, #tpu.memory_space<vmem>> -> memref<128xf32, #tpu.memory_space<vmem>>
      %dma_wait3A_1182 = tpu.memref_slice %arg7[%mul3A_1176] : memref<24576xi32, #tpu.memory_space<vmem>> -> memref<128xi32, #tpu.memory_space<vmem>>
      %dma_wait3A_1183 = arith.constant 0 : i32
      %dma_wait3A_1184 = tpu.memref_slice %arg4[%dma_wait3A_1183] : memref<15728640xf32, #tpu.memory_space<hbm>> -> memref<15728640xf32, #tpu.memory_space<hbm>>
      tpu.wait_indirect_dma semaphore(%arg11 : memref<!tpu.dma_semaphore, #tpu.memory_space<semaphore_mem>>) src(%dma_wait3A_1184 : memref<15728640xf32, #tpu.memory_space<hbm>>) dst(%dma_wait3A_1181 : memref<128xf32, #tpu.memory_space<vmem>>)
      %mul3A_1185 = arith.constant 24 : i32
      %mul3A_1186 = arith.muli %sub3A_918, %mul3A_1185 : i32
      %add3A_1187 = arith.constant 19 : i32
      %add3A_1188 = arith.addi %mul3A_1186, %add3A_1187 : i32
      %mul3A_1189 = arith.constant 128 : i32
      %mul3A_1190 = arith.muli %add3A_1188, %mul3A_1189 : i32
      %dma_wait3A_1191 = tpu.memref_slice %arg8[%mul3A_1190] : memref<24576xf32, #tpu.memory_space<vmem>> -> memref<128xf32, #tpu.memory_space<vmem>>
      %dma_wait3A_1192 = tpu.memref_slice %arg7[%mul3A_1190] : memref<24576xi32, #tpu.memory_space<vmem>> -> memref<128xi32, #tpu.memory_space<vmem>>
      %dma_wait3A_1193 = arith.constant 0 : i32
      %dma_wait3A_1194 = tpu.memref_slice %arg3[%dma_wait3A_1193] : memref<15728640xf32, #tpu.memory_space<hbm>> -> memref<15728640xf32, #tpu.memory_space<hbm>>
      tpu.wait_indirect_dma semaphore(%arg10 : memref<!tpu.dma_semaphore, #tpu.memory_space<semaphore_mem>>) src(%dma_wait3A_1194 : memref<15728640xf32, #tpu.memory_space<hbm>>) dst(%dma_wait3A_1191 : memref<128xf32, #tpu.memory_space<vmem>>)
      %dma_wait3A_1195 = tpu.memref_slice %arg9[%mul3A_1190] : memref<24576xf32, #tpu.memory_space<vmem>> -> memref<128xf32, #tpu.memory_space<vmem>>
      %dma_wait3A_1196 = tpu.memref_slice %arg7[%mul3A_1190] : memref<24576xi32, #tpu.memory_space<vmem>> -> memref<128xi32, #tpu.memory_space<vmem>>
      %dma_wait3A_1197 = arith.constant 0 : i32
      %dma_wait3A_1198 = tpu.memref_slice %arg4[%dma_wait3A_1197] : memref<15728640xf32, #tpu.memory_space<hbm>> -> memref<15728640xf32, #tpu.memory_space<hbm>>
      tpu.wait_indirect_dma semaphore(%arg11 : memref<!tpu.dma_semaphore, #tpu.memory_space<semaphore_mem>>) src(%dma_wait3A_1198 : memref<15728640xf32, #tpu.memory_space<hbm>>) dst(%dma_wait3A_1195 : memref<128xf32, #tpu.memory_space<vmem>>)
      %mul3A_1199 = arith.constant 24 : i32
      %mul3A_1200 = arith.muli %sub3A_918, %mul3A_1199 : i32
      %add3A_1201 = arith.constant 20 : i32
      %add3A_1202 = arith.addi %mul3A_1200, %add3A_1201 : i32
      %mul3A_1203 = arith.constant 128 : i32
      %mul3A_1204 = arith.muli %add3A_1202, %mul3A_1203 : i32
      %dma_wait3A_1205 = tpu.memref_slice %arg8[%mul3A_1204] : memref<24576xf32, #tpu.memory_space<vmem>> -> memref<128xf32, #tpu.memory_space<vmem>>
      %dma_wait3A_1206 = tpu.memref_slice %arg7[%mul3A_1204] : memref<24576xi32, #tpu.memory_space<vmem>> -> memref<128xi32, #tpu.memory_space<vmem>>
      %dma_wait3A_1207 = arith.constant 0 : i32
      %dma_wait3A_1208 = tpu.memref_slice %arg3[%dma_wait3A_1207] : memref<15728640xf32, #tpu.memory_space<hbm>> -> memref<15728640xf32, #tpu.memory_space<hbm>>
      tpu.wait_indirect_dma semaphore(%arg10 : memref<!tpu.dma_semaphore, #tpu.memory_space<semaphore_mem>>) src(%dma_wait3A_1208 : memref<15728640xf32, #tpu.memory_space<hbm>>) dst(%dma_wait3A_1205 : memref<128xf32, #tpu.memory_space<vmem>>)
      %dma_wait3A_1209 = tpu.memref_slice %arg9[%mul3A_1204] : memref<24576xf32, #tpu.memory_space<vmem>> -> memref<128xf32, #tpu.memory_space<vmem>>
      %dma_wait3A_1210 = tpu.memref_slice %arg7[%mul3A_1204] : memref<24576xi32, #tpu.memory_space<vmem>> -> memref<128xi32, #tpu.memory_space<vmem>>
      %dma_wait3A_1211 = arith.constant 0 : i32
      %dma_wait3A_1212 = tpu.memref_slice %arg4[%dma_wait3A_1211] : memref<15728640xf32, #tpu.memory_space<hbm>> -> memref<15728640xf32, #tpu.memory_space<hbm>>
      tpu.wait_indirect_dma semaphore(%arg11 : memref<!tpu.dma_semaphore, #tpu.memory_space<semaphore_mem>>) src(%dma_wait3A_1212 : memref<15728640xf32, #tpu.memory_space<hbm>>) dst(%dma_wait3A_1209 : memref<128xf32, #tpu.memory_space<vmem>>)
      %mul3A_1213 = arith.constant 24 : i32
      %mul3A_1214 = arith.muli %sub3A_918, %mul3A_1213 : i32
      %add3A_1215 = arith.constant 21 : i32
      %add3A_1216 = arith.addi %mul3A_1214, %add3A_1215 : i32
      %mul3A_1217 = arith.constant 128 : i32
      %mul3A_1218 = arith.muli %add3A_1216, %mul3A_1217 : i32
      %dma_wait3A_1219 = tpu.memref_slice %arg8[%mul3A_1218] : memref<24576xf32, #tpu.memory_space<vmem>> -> memref<128xf32, #tpu.memory_space<vmem>>
      %dma_wait3A_1220 = tpu.memref_slice %arg7[%mul3A_1218] : memref<24576xi32, #tpu.memory_space<vmem>> -> memref<128xi32, #tpu.memory_space<vmem>>
      %dma_wait3A_1221 = arith.constant 0 : i32
      %dma_wait3A_1222 = tpu.memref_slice %arg3[%dma_wait3A_1221] : memref<15728640xf32, #tpu.memory_space<hbm>> -> memref<15728640xf32, #tpu.memory_space<hbm>>
      tpu.wait_indirect_dma semaphore(%arg10 : memref<!tpu.dma_semaphore, #tpu.memory_space<semaphore_mem>>) src(%dma_wait3A_1222 : memref<15728640xf32, #tpu.memory_space<hbm>>) dst(%dma_wait3A_1219 : memref<128xf32, #tpu.memory_space<vmem>>)
      %dma_wait3A_1223 = tpu.memref_slice %arg9[%mul3A_1218] : memref<24576xf32, #tpu.memory_space<vmem>> -> memref<128xf32, #tpu.memory_space<vmem>>
      %dma_wait3A_1224 = tpu.memref_slice %arg7[%mul3A_1218] : memref<24576xi32, #tpu.memory_space<vmem>> -> memref<128xi32, #tpu.memory_space<vmem>>
      %dma_wait3A_1225 = arith.constant 0 : i32
      %dma_wait3A_1226 = tpu.memref_slice %arg4[%dma_wait3A_1225] : memref<15728640xf32, #tpu.memory_space<hbm>> -> memref<15728640xf32, #tpu.memory_space<hbm>>
      tpu.wait_indirect_dma semaphore(%arg11 : memref<!tpu.dma_semaphore, #tpu.memory_space<semaphore_mem>>) src(%dma_wait3A_1226 : memref<15728640xf32, #tpu.memory_space<hbm>>) dst(%dma_wait3A_1223 : memref<128xf32, #tpu.memory_space<vmem>>)
      %mul3A_1227 = arith.constant 24 : i32
      %mul3A_1228 = arith.muli %sub3A_918, %mul3A_1227 : i32
      %add3A_1229 = arith.constant 22 : i32
      %add3A_1230 = arith.addi %mul3A_1228, %add3A_1229 : i32
      %mul3A_1231 = arith.constant 128 : i32
      %mul3A_1232 = arith.muli %add3A_1230, %mul3A_1231 : i32
      %dma_wait3A_1233 = tpu.memref_slice %arg8[%mul3A_1232] : memref<24576xf32, #tpu.memory_space<vmem>> -> memref<128xf32, #tpu.memory_space<vmem>>
      %dma_wait3A_1234 = tpu.memref_slice %arg7[%mul3A_1232] : memref<24576xi32, #tpu.memory_space<vmem>> -> memref<128xi32, #tpu.memory_space<vmem>>
      %dma_wait3A_1235 = arith.constant 0 : i32
      %dma_wait3A_1236 = tpu.memref_slice %arg3[%dma_wait3A_1235] : memref<15728640xf32, #tpu.memory_space<hbm>> -> memref<15728640xf32, #tpu.memory_space<hbm>>
      tpu.wait_indirect_dma semaphore(%arg10 : memref<!tpu.dma_semaphore, #tpu.memory_space<semaphore_mem>>) src(%dma_wait3A_1236 : memref<15728640xf32, #tpu.memory_space<hbm>>) dst(%dma_wait3A_1233 : memref<128xf32, #tpu.memory_space<vmem>>)
      %dma_wait3A_1237 = tpu.memref_slice %arg9[%mul3A_1232] : memref<24576xf32, #tpu.memory_space<vmem>> -> memref<128xf32, #tpu.memory_space<vmem>>
      %dma_wait3A_1238 = tpu.memref_slice %arg7[%mul3A_1232] : memref<24576xi32, #tpu.memory_space<vmem>> -> memref<128xi32, #tpu.memory_space<vmem>>
      %dma_wait3A_1239 = arith.constant 0 : i32
      %dma_wait3A_1240 = tpu.memref_slice %arg4[%dma_wait3A_1239] : memref<15728640xf32, #tpu.memory_space<hbm>> -> memref<15728640xf32, #tpu.memory_space<hbm>>
      tpu.wait_indirect_dma semaphore(%arg11 : memref<!tpu.dma_semaphore, #tpu.memory_space<semaphore_mem>>) src(%dma_wait3A_1240 : memref<15728640xf32, #tpu.memory_space<hbm>>) dst(%dma_wait3A_1237 : memref<128xf32, #tpu.memory_space<vmem>>)
      %mul3A_1241 = arith.constant 24 : i32
      %mul3A_1242 = arith.muli %sub3A_918, %mul3A_1241 : i32
      %add3A_1243 = arith.constant 23 : i32
      %add3A_1244 = arith.addi %mul3A_1242, %add3A_1243 : i32
      %mul3A_1245 = arith.constant 128 : i32
      %mul3A_1246 = arith.muli %add3A_1244, %mul3A_1245 : i32
      %dma_wait3A_1247 = tpu.memref_slice %arg8[%mul3A_1246] : memref<24576xf32, #tpu.memory_space<vmem>> -> memref<128xf32, #tpu.memory_space<vmem>>
      %dma_wait3A_1248 = tpu.memref_slice %arg7[%mul3A_1246] : memref<24576xi32, #tpu.memory_space<vmem>> -> memref<128xi32, #tpu.memory_space<vmem>>
      %dma_wait3A_1249 = arith.constant 0 : i32
      %dma_wait3A_1250 = tpu.memref_slice %arg3[%dma_wait3A_1249] : memref<15728640xf32, #tpu.memory_space<hbm>> -> memref<15728640xf32, #tpu.memory_space<hbm>>
      tpu.wait_indirect_dma semaphore(%arg10 : memref<!tpu.dma_semaphore, #tpu.memory_space<semaphore_mem>>) src(%dma_wait3A_1250 : memref<15728640xf32, #tpu.memory_space<hbm>>) dst(%dma_wait3A_1247 : memref<128xf32, #tpu.memory_space<vmem>>)
      %dma_wait3A_1251 = tpu.memref_slice %arg9[%mul3A_1246] : memref<24576xf32, #tpu.memory_space<vmem>> -> memref<128xf32, #tpu.memory_space<vmem>>
      %dma_wait3A_1252 = tpu.memref_slice %arg7[%mul3A_1246] : memref<24576xi32, #tpu.memory_space<vmem>> -> memref<128xi32, #tpu.memory_space<vmem>>
      %dma_wait3A_1253 = arith.constant 0 : i32
      %dma_wait3A_1254 = tpu.memref_slice %arg4[%dma_wait3A_1253] : memref<15728640xf32, #tpu.memory_space<hbm>> -> memref<15728640xf32, #tpu.memory_space<hbm>>
      tpu.wait_indirect_dma semaphore(%arg11 : memref<!tpu.dma_semaphore, #tpu.memory_space<semaphore_mem>>) src(%dma_wait3A_1254 : memref<15728640xf32, #tpu.memory_space<hbm>>) dst(%dma_wait3A_1251 : memref<128xf32, #tpu.memory_space<vmem>>)
    }
    %scan3A_293 = arith.constant 7 : i32
    %dma_wait3A = arith.constant 21504 : i32
    %dma_wait3A_294 = tpu.memref_slice %arg8[%dma_wait3A] : memref<24576xf32, #tpu.memory_space<vmem>> -> memref<128xf32, #tpu.memory_space<vmem>>
    %dma_wait3A_295 = arith.constant 21504 : i32
    %dma_wait3A_296 = tpu.memref_slice %arg7[%dma_wait3A_295] : memref<24576xi32, #tpu.memory_space<vmem>> -> memref<128xi32, #tpu.memory_space<vmem>>
    %dma_wait3A_297 = arith.constant 0 : i32
    %dma_wait3A_298 = tpu.memref_slice %arg3[%dma_wait3A_297] : memref<15728640xf32, #tpu.memory_space<hbm>> -> memref<15728640xf32, #tpu.memory_space<hbm>>
    tpu.wait_indirect_dma semaphore(%arg10 : memref<!tpu.dma_semaphore, #tpu.memory_space<semaphore_mem>>) src(%dma_wait3A_298 : memref<15728640xf32, #tpu.memory_space<hbm>>) dst(%dma_wait3A_294 : memref<128xf32, #tpu.memory_space<vmem>>)
    %dma_wait3A_299 = arith.constant 21504 : i32
    %dma_wait3A_300 = tpu.memref_slice %arg9[%dma_wait3A_299] : memref<24576xf32, #tpu.memory_space<vmem>> -> memref<128xf32, #tpu.memory_space<vmem>>
    %dma_wait3A_301 = arith.constant 21504 : i32
    %dma_wait3A_302 = tpu.memref_slice %arg7[%dma_wait3A_301] : memref<24576xi32, #tpu.memory_space<vmem>> -> memref<128xi32, #tpu.memory_space<vmem>>
    %dma_wait3A_303 = arith.constant 0 : i32
    %dma_wait3A_304 = tpu.memref_slice %arg4[%dma_wait3A_303] : memref<15728640xf32, #tpu.memory_space<hbm>> -> memref<15728640xf32, #tpu.memory_space<hbm>>
    tpu.wait_indirect_dma semaphore(%arg11 : memref<!tpu.dma_semaphore, #tpu.memory_space<semaphore_mem>>) src(%dma_wait3A_304 : memref<15728640xf32, #tpu.memory_space<hbm>>) dst(%dma_wait3A_300 : memref<128xf32, #tpu.memory_space<vmem>>)
    %dma_wait3A_305 = arith.constant 21632 : i32
    %dma_wait3A_306 = tpu.memref_slice %arg8[%dma_wait3A_305] : memref<24576xf32, #tpu.memory_space<vmem>> -> memref<128xf32, #tpu.memory_space<vmem>>
    %dma_wait3A_307 = arith.constant 21632 : i32
    %dma_wait3A_308 = tpu.memref_slice %arg7[%dma_wait3A_307] : memref<24576xi32, #tpu.memory_space<vmem>> -> memref<128xi32, #tpu.memory_space<vmem>>
    %dma_wait3A_309 = arith.constant 0 : i32
    %dma_wait3A_310 = tpu.memref_slice %arg3[%dma_wait3A_309] : memref<15728640xf32, #tpu.memory_space<hbm>> -> memref<15728640xf32, #tpu.memory_space<hbm>>
    tpu.wait_indirect_dma semaphore(%arg10 : memref<!tpu.dma_semaphore, #tpu.memory_space<semaphore_mem>>) src(%dma_wait3A_310 : memref<15728640xf32, #tpu.memory_space<hbm>>) dst(%dma_wait3A_306 : memref<128xf32, #tpu.memory_space<vmem>>)
    %dma_wait3A_311 = arith.constant 21632 : i32
    %dma_wait3A_312 = tpu.memref_slice %arg9[%dma_wait3A_311] : memref<24576xf32, #tpu.memory_space<vmem>> -> memref<128xf32, #tpu.memory_space<vmem>>
    %dma_wait3A_313 = arith.constant 21632 : i32
    %dma_wait3A_314 = tpu.memref_slice %arg7[%dma_wait3A_313] : memref<24576xi32, #tpu.memory_space<vmem>> -> memref<128xi32, #tpu.memory_space<vmem>>
    %dma_wait3A_315 = arith.constant 0 : i32
    %dma_wait3A_316 = tpu.memref_slice %arg4[%dma_wait3A_315] : memref<15728640xf32, #tpu.memory_space<hbm>> -> memref<15728640xf32, #tpu.memory_space<hbm>>
    tpu.wait_indirect_dma semaphore(%arg11 : memref<!tpu.dma_semaphore, #tpu.memory_space<semaphore_mem>>) src(%dma_wait3A_316 : memref<15728640xf32, #tpu.memory_space<hbm>>) dst(%dma_wait3A_312 : memref<128xf32, #tpu.memory_space<vmem>>)
    %dma_wait3A_317 = arith.constant 21760 : i32
    %dma_wait3A_318 = tpu.memref_slice %arg8[%dma_wait3A_317] : memref<24576xf32, #tpu.memory_space<vmem>> -> memref<128xf32, #tpu.memory_space<vmem>>
    %dma_wait3A_319 = arith.constant 21760 : i32
    %dma_wait3A_320 = tpu.memref_slice %arg7[%dma_wait3A_319] : memref<24576xi32, #tpu.memory_space<vmem>> -> memref<128xi32, #tpu.memory_space<vmem>>
    %dma_wait3A_321 = arith.constant 0 : i32
    %dma_wait3A_322 = tpu.memref_slice %arg3[%dma_wait3A_321] : memref<15728640xf32, #tpu.memory_space<hbm>> -> memref<15728640xf32, #tpu.memory_space<hbm>>
    tpu.wait_indirect_dma semaphore(%arg10 : memref<!tpu.dma_semaphore, #tpu.memory_space<semaphore_mem>>) src(%dma_wait3A_322 : memref<15728640xf32, #tpu.memory_space<hbm>>) dst(%dma_wait3A_318 : memref<128xf32, #tpu.memory_space<vmem>>)
    %dma_wait3A_323 = arith.constant 21760 : i32
    %dma_wait3A_324 = tpu.memref_slice %arg9[%dma_wait3A_323] : memref<24576xf32, #tpu.memory_space<vmem>> -> memref<128xf32, #tpu.memory_space<vmem>>
    %dma_wait3A_325 = arith.constant 21760 : i32
    %dma_wait3A_326 = tpu.memref_slice %arg7[%dma_wait3A_325] : memref<24576xi32, #tpu.memory_space<vmem>> -> memref<128xi32, #tpu.memory_space<vmem>>
    %dma_wait3A_327 = arith.constant 0 : i32
    %dma_wait3A_328 = tpu.memref_slice %arg4[%dma_wait3A_327] : memref<15728640xf32, #tpu.memory_space<hbm>> -> memref<15728640xf32, #tpu.memory_space<hbm>>
    tpu.wait_indirect_dma semaphore(%arg11 : memref<!tpu.dma_semaphore, #tpu.memory_space<semaphore_mem>>) src(%dma_wait3A_328 : memref<15728640xf32, #tpu.memory_space<hbm>>) dst(%dma_wait3A_324 : memref<128xf32, #tpu.memory_space<vmem>>)
    %dma_wait3A_329 = arith.constant 21888 : i32
    %dma_wait3A_330 = tpu.memref_slice %arg8[%dma_wait3A_329] : memref<24576xf32, #tpu.memory_space<vmem>> -> memref<128xf32, #tpu.memory_space<vmem>>
    %dma_wait3A_331 = arith.constant 21888 : i32
    %dma_wait3A_332 = tpu.memref_slice %arg7[%dma_wait3A_331] : memref<24576xi32, #tpu.memory_space<vmem>> -> memref<128xi32, #tpu.memory_space<vmem>>
    %dma_wait3A_333 = arith.constant 0 : i32
    %dma_wait3A_334 = tpu.memref_slice %arg3[%dma_wait3A_333] : memref<15728640xf32, #tpu.memory_space<hbm>> -> memref<15728640xf32, #tpu.memory_space<hbm>>
    tpu.wait_indirect_dma semaphore(%arg10 : memref<!tpu.dma_semaphore, #tpu.memory_space<semaphore_mem>>) src(%dma_wait3A_334 : memref<15728640xf32, #tpu.memory_space<hbm>>) dst(%dma_wait3A_330 : memref<128xf32, #tpu.memory_space<vmem>>)
    %dma_wait3A_335 = arith.constant 21888 : i32
    %dma_wait3A_336 = tpu.memref_slice %arg9[%dma_wait3A_335] : memref<24576xf32, #tpu.memory_space<vmem>> -> memref<128xf32, #tpu.memory_space<vmem>>
    %dma_wait3A_337 = arith.constant 21888 : i32
    %dma_wait3A_338 = tpu.memref_slice %arg7[%dma_wait3A_337] : memref<24576xi32, #tpu.memory_space<vmem>> -> memref<128xi32, #tpu.memory_space<vmem>>
    %dma_wait3A_339 = arith.constant 0 : i32
    %dma_wait3A_340 = tpu.memref_slice %arg4[%dma_wait3A_339] : memref<15728640xf32, #tpu.memory_space<hbm>> -> memref<15728640xf32, #tpu.memory_space<hbm>>
    tpu.wait_indirect_dma semaphore(%arg11 : memref<!tpu.dma_semaphore, #tpu.memory_space<semaphore_mem>>) src(%dma_wait3A_340 : memref<15728640xf32, #tpu.memory_space<hbm>>) dst(%dma_wait3A_336 : memref<128xf32, #tpu.memory_space<vmem>>)
    %dma_wait3A_341 = arith.constant 22016 : i32
    %dma_wait3A_342 = tpu.memref_slice %arg8[%dma_wait3A_341] : memref<24576xf32, #tpu.memory_space<vmem>> -> memref<128xf32, #tpu.memory_space<vmem>>
    %dma_wait3A_343 = arith.constant 22016 : i32
    %dma_wait3A_344 = tpu.memref_slice %arg7[%dma_wait3A_343] : memref<24576xi32, #tpu.memory_space<vmem>> -> memref<128xi32, #tpu.memory_space<vmem>>
    %dma_wait3A_345 = arith.constant 0 : i32
    %dma_wait3A_346 = tpu.memref_slice %arg3[%dma_wait3A_345] : memref<15728640xf32, #tpu.memory_space<hbm>> -> memref<15728640xf32, #tpu.memory_space<hbm>>
    tpu.wait_indirect_dma semaphore(%arg10 : memref<!tpu.dma_semaphore, #tpu.memory_space<semaphore_mem>>) src(%dma_wait3A_346 : memref<15728640xf32, #tpu.memory_space<hbm>>) dst(%dma_wait3A_342 : memref<128xf32, #tpu.memory_space<vmem>>)
    %dma_wait3A_347 = arith.constant 22016 : i32
    %dma_wait3A_348 = tpu.memref_slice %arg9[%dma_wait3A_347] : memref<24576xf32, #tpu.memory_space<vmem>> -> memref<128xf32, #tpu.memory_space<vmem>>
    %dma_wait3A_349 = arith.constant 22016 : i32
    %dma_wait3A_350 = tpu.memref_slice %arg7[%dma_wait3A_349] : memref<24576xi32, #tpu.memory_space<vmem>> -> memref<128xi32, #tpu.memory_space<vmem>>
    %dma_wait3A_351 = arith.constant 0 : i32
    %dma_wait3A_352 = tpu.memref_slice %arg4[%dma_wait3A_351] : memref<15728640xf32, #tpu.memory_space<hbm>> -> memref<15728640xf32, #tpu.memory_space<hbm>>
    tpu.wait_indirect_dma semaphore(%arg11 : memref<!tpu.dma_semaphore, #tpu.memory_space<semaphore_mem>>) src(%dma_wait3A_352 : memref<15728640xf32, #tpu.memory_space<hbm>>) dst(%dma_wait3A_348 : memref<128xf32, #tpu.memory_space<vmem>>)
    %dma_wait3A_353 = arith.constant 22144 : i32
    %dma_wait3A_354 = tpu.memref_slice %arg8[%dma_wait3A_353] : memref<24576xf32, #tpu.memory_space<vmem>> -> memref<128xf32, #tpu.memory_space<vmem>>
    %dma_wait3A_355 = arith.constant 22144 : i32
    %dma_wait3A_356 = tpu.memref_slice %arg7[%dma_wait3A_355] : memref<24576xi32, #tpu.memory_space<vmem>> -> memref<128xi32, #tpu.memory_space<vmem>>
    %dma_wait3A_357 = arith.constant 0 : i32
    %dma_wait3A_358 = tpu.memref_slice %arg3[%dma_wait3A_357] : memref<15728640xf32, #tpu.memory_space<hbm>> -> memref<15728640xf32, #tpu.memory_space<hbm>>
    tpu.wait_indirect_dma semaphore(%arg10 : memref<!tpu.dma_semaphore, #tpu.memory_space<semaphore_mem>>) src(%dma_wait3A_358 : memref<15728640xf32, #tpu.memory_space<hbm>>) dst(%dma_wait3A_354 : memref<128xf32, #tpu.memory_space<vmem>>)
    %dma_wait3A_359 = arith.constant 22144 : i32
    %dma_wait3A_360 = tpu.memref_slice %arg9[%dma_wait3A_359] : memref<24576xf32, #tpu.memory_space<vmem>> -> memref<128xf32, #tpu.memory_space<vmem>>
    %dma_wait3A_361 = arith.constant 22144 : i32
    %dma_wait3A_362 = tpu.memref_slice %arg7[%dma_wait3A_361] : memref<24576xi32, #tpu.memory_space<vmem>> -> memref<128xi32, #tpu.memory_space<vmem>>
    %dma_wait3A_363 = arith.constant 0 : i32
    %dma_wait3A_364 = tpu.memref_slice %arg4[%dma_wait3A_363] : memref<15728640xf32, #tpu.memory_space<hbm>> -> memref<15728640xf32, #tpu.memory_space<hbm>>
    tpu.wait_indirect_dma semaphore(%arg11 : memref<!tpu.dma_semaphore, #tpu.memory_space<semaphore_mem>>) src(%dma_wait3A_364 : memref<15728640xf32, #tpu.memory_space<hbm>>) dst(%dma_wait3A_360 : memref<128xf32, #tpu.memory_space<vmem>>)
    %dma_wait3A_365 = arith.constant 22272 : i32
    %dma_wait3A_366 = tpu.memref_slice %arg8[%dma_wait3A_365] : memref<24576xf32, #tpu.memory_space<vmem>> -> memref<128xf32, #tpu.memory_space<vmem>>
    %dma_wait3A_367 = arith.constant 22272 : i32
    %dma_wait3A_368 = tpu.memref_slice %arg7[%dma_wait3A_367] : memref<24576xi32, #tpu.memory_space<vmem>> -> memref<128xi32, #tpu.memory_space<vmem>>
    %dma_wait3A_369 = arith.constant 0 : i32
    %dma_wait3A_370 = tpu.memref_slice %arg3[%dma_wait3A_369] : memref<15728640xf32, #tpu.memory_space<hbm>> -> memref<15728640xf32, #tpu.memory_space<hbm>>
    tpu.wait_indirect_dma semaphore(%arg10 : memref<!tpu.dma_semaphore, #tpu.memory_space<semaphore_mem>>) src(%dma_wait3A_370 : memref<15728640xf32, #tpu.memory_space<hbm>>) dst(%dma_wait3A_366 : memref<128xf32, #tpu.memory_space<vmem>>)
    %dma_wait3A_371 = arith.constant 22272 : i32
    %dma_wait3A_372 = tpu.memref_slice %arg9[%dma_wait3A_371] : memref<24576xf32, #tpu.memory_space<vmem>> -> memref<128xf32, #tpu.memory_space<vmem>>
    %dma_wait3A_373 = arith.constant 22272 : i32
    %dma_wait3A_374 = tpu.memref_slice %arg7[%dma_wait3A_373] : memref<24576xi32, #tpu.memory_space<vmem>> -> memref<128xi32, #tpu.memory_space<vmem>>
    %dma_wait3A_375 = arith.constant 0 : i32
    %dma_wait3A_376 = tpu.memref_slice %arg4[%dma_wait3A_375] : memref<15728640xf32, #tpu.memory_space<hbm>> -> memref<15728640xf32, #tpu.memory_space<hbm>>
    tpu.wait_indirect_dma semaphore(%arg11 : memref<!tpu.dma_semaphore, #tpu.memory_space<semaphore_mem>>) src(%dma_wait3A_376 : memref<15728640xf32, #tpu.memory_space<hbm>>) dst(%dma_wait3A_372 : memref<128xf32, #tpu.memory_space<vmem>>)
    %dma_wait3A_377 = arith.constant 22400 : i32
    %dma_wait3A_378 = tpu.memref_slice %arg8[%dma_wait3A_377] : memref<24576xf32, #tpu.memory_space<vmem>> -> memref<128xf32, #tpu.memory_space<vmem>>
    %dma_wait3A_379 = arith.constant 22400 : i32
    %dma_wait3A_380 = tpu.memref_slice %arg7[%dma_wait3A_379] : memref<24576xi32, #tpu.memory_space<vmem>> -> memref<128xi32, #tpu.memory_space<vmem>>
    %dma_wait3A_381 = arith.constant 0 : i32
    %dma_wait3A_382 = tpu.memref_slice %arg3[%dma_wait3A_381] : memref<15728640xf32, #tpu.memory_space<hbm>> -> memref<15728640xf32, #tpu.memory_space<hbm>>
    tpu.wait_indirect_dma semaphore(%arg10 : memref<!tpu.dma_semaphore, #tpu.memory_space<semaphore_mem>>) src(%dma_wait3A_382 : memref<15728640xf32, #tpu.memory_space<hbm>>) dst(%dma_wait3A_378 : memref<128xf32, #tpu.memory_space<vmem>>)
    %dma_wait3A_383 = arith.constant 22400 : i32
    %dma_wait3A_384 = tpu.memref_slice %arg9[%dma_wait3A_383] : memref<24576xf32, #tpu.memory_space<vmem>> -> memref<128xf32, #tpu.memory_space<vmem>>
    %dma_wait3A_385 = arith.constant 22400 : i32
    %dma_wait3A_386 = tpu.memref_slice %arg7[%dma_wait3A_385] : memref<24576xi32, #tpu.memory_space<vmem>> -> memref<128xi32, #tpu.memory_space<vmem>>
    %dma_wait3A_387 = arith.constant 0 : i32
    %dma_wait3A_388 = tpu.memref_slice %arg4[%dma_wait3A_387] : memref<15728640xf32, #tpu.memory_space<hbm>> -> memref<15728640xf32, #tpu.memory_space<hbm>>
    tpu.wait_indirect_dma semaphore(%arg11 : memref<!tpu.dma_semaphore, #tpu.memory_space<semaphore_mem>>) src(%dma_wait3A_388 : memref<15728640xf32, #tpu.memory_space<hbm>>) dst(%dma_wait3A_384 : memref<128xf32, #tpu.memory_space<vmem>>)
    %dma_wait3A_389 = arith.constant 22528 : i32
    %dma_wait3A_390 = tpu.memref_slice %arg8[%dma_wait3A_389] : memref<24576xf32, #tpu.memory_space<vmem>> -> memref<128xf32, #tpu.memory_space<vmem>>
    %dma_wait3A_391 = arith.constant 22528 : i32
    %dma_wait3A_392 = tpu.memref_slice %arg7[%dma_wait3A_391] : memref<24576xi32, #tpu.memory_space<vmem>> -> memref<128xi32, #tpu.memory_space<vmem>>
    %dma_wait3A_393 = arith.constant 0 : i32
    %dma_wait3A_394 = tpu.memref_slice %arg3[%dma_wait3A_393] : memref<15728640xf32, #tpu.memory_space<hbm>> -> memref<15728640xf32, #tpu.memory_space<hbm>>
    tpu.wait_indirect_dma semaphore(%arg10 : memref<!tpu.dma_semaphore, #tpu.memory_space<semaphore_mem>>) src(%dma_wait3A_394 : memref<15728640xf32, #tpu.memory_space<hbm>>) dst(%dma_wait3A_390 : memref<128xf32, #tpu.memory_space<vmem>>)
    %dma_wait3A_395 = arith.constant 22528 : i32
    %dma_wait3A_396 = tpu.memref_slice %arg9[%dma_wait3A_395] : memref<24576xf32, #tpu.memory_space<vmem>> -> memref<128xf32, #tpu.memory_space<vmem>>
    %dma_wait3A_397 = arith.constant 22528 : i32
    %dma_wait3A_398 = tpu.memref_slice %arg7[%dma_wait3A_397] : memref<24576xi32, #tpu.memory_space<vmem>> -> memref<128xi32, #tpu.memory_space<vmem>>
    %dma_wait3A_399 = arith.constant 0 : i32
    %dma_wait3A_400 = tpu.memref_slice %arg4[%dma_wait3A_399] : memref<15728640xf32, #tpu.memory_space<hbm>> -> memref<15728640xf32, #tpu.memory_space<hbm>>
    tpu.wait_indirect_dma semaphore(%arg11 : memref<!tpu.dma_semaphore, #tpu.memory_space<semaphore_mem>>) src(%dma_wait3A_400 : memref<15728640xf32, #tpu.memory_space<hbm>>) dst(%dma_wait3A_396 : memref<128xf32, #tpu.memory_space<vmem>>)
    %dma_wait3A_401 = arith.constant 22656 : i32
    %dma_wait3A_402 = tpu.memref_slice %arg8[%dma_wait3A_401] : memref<24576xf32, #tpu.memory_space<vmem>> -> memref<128xf32, #tpu.memory_space<vmem>>
    %dma_wait3A_403 = arith.constant 22656 : i32
    %dma_wait3A_404 = tpu.memref_slice %arg7[%dma_wait3A_403] : memref<24576xi32, #tpu.memory_space<vmem>> -> memref<128xi32, #tpu.memory_space<vmem>>
    %dma_wait3A_405 = arith.constant 0 : i32
    %dma_wait3A_406 = tpu.memref_slice %arg3[%dma_wait3A_405] : memref<15728640xf32, #tpu.memory_space<hbm>> -> memref<15728640xf32, #tpu.memory_space<hbm>>
    tpu.wait_indirect_dma semaphore(%arg10 : memref<!tpu.dma_semaphore, #tpu.memory_space<semaphore_mem>>) src(%dma_wait3A_406 : memref<15728640xf32, #tpu.memory_space<hbm>>) dst(%dma_wait3A_402 : memref<128xf32, #tpu.memory_space<vmem>>)
    %dma_wait3A_407 = arith.constant 22656 : i32
    %dma_wait3A_408 = tpu.memref_slice %arg9[%dma_wait3A_407] : memref<24576xf32, #tpu.memory_space<vmem>> -> memref<128xf32, #tpu.memory_space<vmem>>
    %dma_wait3A_409 = arith.constant 22656 : i32
    %dma_wait3A_410 = tpu.memref_slice %arg7[%dma_wait3A_409] : memref<24576xi32, #tpu.memory_space<vmem>> -> memref<128xi32, #tpu.memory_space<vmem>>
    %dma_wait3A_411 = arith.constant 0 : i32
    %dma_wait3A_412 = tpu.memref_slice %arg4[%dma_wait3A_411] : memref<15728640xf32, #tpu.memory_space<hbm>> -> memref<15728640xf32, #tpu.memory_space<hbm>>
    tpu.wait_indirect_dma semaphore(%arg11 : memref<!tpu.dma_semaphore, #tpu.memory_space<semaphore_mem>>) src(%dma_wait3A_412 : memref<15728640xf32, #tpu.memory_space<hbm>>) dst(%dma_wait3A_408 : memref<128xf32, #tpu.memory_space<vmem>>)
    %dma_wait3A_413 = arith.constant 22784 : i32
    %dma_wait3A_414 = tpu.memref_slice %arg8[%dma_wait3A_413] : memref<24576xf32, #tpu.memory_space<vmem>> -> memref<128xf32, #tpu.memory_space<vmem>>
    %dma_wait3A_415 = arith.constant 22784 : i32
    %dma_wait3A_416 = tpu.memref_slice %arg7[%dma_wait3A_415] : memref<24576xi32, #tpu.memory_space<vmem>> -> memref<128xi32, #tpu.memory_space<vmem>>
    %dma_wait3A_417 = arith.constant 0 : i32
    %dma_wait3A_418 = tpu.memref_slice %arg3[%dma_wait3A_417] : memref<15728640xf32, #tpu.memory_space<hbm>> -> memref<15728640xf32, #tpu.memory_space<hbm>>
    tpu.wait_indirect_dma semaphore(%arg10 : memref<!tpu.dma_semaphore, #tpu.memory_space<semaphore_mem>>) src(%dma_wait3A_418 : memref<15728640xf32, #tpu.memory_space<hbm>>) dst(%dma_wait3A_414 : memref<128xf32, #tpu.memory_space<vmem>>)
    %dma_wait3A_419 = arith.constant 22784 : i32
    %dma_wait3A_420 = tpu.memref_slice %arg9[%dma_wait3A_419] : memref<24576xf32, #tpu.memory_space<vmem>> -> memref<128xf32, #tpu.memory_space<vmem>>
    %dma_wait3A_421 = arith.constant 22784 : i32
    %dma_wait3A_422 = tpu.memref_slice %arg7[%dma_wait3A_421] : memref<24576xi32, #tpu.memory_space<vmem>> -> memref<128xi32, #tpu.memory_space<vmem>>
    %dma_wait3A_423 = arith.constant 0 : i32
    %dma_wait3A_424 = tpu.memref_slice %arg4[%dma_wait3A_423] : memref<15728640xf32, #tpu.memory_space<hbm>> -> memref<15728640xf32, #tpu.memory_space<hbm>>
    tpu.wait_indirect_dma semaphore(%arg11 : memref<!tpu.dma_semaphore, #tpu.memory_space<semaphore_mem>>) src(%dma_wait3A_424 : memref<15728640xf32, #tpu.memory_space<hbm>>) dst(%dma_wait3A_420 : memref<128xf32, #tpu.memory_space<vmem>>)
    %dma_wait3A_425 = arith.constant 22912 : i32
    %dma_wait3A_426 = tpu.memref_slice %arg8[%dma_wait3A_425] : memref<24576xf32, #tpu.memory_space<vmem>> -> memref<128xf32, #tpu.memory_space<vmem>>
    %dma_wait3A_427 = arith.constant 22912 : i32
    %dma_wait3A_428 = tpu.memref_slice %arg7[%dma_wait3A_427] : memref<24576xi32, #tpu.memory_space<vmem>> -> memref<128xi32, #tpu.memory_space<vmem>>
    %dma_wait3A_429 = arith.constant 0 : i32
    %dma_wait3A_430 = tpu.memref_slice %arg3[%dma_wait3A_429] : memref<15728640xf32, #tpu.memory_space<hbm>> -> memref<15728640xf32, #tpu.memory_space<hbm>>
    tpu.wait_indirect_dma semaphore(%arg10 : memref<!tpu.dma_semaphore, #tpu.memory_space<semaphore_mem>>) src(%dma_wait3A_430 : memref<15728640xf32, #tpu.memory_space<hbm>>) dst(%dma_wait3A_426 : memref<128xf32, #tpu.memory_space<vmem>>)
    %dma_wait3A_431 = arith.constant 22912 : i32
    %dma_wait3A_432 = tpu.memref_slice %arg9[%dma_wait3A_431] : memref<24576xf32, #tpu.memory_space<vmem>> -> memref<128xf32, #tpu.memory_space<vmem>>
    %dma_wait3A_433 = arith.constant 22912 : i32
    %dma_wait3A_434 = tpu.memref_slice %arg7[%dma_wait3A_433] : memref<24576xi32, #tpu.memory_space<vmem>> -> memref<128xi32, #tpu.memory_space<vmem>>
    %dma_wait3A_435 = arith.constant 0 : i32
    %dma_wait3A_436 = tpu.memref_slice %arg4[%dma_wait3A_435] : memref<15728640xf32, #tpu.memory_space<hbm>> -> memref<15728640xf32, #tpu.memory_space<hbm>>
    tpu.wait_indirect_dma semaphore(%arg11 : memref<!tpu.dma_semaphore, #tpu.memory_space<semaphore_mem>>) src(%dma_wait3A_436 : memref<15728640xf32, #tpu.memory_space<hbm>>) dst(%dma_wait3A_432 : memref<128xf32, #tpu.memory_space<vmem>>)
    %dma_wait3A_437 = arith.constant 23040 : i32
    %dma_wait3A_438 = tpu.memref_slice %arg8[%dma_wait3A_437] : memref<24576xf32, #tpu.memory_space<vmem>> -> memref<128xf32, #tpu.memory_space<vmem>>
    %dma_wait3A_439 = arith.constant 23040 : i32
    %dma_wait3A_440 = tpu.memref_slice %arg7[%dma_wait3A_439] : memref<24576xi32, #tpu.memory_space<vmem>> -> memref<128xi32, #tpu.memory_space<vmem>>
    %dma_wait3A_441 = arith.constant 0 : i32
    %dma_wait3A_442 = tpu.memref_slice %arg3[%dma_wait3A_441] : memref<15728640xf32, #tpu.memory_space<hbm>> -> memref<15728640xf32, #tpu.memory_space<hbm>>
    tpu.wait_indirect_dma semaphore(%arg10 : memref<!tpu.dma_semaphore, #tpu.memory_space<semaphore_mem>>) src(%dma_wait3A_442 : memref<15728640xf32, #tpu.memory_space<hbm>>) dst(%dma_wait3A_438 : memref<128xf32, #tpu.memory_space<vmem>>)
    %dma_wait3A_443 = arith.constant 23040 : i32
    %dma_wait3A_444 = tpu.memref_slice %arg9[%dma_wait3A_443] : memref<24576xf32, #tpu.memory_space<vmem>> -> memref<128xf32, #tpu.memory_space<vmem>>
    %dma_wait3A_445 = arith.constant 23040 : i32
    %dma_wait3A_446 = tpu.memref_slice %arg7[%dma_wait3A_445] : memref<24576xi32, #tpu.memory_space<vmem>> -> memref<128xi32, #tpu.memory_space<vmem>>
    %dma_wait3A_447 = arith.constant 0 : i32
    %dma_wait3A_448 = tpu.memref_slice %arg4[%dma_wait3A_447] : memref<15728640xf32, #tpu.memory_space<hbm>> -> memref<15728640xf32, #tpu.memory_space<hbm>>
    tpu.wait_indirect_dma semaphore(%arg11 : memref<!tpu.dma_semaphore, #tpu.memory_space<semaphore_mem>>) src(%dma_wait3A_448 : memref<15728640xf32, #tpu.memory_space<hbm>>) dst(%dma_wait3A_444 : memref<128xf32, #tpu.memory_space<vmem>>)
    %dma_wait3A_449 = arith.constant 23168 : i32
    %dma_wait3A_450 = tpu.memref_slice %arg8[%dma_wait3A_449] : memref<24576xf32, #tpu.memory_space<vmem>> -> memref<128xf32, #tpu.memory_space<vmem>>
    %dma_wait3A_451 = arith.constant 23168 : i32
    %dma_wait3A_452 = tpu.memref_slice %arg7[%dma_wait3A_451] : memref<24576xi32, #tpu.memory_space<vmem>> -> memref<128xi32, #tpu.memory_space<vmem>>
    %dma_wait3A_453 = arith.constant 0 : i32
    %dma_wait3A_454 = tpu.memref_slice %arg3[%dma_wait3A_453] : memref<15728640xf32, #tpu.memory_space<hbm>> -> memref<15728640xf32, #tpu.memory_space<hbm>>
    tpu.wait_indirect_dma semaphore(%arg10 : memref<!tpu.dma_semaphore, #tpu.memory_space<semaphore_mem>>) src(%dma_wait3A_454 : memref<15728640xf32, #tpu.memory_space<hbm>>) dst(%dma_wait3A_450 : memref<128xf32, #tpu.memory_space<vmem>>)
    %dma_wait3A_455 = arith.constant 23168 : i32
    %dma_wait3A_456 = tpu.memref_slice %arg9[%dma_wait3A_455] : memref<24576xf32, #tpu.memory_space<vmem>> -> memref<128xf32, #tpu.memory_space<vmem>>
    %dma_wait3A_457 = arith.constant 23168 : i32
    %dma_wait3A_458 = tpu.memref_slice %arg7[%dma_wait3A_457] : memref<24576xi32, #tpu.memory_space<vmem>> -> memref<128xi32, #tpu.memory_space<vmem>>
    %dma_wait3A_459 = arith.constant 0 : i32
    %dma_wait3A_460 = tpu.memref_slice %arg4[%dma_wait3A_459] : memref<15728640xf32, #tpu.memory_space<hbm>> -> memref<15728640xf32, #tpu.memory_space<hbm>>
    tpu.wait_indirect_dma semaphore(%arg11 : memref<!tpu.dma_semaphore, #tpu.memory_space<semaphore_mem>>) src(%dma_wait3A_460 : memref<15728640xf32, #tpu.memory_space<hbm>>) dst(%dma_wait3A_456 : memref<128xf32, #tpu.memory_space<vmem>>)
    %dma_wait3A_461 = arith.constant 23296 : i32
    %dma_wait3A_462 = tpu.memref_slice %arg8[%dma_wait3A_461] : memref<24576xf32, #tpu.memory_space<vmem>> -> memref<128xf32, #tpu.memory_space<vmem>>
    %dma_wait3A_463 = arith.constant 23296 : i32
    %dma_wait3A_464 = tpu.memref_slice %arg7[%dma_wait3A_463] : memref<24576xi32, #tpu.memory_space<vmem>> -> memref<128xi32, #tpu.memory_space<vmem>>
    %dma_wait3A_465 = arith.constant 0 : i32
    %dma_wait3A_466 = tpu.memref_slice %arg3[%dma_wait3A_465] : memref<15728640xf32, #tpu.memory_space<hbm>> -> memref<15728640xf32, #tpu.memory_space<hbm>>
    tpu.wait_indirect_dma semaphore(%arg10 : memref<!tpu.dma_semaphore, #tpu.memory_space<semaphore_mem>>) src(%dma_wait3A_466 : memref<15728640xf32, #tpu.memory_space<hbm>>) dst(%dma_wait3A_462 : memref<128xf32, #tpu.memory_space<vmem>>)
    %dma_wait3A_467 = arith.constant 23296 : i32
    %dma_wait3A_468 = tpu.memref_slice %arg9[%dma_wait3A_467] : memref<24576xf32, #tpu.memory_space<vmem>> -> memref<128xf32, #tpu.memory_space<vmem>>
    %dma_wait3A_469 = arith.constant 23296 : i32
    %dma_wait3A_470 = tpu.memref_slice %arg7[%dma_wait3A_469] : memref<24576xi32, #tpu.memory_space<vmem>> -> memref<128xi32, #tpu.memory_space<vmem>>
    %dma_wait3A_471 = arith.constant 0 : i32
    %dma_wait3A_472 = tpu.memref_slice %arg4[%dma_wait3A_471] : memref<15728640xf32, #tpu.memory_space<hbm>> -> memref<15728640xf32, #tpu.memory_space<hbm>>
    tpu.wait_indirect_dma semaphore(%arg11 : memref<!tpu.dma_semaphore, #tpu.memory_space<semaphore_mem>>) src(%dma_wait3A_472 : memref<15728640xf32, #tpu.memory_space<hbm>>) dst(%dma_wait3A_468 : memref<128xf32, #tpu.memory_space<vmem>>)
    %dma_wait3A_473 = arith.constant 23424 : i32
    %dma_wait3A_474 = tpu.memref_slice %arg8[%dma_wait3A_473] : memref<24576xf32, #tpu.memory_space<vmem>> -> memref<128xf32, #tpu.memory_space<vmem>>
    %dma_wait3A_475 = arith.constant 23424 : i32
    %dma_wait3A_476 = tpu.memref_slice %arg7[%dma_wait3A_475] : memref<24576xi32, #tpu.memory_space<vmem>> -> memref<128xi32, #tpu.memory_space<vmem>>
    %dma_wait3A_477 = arith.constant 0 : i32
    %dma_wait3A_478 = tpu.memref_slice %arg3[%dma_wait3A_477] : memref<15728640xf32, #tpu.memory_space<hbm>> -> memref<15728640xf32, #tpu.memory_space<hbm>>
    tpu.wait_indirect_dma semaphore(%arg10 : memref<!tpu.dma_semaphore, #tpu.memory_space<semaphore_mem>>) src(%dma_wait3A_478 : memref<15728640xf32, #tpu.memory_space<hbm>>) dst(%dma_wait3A_474 : memref<128xf32, #tpu.memory_space<vmem>>)
    %dma_wait3A_479 = arith.constant 23424 : i32
    %dma_wait3A_480 = tpu.memref_slice %arg9[%dma_wait3A_479] : memref<24576xf32, #tpu.memory_space<vmem>> -> memref<128xf32, #tpu.memory_space<vmem>>
    %dma_wait3A_481 = arith.constant 23424 : i32
    %dma_wait3A_482 = tpu.memref_slice %arg7[%dma_wait3A_481] : memref<24576xi32, #tpu.memory_space<vmem>> -> memref<128xi32, #tpu.memory_space<vmem>>
    %dma_wait3A_483 = arith.constant 0 : i32
    %dma_wait3A_484 = tpu.memref_slice %arg4[%dma_wait3A_483] : memref<15728640xf32, #tpu.memory_space<hbm>> -> memref<15728640xf32, #tpu.memory_space<hbm>>
    tpu.wait_indirect_dma semaphore(%arg11 : memref<!tpu.dma_semaphore, #tpu.memory_space<semaphore_mem>>) src(%dma_wait3A_484 : memref<15728640xf32, #tpu.memory_space<hbm>>) dst(%dma_wait3A_480 : memref<128xf32, #tpu.memory_space<vmem>>)
    %dma_wait3A_485 = arith.constant 23552 : i32
    %dma_wait3A_486 = tpu.memref_slice %arg8[%dma_wait3A_485] : memref<24576xf32, #tpu.memory_space<vmem>> -> memref<128xf32, #tpu.memory_space<vmem>>
    %dma_wait3A_487 = arith.constant 23552 : i32
    %dma_wait3A_488 = tpu.memref_slice %arg7[%dma_wait3A_487] : memref<24576xi32, #tpu.memory_space<vmem>> -> memref<128xi32, #tpu.memory_space<vmem>>
    %dma_wait3A_489 = arith.constant 0 : i32
    %dma_wait3A_490 = tpu.memref_slice %arg3[%dma_wait3A_489] : memref<15728640xf32, #tpu.memory_space<hbm>> -> memref<15728640xf32, #tpu.memory_space<hbm>>
    tpu.wait_indirect_dma semaphore(%arg10 : memref<!tpu.dma_semaphore, #tpu.memory_space<semaphore_mem>>) src(%dma_wait3A_490 : memref<15728640xf32, #tpu.memory_space<hbm>>) dst(%dma_wait3A_486 : memref<128xf32, #tpu.memory_space<vmem>>)
    %dma_wait3A_491 = arith.constant 23552 : i32
    %dma_wait3A_492 = tpu.memref_slice %arg9[%dma_wait3A_491] : memref<24576xf32, #tpu.memory_space<vmem>> -> memref<128xf32, #tpu.memory_space<vmem>>
    %dma_wait3A_493 = arith.constant 23552 : i32
    %dma_wait3A_494 = tpu.memref_slice %arg7[%dma_wait3A_493] : memref<24576xi32, #tpu.memory_space<vmem>> -> memref<128xi32, #tpu.memory_space<vmem>>
    %dma_wait3A_495 = arith.constant 0 : i32
    %dma_wait3A_496 = tpu.memref_slice %arg4[%dma_wait3A_495] : memref<15728640xf32, #tpu.memory_space<hbm>> -> memref<15728640xf32, #tpu.memory_space<hbm>>
    tpu.wait_indirect_dma semaphore(%arg11 : memref<!tpu.dma_semaphore, #tpu.memory_space<semaphore_mem>>) src(%dma_wait3A_496 : memref<15728640xf32, #tpu.memory_space<hbm>>) dst(%dma_wait3A_492 : memref<128xf32, #tpu.memory_space<vmem>>)
    %dma_wait3A_497 = arith.constant 23680 : i32
    %dma_wait3A_498 = tpu.memref_slice %arg8[%dma_wait3A_497] : memref<24576xf32, #tpu.memory_space<vmem>> -> memref<128xf32, #tpu.memory_space<vmem>>
    %dma_wait3A_499 = arith.constant 23680 : i32
    %dma_wait3A_500 = tpu.memref_slice %arg7[%dma_wait3A_499] : memref<24576xi32, #tpu.memory_space<vmem>> -> memref<128xi32, #tpu.memory_space<vmem>>
    %dma_wait3A_501 = arith.constant 0 : i32
    %dma_wait3A_502 = tpu.memref_slice %arg3[%dma_wait3A_501] : memref<15728640xf32, #tpu.memory_space<hbm>> -> memref<15728640xf32, #tpu.memory_space<hbm>>
    tpu.wait_indirect_dma semaphore(%arg10 : memref<!tpu.dma_semaphore, #tpu.memory_space<semaphore_mem>>) src(%dma_wait3A_502 : memref<15728640xf32, #tpu.memory_space<hbm>>) dst(%dma_wait3A_498 : memref<128xf32, #tpu.memory_space<vmem>>)
    %dma_wait3A_503 = arith.constant 23680 : i32
    %dma_wait3A_504 = tpu.memref_slice %arg9[%dma_wait3A_503] : memref<24576xf32, #tpu.memory_space<vmem>> -> memref<128xf32, #tpu.memory_space<vmem>>
    %dma_wait3A_505 = arith.constant 23680 : i32
    %dma_wait3A_506 = tpu.memref_slice %arg7[%dma_wait3A_505] : memref<24576xi32, #tpu.memory_space<vmem>> -> memref<128xi32, #tpu.memory_space<vmem>>
    %dma_wait3A_507 = arith.constant 0 : i32
    %dma_wait3A_508 = tpu.memref_slice %arg4[%dma_wait3A_507] : memref<15728640xf32, #tpu.memory_space<hbm>> -> memref<15728640xf32, #tpu.memory_space<hbm>>
    tpu.wait_indirect_dma semaphore(%arg11 : memref<!tpu.dma_semaphore, #tpu.memory_space<semaphore_mem>>) src(%dma_wait3A_508 : memref<15728640xf32, #tpu.memory_space<hbm>>) dst(%dma_wait3A_504 : memref<128xf32, #tpu.memory_space<vmem>>)
    %dma_wait3A_509 = arith.constant 23808 : i32
    %dma_wait3A_510 = tpu.memref_slice %arg8[%dma_wait3A_509] : memref<24576xf32, #tpu.memory_space<vmem>> -> memref<128xf32, #tpu.memory_space<vmem>>
    %dma_wait3A_511 = arith.constant 23808 : i32
    %dma_wait3A_512 = tpu.memref_slice %arg7[%dma_wait3A_511] : memref<24576xi32, #tpu.memory_space<vmem>> -> memref<128xi32, #tpu.memory_space<vmem>>
    %dma_wait3A_513 = arith.constant 0 : i32
    %dma_wait3A_514 = tpu.memref_slice %arg3[%dma_wait3A_513] : memref<15728640xf32, #tpu.memory_space<hbm>> -> memref<15728640xf32, #tpu.memory_space<hbm>>
    tpu.wait_indirect_dma semaphore(%arg10 : memref<!tpu.dma_semaphore, #tpu.memory_space<semaphore_mem>>) src(%dma_wait3A_514 : memref<15728640xf32, #tpu.memory_space<hbm>>) dst(%dma_wait3A_510 : memref<128xf32, #tpu.memory_space<vmem>>)
    %dma_wait3A_515 = arith.constant 23808 : i32
    %dma_wait3A_516 = tpu.memref_slice %arg9[%dma_wait3A_515] : memref<24576xf32, #tpu.memory_space<vmem>> -> memref<128xf32, #tpu.memory_space<vmem>>
    %dma_wait3A_517 = arith.constant 23808 : i32
    %dma_wait3A_518 = tpu.memref_slice %arg7[%dma_wait3A_517] : memref<24576xi32, #tpu.memory_space<vmem>> -> memref<128xi32, #tpu.memory_space<vmem>>
    %dma_wait3A_519 = arith.constant 0 : i32
    %dma_wait3A_520 = tpu.memref_slice %arg4[%dma_wait3A_519] : memref<15728640xf32, #tpu.memory_space<hbm>> -> memref<15728640xf32, #tpu.memory_space<hbm>>
    tpu.wait_indirect_dma semaphore(%arg11 : memref<!tpu.dma_semaphore, #tpu.memory_space<semaphore_mem>>) src(%dma_wait3A_520 : memref<15728640xf32, #tpu.memory_space<hbm>>) dst(%dma_wait3A_516 : memref<128xf32, #tpu.memory_space<vmem>>)
    %dma_wait3A_521 = arith.constant 23936 : i32
    %dma_wait3A_522 = tpu.memref_slice %arg8[%dma_wait3A_521] : memref<24576xf32, #tpu.memory_space<vmem>> -> memref<128xf32, #tpu.memory_space<vmem>>
    %dma_wait3A_523 = arith.constant 23936 : i32
    %dma_wait3A_524 = tpu.memref_slice %arg7[%dma_wait3A_523] : memref<24576xi32, #tpu.memory_space<vmem>> -> memref<128xi32, #tpu.memory_space<vmem>>
    %dma_wait3A_525 = arith.constant 0 : i32
    %dma_wait3A_526 = tpu.memref_slice %arg3[%dma_wait3A_525] : memref<15728640xf32, #tpu.memory_space<hbm>> -> memref<15728640xf32, #tpu.memory_space<hbm>>
    tpu.wait_indirect_dma semaphore(%arg10 : memref<!tpu.dma_semaphore, #tpu.memory_space<semaphore_mem>>) src(%dma_wait3A_526 : memref<15728640xf32, #tpu.memory_space<hbm>>) dst(%dma_wait3A_522 : memref<128xf32, #tpu.memory_space<vmem>>)
    %dma_wait3A_527 = arith.constant 23936 : i32
    %dma_wait3A_528 = tpu.memref_slice %arg9[%dma_wait3A_527] : memref<24576xf32, #tpu.memory_space<vmem>> -> memref<128xf32, #tpu.memory_space<vmem>>
    %dma_wait3A_529 = arith.constant 23936 : i32
    %dma_wait3A_530 = tpu.memref_slice %arg7[%dma_wait3A_529] : memref<24576xi32, #tpu.memory_space<vmem>> -> memref<128xi32, #tpu.memory_space<vmem>>
    %dma_wait3A_531 = arith.constant 0 : i32
    %dma_wait3A_532 = tpu.memref_slice %arg4[%dma_wait3A_531] : memref<15728640xf32, #tpu.memory_space<hbm>> -> memref<15728640xf32, #tpu.memory_space<hbm>>
    tpu.wait_indirect_dma semaphore(%arg11 : memref<!tpu.dma_semaphore, #tpu.memory_space<semaphore_mem>>) src(%dma_wait3A_532 : memref<15728640xf32, #tpu.memory_space<hbm>>) dst(%dma_wait3A_528 : memref<128xf32, #tpu.memory_space<vmem>>)
    %dma_wait3A_533 = arith.constant 24064 : i32
    %dma_wait3A_534 = tpu.memref_slice %arg8[%dma_wait3A_533] : memref<24576xf32, #tpu.memory_space<vmem>> -> memref<128xf32, #tpu.memory_space<vmem>>
    %dma_wait3A_535 = arith.constant 24064 : i32
    %dma_wait3A_536 = tpu.memref_slice %arg7[%dma_wait3A_535] : memref<24576xi32, #tpu.memory_space<vmem>> -> memref<128xi32, #tpu.memory_space<vmem>>
    %dma_wait3A_537 = arith.constant 0 : i32
    %dma_wait3A_538 = tpu.memref_slice %arg3[%dma_wait3A_537] : memref<15728640xf32, #tpu.memory_space<hbm>> -> memref<15728640xf32, #tpu.memory_space<hbm>>
    tpu.wait_indirect_dma semaphore(%arg10 : memref<!tpu.dma_semaphore, #tpu.memory_space<semaphore_mem>>) src(%dma_wait3A_538 : memref<15728640xf32, #tpu.memory_space<hbm>>) dst(%dma_wait3A_534 : memref<128xf32, #tpu.memory_space<vmem>>)
    %dma_wait3A_539 = arith.constant 24064 : i32
    %dma_wait3A_540 = tpu.memref_slice %arg9[%dma_wait3A_539] : memref<24576xf32, #tpu.memory_space<vmem>> -> memref<128xf32, #tpu.memory_space<vmem>>
    %dma_wait3A_541 = arith.constant 24064 : i32
    %dma_wait3A_542 = tpu.memref_slice %arg7[%dma_wait3A_541] : memref<24576xi32, #tpu.memory_space<vmem>> -> memref<128xi32, #tpu.memory_space<vmem>>
    %dma_wait3A_543 = arith.constant 0 : i32
    %dma_wait3A_544 = tpu.memref_slice %arg4[%dma_wait3A_543] : memref<15728640xf32, #tpu.memory_space<hbm>> -> memref<15728640xf32, #tpu.memory_space<hbm>>
    tpu.wait_indirect_dma semaphore(%arg11 : memref<!tpu.dma_semaphore, #tpu.memory_space<semaphore_mem>>) src(%dma_wait3A_544 : memref<15728640xf32, #tpu.memory_space<hbm>>) dst(%dma_wait3A_540 : memref<128xf32, #tpu.memory_space<vmem>>)
    %dma_wait3A_545 = arith.constant 24192 : i32
    %dma_wait3A_546 = tpu.memref_slice %arg8[%dma_wait3A_545] : memref<24576xf32, #tpu.memory_space<vmem>> -> memref<128xf32, #tpu.memory_space<vmem>>
    %dma_wait3A_547 = arith.constant 24192 : i32
    %dma_wait3A_548 = tpu.memref_slice %arg7[%dma_wait3A_547] : memref<24576xi32, #tpu.memory_space<vmem>> -> memref<128xi32, #tpu.memory_space<vmem>>
    %dma_wait3A_549 = arith.constant 0 : i32
    %dma_wait3A_550 = tpu.memref_slice %arg3[%dma_wait3A_549] : memref<15728640xf32, #tpu.memory_space<hbm>> -> memref<15728640xf32, #tpu.memory_space<hbm>>
    tpu.wait_indirect_dma semaphore(%arg10 : memref<!tpu.dma_semaphore, #tpu.memory_space<semaphore_mem>>) src(%dma_wait3A_550 : memref<15728640xf32, #tpu.memory_space<hbm>>) dst(%dma_wait3A_546 : memref<128xf32, #tpu.memory_space<vmem>>)
    %dma_wait3A_551 = arith.constant 24192 : i32
    %dma_wait3A_552 = tpu.memref_slice %arg9[%dma_wait3A_551] : memref<24576xf32, #tpu.memory_space<vmem>> -> memref<128xf32, #tpu.memory_space<vmem>>
    %dma_wait3A_553 = arith.constant 24192 : i32
    %dma_wait3A_554 = tpu.memref_slice %arg7[%dma_wait3A_553] : memref<24576xi32, #tpu.memory_space<vmem>> -> memref<128xi32, #tpu.memory_space<vmem>>
    %dma_wait3A_555 = arith.constant 0 : i32
    %dma_wait3A_556 = tpu.memref_slice %arg4[%dma_wait3A_555] : memref<15728640xf32, #tpu.memory_space<hbm>> -> memref<15728640xf32, #tpu.memory_space<hbm>>
    tpu.wait_indirect_dma semaphore(%arg11 : memref<!tpu.dma_semaphore, #tpu.memory_space<semaphore_mem>>) src(%dma_wait3A_556 : memref<15728640xf32, #tpu.memory_space<hbm>>) dst(%dma_wait3A_552 : memref<128xf32, #tpu.memory_space<vmem>>)
    %dma_wait3A_557 = arith.constant 24320 : i32
    %dma_wait3A_558 = tpu.memref_slice %arg8[%dma_wait3A_557] : memref<24576xf32, #tpu.memory_space<vmem>> -> memref<128xf32, #tpu.memory_space<vmem>>
    %dma_wait3A_559 = arith.constant 24320 : i32
    %dma_wait3A_560 = tpu.memref_slice %arg7[%dma_wait3A_559] : memref<24576xi32, #tpu.memory_space<vmem>> -> memref<128xi32, #tpu.memory_space<vmem>>
    %dma_wait3A_561 = arith.constant 0 : i32
    %dma_wait3A_562 = tpu.memref_slice %arg3[%dma_wait3A_561] : memref<15728640xf32, #tpu.memory_space<hbm>> -> memref<15728640xf32, #tpu.memory_space<hbm>>
    tpu.wait_indirect_dma semaphore(%arg10 : memref<!tpu.dma_semaphore, #tpu.memory_space<semaphore_mem>>) src(%dma_wait3A_562 : memref<15728640xf32, #tpu.memory_space<hbm>>) dst(%dma_wait3A_558 : memref<128xf32, #tpu.memory_space<vmem>>)
    %dma_wait3A_563 = arith.constant 24320 : i32
    %dma_wait3A_564 = tpu.memref_slice %arg9[%dma_wait3A_563] : memref<24576xf32, #tpu.memory_space<vmem>> -> memref<128xf32, #tpu.memory_space<vmem>>
    %dma_wait3A_565 = arith.constant 24320 : i32
    %dma_wait3A_566 = tpu.memref_slice %arg7[%dma_wait3A_565] : memref<24576xi32, #tpu.memory_space<vmem>> -> memref<128xi32, #tpu.memory_space<vmem>>
    %dma_wait3A_567 = arith.constant 0 : i32
    %dma_wait3A_568 = tpu.memref_slice %arg4[%dma_wait3A_567] : memref<15728640xf32, #tpu.memory_space<hbm>> -> memref<15728640xf32, #tpu.memory_space<hbm>>
    tpu.wait_indirect_dma semaphore(%arg11 : memref<!tpu.dma_semaphore, #tpu.memory_space<semaphore_mem>>) src(%dma_wait3A_568 : memref<15728640xf32, #tpu.memory_space<hbm>>) dst(%dma_wait3A_564 : memref<128xf32, #tpu.memory_space<vmem>>)
    %dma_wait3A_569 = arith.constant 24448 : i32
    %dma_wait3A_570 = tpu.memref_slice %arg8[%dma_wait3A_569] : memref<24576xf32, #tpu.memory_space<vmem>> -> memref<128xf32, #tpu.memory_space<vmem>>
    %dma_wait3A_571 = arith.constant 24448 : i32
    %dma_wait3A_572 = tpu.memref_slice %arg7[%dma_wait3A_571] : memref<24576xi32, #tpu.memory_space<vmem>> -> memref<128xi32, #tpu.memory_space<vmem>>
    %dma_wait3A_573 = arith.constant 0 : i32
    %dma_wait3A_574 = tpu.memref_slice %arg3[%dma_wait3A_573] : memref<15728640xf32, #tpu.memory_space<hbm>> -> memref<15728640xf32, #tpu.memory_space<hbm>>
    tpu.wait_indirect_dma semaphore(%arg10 : memref<!tpu.dma_semaphore, #tpu.memory_space<semaphore_mem>>) src(%dma_wait3A_574 : memref<15728640xf32, #tpu.memory_space<hbm>>) dst(%dma_wait3A_570 : memref<128xf32, #tpu.memory_space<vmem>>)
    %dma_wait3A_575 = arith.constant 24448 : i32
    %dma_wait3A_576 = tpu.memref_slice %arg9[%dma_wait3A_575] : memref<24576xf32, #tpu.memory_space<vmem>> -> memref<128xf32, #tpu.memory_space<vmem>>
    %dma_wait3A_577 = arith.constant 24448 : i32
    %dma_wait3A_578 = tpu.memref_slice %arg7[%dma_wait3A_577] : memref<24576xi32, #tpu.memory_space<vmem>> -> memref<128xi32, #tpu.memory_space<vmem>>
    %dma_wait3A_579 = arith.constant 0 : i32
    %dma_wait3A_580 = tpu.memref_slice %arg4[%dma_wait3A_579] : memref<15728640xf32, #tpu.memory_space<hbm>> -> memref<15728640xf32, #tpu.memory_space<hbm>>
    tpu.wait_indirect_dma semaphore(%arg11 : memref<!tpu.dma_semaphore, #tpu.memory_space<semaphore_mem>>) src(%dma_wait3A_580 : memref<15728640xf32, #tpu.memory_space<hbm>>) dst(%dma_wait3A_576 : memref<128xf32, #tpu.memory_space<vmem>>)
    "tpu.region"() ({
      %run_scoped3A = tpu.sem_alloc : memref<!tpu.dma_semaphore, #tpu.memory_space<semaphore_mem>>
      %dma_start3A_581 = tpu.memref_slice %arg5[%mul3A_2] : memref<786432xf32, #tpu.memory_space<hbm>> -> memref<24576xf32, #tpu.memory_space<hbm>>
      %dma_start3A_582 = tpu.memref_slice %arg5[%mul3A_2] : memref<786432xf32, #tpu.memory_space<hbm>> -> memref<24576xf32, #tpu.memory_space<hbm>>
      tpu.enqueue_dma source(%arg8 : memref<24576xf32, #tpu.memory_space<vmem>>) target(%dma_start3A_582 : memref<24576xf32, #tpu.memory_space<hbm>>) target_semaphore(%run_scoped3A : memref<!tpu.dma_semaphore, #tpu.memory_space<semaphore_mem>>)
      %dma_wait3A_583 = tpu.memref_slice %arg5[%mul3A_2] : memref<786432xf32, #tpu.memory_space<hbm>> -> memref<24576xf32, #tpu.memory_space<hbm>>
      %dma_wait3A_584 = tpu.memref_slice %arg5[%mul3A_2] : memref<786432xf32, #tpu.memory_space<hbm>> -> memref<24576xf32, #tpu.memory_space<hbm>>
      tpu.wait_dma2 semaphore(%run_scoped3A : memref<!tpu.dma_semaphore, #tpu.memory_space<semaphore_mem>>) src(%arg8 : memref<24576xf32, #tpu.memory_space<vmem>>) dst(%dma_wait3A_584 : memref<24576xf32, #tpu.memory_space<hbm>>)
      tpu.yield
    }) : () -> ()
    "tpu.region"() ({
      %run_scoped3A = tpu.sem_alloc : memref<!tpu.dma_semaphore, #tpu.memory_space<semaphore_mem>>
      %dma_start3A_581 = tpu.memref_slice %arg6[%mul3A_2] : memref<786432xf32, #tpu.memory_space<hbm>> -> memref<24576xf32, #tpu.memory_space<hbm>>
      %dma_start3A_582 = tpu.memref_slice %arg6[%mul3A_2] : memref<786432xf32, #tpu.memory_space<hbm>> -> memref<24576xf32, #tpu.memory_space<hbm>>
      tpu.enqueue_dma source(%arg9 : memref<24576xf32, #tpu.memory_space<vmem>>) target(%dma_start3A_582 : memref<24576xf32, #tpu.memory_space<hbm>>) target_semaphore(%run_scoped3A : memref<!tpu.dma_semaphore, #tpu.memory_space<semaphore_mem>>)
      %dma_wait3A_583 = tpu.memref_slice %arg6[%mul3A_2] : memref<786432xf32, #tpu.memory_space<hbm>> -> memref<24576xf32, #tpu.memory_space<hbm>>
      %dma_wait3A_584 = tpu.memref_slice %arg6[%mul3A_2] : memref<786432xf32, #tpu.memory_space<hbm>> -> memref<24576xf32, #tpu.memory_space<hbm>>
      tpu.wait_dma2 semaphore(%run_scoped3A : memref<!tpu.dma_semaphore, #tpu.memory_space<semaphore_mem>>) src(%arg9 : memref<24576xf32, #tpu.memory_space<vmem>>) dst(%dma_wait3A_584 : memref<24576xf32, #tpu.memory_space<hbm>>)
      tpu.yield
    }) : () -> ()
    return
  }
}

module attributes {stable_mosaic.version = 14 : i64} {
  func.func @_tc_main_body(%arg0: i32, %arg1: memref<8x128x128xf32, #tpu.memory_space<vmem>>, %arg2: memref<1x1x16x20xf32, #tpu.memory_space<vmem>>, %arg3: memref<8x24x128xi32, #tpu.memory_space<vmem>>, %arg4: memref<8x24x128xf32, #tpu.memory_space<vmem>>, %arg5: memref<8x1x128xi32, #tpu.memory_space<vmem>>) attributes {dimension_semantics = [#tpu.dimension_semantics<arbitrary>], iteration_bounds = array<i64: 32>, scalar_prefetch = 0 : i64, scratch_operands = 0 : i64, tpu.core_type = #tpu.core_type<tc>, window_params = [{transform_indices = @transform_0, window_bounds = array<i64: 8, 128, 128>}, {pipeline_mode = #tpu.pipeline_mode<synchronous>, transform_indices = @transform_1, window_bounds = array<i64: 1, 1, 16, 20>}, {transform_indices = @transform_2, window_bounds = array<i64: 8, 24, 128>}, {transform_indices = @transform_3, window_bounds = array<i64: 8, 24, 128>}, {transform_indices = @transform_4, window_bounds = array<i64: 8, 1, 128>}]} {
    %get3A = arith.constant 0 : index
    %get3A_0 = arith.constant 0 : index
    %get3A_1 = arith.constant 0 : index
    %get3A_2 = arith.constant 0 : index
    %get3A_3 = vector.load %arg2[%get3A, %get3A_0, %get3A_1, %get3A_2] : memref<1x1x16x20xf32, #tpu.memory_space<vmem>>, vector<1x1x16x20xf32>
    %get3A_4 = vector.shape_cast %get3A_3 : vector<1x1x16x20xf32> to vector<16x20xf32>
    %mul3A = arith.mulf %get3A_4, %get3A_4 : vector<16x20xf32>
    %reduce_sum3A = arith.constant dense<0.000000e+00> : vector<20xf32>
    %reduce_sum3A_5 = vector.multi_reduction <add>, %mul3A, %reduce_sum3A [0] : vector<16x20xf32> to vector<20xf32>
    %iota3A = tpu.iota {dimensions = array<i32: 0>} : vector<24x128xi32>
    %iota3A_6 = tpu.iota {dimensions = array<i32: 1>} : vector<24x128xi32>
    %jit3A = arith.constant 8 : i32
    %eq3A = arith.constant 0 : i32
    %eq3A_7 = arith.cmpi eq, %jit3A, %eq3A : i32
    %jit3A_8 = arith.constant 1 : i32
    %select_n3A = arith.select %eq3A_7, %jit3A_8, %jit3A : i32
    %rem3A = vector.broadcast %select_n3A : i32 to vector<24x128xi32>
    %rem3A_9 = arith.remsi %iota3A, %rem3A : vector<24x128xi32>
    %ne3A = arith.constant 0 : i32
    %ne3A_10 = vector.broadcast %ne3A : i32 to vector<24x128xi32>
    %ne3A_11 = arith.cmpi ne, %rem3A_9, %ne3A_10 : vector<24x128xi32>
    %lt3A = arith.constant 0 : i32
    %lt3A_12 = vector.broadcast %lt3A : i32 to vector<24x128xi32>
    %lt3A_13 = arith.cmpi slt, %rem3A_9, %lt3A_12 : vector<24x128xi32>
    %lt3A_14 = arith.constant 0 : i32
    %lt3A_15 = arith.cmpi slt, %select_n3A, %lt3A_14 : i32
    %ne3A_16 = vector.broadcast %lt3A_15 : i1 to vector<24x128xi1>
    %ne3A_17 = vector.broadcast %ne3A_16 : vector<24x128xi1> to vector<24x128xi1>
    %ne3A_18 = arith.xori %lt3A_13, %ne3A_17 : vector<24x128xi1>
    %and3A = arith.andi %ne3A_18, %ne3A_11 : vector<24x128xi1>
    %add3A = vector.broadcast %select_n3A : i32 to vector<24x128xi32>
    %add3A_19 = arith.addi %rem3A_9, %add3A : vector<24x128xi32>
    %select_n3A_20 = arith.select %and3A, %add3A_19, %rem3A_9 : vector<24x128xi1>, vector<24x128xi32>
    %mul3A_21 = arith.constant 16 : i32
    %mul3A_22 = vector.broadcast %mul3A_21 : i32 to vector<24x128xi32>
    %mul3A_23 = arith.muli %select_n3A_20, %mul3A_22 : vector<24x128xi32>
    %add3A_24 = arith.constant 3 : i32
    %add3A_25 = vector.broadcast %add3A_24 : i32 to vector<24x128xi32>
    %add3A_26 = arith.addi %mul3A_23, %add3A_25 : vector<24x128xi32>
    %jit3A_27 = arith.constant 8 : i32
    %div3A = vector.broadcast %jit3A_27 : i32 to vector<24x128xi32>
    %div3A_28 = arith.divsi %iota3A, %div3A : vector<24x128xi32>
    %sign3A = arith.constant 0 : i32
    %sign3A_29 = vector.broadcast %sign3A : i32 to vector<24x128xi32>
    %sign3A_30 = arith.cmpi sgt, %iota3A, %sign3A_29 : vector<24x128xi32>
    %sign3A_31 = arith.extui %sign3A_30 : vector<24x128xi1> to vector<24x128xi32>
    %sign3A_32 = arith.constant 0 : i32
    %sign3A_33 = vector.broadcast %sign3A_32 : i32 to vector<24x128xi32>
    %sign3A_34 = arith.cmpi slt, %iota3A, %sign3A_33 : vector<24x128xi32>
    %sign3A_35 = arith.extui %sign3A_34 : vector<24x128xi1> to vector<24x128xi32>
    %sign3A_36 = arith.subi %sign3A_31, %sign3A_35 : vector<24x128xi32>
    %sign3A_37 = arith.constant 0 : i32
    %sign3A_38 = arith.cmpi sgt, %jit3A_27, %sign3A_37 : i32
    %sign3A_39 = arith.extui %sign3A_38 : i1 to i32
    %sign3A_40 = arith.constant 0 : i32
    %sign3A_41 = arith.cmpi slt, %jit3A_27, %sign3A_40 : i32
    %sign3A_42 = arith.extui %sign3A_41 : i1 to i32
    %sign3A_43 = arith.subi %sign3A_39, %sign3A_42 : i32
    %ne3A_44 = vector.broadcast %sign3A_43 : i32 to vector<24x128xi32>
    %ne3A_45 = arith.cmpi ne, %sign3A_36, %ne3A_44 : vector<24x128xi32>
    %rem3A_46 = vector.broadcast %jit3A_27 : i32 to vector<24x128xi32>
    %rem3A_47 = arith.remsi %iota3A, %rem3A_46 : vector<24x128xi32>
    %ne3A_48 = arith.constant 0 : i32
    %ne3A_49 = vector.broadcast %ne3A_48 : i32 to vector<24x128xi32>
    %ne3A_50 = arith.cmpi ne, %rem3A_47, %ne3A_49 : vector<24x128xi32>
    %and3A_51 = arith.andi %ne3A_45, %ne3A_50 : vector<24x128xi1>
    %sub3A = arith.constant 1 : i32
    %sub3A_52 = vector.broadcast %sub3A : i32 to vector<24x128xi32>
    %sub3A_53 = arith.subi %div3A_28, %sub3A_52 : vector<24x128xi32>
    %select_n3A_54 = arith.select %and3A_51, %sub3A_53, %div3A_28 : vector<24x128xi1>, vector<24x128xi32>
    %mul3A_55 = arith.constant 4 : i32
    %mul3A_56 = vector.broadcast %mul3A_55 : i32 to vector<24x128xi32>
    %mul3A_57 = arith.muli %select_n3A_54, %mul3A_56 : vector<24x128xi32>
    %add3A_58 = arith.addi %add3A_26, %mul3A_57 : vector<24x128xi32>
    %eq3A_59 = arith.cmpi eq, %add3A_58, %iota3A_6 : vector<24x128xi32>
    %convert_element_type3A = arith.extui %eq3A_59 : vector<24x128xi1> to vector<24x128xi32>
    %convert_element_type3A_60 = arith.sitofp %convert_element_type3A : vector<24x128xi32> to vector<24x128xf32>
    %iota3A_61 = tpu.iota {dimensions = array<i32: 0>} : vector<16x128xi32>
    %iota3A_62 = tpu.iota {dimensions = array<i32: 1>} : vector<16x128xi32>
    %jit3A_63 = arith.constant 2 : i32
    %div3A_64 = vector.broadcast %jit3A_63 : i32 to vector<16x128xi32>
    %div3A_65 = arith.divsi %iota3A_61, %div3A_64 : vector<16x128xi32>
    %sign3A_66 = arith.constant 0 : i32
    %sign3A_67 = vector.broadcast %sign3A_66 : i32 to vector<16x128xi32>
    %sign3A_68 = arith.cmpi sgt, %iota3A_61, %sign3A_67 : vector<16x128xi32>
    %sign3A_69 = arith.extui %sign3A_68 : vector<16x128xi1> to vector<16x128xi32>
    %sign3A_70 = arith.constant 0 : i32
    %sign3A_71 = vector.broadcast %sign3A_70 : i32 to vector<16x128xi32>
    %sign3A_72 = arith.cmpi slt, %iota3A_61, %sign3A_71 : vector<16x128xi32>
    %sign3A_73 = arith.extui %sign3A_72 : vector<16x128xi1> to vector<16x128xi32>
    %sign3A_74 = arith.subi %sign3A_69, %sign3A_73 : vector<16x128xi32>
    %sign3A_75 = arith.constant 0 : i32
    %sign3A_76 = arith.cmpi sgt, %jit3A_63, %sign3A_75 : i32
    %sign3A_77 = arith.extui %sign3A_76 : i1 to i32
    %sign3A_78 = arith.constant 0 : i32
    %sign3A_79 = arith.cmpi slt, %jit3A_63, %sign3A_78 : i32
    %sign3A_80 = arith.extui %sign3A_79 : i1 to i32
    %sign3A_81 = arith.subi %sign3A_77, %sign3A_80 : i32
    %ne3A_82 = vector.broadcast %sign3A_81 : i32 to vector<16x128xi32>
    %ne3A_83 = arith.cmpi ne, %sign3A_74, %ne3A_82 : vector<16x128xi32>
    %rem3A_84 = vector.broadcast %jit3A_63 : i32 to vector<16x128xi32>
    %rem3A_85 = arith.remsi %iota3A_61, %rem3A_84 : vector<16x128xi32>
    %ne3A_86 = arith.constant 0 : i32
    %ne3A_87 = vector.broadcast %ne3A_86 : i32 to vector<16x128xi32>
    %ne3A_88 = arith.cmpi ne, %rem3A_85, %ne3A_87 : vector<16x128xi32>
    %and3A_89 = arith.andi %ne3A_83, %ne3A_88 : vector<16x128xi1>
    %sub3A_90 = arith.constant 1 : i32
    %sub3A_91 = vector.broadcast %sub3A_90 : i32 to vector<16x128xi32>
    %sub3A_92 = arith.subi %div3A_65, %sub3A_91 : vector<16x128xi32>
    %select_n3A_93 = arith.select %and3A_89, %sub3A_92, %div3A_65 : vector<16x128xi1>, vector<16x128xi32>
    %mul3A_94 = arith.constant 16 : i32
    %mul3A_95 = vector.broadcast %mul3A_94 : i32 to vector<16x128xi32>
    %mul3A_96 = arith.muli %select_n3A_93, %mul3A_95 : vector<16x128xi32>
    %add3A_97 = arith.constant 3 : i32
    %add3A_98 = vector.broadcast %add3A_97 : i32 to vector<16x128xi32>
    %add3A_99 = arith.addi %mul3A_96, %add3A_98 : vector<16x128xi32>
    %jit3A_100 = arith.constant 2 : i32
    %eq3A_101 = arith.constant 0 : i32
    %eq3A_102 = arith.cmpi eq, %jit3A_100, %eq3A_101 : i32
    %jit3A_103 = arith.constant 1 : i32
    %select_n3A_104 = arith.select %eq3A_102, %jit3A_103, %jit3A_100 : i32
    %rem3A_105 = vector.broadcast %select_n3A_104 : i32 to vector<16x128xi32>
    %rem3A_106 = arith.remsi %iota3A_61, %rem3A_105 : vector<16x128xi32>
    %ne3A_107 = arith.constant 0 : i32
    %ne3A_108 = vector.broadcast %ne3A_107 : i32 to vector<16x128xi32>
    %ne3A_109 = arith.cmpi ne, %rem3A_106, %ne3A_108 : vector<16x128xi32>
    %lt3A_110 = arith.constant 0 : i32
    %lt3A_111 = vector.broadcast %lt3A_110 : i32 to vector<16x128xi32>
    %lt3A_112 = arith.cmpi slt, %rem3A_106, %lt3A_111 : vector<16x128xi32>
    %lt3A_113 = arith.constant 0 : i32
    %lt3A_114 = arith.cmpi slt, %select_n3A_104, %lt3A_113 : i32
    %ne3A_115 = vector.broadcast %lt3A_114 : i1 to vector<16x128xi1>
    %ne3A_116 = vector.broadcast %ne3A_115 : vector<16x128xi1> to vector<16x128xi1>
    %ne3A_117 = arith.xori %lt3A_112, %ne3A_116 : vector<16x128xi1>
    %and3A_118 = arith.andi %ne3A_117, %ne3A_109 : vector<16x128xi1>
    %add3A_119 = vector.broadcast %select_n3A_104 : i32 to vector<16x128xi32>
    %add3A_120 = arith.addi %rem3A_106, %add3A_119 : vector<16x128xi32>
    %select_n3A_121 = arith.select %and3A_118, %add3A_120, %rem3A_106 : vector<16x128xi1>, vector<16x128xi32>
    %mul3A_122 = arith.constant 4 : i32
    %mul3A_123 = vector.broadcast %mul3A_122 : i32 to vector<16x128xi32>
    %mul3A_124 = arith.muli %select_n3A_121, %mul3A_123 : vector<16x128xi32>
    %add3A_125 = arith.addi %add3A_99, %mul3A_124 : vector<16x128xi32>
    %eq3A_126 = arith.cmpi eq, %add3A_125, %iota3A_62 : vector<16x128xi32>
    %convert_element_type3A_127 = arith.extui %eq3A_126 : vector<16x128xi1> to vector<16x128xi32>
    %convert_element_type3A_128 = arith.sitofp %convert_element_type3A_127 : vector<16x128xi32> to vector<16x128xf32>
    %iota3A_129 = tpu.iota {dimensions = array<i32: 1>} : vector<24x128xi32>
    %concatenate3A = tpu.concatenate %convert_element_type3A_128, %convert_element_type3A_60 in 0 : vector<16x128xf32>, vector<24x128xf32> -> vector<40x128xf32>
    %get3A_130 = arith.constant 0 : index
    %get3A_131 = arith.constant 0 : index
    %get3A_132 = arith.constant 0 : index
    %get3A_133 = vector.load %arg1[%get3A_130, %get3A_131, %get3A_132] : memref<8x128x128xf32, #tpu.memory_space<vmem>>, vector<1x128x128xf32>
    %get3A_134 = vector.shape_cast %get3A_133 : vector<1x128x128xf32> to vector<128x128xf32>
    %get3A_135 = arith.constant 1 : index
    %get3A_136 = arith.constant 0 : index
    %get3A_137 = arith.constant 0 : index
    %get3A_138 = vector.load %arg1[%get3A_135, %get3A_136, %get3A_137] : memref<8x128x128xf32, #tpu.memory_space<vmem>>, vector<1x128x128xf32>
    %get3A_139 = vector.shape_cast %get3A_138 : vector<1x128x128xf32> to vector<128x128xf32>
    %get3A_140 = arith.constant 2 : index
    %get3A_141 = arith.constant 0 : index
    %get3A_142 = arith.constant 0 : index
    %get3A_143 = vector.load %arg1[%get3A_140, %get3A_141, %get3A_142] : memref<8x128x128xf32, #tpu.memory_space<vmem>>, vector<1x128x128xf32>
    %get3A_144 = vector.shape_cast %get3A_143 : vector<1x128x128xf32> to vector<128x128xf32>
    %get3A_145 = arith.constant 3 : index
    %get3A_146 = arith.constant 0 : index
    %get3A_147 = arith.constant 0 : index
    %get3A_148 = vector.load %arg1[%get3A_145, %get3A_146, %get3A_147] : memref<8x128x128xf32, #tpu.memory_space<vmem>>, vector<1x128x128xf32>
    %get3A_149 = vector.shape_cast %get3A_148 : vector<1x128x128xf32> to vector<128x128xf32>
    %get3A_150 = arith.constant 4 : index
    %get3A_151 = arith.constant 0 : index
    %get3A_152 = arith.constant 0 : index
    %get3A_153 = vector.load %arg1[%get3A_150, %get3A_151, %get3A_152] : memref<8x128x128xf32, #tpu.memory_space<vmem>>, vector<1x128x128xf32>
    %get3A_154 = vector.shape_cast %get3A_153 : vector<1x128x128xf32> to vector<128x128xf32>
    %get3A_155 = arith.constant 5 : index
    %get3A_156 = arith.constant 0 : index
    %get3A_157 = arith.constant 0 : index
    %get3A_158 = vector.load %arg1[%get3A_155, %get3A_156, %get3A_157] : memref<8x128x128xf32, #tpu.memory_space<vmem>>, vector<1x128x128xf32>
    %get3A_159 = vector.shape_cast %get3A_158 : vector<1x128x128xf32> to vector<128x128xf32>
    %get3A_160 = arith.constant 6 : index
    %get3A_161 = arith.constant 0 : index
    %get3A_162 = arith.constant 0 : index
    %get3A_163 = vector.load %arg1[%get3A_160, %get3A_161, %get3A_162] : memref<8x128x128xf32, #tpu.memory_space<vmem>>, vector<1x128x128xf32>
    %get3A_164 = vector.shape_cast %get3A_163 : vector<1x128x128xf32> to vector<128x128xf32>
    %get3A_165 = arith.constant 7 : index
    %get3A_166 = arith.constant 0 : index
    %get3A_167 = arith.constant 0 : index
    %get3A_168 = vector.load %arg1[%get3A_165, %get3A_166, %get3A_167] : memref<8x128x128xf32, #tpu.memory_space<vmem>>, vector<1x128x128xf32>
    %get3A_169 = vector.shape_cast %get3A_168 : vector<1x128x128xf32> to vector<128x128xf32>
    %concatenate3A_170 = tpu.concatenate %get3A_134, %get3A_139, %get3A_144, %get3A_149, %get3A_154, %get3A_159, %get3A_164, %get3A_169 in 1 : vector<128x128xf32>, vector<128x128xf32>, vector<128x128xf32>, vector<128x128xf32>, vector<128x128xf32>, vector<128x128xf32>, vector<128x128xf32>, vector<128x128xf32> -> vector<128x1024xf32>
    %dot_general3A = arith.constant dense<0.000000e+00> : vector<40x1024xf32>
    %dot_general3A_171 = tpu.matmul %concatenate3A, %concatenate3A_170, %dot_general3A {dimension_numbers = #tpu.dot_dimension_numbers<[1], [0], [0], [1], [0, 0, 1, 1], [], []>, precision = #tpu.contract_precision<fp32>, transpose_lhs_hint = false} : vector<40x128xf32>, vector<128x1024xf32>, vector<40x1024xf32> -> vector<40x1024xf32>
    %slice3A = vector.extract_strided_slice %dot_general3A_171 {offsets = [0, 0], sizes = [16, 1024], strides = [1, 1]} : vector<40x1024xf32> to vector<16x1024xf32>
    %mul3A_172 = arith.mulf %slice3A, %slice3A : vector<16x1024xf32>
    %reduce_sum3A_173 = arith.constant dense<0.000000e+00> : vector<1024xf32>
    %reduce_sum3A_174 = vector.multi_reduction <add>, %mul3A_172, %reduce_sum3A_173 [0] : vector<16x1024xf32> to vector<1024xf32>
    %broadcast_in_dim3A = vector.shape_cast %reduce_sum3A_174 : vector<1024xf32> to vector<1x1024xf32>
    %dot_general3A_175 = arith.constant dense<0.000000e+00> : vector<20x1024xf32>
    %dot_general3A_176 = tpu.matmul %get3A_4, %slice3A, %dot_general3A_175 {dimension_numbers = #tpu.dot_dimension_numbers<[0], [0], [1], [1], [0, 1, 1, 1], [], []>, precision = #tpu.contract_precision<fp32>, transpose_lhs_hint = false} : vector<16x20xf32>, vector<16x1024xf32>, vector<20x1024xf32> -> vector<20x1024xf32>
    %mul3A_177 = arith.constant 2.000000e+00 : f32
    %mul3A_178 = vector.broadcast %mul3A_177 : f32 to vector<20x1024xf32>
    %mul3A_179 = arith.mulf %mul3A_178, %dot_general3A_176 : vector<20x1024xf32>
    %sub3A_180 = vector.broadcast %broadcast_in_dim3A : vector<1x1024xf32> to vector<20x1024xf32>
    %sub3A_181 = arith.subf %sub3A_180, %mul3A_179 : vector<20x1024xf32>
    %broadcast_in_dim3A_182 = vector.shape_cast %reduce_sum3A_5 : vector<20xf32> to vector<20x1xf32>
    %add3A_183 = vector.broadcast %broadcast_in_dim3A_182 : vector<20x1xf32> to vector<20x1024xf32>
    %add3A_184 = arith.addf %sub3A_181, %add3A_183 : vector<20x1024xf32>
    %iota3A_185 = tpu.iota {dimensions = array<i32: 0>} : vector<20x1024xi32>
    %reduce_min3A = arith.constant dense<0x7F800000> : vector<1024xf32>
    %reduce_min3A_186 = vector.multi_reduction <minimumf>, %add3A_184, %reduce_min3A [0] : vector<20x1024xf32> to vector<1024xf32>
    %broadcast_in_dim3A_187 = vector.shape_cast %reduce_min3A_186 : vector<1024xf32> to vector<1x1024xf32>
    %le3A = vector.broadcast %broadcast_in_dim3A_187 : vector<1x1024xf32> to vector<20x1024xf32>
    %le3A_188 = arith.cmpf ole, %add3A_184, %le3A : vector<20x1024xf32>
    %jit3A_189 = arith.constant 20 : i32
    %broadcast_in_dim3A_190 = vector.broadcast %jit3A_189 : i32 to vector<20x1024xi32>
    %select_n3A_191 = arith.select %le3A_188, %iota3A_185, %broadcast_in_dim3A_190 : vector<20x1024xi1>, vector<20x1024xi32>
    %reduce_min3A_192 = arith.constant dense<2147483647> : vector<1024xi32>
    %reduce_min3A_193 = vector.multi_reduction <minsi>, %select_n3A_191, %reduce_min3A_192 [0] : vector<20x1024xi32> to vector<1024xi32>
    %broadcast_in_dim3A_194 = vector.shape_cast %reduce_min3A_193 : vector<1024xi32> to vector<1x1024xi32>
    %slice3A_195 = vector.extract_strided_slice %dot_general3A_171 {offsets = [16, 0], sizes = [24, 128], strides = [1, 1]} : vector<40x1024xf32> to vector<24x128xf32>
    %swap3A = arith.constant 0 : index
    %swap3A_196 = arith.constant 0 : index
    %swap3A_197 = arith.constant 0 : index
    %swap3A_198 = vector.load %arg4[%swap3A, %swap3A_196, %swap3A_197] : memref<8x24x128xf32, #tpu.memory_space<vmem>>, vector<1x24x128xf32>
    %swap3A_199 = vector.shape_cast %swap3A_198 : vector<1x24x128xf32> to vector<24x128xf32>
    %swap3A_200 = vector.shape_cast %slice3A_195 : vector<24x128xf32> to vector<1x24x128xf32>
    tpu.vector_store %arg4[%swap3A, %swap3A_196, %swap3A_197], %swap3A_200 {strides = array<i32>} : memref<8x24x128xf32, #tpu.memory_space<vmem>>, vector<1x24x128xf32>,
    %slice3A_201 = vector.extract_strided_slice %broadcast_in_dim3A_194 {offsets = [0, 0], sizes = [1, 128], strides = [1, 1]} : vector<1x1024xi32> to vector<1x128xi32>
    %mul3A_202 = arith.constant 8 : i32
    %mul3A_203 = arith.muli %arg0, %mul3A_202 : i32
    %add3A_204 = arith.constant 0 : i32
    %add3A_205 = arith.addi %mul3A_203, %add3A_204 : i32
    %mul3A_206 = arith.constant 20 : i32
    %mul3A_207 = arith.muli %add3A_205, %mul3A_206 : i32
    %add3A_208 = vector.broadcast %mul3A_207 : i32 to vector<1x128xi32>
    %add3A_209 = arith.addi %add3A_208, %slice3A_201 : vector<1x128xi32>
    %mul3A_210 = arith.constant 24 : i32
    %mul3A_211 = vector.broadcast %mul3A_210 : i32 to vector<1x128xi32>
    %mul3A_212 = arith.muli %add3A_209, %mul3A_211 : vector<1x128xi32>
    %add3A_213 = vector.broadcast %mul3A_212 : vector<1x128xi32> to vector<24x128xi32>
    %add3A_214 = arith.addi %add3A_213, %iota3A : vector<24x128xi32>
    %mul3A_215 = arith.constant 128 : i32
    %mul3A_216 = vector.broadcast %mul3A_215 : i32 to vector<24x128xi32>
    %mul3A_217 = arith.muli %add3A_214, %mul3A_216 : vector<24x128xi32>
    %add3A_218 = arith.addi %mul3A_217, %iota3A_129 : vector<24x128xi32>
    %swap3A_219 = arith.constant 0 : index
    %swap3A_220 = arith.constant 0 : index
    %swap3A_221 = arith.constant 0 : index
    %swap3A_222 = vector.load %arg3[%swap3A_219, %swap3A_220, %swap3A_221] : memref<8x24x128xi32, #tpu.memory_space<vmem>>, vector<1x24x128xi32>
    %swap3A_223 = vector.shape_cast %swap3A_222 : vector<1x24x128xi32> to vector<24x128xi32>
    %swap3A_224 = vector.shape_cast %add3A_218 : vector<24x128xi32> to vector<1x24x128xi32>
    tpu.vector_store %arg3[%swap3A_219, %swap3A_220, %swap3A_221], %swap3A_224 {strides = array<i32>} : memref<8x24x128xi32, #tpu.memory_space<vmem>>, vector<1x24x128xi32>,
    %swap3A_225 = arith.constant 0 : index
    %swap3A_226 = arith.constant 0 : index
    %swap3A_227 = arith.constant 0 : index
    %swap3A_228 = vector.load %arg5[%swap3A_225, %swap3A_226, %swap3A_227] : memref<8x1x128xi32, #tpu.memory_space<vmem>>, vector<1x1x128xi32>
    %swap3A_229 = vector.shape_cast %swap3A_228 : vector<1x1x128xi32> to vector<1x128xi32>
    %swap3A_230 = vector.shape_cast %slice3A_201 : vector<1x128xi32> to vector<1x1x128xi32>
    tpu.vector_store %arg5[%swap3A_225, %swap3A_226, %swap3A_227], %swap3A_230 {strides = array<i32>} : memref<8x1x128xi32, #tpu.memory_space<vmem>>, vector<1x1x128xi32>,
    %slice3A_231 = vector.extract_strided_slice %dot_general3A_171 {offsets = [16, 128], sizes = [24, 128], strides = [1, 1]} : vector<40x1024xf32> to vector<24x128xf32>
    %swap3A_232 = arith.constant 1 : index
    %swap3A_233 = arith.constant 0 : index
    %swap3A_234 = arith.constant 0 : index
    %swap3A_235 = vector.load %arg4[%swap3A_232, %swap3A_233, %swap3A_234] : memref<8x24x128xf32, #tpu.memory_space<vmem>>, vector<1x24x128xf32>
    %swap3A_236 = vector.shape_cast %swap3A_235 : vector<1x24x128xf32> to vector<24x128xf32>
    %swap3A_237 = vector.shape_cast %slice3A_231 : vector<24x128xf32> to vector<1x24x128xf32>
    tpu.vector_store %arg4[%swap3A_232, %swap3A_233, %swap3A_234], %swap3A_237 {strides = array<i32>} : memref<8x24x128xf32, #tpu.memory_space<vmem>>, vector<1x24x128xf32>,
    %slice3A_238 = vector.extract_strided_slice %broadcast_in_dim3A_194 {offsets = [0, 128], sizes = [1, 128], strides = [1, 1]} : vector<1x1024xi32> to vector<1x128xi32>
    %mul3A_239 = arith.constant 8 : i32
    %mul3A_240 = arith.muli %arg0, %mul3A_239 : i32
    %add3A_241 = arith.constant 1 : i32
    %add3A_242 = arith.addi %mul3A_240, %add3A_241 : i32
    %mul3A_243 = arith.constant 20 : i32
    %mul3A_244 = arith.muli %add3A_242, %mul3A_243 : i32
    %add3A_245 = vector.broadcast %mul3A_244 : i32 to vector<1x128xi32>
    %add3A_246 = arith.addi %add3A_245, %slice3A_238 : vector<1x128xi32>
    %mul3A_247 = arith.constant 24 : i32
    %mul3A_248 = vector.broadcast %mul3A_247 : i32 to vector<1x128xi32>
    %mul3A_249 = arith.muli %add3A_246, %mul3A_248 : vector<1x128xi32>
    %add3A_250 = vector.broadcast %mul3A_249 : vector<1x128xi32> to vector<24x128xi32>
    %add3A_251 = arith.addi %add3A_250, %iota3A : vector<24x128xi32>
    %mul3A_252 = arith.constant 128 : i32
    %mul3A_253 = vector.broadcast %mul3A_252 : i32 to vector<24x128xi32>
    %mul3A_254 = arith.muli %add3A_251, %mul3A_253 : vector<24x128xi32>
    %add3A_255 = arith.addi %mul3A_254, %iota3A_129 : vector<24x128xi32>
    %swap3A_256 = arith.constant 1 : index
    %swap3A_257 = arith.constant 0 : index
    %swap3A_258 = arith.constant 0 : index
    %swap3A_259 = vector.load %arg3[%swap3A_256, %swap3A_257, %swap3A_258] : memref<8x24x128xi32, #tpu.memory_space<vmem>>, vector<1x24x128xi32>
    %swap3A_260 = vector.shape_cast %swap3A_259 : vector<1x24x128xi32> to vector<24x128xi32>
    %swap3A_261 = vector.shape_cast %add3A_255 : vector<24x128xi32> to vector<1x24x128xi32>
    tpu.vector_store %arg3[%swap3A_256, %swap3A_257, %swap3A_258], %swap3A_261 {strides = array<i32>} : memref<8x24x128xi32, #tpu.memory_space<vmem>>, vector<1x24x128xi32>,
    %swap3A_262 = arith.constant 1 : index
    %swap3A_263 = arith.constant 0 : index
    %swap3A_264 = arith.constant 0 : index
    %swap3A_265 = vector.load %arg5[%swap3A_262, %swap3A_263, %swap3A_264] : memref<8x1x128xi32, #tpu.memory_space<vmem>>, vector<1x1x128xi32>
    %swap3A_266 = vector.shape_cast %swap3A_265 : vector<1x1x128xi32> to vector<1x128xi32>
    %swap3A_267 = vector.shape_cast %slice3A_238 : vector<1x128xi32> to vector<1x1x128xi32>
    tpu.vector_store %arg5[%swap3A_262, %swap3A_263, %swap3A_264], %swap3A_267 {strides = array<i32>} : memref<8x1x128xi32, #tpu.memory_space<vmem>>, vector<1x1x128xi32>,
    %slice3A_268 = vector.extract_strided_slice %dot_general3A_171 {offsets = [16, 256], sizes = [24, 128], strides = [1, 1]} : vector<40x1024xf32> to vector<24x128xf32>
    %swap3A_269 = arith.constant 2 : index
    %swap3A_270 = arith.constant 0 : index
    %swap3A_271 = arith.constant 0 : index
    %swap3A_272 = vector.load %arg4[%swap3A_269, %swap3A_270, %swap3A_271] : memref<8x24x128xf32, #tpu.memory_space<vmem>>, vector<1x24x128xf32>
    %swap3A_273 = vector.shape_cast %swap3A_272 : vector<1x24x128xf32> to vector<24x128xf32>
    %swap3A_274 = vector.shape_cast %slice3A_268 : vector<24x128xf32> to vector<1x24x128xf32>
    tpu.vector_store %arg4[%swap3A_269, %swap3A_270, %swap3A_271], %swap3A_274 {strides = array<i32>} : memref<8x24x128xf32, #tpu.memory_space<vmem>>, vector<1x24x128xf32>,
    %slice3A_275 = vector.extract_strided_slice %broadcast_in_dim3A_194 {offsets = [0, 256], sizes = [1, 128], strides = [1, 1]} : vector<1x1024xi32> to vector<1x128xi32>
    %mul3A_276 = arith.constant 8 : i32
    %mul3A_277 = arith.muli %arg0, %mul3A_276 : i32
    %add3A_278 = arith.constant 2 : i32
    %add3A_279 = arith.addi %mul3A_277, %add3A_278 : i32
    %mul3A_280 = arith.constant 20 : i32
    %mul3A_281 = arith.muli %add3A_279, %mul3A_280 : i32
    %add3A_282 = vector.broadcast %mul3A_281 : i32 to vector<1x128xi32>
    %add3A_283 = arith.addi %add3A_282, %slice3A_275 : vector<1x128xi32>
    %mul3A_284 = arith.constant 24 : i32
    %mul3A_285 = vector.broadcast %mul3A_284 : i32 to vector<1x128xi32>
    %mul3A_286 = arith.muli %add3A_283, %mul3A_285 : vector<1x128xi32>
    %add3A_287 = vector.broadcast %mul3A_286 : vector<1x128xi32> to vector<24x128xi32>
    %add3A_288 = arith.addi %add3A_287, %iota3A : vector<24x128xi32>
    %mul3A_289 = arith.constant 128 : i32
    %mul3A_290 = vector.broadcast %mul3A_289 : i32 to vector<24x128xi32>
    %mul3A_291 = arith.muli %add3A_288, %mul3A_290 : vector<24x128xi32>
    %add3A_292 = arith.addi %mul3A_291, %iota3A_129 : vector<24x128xi32>
    %swap3A_293 = arith.constant 2 : index
    %swap3A_294 = arith.constant 0 : index
    %swap3A_295 = arith.constant 0 : index
    %swap3A_296 = vector.load %arg3[%swap3A_293, %swap3A_294, %swap3A_295] : memref<8x24x128xi32, #tpu.memory_space<vmem>>, vector<1x24x128xi32>
    %swap3A_297 = vector.shape_cast %swap3A_296 : vector<1x24x128xi32> to vector<24x128xi32>
    %swap3A_298 = vector.shape_cast %add3A_292 : vector<24x128xi32> to vector<1x24x128xi32>
    tpu.vector_store %arg3[%swap3A_293, %swap3A_294, %swap3A_295], %swap3A_298 {strides = array<i32>} : memref<8x24x128xi32, #tpu.memory_space<vmem>>, vector<1x24x128xi32>,
    %swap3A_299 = arith.constant 2 : index
    %swap3A_300 = arith.constant 0 : index
    %swap3A_301 = arith.constant 0 : index
    %swap3A_302 = vector.load %arg5[%swap3A_299, %swap3A_300, %swap3A_301] : memref<8x1x128xi32, #tpu.memory_space<vmem>>, vector<1x1x128xi32>
    %swap3A_303 = vector.shape_cast %swap3A_302 : vector<1x1x128xi32> to vector<1x128xi32>
    %swap3A_304 = vector.shape_cast %slice3A_275 : vector<1x128xi32> to vector<1x1x128xi32>
    tpu.vector_store %arg5[%swap3A_299, %swap3A_300, %swap3A_301], %swap3A_304 {strides = array<i32>} : memref<8x1x128xi32, #tpu.memory_space<vmem>>, vector<1x1x128xi32>,
    %slice3A_305 = vector.extract_strided_slice %dot_general3A_171 {offsets = [16, 384], sizes = [24, 128], strides = [1, 1]} : vector<40x1024xf32> to vector<24x128xf32>
    %swap3A_306 = arith.constant 3 : index
    %swap3A_307 = arith.constant 0 : index
    %swap3A_308 = arith.constant 0 : index
    %swap3A_309 = vector.load %arg4[%swap3A_306, %swap3A_307, %swap3A_308] : memref<8x24x128xf32, #tpu.memory_space<vmem>>, vector<1x24x128xf32>
    %swap3A_310 = vector.shape_cast %swap3A_309 : vector<1x24x128xf32> to vector<24x128xf32>
    %swap3A_311 = vector.shape_cast %slice3A_305 : vector<24x128xf32> to vector<1x24x128xf32>
    tpu.vector_store %arg4[%swap3A_306, %swap3A_307, %swap3A_308], %swap3A_311 {strides = array<i32>} : memref<8x24x128xf32, #tpu.memory_space<vmem>>, vector<1x24x128xf32>,
    %slice3A_312 = vector.extract_strided_slice %broadcast_in_dim3A_194 {offsets = [0, 384], sizes = [1, 128], strides = [1, 1]} : vector<1x1024xi32> to vector<1x128xi32>
    %mul3A_313 = arith.constant 8 : i32
    %mul3A_314 = arith.muli %arg0, %mul3A_313 : i32
    %add3A_315 = arith.constant 3 : i32
    %add3A_316 = arith.addi %mul3A_314, %add3A_315 : i32
    %mul3A_317 = arith.constant 20 : i32
    %mul3A_318 = arith.muli %add3A_316, %mul3A_317 : i32
    %add3A_319 = vector.broadcast %mul3A_318 : i32 to vector<1x128xi32>
    %add3A_320 = arith.addi %add3A_319, %slice3A_312 : vector<1x128xi32>
    %mul3A_321 = arith.constant 24 : i32
    %mul3A_322 = vector.broadcast %mul3A_321 : i32 to vector<1x128xi32>
    %mul3A_323 = arith.muli %add3A_320, %mul3A_322 : vector<1x128xi32>
    %add3A_324 = vector.broadcast %mul3A_323 : vector<1x128xi32> to vector<24x128xi32>
    %add3A_325 = arith.addi %add3A_324, %iota3A : vector<24x128xi32>
    %mul3A_326 = arith.constant 128 : i32
    %mul3A_327 = vector.broadcast %mul3A_326 : i32 to vector<24x128xi32>
    %mul3A_328 = arith.muli %add3A_325, %mul3A_327 : vector<24x128xi32>
    %add3A_329 = arith.addi %mul3A_328, %iota3A_129 : vector<24x128xi32>
    %swap3A_330 = arith.constant 3 : index
    %swap3A_331 = arith.constant 0 : index
    %swap3A_332 = arith.constant 0 : index
    %swap3A_333 = vector.load %arg3[%swap3A_330, %swap3A_331, %swap3A_332] : memref<8x24x128xi32, #tpu.memory_space<vmem>>, vector<1x24x128xi32>
    %swap3A_334 = vector.shape_cast %swap3A_333 : vector<1x24x128xi32> to vector<24x128xi32>
    %swap3A_335 = vector.shape_cast %add3A_329 : vector<24x128xi32> to vector<1x24x128xi32>
    tpu.vector_store %arg3[%swap3A_330, %swap3A_331, %swap3A_332], %swap3A_335 {strides = array<i32>} : memref<8x24x128xi32, #tpu.memory_space<vmem>>, vector<1x24x128xi32>,
    %swap3A_336 = arith.constant 3 : index
    %swap3A_337 = arith.constant 0 : index
    %swap3A_338 = arith.constant 0 : index
    %swap3A_339 = vector.load %arg5[%swap3A_336, %swap3A_337, %swap3A_338] : memref<8x1x128xi32, #tpu.memory_space<vmem>>, vector<1x1x128xi32>
    %swap3A_340 = vector.shape_cast %swap3A_339 : vector<1x1x128xi32> to vector<1x128xi32>
    %swap3A_341 = vector.shape_cast %slice3A_312 : vector<1x128xi32> to vector<1x1x128xi32>
    tpu.vector_store %arg5[%swap3A_336, %swap3A_337, %swap3A_338], %swap3A_341 {strides = array<i32>} : memref<8x1x128xi32, #tpu.memory_space<vmem>>, vector<1x1x128xi32>,
    %slice3A_342 = vector.extract_strided_slice %dot_general3A_171 {offsets = [16, 512], sizes = [24, 128], strides = [1, 1]} : vector<40x1024xf32> to vector<24x128xf32>
    %swap3A_343 = arith.constant 4 : index
    %swap3A_344 = arith.constant 0 : index
    %swap3A_345 = arith.constant 0 : index
    %swap3A_346 = vector.load %arg4[%swap3A_343, %swap3A_344, %swap3A_345] : memref<8x24x128xf32, #tpu.memory_space<vmem>>, vector<1x24x128xf32>
    %swap3A_347 = vector.shape_cast %swap3A_346 : vector<1x24x128xf32> to vector<24x128xf32>
    %swap3A_348 = vector.shape_cast %slice3A_342 : vector<24x128xf32> to vector<1x24x128xf32>
    tpu.vector_store %arg4[%swap3A_343, %swap3A_344, %swap3A_345], %swap3A_348 {strides = array<i32>} : memref<8x24x128xf32, #tpu.memory_space<vmem>>, vector<1x24x128xf32>,
    %slice3A_349 = vector.extract_strided_slice %broadcast_in_dim3A_194 {offsets = [0, 512], sizes = [1, 128], strides = [1, 1]} : vector<1x1024xi32> to vector<1x128xi32>
    %mul3A_350 = arith.constant 8 : i32
    %mul3A_351 = arith.muli %arg0, %mul3A_350 : i32
    %add3A_352 = arith.constant 4 : i32
    %add3A_353 = arith.addi %mul3A_351, %add3A_352 : i32
    %mul3A_354 = arith.constant 20 : i32
    %mul3A_355 = arith.muli %add3A_353, %mul3A_354 : i32
    %add3A_356 = vector.broadcast %mul3A_355 : i32 to vector<1x128xi32>
    %add3A_357 = arith.addi %add3A_356, %slice3A_349 : vector<1x128xi32>
    %mul3A_358 = arith.constant 24 : i32
    %mul3A_359 = vector.broadcast %mul3A_358 : i32 to vector<1x128xi32>
    %mul3A_360 = arith.muli %add3A_357, %mul3A_359 : vector<1x128xi32>
    %add3A_361 = vector.broadcast %mul3A_360 : vector<1x128xi32> to vector<24x128xi32>
    %add3A_362 = arith.addi %add3A_361, %iota3A : vector<24x128xi32>
    %mul3A_363 = arith.constant 128 : i32
    %mul3A_364 = vector.broadcast %mul3A_363 : i32 to vector<24x128xi32>
    %mul3A_365 = arith.muli %add3A_362, %mul3A_364 : vector<24x128xi32>
    %add3A_366 = arith.addi %mul3A_365, %iota3A_129 : vector<24x128xi32>
    %swap3A_367 = arith.constant 4 : index
    %swap3A_368 = arith.constant 0 : index
    %swap3A_369 = arith.constant 0 : index
    %swap3A_370 = vector.load %arg3[%swap3A_367, %swap3A_368, %swap3A_369] : memref<8x24x128xi32, #tpu.memory_space<vmem>>, vector<1x24x128xi32>
    %swap3A_371 = vector.shape_cast %swap3A_370 : vector<1x24x128xi32> to vector<24x128xi32>
    %swap3A_372 = vector.shape_cast %add3A_366 : vector<24x128xi32> to vector<1x24x128xi32>
    tpu.vector_store %arg3[%swap3A_367, %swap3A_368, %swap3A_369], %swap3A_372 {strides = array<i32>} : memref<8x24x128xi32, #tpu.memory_space<vmem>>, vector<1x24x128xi32>,
    %swap3A_373 = arith.constant 4 : index
    %swap3A_374 = arith.constant 0 : index
    %swap3A_375 = arith.constant 0 : index
    %swap3A_376 = vector.load %arg5[%swap3A_373, %swap3A_374, %swap3A_375] : memref<8x1x128xi32, #tpu.memory_space<vmem>>, vector<1x1x128xi32>
    %swap3A_377 = vector.shape_cast %swap3A_376 : vector<1x1x128xi32> to vector<1x128xi32>
    %swap3A_378 = vector.shape_cast %slice3A_349 : vector<1x128xi32> to vector<1x1x128xi32>
    tpu.vector_store %arg5[%swap3A_373, %swap3A_374, %swap3A_375], %swap3A_378 {strides = array<i32>} : memref<8x1x128xi32, #tpu.memory_space<vmem>>, vector<1x1x128xi32>,
    %slice3A_379 = vector.extract_strided_slice %dot_general3A_171 {offsets = [16, 640], sizes = [24, 128], strides = [1, 1]} : vector<40x1024xf32> to vector<24x128xf32>
    %swap3A_380 = arith.constant 5 : index
    %swap3A_381 = arith.constant 0 : index
    %swap3A_382 = arith.constant 0 : index
    %swap3A_383 = vector.load %arg4[%swap3A_380, %swap3A_381, %swap3A_382] : memref<8x24x128xf32, #tpu.memory_space<vmem>>, vector<1x24x128xf32>
    %swap3A_384 = vector.shape_cast %swap3A_383 : vector<1x24x128xf32> to vector<24x128xf32>
    %swap3A_385 = vector.shape_cast %slice3A_379 : vector<24x128xf32> to vector<1x24x128xf32>
    tpu.vector_store %arg4[%swap3A_380, %swap3A_381, %swap3A_382], %swap3A_385 {strides = array<i32>} : memref<8x24x128xf32, #tpu.memory_space<vmem>>, vector<1x24x128xf32>,
    %slice3A_386 = vector.extract_strided_slice %broadcast_in_dim3A_194 {offsets = [0, 640], sizes = [1, 128], strides = [1, 1]} : vector<1x1024xi32> to vector<1x128xi32>
    %mul3A_387 = arith.constant 8 : i32
    %mul3A_388 = arith.muli %arg0, %mul3A_387 : i32
    %add3A_389 = arith.constant 5 : i32
    %add3A_390 = arith.addi %mul3A_388, %add3A_389 : i32
    %mul3A_391 = arith.constant 20 : i32
    %mul3A_392 = arith.muli %add3A_390, %mul3A_391 : i32
    %add3A_393 = vector.broadcast %mul3A_392 : i32 to vector<1x128xi32>
    %add3A_394 = arith.addi %add3A_393, %slice3A_386 : vector<1x128xi32>
    %mul3A_395 = arith.constant 24 : i32
    %mul3A_396 = vector.broadcast %mul3A_395 : i32 to vector<1x128xi32>
    %mul3A_397 = arith.muli %add3A_394, %mul3A_396 : vector<1x128xi32>
    %add3A_398 = vector.broadcast %mul3A_397 : vector<1x128xi32> to vector<24x128xi32>
    %add3A_399 = arith.addi %add3A_398, %iota3A : vector<24x128xi32>
    %mul3A_400 = arith.constant 128 : i32
    %mul3A_401 = vector.broadcast %mul3A_400 : i32 to vector<24x128xi32>
    %mul3A_402 = arith.muli %add3A_399, %mul3A_401 : vector<24x128xi32>
    %add3A_403 = arith.addi %mul3A_402, %iota3A_129 : vector<24x128xi32>
    %swap3A_404 = arith.constant 5 : index
    %swap3A_405 = arith.constant 0 : index
    %swap3A_406 = arith.constant 0 : index
    %swap3A_407 = vector.load %arg3[%swap3A_404, %swap3A_405, %swap3A_406] : memref<8x24x128xi32, #tpu.memory_space<vmem>>, vector<1x24x128xi32>
    %swap3A_408 = vector.shape_cast %swap3A_407 : vector<1x24x128xi32> to vector<24x128xi32>
    %swap3A_409 = vector.shape_cast %add3A_403 : vector<24x128xi32> to vector<1x24x128xi32>
    tpu.vector_store %arg3[%swap3A_404, %swap3A_405, %swap3A_406], %swap3A_409 {strides = array<i32>} : memref<8x24x128xi32, #tpu.memory_space<vmem>>, vector<1x24x128xi32>,
    %swap3A_410 = arith.constant 5 : index
    %swap3A_411 = arith.constant 0 : index
    %swap3A_412 = arith.constant 0 : index
    %swap3A_413 = vector.load %arg5[%swap3A_410, %swap3A_411, %swap3A_412] : memref<8x1x128xi32, #tpu.memory_space<vmem>>, vector<1x1x128xi32>
    %swap3A_414 = vector.shape_cast %swap3A_413 : vector<1x1x128xi32> to vector<1x128xi32>
    %swap3A_415 = vector.shape_cast %slice3A_386 : vector<1x128xi32> to vector<1x1x128xi32>
    tpu.vector_store %arg5[%swap3A_410, %swap3A_411, %swap3A_412], %swap3A_415 {strides = array<i32>} : memref<8x1x128xi32, #tpu.memory_space<vmem>>, vector<1x1x128xi32>,
    %slice3A_416 = vector.extract_strided_slice %dot_general3A_171 {offsets = [16, 768], sizes = [24, 128], strides = [1, 1]} : vector<40x1024xf32> to vector<24x128xf32>
    %swap3A_417 = arith.constant 6 : index
    %swap3A_418 = arith.constant 0 : index
    %swap3A_419 = arith.constant 0 : index
    %swap3A_420 = vector.load %arg4[%swap3A_417, %swap3A_418, %swap3A_419] : memref<8x24x128xf32, #tpu.memory_space<vmem>>, vector<1x24x128xf32>
    %swap3A_421 = vector.shape_cast %swap3A_420 : vector<1x24x128xf32> to vector<24x128xf32>
    %swap3A_422 = vector.shape_cast %slice3A_416 : vector<24x128xf32> to vector<1x24x128xf32>
    tpu.vector_store %arg4[%swap3A_417, %swap3A_418, %swap3A_419], %swap3A_422 {strides = array<i32>} : memref<8x24x128xf32, #tpu.memory_space<vmem>>, vector<1x24x128xf32>,
    %slice3A_423 = vector.extract_strided_slice %broadcast_in_dim3A_194 {offsets = [0, 768], sizes = [1, 128], strides = [1, 1]} : vector<1x1024xi32> to vector<1x128xi32>
    %mul3A_424 = arith.constant 8 : i32
    %mul3A_425 = arith.muli %arg0, %mul3A_424 : i32
    %add3A_426 = arith.constant 6 : i32
    %add3A_427 = arith.addi %mul3A_425, %add3A_426 : i32
    %mul3A_428 = arith.constant 20 : i32
    %mul3A_429 = arith.muli %add3A_427, %mul3A_428 : i32
    %add3A_430 = vector.broadcast %mul3A_429 : i32 to vector<1x128xi32>
    %add3A_431 = arith.addi %add3A_430, %slice3A_423 : vector<1x128xi32>
    %mul3A_432 = arith.constant 24 : i32
    %mul3A_433 = vector.broadcast %mul3A_432 : i32 to vector<1x128xi32>
    %mul3A_434 = arith.muli %add3A_431, %mul3A_433 : vector<1x128xi32>
    %add3A_435 = vector.broadcast %mul3A_434 : vector<1x128xi32> to vector<24x128xi32>
    %add3A_436 = arith.addi %add3A_435, %iota3A : vector<24x128xi32>
    %mul3A_437 = arith.constant 128 : i32
    %mul3A_438 = vector.broadcast %mul3A_437 : i32 to vector<24x128xi32>
    %mul3A_439 = arith.muli %add3A_436, %mul3A_438 : vector<24x128xi32>
    %add3A_440 = arith.addi %mul3A_439, %iota3A_129 : vector<24x128xi32>
    %swap3A_441 = arith.constant 6 : index
    %swap3A_442 = arith.constant 0 : index
    %swap3A_443 = arith.constant 0 : index
    %swap3A_444 = vector.load %arg3[%swap3A_441, %swap3A_442, %swap3A_443] : memref<8x24x128xi32, #tpu.memory_space<vmem>>, vector<1x24x128xi32>
    %swap3A_445 = vector.shape_cast %swap3A_444 : vector<1x24x128xi32> to vector<24x128xi32>
    %swap3A_446 = vector.shape_cast %add3A_440 : vector<24x128xi32> to vector<1x24x128xi32>
    tpu.vector_store %arg3[%swap3A_441, %swap3A_442, %swap3A_443], %swap3A_446 {strides = array<i32>} : memref<8x24x128xi32, #tpu.memory_space<vmem>>, vector<1x24x128xi32>,
    %swap3A_447 = arith.constant 6 : index
    %swap3A_448 = arith.constant 0 : index
    %swap3A_449 = arith.constant 0 : index
    %swap3A_450 = vector.load %arg5[%swap3A_447, %swap3A_448, %swap3A_449] : memref<8x1x128xi32, #tpu.memory_space<vmem>>, vector<1x1x128xi32>
    %swap3A_451 = vector.shape_cast %swap3A_450 : vector<1x1x128xi32> to vector<1x128xi32>
    %swap3A_452 = vector.shape_cast %slice3A_423 : vector<1x128xi32> to vector<1x1x128xi32>
    tpu.vector_store %arg5[%swap3A_447, %swap3A_448, %swap3A_449], %swap3A_452 {strides = array<i32>} : memref<8x1x128xi32, #tpu.memory_space<vmem>>, vector<1x1x128xi32>,
    %slice3A_453 = vector.extract_strided_slice %dot_general3A_171 {offsets = [16, 896], sizes = [24, 128], strides = [1, 1]} : vector<40x1024xf32> to vector<24x128xf32>
    %swap3A_454 = arith.constant 7 : index
    %swap3A_455 = arith.constant 0 : index
    %swap3A_456 = arith.constant 0 : index
    %swap3A_457 = vector.load %arg4[%swap3A_454, %swap3A_455, %swap3A_456] : memref<8x24x128xf32, #tpu.memory_space<vmem>>, vector<1x24x128xf32>
    %swap3A_458 = vector.shape_cast %swap3A_457 : vector<1x24x128xf32> to vector<24x128xf32>
    %swap3A_459 = vector.shape_cast %slice3A_453 : vector<24x128xf32> to vector<1x24x128xf32>
    tpu.vector_store %arg4[%swap3A_454, %swap3A_455, %swap3A_456], %swap3A_459 {strides = array<i32>} : memref<8x24x128xf32, #tpu.memory_space<vmem>>, vector<1x24x128xf32>,
    %slice3A_460 = vector.extract_strided_slice %broadcast_in_dim3A_194 {offsets = [0, 896], sizes = [1, 128], strides = [1, 1]} : vector<1x1024xi32> to vector<1x128xi32>
    %mul3A_461 = arith.constant 8 : i32
    %mul3A_462 = arith.muli %arg0, %mul3A_461 : i32
    %add3A_463 = arith.constant 7 : i32
    %add3A_464 = arith.addi %mul3A_462, %add3A_463 : i32
    %mul3A_465 = arith.constant 20 : i32
    %mul3A_466 = arith.muli %add3A_464, %mul3A_465 : i32
    %add3A_467 = vector.broadcast %mul3A_466 : i32 to vector<1x128xi32>
    %add3A_468 = arith.addi %add3A_467, %slice3A_460 : vector<1x128xi32>
    %mul3A_469 = arith.constant 24 : i32
    %mul3A_470 = vector.broadcast %mul3A_469 : i32 to vector<1x128xi32>
    %mul3A_471 = arith.muli %add3A_468, %mul3A_470 : vector<1x128xi32>
    %add3A_472 = vector.broadcast %mul3A_471 : vector<1x128xi32> to vector<24x128xi32>
    %add3A_473 = arith.addi %add3A_472, %iota3A : vector<24x128xi32>
    %mul3A_474 = arith.constant 128 : i32
    %mul3A_475 = vector.broadcast %mul3A_474 : i32 to vector<24x128xi32>
    %mul3A_476 = arith.muli %add3A_473, %mul3A_475 : vector<24x128xi32>
    %add3A_477 = arith.addi %mul3A_476, %iota3A_129 : vector<24x128xi32>
    %swap3A_478 = arith.constant 7 : index
    %swap3A_479 = arith.constant 0 : index
    %swap3A_480 = arith.constant 0 : index
    %swap3A_481 = vector.load %arg3[%swap3A_478, %swap3A_479, %swap3A_480] : memref<8x24x128xi32, #tpu.memory_space<vmem>>, vector<1x24x128xi32>
    %swap3A_482 = vector.shape_cast %swap3A_481 : vector<1x24x128xi32> to vector<24x128xi32>
    %swap3A_483 = vector.shape_cast %add3A_477 : vector<24x128xi32> to vector<1x24x128xi32>
    tpu.vector_store %arg3[%swap3A_478, %swap3A_479, %swap3A_480], %swap3A_483 {strides = array<i32>} : memref<8x24x128xi32, #tpu.memory_space<vmem>>, vector<1x24x128xi32>,
    %swap3A_484 = arith.constant 7 : index
    %swap3A_485 = arith.constant 0 : index
    %swap3A_486 = arith.constant 0 : index
    %swap3A_487 = vector.load %arg5[%swap3A_484, %swap3A_485, %swap3A_486] : memref<8x1x128xi32, #tpu.memory_space<vmem>>, vector<1x1x128xi32>
    %swap3A_488 = vector.shape_cast %swap3A_487 : vector<1x1x128xi32> to vector<1x128xi32>
    %swap3A_489 = vector.shape_cast %slice3A_460 : vector<1x128xi32> to vector<1x1x128xi32>
    tpu.vector_store %arg5[%swap3A_484, %swap3A_485, %swap3A_486], %swap3A_489 {strides = array<i32>} : memref<8x1x128xi32, #tpu.memory_space<vmem>>, vector<1x1x128xi32>,
    return
  }
  func.func @transform_0(%arg0: i32) -> (i32, i32, i32) {
    %c0_i32 = arith.constant 0 : i32
    %c0_i32_0 = arith.constant 0 : i32
    %c0_i32_1 = arith.constant 0 : i32
    return %arg0, %c0_i32, %c0_i32_0 : i32, i32, i32
  }
  func.func @transform_1(%arg0: i32) -> (i32, i32, i32, i32) {
    %c0_i32 = arith.constant 0 : i32
    %c0_i32_0 = arith.constant 0 : i32
    %c0_i32_1 = arith.constant 0 : i32
    %c0_i32_2 = arith.constant 0 : i32
    %c0_i32_3 = arith.constant 0 : i32
    return %c0_i32, %c0_i32_0, %c0_i32_1, %c0_i32_2 : i32, i32, i32, i32
  }
  func.func @transform_2(%arg0: i32) -> (i32, i32, i32) {
    %c0_i32 = arith.constant 0 : i32
    %c0_i32_0 = arith.constant 0 : i32
    %c0_i32_1 = arith.constant 0 : i32
    return %arg0, %c0_i32, %c0_i32_0 : i32, i32, i32
  }
  func.func @transform_3(%arg0: i32) -> (i32, i32, i32) {
    %c0_i32 = arith.constant 0 : i32
    %c0_i32_0 = arith.constant 0 : i32
    %c0_i32_1 = arith.constant 0 : i32
    return %arg0, %c0_i32, %c0_i32_0 : i32, i32, i32
  }
  func.func @transform_4(%arg0: i32) -> (i32, i32, i32) {
    %c0_i32 = arith.constant 0 : i32
    %c0_i32_0 = arith.constant 0 : i32
    %c0_i32_1 = arith.constant 0 : i32
    return %arg0, %c0_i32, %c0_i32_0 : i32, i32, i32
  }
}

module attributes {stable_mosaic.version = 14 : i64} {
  func.func @_tc_reg_body(%arg0: i32, %arg1: memref<32x24x128xf32, #tpu.memory_space<vmem>>, %arg2: memref<32x24x128xf32, #tpu.memory_space<vmem>>, %arg3: memref<32x24x128xf32, #tpu.memory_space<vmem>>, %arg4: memref<1x1x128xf32, #tpu.memory_space<vmem>>, %arg5: memref<1x1x128xf32, #tpu.memory_space<vmem>>) attributes {dimension_semantics = [#tpu.dimension_semantics<arbitrary>], iteration_bounds = array<i64: 8>, scalar_prefetch = 0 : i64, scratch_operands = 0 : i64, tpu.core_type = #tpu.core_type<tc>, window_params = [{transform_indices = @transform_0, window_bounds = array<i64: 32, 24, 128>}, {transform_indices = @transform_1, window_bounds = array<i64: 32, 24, 128>}, {transform_indices = @transform_2, window_bounds = array<i64: 32, 24, 128>}, {transform_indices = @transform_3, window_bounds = array<i64: 1, 1, 128>}, {transform_indices = @transform_4, window_bounds = array<i64: 1, 1, 128>}]} {
    %get3A = arith.constant 0 : index
    %get3A_0 = arith.constant 0 : index
    %get3A_1 = arith.constant 0 : index
    %get3A_2 = vector.load %arg3[%get3A, %get3A_0, %get3A_1] : memref<32x24x128xf32, #tpu.memory_space<vmem>>, vector<32x24x128xf32>
    %get3A_3 = arith.constant 0 : index
    %get3A_4 = arith.constant 0 : index
    %get3A_5 = arith.constant 0 : index
    %get3A_6 = vector.load %arg1[%get3A_3, %get3A_4, %get3A_5] : memref<32x24x128xf32, #tpu.memory_space<vmem>>, vector<32x24x128xf32>
    %sub3A = arith.subf %get3A_6, %get3A_2 : vector<32x24x128xf32>
    %abs3A = math.absf %sub3A : vector<32x24x128xf32>
    %reduce_sum3A = vector.shape_cast %abs3A : vector<32x24x128xf32> to vector<1x32x24x128xf32>
    %reduce_sum3A_7 = arith.constant dense<0.000000e+00> : vector<1xf32>
    %reduce_sum3A_8 = vector.multi_reduction <add>, %reduce_sum3A, %reduce_sum3A_7 [1, 2, 3] : vector<1x32x24x128xf32> to vector<1xf32>
    %reduce_sum3A_9 = vector.shape_cast %reduce_sum3A_8 : vector<1xf32> to vector<1x1x1x1xf32>
    %reduce_sum3A_10 = vector.extract %reduce_sum3A_9[0, 0, 0, 0] : f32 from vector<1x1x1x1xf32>
    %broadcast_in_dim3A = vector.broadcast %reduce_sum3A_10 : f32 to vector<1x1x128xf32>
    %swap3A = arith.constant 0 : index
    %swap3A_11 = arith.constant 0 : index
    %swap3A_12 = arith.constant 0 : index
    %swap3A_13 = vector.load %arg4[%swap3A, %swap3A_11, %swap3A_12] : memref<1x1x128xf32, #tpu.memory_space<vmem>>, vector<1x1x128xf32>
    tpu.vector_store %arg4[%swap3A, %swap3A_11, %swap3A_12], %broadcast_in_dim3A {strides = array<i32>} : memref<1x1x128xf32, #tpu.memory_space<vmem>>, vector<1x1x128xf32>,
    %get3A_14 = arith.constant 0 : index
    %get3A_15 = arith.constant 0 : index
    %get3A_16 = arith.constant 0 : index
    %get3A_17 = vector.load %arg2[%get3A_14, %get3A_15, %get3A_16] : memref<32x24x128xf32, #tpu.memory_space<vmem>>, vector<32x24x128xf32>
    %sub3A_18 = arith.subf %get3A_17, %get3A_2 : vector<32x24x128xf32>
    %abs3A_19 = math.absf %sub3A_18 : vector<32x24x128xf32>
    %reduce_sum3A_20 = vector.shape_cast %abs3A_19 : vector<32x24x128xf32> to vector<1x32x24x128xf32>
    %reduce_sum3A_21 = arith.constant dense<0.000000e+00> : vector<1xf32>
    %reduce_sum3A_22 = vector.multi_reduction <add>, %reduce_sum3A_20, %reduce_sum3A_21 [1, 2, 3] : vector<1x32x24x128xf32> to vector<1xf32>
    %reduce_sum3A_23 = vector.shape_cast %reduce_sum3A_22 : vector<1xf32> to vector<1x1x1x1xf32>
    %reduce_sum3A_24 = vector.extract %reduce_sum3A_23[0, 0, 0, 0] : f32 from vector<1x1x1x1xf32>
    %broadcast_in_dim3A_25 = vector.broadcast %reduce_sum3A_24 : f32 to vector<1x1x128xf32>
    %swap3A_26 = arith.constant 0 : index
    %swap3A_27 = arith.constant 0 : index
    %swap3A_28 = arith.constant 0 : index
    %swap3A_29 = vector.load %arg5[%swap3A_26, %swap3A_27, %swap3A_28] : memref<1x1x128xf32, #tpu.memory_space<vmem>>, vector<1x1x128xf32>
    tpu.vector_store %arg5[%swap3A_26, %swap3A_27, %swap3A_28], %broadcast_in_dim3A_25 {strides = array<i32>} : memref<1x1x128xf32, #tpu.memory_space<vmem>>, vector<1x1x128xf32>,
    return
  }
  func.func @transform_0(%arg0: i32) -> (i32, i32, i32) {
    %c0_i32 = arith.constant 0 : i32
    %c0_i32_0 = arith.constant 0 : i32
    %c0_i32_1 = arith.constant 0 : i32
    return %arg0, %c0_i32, %c0_i32_0 : i32, i32, i32
  }
  func.func @transform_1(%arg0: i32) -> (i32, i32, i32) {
    %c0_i32 = arith.constant 0 : i32
    %c0_i32_0 = arith.constant 0 : i32
    %c0_i32_1 = arith.constant 0 : i32
    return %arg0, %c0_i32, %c0_i32_0 : i32, i32, i32
  }
  func.func @transform_2(%arg0: i32) -> (i32, i32, i32) {
    %c0_i32 = arith.constant 0 : i32
    %c0_i32_0 = arith.constant 0 : i32
    %c0_i32_1 = arith.constant 0 : i32
    return %arg0, %c0_i32, %c0_i32_0 : i32, i32, i32
  }
  func.func @transform_3(%arg0: i32) -> (i32, i32, i32) {
    %c0_i32 = arith.constant 0 : i32
    %c0_i32_0 = arith.constant 0 : i32
    %c0_i32_1 = arith.constant 0 : i32
    return %arg0, %c0_i32, %c0_i32_0 : i32, i32, i32
  }
  func.func @transform_4(%arg0: i32) -> (i32, i32, i32) {
    %c0_i32 = arith.constant 0 : i32
    %c0_i32_0 = arith.constant 0 : i32
    %c0_i32_1 = arith.constant 0 : i32
    return %arg0, %c0_i32, %c0_i32_0 : i32, i32, i32
  }
}

module attributes {stable_mosaic.version = 14 : i64} {
  func.func @_tc_focal_body(%arg0: i32, %arg1: memref<20x8x128xf32, #tpu.memory_space<vmem>>, %arg2: memref<20x8x128xf32, #tpu.memory_space<vmem>>, %arg3: memref<8x1x128xi32, #tpu.memory_space<vmem>>, %arg4: memref<1x1x128xf32, #tpu.memory_space<vmem>>, %arg5: memref<1x1x128xf32, #tpu.memory_space<vmem>>) attributes {dimension_semantics = [#tpu.dimension_semantics<arbitrary>], iteration_bounds = array<i64: 32>, scalar_prefetch = 0 : i64, scratch_operands = 0 : i64, tpu.core_type = #tpu.core_type<tc>, window_params = [{transform_indices = @transform_0, window_bounds = array<i64: 20, 8, 128>}, {transform_indices = @transform_1, window_bounds = array<i64: 20, 8, 128>}, {transform_indices = @transform_2, window_bounds = array<i64: 8, 1, 128>}, {transform_indices = @transform_3, window_bounds = array<i64: 1, 1, 128>}, {transform_indices = @transform_4, window_bounds = array<i64: 1, 1, 128>}]} {
    %get3A = arith.constant 0 : index
    %get3A_0 = arith.constant 0 : index
    %get3A_1 = arith.constant 0 : index
    %get3A_2 = vector.load %arg3[%get3A, %get3A_0, %get3A_1] : memref<8x1x128xi32, #tpu.memory_space<vmem>>, vector<8x1x128xi32>
    %get3A_3 = vector.shape_cast %get3A_2 : vector<8x1x128xi32> to vector<8x128xi32>
    %iota3A = tpu.iota {dimensions = array<i32: 0>} : vector<20x8x128xi32>
    %broadcast_in_dim3A = vector.shape_cast %get3A_3 : vector<8x128xi32> to vector<1x8x128xi32>
    %eq3A = vector.broadcast %broadcast_in_dim3A : vector<1x8x128xi32> to vector<20x8x128xi32>
    %eq3A_4 = arith.cmpi eq, %iota3A, %eq3A : vector<20x8x128xi32>
    %convert_element_type3A = arith.extui %eq3A_4 : vector<20x8x128xi1> to vector<20x8x128xi32>
    %convert_element_type3A_5 = arith.sitofp %convert_element_type3A : vector<20x8x128xi32> to vector<20x8x128xf32>
    %get3A_6 = arith.constant 0 : index
    %get3A_7 = arith.constant 0 : index
    %get3A_8 = arith.constant 0 : index
    %get3A_9 = vector.load %arg1[%get3A_6, %get3A_7, %get3A_8] : memref<20x8x128xf32, #tpu.memory_space<vmem>>, vector<20x8x128xf32>
    %abs3A = math.absf %get3A_9 : vector<20x8x128xf32>
    %neg3A = arith.constant 0.000000e+00 : f32
    %neg3A_10 = vector.broadcast %neg3A : f32 to vector<20x8x128xf32>
    %neg3A_11 = arith.subf %neg3A_10, %abs3A : vector<20x8x128xf32>
    %exp3A = math.exp %neg3A_11 : vector<20x8x128xf32>
    %ge3A = arith.constant 0.000000e+00 : f32
    %ge3A_12 = vector.broadcast %ge3A : f32 to vector<20x8x128xf32>
    %ge3A_13 = arith.cmpf oge, %get3A_9, %ge3A_12 : vector<20x8x128xf32>
    %add3A = arith.constant 1.000000e+00 : f32
    %add3A_14 = vector.broadcast %add3A : f32 to vector<20x8x128xf32>
    %add3A_15 = arith.addf %add3A_14, %exp3A : vector<20x8x128xf32>
    %div3A = arith.constant 1.000000e+00 : f32
    %div3A_16 = vector.broadcast %div3A : f32 to vector<20x8x128xf32>
    %div3A_17 = arith.divf %div3A_16, %add3A_15 : vector<20x8x128xf32>
    %add3A_18 = arith.constant 1.000000e+00 : f32
    %add3A_19 = vector.broadcast %add3A_18 : f32 to vector<20x8x128xf32>
    %add3A_20 = arith.addf %add3A_19, %exp3A : vector<20x8x128xf32>
    %div3A_21 = arith.divf %exp3A, %add3A_20 : vector<20x8x128xf32>
    %select_n3A = arith.select %ge3A_13, %div3A_17, %div3A_21 : vector<20x8x128xi1>, vector<20x8x128xf32>
    %sub3A = arith.constant 1.000000e+00 : f32
    %sub3A_22 = vector.broadcast %sub3A : f32 to vector<20x8x128xf32>
    %sub3A_23 = arith.subf %sub3A_22, %select_n3A : vector<20x8x128xf32>
    %mul3A = arith.mulf %sub3A_23, %convert_element_type3A_5 : vector<20x8x128xf32>
    %sub3A_24 = arith.constant 1.000000e+00 : f32
    %sub3A_25 = vector.broadcast %sub3A_24 : f32 to vector<20x8x128xf32>
    %sub3A_26 = arith.subf %sub3A_25, %convert_element_type3A_5 : vector<20x8x128xf32>
    %mul3A_27 = arith.mulf %select_n3A, %sub3A_26 : vector<20x8x128xf32>
    %add3A_28 = arith.addf %mul3A, %mul3A_27 : vector<20x8x128xf32>
    %mul3A_29 = arith.constant 2.500000e-01 : f32
    %mul3A_30 = vector.broadcast %mul3A_29 : f32 to vector<20x8x128xf32>
    %mul3A_31 = arith.mulf %mul3A_30, %convert_element_type3A_5 : vector<20x8x128xf32>
    %sub3A_32 = arith.constant 1.000000e+00 : f32
    %sub3A_33 = vector.broadcast %sub3A_32 : f32 to vector<20x8x128xf32>
    %sub3A_34 = arith.subf %sub3A_33, %convert_element_type3A_5 : vector<20x8x128xf32>
    %mul3A_35 = arith.constant 7.500000e-01 : f32
    %mul3A_36 = vector.broadcast %mul3A_35 : f32 to vector<20x8x128xf32>
    %mul3A_37 = arith.mulf %mul3A_36, %sub3A_34 : vector<20x8x128xf32>
    %add3A_38 = arith.addf %mul3A_31, %mul3A_37 : vector<20x8x128xf32>
    %mul3A_39 = arith.mulf %add3A_38, %add3A_28 : vector<20x8x128xf32>
    %mul3A_40 = arith.mulf %mul3A_39, %add3A_28 : vector<20x8x128xf32>
    %max3A = arith.constant 0.000000e+00 : f32
    %max3A_41 = vector.broadcast %max3A : f32 to vector<20x8x128xf32>
    %max3A_42 = arith.maximumf %get3A_9, %max3A_41 : vector<20x8x128xf32>
    %mul3A_43 = arith.mulf %get3A_9, %convert_element_type3A_5 : vector<20x8x128xf32>
    %sub3A_44 = arith.subf %max3A_42, %mul3A_43 : vector<20x8x128xf32>
    %add3A_45 = arith.constant 1.000000e+00 : f32
    %add3A_46 = vector.broadcast %add3A_45 : f32 to vector<20x8x128xf32>
    %add3A_47 = arith.addf %add3A_46, %exp3A : vector<20x8x128xf32>
    %log3A = math.log %add3A_47 : vector<20x8x128xf32>
    %add3A_48 = arith.addf %sub3A_44, %log3A : vector<20x8x128xf32>
    %mul3A_49 = arith.mulf %add3A_48, %mul3A_40 : vector<20x8x128xf32>
    %reduce_sum3A = vector.shape_cast %mul3A_49 : vector<20x8x128xf32> to vector<1x20x8x128xf32>
    %reduce_sum3A_50 = arith.constant dense<0.000000e+00> : vector<1xf32>
    %reduce_sum3A_51 = vector.multi_reduction <add>, %reduce_sum3A, %reduce_sum3A_50 [1, 2, 3] : vector<1x20x8x128xf32> to vector<1xf32>
    %reduce_sum3A_52 = vector.shape_cast %reduce_sum3A_51 : vector<1xf32> to vector<1x1x1x1xf32>
    %reduce_sum3A_53 = vector.extract %reduce_sum3A_52[0, 0, 0, 0] : f32 from vector<1x1x1x1xf32>
    %broadcast_in_dim3A_54 = vector.broadcast %reduce_sum3A_53 : f32 to vector<1x1x128xf32>
    %swap3A = arith.constant 0 : index
    %swap3A_55 = arith.constant 0 : index
    %swap3A_56 = arith.constant 0 : index
    %swap3A_57 = vector.load %arg4[%swap3A, %swap3A_55, %swap3A_56] : memref<1x1x128xf32, #tpu.memory_space<vmem>>, vector<1x1x128xf32>
    tpu.vector_store %arg4[%swap3A, %swap3A_55, %swap3A_56], %broadcast_in_dim3A_54 {strides = array<i32>} : memref<1x1x128xf32, #tpu.memory_space<vmem>>, vector<1x1x128xf32>,
    %get3A_58 = arith.constant 0 : index
    %get3A_59 = arith.constant 0 : index
    %get3A_60 = arith.constant 0 : index
    %get3A_61 = vector.load %arg2[%get3A_58, %get3A_59, %get3A_60] : memref<20x8x128xf32, #tpu.memory_space<vmem>>, vector<20x8x128xf32>
    %abs3A_62 = math.absf %get3A_61 : vector<20x8x128xf32>
    %neg3A_63 = arith.constant 0.000000e+00 : f32
    %neg3A_64 = vector.broadcast %neg3A_63 : f32 to vector<20x8x128xf32>
    %neg3A_65 = arith.subf %neg3A_64, %abs3A_62 : vector<20x8x128xf32>
    %exp3A_66 = math.exp %neg3A_65 : vector<20x8x128xf32>
    %ge3A_67 = arith.constant 0.000000e+00 : f32
    %ge3A_68 = vector.broadcast %ge3A_67 : f32 to vector<20x8x128xf32>
    %ge3A_69 = arith.cmpf oge, %get3A_61, %ge3A_68 : vector<20x8x128xf32>
    %add3A_70 = arith.constant 1.000000e+00 : f32
    %add3A_71 = vector.broadcast %add3A_70 : f32 to vector<20x8x128xf32>
    %add3A_72 = arith.addf %add3A_71, %exp3A_66 : vector<20x8x128xf32>
    %div3A_73 = arith.constant 1.000000e+00 : f32
    %div3A_74 = vector.broadcast %div3A_73 : f32 to vector<20x8x128xf32>
    %div3A_75 = arith.divf %div3A_74, %add3A_72 : vector<20x8x128xf32>
    %add3A_76 = arith.constant 1.000000e+00 : f32
    %add3A_77 = vector.broadcast %add3A_76 : f32 to vector<20x8x128xf32>
    %add3A_78 = arith.addf %add3A_77, %exp3A_66 : vector<20x8x128xf32>
    %div3A_79 = arith.divf %exp3A_66, %add3A_78 : vector<20x8x128xf32>
    %select_n3A_80 = arith.select %ge3A_69, %div3A_75, %div3A_79 : vector<20x8x128xi1>, vector<20x8x128xf32>
    %sub3A_81 = arith.constant 1.000000e+00 : f32
    %sub3A_82 = vector.broadcast %sub3A_81 : f32 to vector<20x8x128xf32>
    %sub3A_83 = arith.subf %sub3A_82, %select_n3A_80 : vector<20x8x128xf32>
    %mul3A_84 = arith.mulf %sub3A_83, %convert_element_type3A_5 : vector<20x8x128xf32>
    %sub3A_85 = arith.constant 1.000000e+00 : f32
    %sub3A_86 = vector.broadcast %sub3A_85 : f32 to vector<20x8x128xf32>
    %sub3A_87 = arith.subf %sub3A_86, %convert_element_type3A_5 : vector<20x8x128xf32>
    %mul3A_88 = arith.mulf %select_n3A_80, %sub3A_87 : vector<20x8x128xf32>
    %add3A_89 = arith.addf %mul3A_84, %mul3A_88 : vector<20x8x128xf32>
    %mul3A_90 = arith.constant 2.500000e-01 : f32
    %mul3A_91 = vector.broadcast %mul3A_90 : f32 to vector<20x8x128xf32>
    %mul3A_92 = arith.mulf %mul3A_91, %convert_element_type3A_5 : vector<20x8x128xf32>
    %sub3A_93 = arith.constant 1.000000e+00 : f32
    %sub3A_94 = vector.broadcast %sub3A_93 : f32 to vector<20x8x128xf32>
    %sub3A_95 = arith.subf %sub3A_94, %convert_element_type3A_5 : vector<20x8x128xf32>
    %mul3A_96 = arith.constant 7.500000e-01 : f32
    %mul3A_97 = vector.broadcast %mul3A_96 : f32 to vector<20x8x128xf32>
    %mul3A_98 = arith.mulf %mul3A_97, %sub3A_95 : vector<20x8x128xf32>
    %add3A_99 = arith.addf %mul3A_92, %mul3A_98 : vector<20x8x128xf32>
    %mul3A_100 = arith.mulf %add3A_99, %add3A_89 : vector<20x8x128xf32>
    %mul3A_101 = arith.mulf %mul3A_100, %add3A_89 : vector<20x8x128xf32>
    %max3A_102 = arith.constant 0.000000e+00 : f32
    %max3A_103 = vector.broadcast %max3A_102 : f32 to vector<20x8x128xf32>
    %max3A_104 = arith.maximumf %get3A_61, %max3A_103 : vector<20x8x128xf32>
    %mul3A_105 = arith.mulf %get3A_61, %convert_element_type3A_5 : vector<20x8x128xf32>
    %sub3A_106 = arith.subf %max3A_104, %mul3A_105 : vector<20x8x128xf32>
    %add3A_107 = arith.constant 1.000000e+00 : f32
    %add3A_108 = vector.broadcast %add3A_107 : f32 to vector<20x8x128xf32>
    %add3A_109 = arith.addf %add3A_108, %exp3A_66 : vector<20x8x128xf32>
    %log3A_110 = math.log %add3A_109 : vector<20x8x128xf32>
    %add3A_111 = arith.addf %sub3A_106, %log3A_110 : vector<20x8x128xf32>
    %mul3A_112 = arith.mulf %add3A_111, %mul3A_101 : vector<20x8x128xf32>
    %reduce_sum3A_113 = vector.shape_cast %mul3A_112 : vector<20x8x128xf32> to vector<1x20x8x128xf32>
    %reduce_sum3A_114 = arith.constant dense<0.000000e+00> : vector<1xf32>
    %reduce_sum3A_115 = vector.multi_reduction <add>, %reduce_sum3A_113, %reduce_sum3A_114 [1, 2, 3] : vector<1x20x8x128xf32> to vector<1xf32>
    %reduce_sum3A_116 = vector.shape_cast %reduce_sum3A_115 : vector<1xf32> to vector<1x1x1x1xf32>
    %reduce_sum3A_117 = vector.extract %reduce_sum3A_116[0, 0, 0, 0] : f32 from vector<1x1x1x1xf32>
    %broadcast_in_dim3A_118 = vector.broadcast %reduce_sum3A_117 : f32 to vector<1x1x128xf32>
    %swap3A_119 = arith.constant 0 : index
    %swap3A_120 = arith.constant 0 : index
    %swap3A_121 = arith.constant 0 : index
    %swap3A_122 = vector.load %arg5[%swap3A_119, %swap3A_120, %swap3A_121] : memref<1x1x128xf32, #tpu.memory_space<vmem>>, vector<1x1x128xf32>
    tpu.vector_store %arg5[%swap3A_119, %swap3A_120, %swap3A_121], %broadcast_in_dim3A_118 {strides = array<i32>} : memref<1x1x128xf32, #tpu.memory_space<vmem>>, vector<1x1x128xf32>,
    return
  }
  func.func @transform_0(%arg0: i32) -> (i32, i32, i32) {
    %c0_i32 = arith.constant 0 : i32
    %c0_i32_0 = arith.constant 0 : i32
    %c0_i32_1 = arith.constant 0 : i32
    return %c0_i32, %arg0, %c0_i32_0 : i32, i32, i32
  }
  func.func @transform_1(%arg0: i32) -> (i32, i32, i32) {
    %c0_i32 = arith.constant 0 : i32
    %c0_i32_0 = arith.constant 0 : i32
    %c0_i32_1 = arith.constant 0 : i32
    return %c0_i32, %arg0, %c0_i32_0 : i32, i32, i32
  }
  func.func @transform_2(%arg0: i32) -> (i32, i32, i32) {
    %c0_i32 = arith.constant 0 : i32
    %c0_i32_0 = arith.constant 0 : i32
    %c0_i32_1 = arith.constant 0 : i32
    return %arg0, %c0_i32, %c0_i32_0 : i32, i32, i32
  }
  func.func @transform_3(%arg0: i32) -> (i32, i32, i32) {
    %c0_i32 = arith.constant 0 : i32
    %c0_i32_0 = arith.constant 0 : i32
    %c0_i32_1 = arith.constant 0 : i32
    return %arg0, %c0_i32, %c0_i32_0 : i32, i32, i32
  }
  func.func @transform_4(%arg0: i32) -> (i32, i32, i32) {
    %c0_i32 = arith.constant 0 : i32
    %c0_i32_0 = arith.constant 0 : i32
    %c0_i32_1 = arith.constant 0 : i32
    return %arg0, %c0_i32, %c0_i32_0 : i32, i32, i32
  }
}

</mosaic_0001>

<sc_bundles>
// kernel: kernel.6.cloned.1.call-start
scs
__scs_entry_jumppad:
0x0: {  	(pc) =	sbr.rel $0x88, $3  }
0x1: {  	(tag) =	ssettag $0x0;
	lr =	simm.s32 $0x1  }
0x2: {  	[smem:$0x3F9B] =	sst lr;
	_ =	strace $0xD0000000  }
0x3: {  	_ = 	snop  }
0x4: {  	_ = 	snop  }
0x5: {  	_ = 	snop  }
0x6: {  	_ = 	snop  }
0x7: {  	_ = 	snop  }
__scs_overlays_trampoline_lowered:
0x8: {  	[smem:$0x3FAA] =	sst s0  }
0x9: {  	[smem:$0x3FAB] =	sst s1  }
0xa: {  	[smem:$0x3FAC] =	sst s2  }
0xb: {  	[smem:$0x3FAD] =	sst s3  }
0xc: {  	[smem:$0x3FAE] =	sst s4  }
0xd: {  	[smem:$0x3FAF] =	sst s5  }
0xe: {  	[smem:$0x3FB0] =	sst s6  }
0xf: {  	[smem:$0x3FB1] =	sst s7  }
0x10: {  	[smem:$0x3FB2] =	sst s8  }
0x11: {  	[smem:$0x3FB3] =	sst s9;
	s0 =	simm.s32 @!p0 $0x0  }
0x12: {  	s1 =	sld [smem:$0x3F99];
	s0 =	simm.s32 @p0 $0x1  }
0x13: {  	[smem:$0x3FB4] =	sst s0;
	s0 =	simm.s32 @!p1 $0x0  }
0x14: {  	s2 =	sld [smem:$0x3F98];
	s0 =	simm.s32 @p1 $0x1  }
0x15: {  	[smem:$0x3FB5] =	sst s0;
	s0 =	simm.s32 @!p2 $0x0  }
0x16: {  	s3 =	sld [smem:$0x3FDB];
	s0 =	simm.s32 @p2 $0x1  }
0x17: {  	s4 =	simm.s32 $0x1BF5;
	[smem:$0x3FB7] =	sst s0  }
0x18: {  	s0 =	sld [smem:$0x3F9A];
	_ =	swait.ge [sflag:s4], $0x0  }
0x19: {  	s7 =	sld [smem:$0x3F9B]  }
0x1a: {  	s8 =	sadd.s32 $0xFFFFE003, lr  }
0x1b: {  	s9 =	sadd.s32 $0xFFFFFEF7, lr;
	s5 =	simm.s32 $0xFFFFFFFF;
	p2 =	slt.u32 s8, $0xFFFFF086  }
0x1c: {  	p1 =	slt.u32 s9, $0xF7A;
	s5 =	simm.s32 @!p2 $0x0  }
0x1d: {  	s5 =	simm.s32 @p1 $0x1;
	p0 =	seq.s32 s7, s2  }
0x1e: {  	s7 =	smul.u32 @!p0 $0xF7A, s2;
	p2 =	seq.s32 @!p0 s5, $0x0  }
0x1f: {  	s9 =	smul.u32 $0xF7A, s1;
	s8 =	simm.s32 @!p0 $0x1BF5;
	p2 =	por !p2, p0  }
0x20: {  	[sflag:s8] =	ssyncset.s32 @!p0 $0xFFFFF086;
	s6 =	sadd.s32 @!p0 s3, s7;
	s7 =	simm.s32 @!p0 $0x108  }
0x21: {  	s3 =	sadd.s32 s3, s9;
	s6 =	sadd.s32 @!p0 $0x88, s6;
	s7 =	simm.s32 @p2 $0x1082  }
0x22: {  	[simem:s7], [sflag:s8] =	dma.local @!p0 [hbm:s6], $0xF7A  }
0x23: {  	s9 =	sor.u32 $0xD0000000, s2;
	s6 =	simm.s32 $0x108;
	_ =	swait.ge @!p0 [sflag:s8], $0x0  }
0x24: {  	s3 =	sadd.s32 $0x88, s3;
	s6 =	simm.s32 @!p1 $0x1082;
	[sflag:s4] =	ssyncset.s32 $0xFFFFF086  }
0x25: {  	[simem:s6], [sflag:s4] =	dma.local [hbm:s3], $0xF7A  }
0x26: {  	[smem:$0x3F9B] =	sst s1;
	(tag) =	ssettag s2;
	_ =	strace s9  }
0x27: {  	s1 =	sld [smem:$0x3FAB]  }
0x28: {  	s2 =	sld [smem:$0x3FAC]  }
0x29: {  	s4 =	sld [smem:$0x3FAE]  }
0x2a: {  	p0 =	seq.s32 s5, $0x0;
	s5 =	sld [smem:$0x3FAF]  }
0x2b: {  	s6 =	sld [smem:$0x3FB0]  }
0x2c: {  	s7 =	sld [smem:$0x3FB1]  }
0x2d: {  	s3 =	simm.s32 $0x108;
	s8 =	sld [smem:$0x3FB2]  }
0x2e: {  	s3 =	simm.s32 @!p0 $0x1082;
	s9 =	sld [smem:$0x3FB3]  }
0x2f: {  	lr =	sadd.s32 s0, s3;
	s0 =	sld [smem:$0x3FAA]  }
0x30: {  	s3 =	sld [smem:$0x3FAD]  }
0x31: {  	[smem:$0x3FB6] =	sst s10  }
0x32: {  	s10 =	sld [smem:$0x3FB4];
	_ =	sdelay $0x3  }
0x33: {  	p0 =	seq.s32 s10, $0x1;
	s10 =	sld [smem:$0x3FB6];
	_ =	sdelay $0x3  }
0x34: {  	[smem:$0x3FB6] =	sst s10  }
0x35: {  	s10 =	sld [smem:$0x3FB5];
	_ =	sdelay $0x3  }
0x36: {  	p1 =	seq.s32 s10, $0x1;
	s10 =	sld [smem:$0x3FB6];
	_ =	sdelay $0x3  }
0x37: {  	[smem:$0x3FB6] =	sst s10  }
0x38: {  	s10 =	sld [smem:$0x3FB7]  }
0x39: {  	_ = 	snop;
	(pc) =	sbr.ind lr, $3  }
0x3a: {  	_ = 	snop  }
0x3b: {  	_ = 	snop  }
0x3c: {  	p2 =	seq.s32 s10, $0x1;
	s10 =	sld [smem:$0x3FB6]  }
0x3d: {  	_ =	shalt  }
0x3e: {  	_ =	shalt  }
0x3f: {  	_ =	shalt  }
0x40: {  	_ =	shalt  }
0x41: {  	_ =	shalt  }
0x42: {  	_ =	shalt  }
0x43: {  	_ =	shalt  }
0x44: {  	_ =	shalt  }
0x45: {  	_ =	shalt  }
0x46: {  	_ =	shalt  }
0x47: {  	_ =	shalt  }
0x48: {  	_ =	shalt  }
0x49: {  	_ =	shalt  }
0x4a: {  	_ =	shalt  }
0x4b: {  	_ =	shalt  }
0x4c: {  	_ =	shalt  }
0x4d: {  	_ =	shalt  }
0x4e: {  	_ =	shalt  }
0x4f: {  	_ =	shalt  }
0x50: {  	_ =	shalt  }
0x51: {  	_ =	shalt  }
0x52: {  	_ =	shalt  }
0x53: {  	_ =	shalt  }
0x54: {  	_ =	shalt  }
0x55: {  	_ =	shalt  }
0x56: {  	_ =	shalt  }
0x57: {  	_ =	shalt  }
0x58: {  	_ =	shalt  }
0x59: {  	_ =	shalt  }
0x5a: {  	_ =	shalt  }
0x5b: {  	_ =	shalt  }
0x5c: {  	_ =	shalt  }
0x5d: {  	_ =	shalt  }
0x5e: {  	_ =	shalt  }
0x5f: {  	_ =	shalt  }
0x60: {  	_ =	shalt  }
0x61: {  	_ =	shalt  }
0x62: {  	_ =	shalt  }
0x63: {  	_ =	shalt  }
0x64: {  	_ =	shalt  }
0x65: {  	_ =	shalt  }
0x66: {  	_ =	shalt  }
0x67: {  	_ =	shalt  }
0x68: {  	_ =	shalt  }
0x69: {  	_ =	shalt  }
0x6a: {  	_ =	shalt  }
0x6b: {  	_ =	shalt  }
0x6c: {  	_ =	shalt  }
0x6d: {  	_ =	shalt  }
0x6e: {  	_ =	shalt  }
0x6f: {  	_ =	shalt  }
0x70: {  	_ =	shalt  }
0x71: {  	_ =	shalt  }
0x72: {  	_ =	shalt  }
0x73: {  	_ =	shalt  }
0x74: {  	_ =	shalt  }
0x75: {  	_ =	shalt  }
0x76: {  	_ =	shalt  }
0x77: {  	_ =	shalt  }
0x78: {  	_ =	shalt  }
0x79: {  	_ =	shalt  }
0x7a: {  	_ =	shalt  }
0x7b: {  	_ =	shalt  }
0x7c: {  	_ =	shalt  }
0x7d: {  	_ =	shalt  }
0x7e: {  	_ =	shalt  }
0x7f: {  	_ =	shalt  }
0x80: {  	_ =	shalt  }
0x81: {  	_ =	shalt  }
0x82: {  	_ =	shalt  }
0x83: {  	_ =	shalt  }
0x84: {  	_ =	shalt  }
0x85: {  	_ =	shalt  }
0x86: {  	_ =	shalt  }
0x87: {  	_ =	shalt  }
.Lfunc_end0:
.L_simem_size_0:
called_computation_lowered:
.L_overlay_start_0:
0x88: {  	s2 =	sld [smem:$0x3FD9]  }
0x89: {  	s3 =	sld [smem:$0x3FFE];
	_ =	sdelay $0x1  }
0x8a: {  	s1 =	srdreg.scid  }
0x8b: {  	s0 =	sand.u32 $0x1, s1  }
0x8c: {  	s17 =	sshll.u32 s0, $0xA;
	s2 =	sadd.s32 s3, s2  }
0x8d: {  	s2 =	sadd.s32 s2, s17  }
0x8e: {  	[smem:$0x3FC2] =	sst s2  }
0x8f: {  	_ = 	snop  }
0x90: {  	s2 =	sld [smem:$0x3FC9]  }
0x91: {  	s18 =	sld [smem:$0x3FC7];
	(tm) =	ssettm $0x1  }
0x92: {  	s4 =	sld [smem:$0x3FFB];
	_ =	sdelay $0x3  }
0x93: {  	_ =	strace s4  }
0x94: {  	s4 =	sld [smem:$0x3FFC];
	_ =	sdelay $0x3  }
0x95: {  	_ =	strace s4  }
0x96: {  	s4 =	sld [smem:$0x3FFD];
	_ =	sdelay $0x3  }
0x97: {  	_ =	strace s4  }
0x98: {  	_ =	strace $0x8FFFFFFF  }
0x99: {  	s19 =	sld [smem:$0x3FDB];
	_ =	sdelay $0x1  }
0x9a: {  	s5 =	simm.s32 $_scs_section_size  }
0x9b: {  	s6 =	simm.s32 $_size__tile_overlayer_lowered;
	s7 =	simm.s32 $_tile_overlayer_lowered  }
0x9c: {  	s22 =	simm.s32 $0x1BFF;
	s21 =	sshll.u32 s7, $0x1;
	s4 =	sadd.s32 s5, s19  }
0x9d: {  	s8 =	simm.s32 $0x0;
	s20 =	sshll.u32 s6, $0x1;
	s6 =	sadd.s32 s21, s4  }
0x9e: {  	[timem:s8], [sflag:s22] =	dma.local [hbm:s6], s20  }
0x9f: {  	_ =	swait.ge [sflag:s22], s20  }
0xa0: {  	s5 =	ssub.s32 $0x0, s20;
	[sflag:s22] =	ssyncset.done $0x0  }
0xa1: {  	[sflag:s22] =	ssyncadd.s32 s5;
	_ =	sdelay $0x1  }
0xa2: {  	s23 =	simm.s32 $0x1B8B  }
0xa3: {  	_ =	swait.ge [sflag:s23], $0x1  }
0xa4: {  	[sflag:s23] =	ssyncset.done $0x0  }
0xa5: {  	s25 =	simm.s32 $0x1B8E;
	s24 =	sld [smem:$0x3FFE];
	[sflag:s23] =	ssyncadd.s32 $0xFFFFFFFF  }
0xa6: {  	s26 =	simm.s32 $execute0_lowered;
	[smem:$0x3FD2] =	sst s25  }
0xa7: {  	s6 =	sshll.u32 s26, $0x1;
	_ =	strace $0x80000046;
	[dreg:$0x1] =	wrdreg $0xFFFFFFFF  }
0xa8: {  	s28 =	simm.s32 $_size_execute0_lowered;
	s4 =	sadd.s32 s4, s6;
	[dreg:$0x0] =	wrdreg $0x0  }
0xa9: {  	s6 =	sshll.u32 s28, $0x1;
	[dreg:$0x2] =	wrdreg s4  }
0xaa: {  	[dreg:$0x3] =	wrdreg s6  }
0xab: {  	[dreg:$0x4] =	wrdreg $0xC0  }
0xac: {  	_ =	task [dreg:s8], $0x5FFFF  }
0xad: {  	[dreg:$0x1] =	wrdreg $0xFFFFFFFF  }
0xae: {  	[dreg:$0x0] =	wrdreg $0x60  }
0xaf: {  	[dreg:$0x2] =	wrdreg s24  }
0xb0: {  	[dreg:$0x3] =	wrdreg s2  }
0xb1: {  	[dreg:$0x4] =	wrdreg s18  }
0xb2: {  	[dreg:$0x5] =	wrdreg $0x9  }
0xb3: {  	_ =	task.clear_ibuf [dreg:s8], $0x6FFFF;
	_ =	strace $0x90000046  }
0xb4: {  	s29 =	simm.s32 $0x9;
	_ =	strace $0x80000048  }
0xb5: {  	_ =	swait.ge [sflag:s29], $0x1  }
0xb6: {  	[sflag:s29] =	ssyncadd.s32 $0xFFFFFFFF  }
0xb7: {  	_ =	strace $0x90000048  }
0xb8: {  	_ =	sfence  }
0xb9: {  	s30 =	sld [smem:$0x0];
	_ =	sdelay $0x2  }
0xba: {  	s31 =	sshll.u32 s1, $0xD;
	s1 =	sshrl.u32 s1, $0x2  }
0xbb: {  	s3 =	sand.u32 $0x4000, s31;
	s1 =	sadd.s32 s1, s30  }
0xbc: {  	s0 =	sor.u32 s3, s0;
	s1 =	sshll.u32 s1, $0x11  }
0xbd: {  	s0 =	sor.u32 s1, s0  }
0xbe: {  	s0 =	sadd.s32 $0x8F2B, s0  }
0xbf: {  	[sflag:s0] =	ssyncadd.remote.s32 $0x1  }
0xc0: {  	_ =	sfence.sel $0xFFFF  }
0xc1: {  	[dreg:$0x0] =	wrdreg $0xFFFFFFFF;
	(pc) =	sbr.abs _section_cstart, $3  }
0xc2: {  	[dreg:$0x1] =	wrdreg $0xFFFFFFFF  }
0xc3: {  	_ =	task.clear_ibuf [dreg:s8], $0x2FFFF;
	_ =	strace $0x9FFFFFFF  }
0xc4: {  	(tm) =	ssettm $0x7FFFFFFF  }
0xc5: {  	_ =	shalt  }
tec
execute0_lowered:
.L_overlay_start_1:
0x0: {  	(tag) =	ssettag $0x1  }
0x1: {  	s0 =	srdreg.scid;
	s2 =	stileid.u32  }
0x2: {  	s1 =	rddreg [dreg:$0x0];
	s9 =	simm.s32 $0x3;
	s10 =	simm.s32 $0x80  }
0x3: {  	s6 =	simm.s32 $0x6000;
	s7 =	simm.s32 $0xC000;
	s31 =	simm.s32 $0x380  }
0x4: {  	s13 =	simm.s32 $0x400;
	s17 =	simm.s32 $0x480;
	s22 =	simm.s32 $0x500  }
0x5: {  	s16 =	simm.s32 $0x680;
	s23 =	simm.s32 $0x700;
	s30 =	simm.s32 $0x780  }
0x6: {  	s19 =	simm.s32 $0x800;
	s29 =	simm.s32 $0x880;
	s20 =	simm.s32 $0x900  }
0x7: {  	s14 =	simm.s32 $0x980;
	s11 =	simm.s32 $0xB00;
	s12 =	simm.s32 $0xB80  }
0x8: {  	s15 =	simm.s32 $0x1;
	s0 =	sand.u32 $0x1, s0;
	s3 =	sshll.u32 s2, $0x1  }
0x9: {  	s18 =	simm.s32 $0x2;
	s21 =	simm.s32 $0x0;
	s4 =	sor.u32 s0, s3  }
0xa: {  	s2 =	rddreg [dreg:$0x1];
	s0 =	ssub.s32 $0x2, s0;
	s5 =	smul.u32 $0xC00, s4  }
0xb: {  	s3 =	rddreg [dreg:$0x2];
	s4 =	simm.s32 $0x0;
	s25 =	sshrl.u32 s0, $0x1  }
0xc: {  	[smem:$0x7FF] =	sst s4;
	s0 =	ssub.s32 s0, s25;
	s1 =	sadd.s32 s5, s1  }
0xd: {  	s25 =	simm.s32 $0xA00;
	_ =	strace $0x80000047;
	s26 =	sadd.s32 $0x800, s1  }
0xe: {  	s8 =	smax.u32 s0, $0x1;
	s28 =	sadd.s32 $0x18800, s1;
	[dreg:$0x4] =	wrdreg s26  }
0xf: {  	s0 =	simm.s32 $0xA80;
	s1 =	sadd.s32 $0x30800, s1;
	[dreg:$0x5] =	wrdreg s28  }
0x10: {  	[dreg:$0x6] =	wrdreg s1;
	s26 =	simm.s32 $0x580;
	s1 =	simm.s32 $0x600  }
.LBB2_1:
0x11: {  	s5 =	rddreg [dreg:$0x4]  }
0x12: {  	[tilespmem:s4], [sflag:$0x3] =	stream.linear.gather [hbm4b:s5+s4], $0x6000, $0x38;
	[tilespmem:$0x12000] =	vst v63  }
0x13: {  	_ =	swait.ge [sflag:s9], $0x6000  }
0x14: {  	[sflag:s9] =	ssyncset.done $0x0  }
0x15: {  	[sflag:s9] =	ssyncadd.s32 $0xFFFFA000  }
0x16: {  	[tilespmem:s6], [sflag:$0x1] =	stream.indirect.gather [hbm4b:s2+s10], $0x1, s4, s10, $0xb8;
	[tilespmem:$0x12000] =	vst v63  }
0x17: {  	_ = 	snop  }
0x18: {  	[tilespmem:s7], [sflag:$0x2] =	stream.indirect.gather [hbm4b:s3+s10], $0x1, s4, s10, $0xb8;
	[tilespmem:$0x12000] =	vst v63  }
0x19: {  	s7 =	simm.s32 $0x6080  }
0x1a: {  	[tilespmem:s7], [sflag:$0x1] =	stream.indirect.gather [hbm4b:s2+s10], $0x1, s10, s10, $0xb8;
	[tilespmem:$0x12000] =	vst v63  }
0x1b: {  	s24 =	simm.s32 $0xC080  }
0x1c: {  	[tilespmem:s24], [sflag:$0x2] =	stream.indirect.gather [hbm4b:s3+s10], $0x1, s10, s10, $0xb8;
	[tilespmem:$0x12000] =	vst v63  }
0x1d: {  	s28 =	simm.s32 $0x100;
	s7 =	simm.s32 $0x6100  }
0x1e: {  	[tilespmem:s7], [sflag:$0x1] =	stream.indirect.gather [hbm4b:s2+s10], $0x1, s28, s10, $0xb8;
	[tilespmem:$0x12000] =	vst v63  }
0x1f: {  	s24 =	simm.s32 $0xC100  }
0x20: {  	[tilespmem:s24], [sflag:$0x2] =	stream.indirect.gather [hbm4b:s3+s10], $0x1, s28, s10, $0xb8;
	[tilespmem:$0x12000] =	vst v63  }
0x21: {  	s7 =	simm.s32 $0x6180;
	s28 =	simm.s32 $0x180  }
0x22: {  	[tilespmem:s7], [sflag:$0x1] =	stream.indirect.gather [hbm4b:s2+s10], $0x1, s28, s10, $0xb8;
	[tilespmem:$0x12000] =	vst v63  }
0x23: {  	s24 =	simm.s32 $0xC180  }
0x24: {  	[tilespmem:s24], [sflag:$0x2] =	stream.indirect.gather [hbm4b:s3+s10], $0x1, s28, s10, $0xb8;
	[tilespmem:$0x12000] =	vst v63  }
0x25: {  	s7 =	simm.s32 $0x6200;
	s28 =	simm.s32 $0x200  }
0x26: {  	[tilespmem:s7], [sflag:$0x1] =	stream.indirect.gather [hbm4b:s2+s10], $0x1, s28, s10, $0xb8;
	[tilespmem:$0x12000] =	vst v63  }
0x27: {  	s24 =	simm.s32 $0xC200  }
0x28: {  	[tilespmem:s24], [sflag:$0x2] =	stream.indirect.gather [hbm4b:s3+s10], $0x1, s28, s10, $0xb8;
	[tilespmem:$0x12000] =	vst v63  }
0x29: {  	s7 =	simm.s32 $0x6280;
	s28 =	simm.s32 $0x280  }
0x2a: {  	[tilespmem:s7], [sflag:$0x1] =	stream.indirect.gather [hbm4b:s2+s10], $0x1, s28, s10, $0xb8;
	[tilespmem:$0x12000] =	vst v63  }
0x2b: {  	s24 =	simm.s32 $0xC280  }
0x2c: {  	[tilespmem:s24], [sflag:$0x2] =	stream.indirect.gather [hbm4b:s3+s10], $0x1, s28, s10, $0xb8;
	[tilespmem:$0x12000] =	vst v63  }
0x2d: {  	s7 =	simm.s32 $0x6300;
	s28 =	simm.s32 $0x300  }
0x2e: {  	[tilespmem:s7], [sflag:$0x1] =	stream.indirect.gather [hbm4b:s2+s10], $0x1, s28, s10, $0xb8;
	[tilespmem:$0x12000] =	vst v63  }
0x2f: {  	s24 =	simm.s32 $0xC300  }
0x30: {  	[tilespmem:s24], [sflag:$0x2] =	stream.indirect.gather [hbm4b:s3+s10], $0x1, s28, s10, $0xb8;
	[tilespmem:$0x12000] =	vst v63  }
0x31: {  	s28 =	simm.s32 $0x6380  }
0x32: {  	[tilespmem:s28], [sflag:$0x1] =	stream.indirect.gather [hbm4b:s2+s10], $0x1, s31, s10, $0xb8;
	[tilespmem:$0x12000] =	vst v63  }
0x33: {  	s6 =	simm.s32 $0xC380  }
0x34: {  	[tilespmem:s6], [sflag:$0x2] =	stream.indirect.gather [hbm4b:s3+s10], $0x1, s31, s10, $0xb8;
	[tilespmem:$0x12000] =	vst v63  }
0x35: {  	s7 =	simm.s32 $0x6400  }
0x36: {  	[tilespmem:s7], [sflag:$0x1] =	stream.indirect.gather [hbm4b:s2+s10], $0x1, s13, s10, $0xb8;
	[tilespmem:$0x12000] =	vst v63  }
0x37: {  	s24 =	simm.s32 $0xC400  }
0x38: {  	[tilespmem:s24], [sflag:$0x2] =	stream.indirect.gather [hbm4b:s3+s10], $0x1, s13, s10, $0xb8;
	[tilespmem:$0x12000] =	vst v63  }
0x39: {  	s28 =	simm.s32 $0x6480  }
0x3a: {  	[tilespmem:s28], [sflag:$0x1] =	stream.indirect.gather [hbm4b:s2+s10], $0x1, s17, s10, $0xb8;
	[tilespmem:$0x12000] =	vst v63  }
0x3b: {  	s6 =	simm.s32 $0xC480  }
0x3c: {  	[tilespmem:s6], [sflag:$0x2] =	stream.indirect.gather [hbm4b:s3+s10], $0x1, s17, s10, $0xb8;
	[tilespmem:$0x12000] =	vst v63  }
0x3d: {  	s7 =	simm.s32 $0x6500  }
0x3e: {  	[tilespmem:s7], [sflag:$0x1] =	stream.indirect.gather [hbm4b:s2+s10], $0x1, s22, s10, $0xb8;
	[tilespmem:$0x12000] =	vst v63  }
0x3f: {  	s24 =	simm.s32 $0xC500  }
0x40: {  	[tilespmem:s24], [sflag:$0x2] =	stream.indirect.gather [hbm4b:s3+s10], $0x1, s22, s10, $0xb8;
	[tilespmem:$0x12000] =	vst v63  }
0x41: {  	s28 =	simm.s32 $0x6580  }
0x42: {  	[tilespmem:s28], [sflag:$0x1] =	stream.indirect.gather [hbm4b:s2+s10], $0x1, s26, s10, $0xb8;
	[tilespmem:$0x12000] =	vst v63  }
0x43: {  	s6 =	simm.s32 $0xC580  }
0x44: {  	[tilespmem:s6], [sflag:$0x2] =	stream.indirect.gather [hbm4b:s3+s10], $0x1, s26, s10, $0xb8;
	[tilespmem:$0x12000] =	vst v63  }
0x45: {  	s7 =	simm.s32 $0x6600  }
0x46: {  	[tilespmem:s7], [sflag:$0x1] =	stream.indirect.gather [hbm4b:s2+s10], $0x1, s1, s10, $0xb8;
	[tilespmem:$0x12000] =	vst v63  }
0x47: {  	s24 =	simm.s32 $0xC600  }
0x48: {  	[tilespmem:s24], [sflag:$0x2] =	stream.indirect.gather [hbm4b:s3+s10], $0x1, s1, s10, $0xb8;
	[tilespmem:$0x12000] =	vst v63  }
0x49: {  	s28 =	simm.s32 $0x6680  }
0x4a: {  	[tilespmem:s28], [sflag:$0x1] =	stream.indirect.gather [hbm4b:s2+s10], $0x1, s16, s10, $0xb8;
	[tilespmem:$0x12000] =	vst v63  }
0x4b: {  	s6 =	simm.s32 $0xC680  }
0x4c: {  	[tilespmem:s6], [sflag:$0x2] =	stream.indirect.gather [hbm4b:s3+s10], $0x1, s16, s10, $0xb8;
	[tilespmem:$0x12000] =	vst v63  }
0x4d: {  	s7 =	simm.s32 $0x6700  }
0x4e: {  	[tilespmem:s7], [sflag:$0x1] =	stream.indirect.gather [hbm4b:s2+s10], $0x1, s23, s10, $0xb8;
	[tilespmem:$0x12000] =	vst v63  }
0x4f: {  	s24 =	simm.s32 $0xC700  }
0x50: {  	[tilespmem:s24], [sflag:$0x2] =	stream.indirect.gather [hbm4b:s3+s10], $0x1, s23, s10, $0xb8;
	[tilespmem:$0x12000] =	vst v63  }
0x51: {  	s28 =	simm.s32 $0x6780  }
0x52: {  	[tilespmem:s28], [sflag:$0x1] =	stream.indirect.gather [hbm4b:s2+s10], $0x1, s30, s10, $0xb8;
	[tilespmem:$0x12000] =	vst v63  }
0x53: {  	s6 =	simm.s32 $0xC780  }
0x54: {  	[tilespmem:s6], [sflag:$0x2] =	stream.indirect.gather [hbm4b:s3+s10], $0x1, s30, s10, $0xb8;
	[tilespmem:$0x12000] =	vst v63  }
0x55: {  	s7 =	simm.s32 $0x6800  }
0x56: {  	[tilespmem:s7], [sflag:$0x1] =	stream.indirect.gather [hbm4b:s2+s10], $0x1, s19, s10, $0xb8;
	[tilespmem:$0x12000] =	vst v63  }
0x57: {  	s24 =	simm.s32 $0xC800  }
0x58: {  	[tilespmem:s24], [sflag:$0x2] =	stream.indirect.gather [hbm4b:s3+s10], $0x1, s19, s10, $0xb8;
	[tilespmem:$0x12000] =	vst v63  }
0x59: {  	s28 =	simm.s32 $0x6880  }
0x5a: {  	[tilespmem:s28], [sflag:$0x1] =	stream.indirect.gather [hbm4b:s2+s10], $0x1, s29, s10, $0xb8;
	[tilespmem:$0x12000] =	vst v63  }
0x5b: {  	s6 =	simm.s32 $0xC880  }
0x5c: {  	[tilespmem:s6], [sflag:$0x2] =	stream.indirect.gather [hbm4b:s3+s10], $0x1, s29, s10, $0xb8;
	[tilespmem:$0x12000] =	vst v63  }
0x5d: {  	s7 =	simm.s32 $0x6900  }
0x5e: {  	[tilespmem:s7], [sflag:$0x1] =	stream.indirect.gather [hbm4b:s2+s10], $0x1, s20, s10, $0xb8;
	[tilespmem:$0x12000] =	vst v63  }
0x5f: {  	s24 =	simm.s32 $0xC900  }
0x60: {  	[tilespmem:s24], [sflag:$0x2] =	stream.indirect.gather [hbm4b:s3+s10], $0x1, s20, s10, $0xb8;
	[tilespmem:$0x12000] =	vst v63  }
0x61: {  	s28 =	simm.s32 $0x6980  }
0x62: {  	[tilespmem:s28], [sflag:$0x1] =	stream.indirect.gather [hbm4b:s2+s10], $0x1, s14, s10, $0xb8;
	[tilespmem:$0x12000] =	vst v63  }
0x63: {  	s6 =	simm.s32 $0xC980  }
0x64: {  	[tilespmem:s6], [sflag:$0x2] =	stream.indirect.gather [hbm4b:s3+s10], $0x1, s14, s10, $0xb8;
	[tilespmem:$0x12000] =	vst v63  }
0x65: {  	s7 =	simm.s32 $0x6A00  }
0x66: {  	[tilespmem:s7], [sflag:$0x1] =	stream.indirect.gather [hbm4b:s2+s10], $0x1, s25, s10, $0xb8;
	[tilespmem:$0x12000] =	vst v63  }
0x67: {  	s24 =	simm.s32 $0xCA00  }
0x68: {  	[tilespmem:s24], [sflag:$0x2] =	stream.indirect.gather [hbm4b:s3+s10], $0x1, s25, s10, $0xb8;
	[tilespmem:$0x12000] =	vst v63  }
0x69: {  	s28 =	simm.s32 $0x6A80  }
0x6a: {  	[tilespmem:s28], [sflag:$0x1] =	stream.indirect.gather [hbm4b:s2+s10], $0x1, s0, s10, $0xb8;
	[tilespmem:$0x12000] =	vst v63  }
0x6b: {  	s6 =	simm.s32 $0xCA80  }
0x6c: {  	[tilespmem:s6], [sflag:$0x2] =	stream.indirect.gather [hbm4b:s3+s10], $0x1, s0, s10, $0xb8;
	[tilespmem:$0x12000] =	vst v63  }
0x6d: {  	s7 =	simm.s32 $0x6B00  }
0x6e: {  	[tilespmem:s7], [sflag:$0x1] =	stream.indirect.gather [hbm4b:s2+s10], $0x1, s11, s10, $0xb8;
	[tilespmem:$0x12000] =	vst v63  }
0x6f: {  	s24 =	simm.s32 $0xCB00  }
0x70: {  	[tilespmem:s24], [sflag:$0x2] =	stream.indirect.gather [hbm4b:s3+s10], $0x1, s11, s10, $0xb8;
	[tilespmem:$0x12000] =	vst v63  }
0x71: {  	s28 =	simm.s32 $0x6B80  }
0x72: {  	[tilespmem:s28], [sflag:$0x1] =	stream.indirect.gather [hbm4b:s2+s10], $0x1, s12, s10, $0xb8;
	[tilespmem:$0x12000] =	vst v63  }
0x73: {  	s6 =	simm.s32 $0xCB80  }
0x74: {  	[tilespmem:s6], [sflag:$0x2] =	stream.indirect.gather [hbm4b:s3+s10], $0x1, s12, s10, $0xb8;
	[tilespmem:$0x12000] =	vst v63  }
0x75: {  	s7 =	simm.s32 $0x6C00;
	s24 =	simm.s32 $0xC00  }
0x76: {  	[tilespmem:s7], [sflag:$0x1] =	stream.indirect.gather [hbm4b:s2+s10], $0x1, s24, s10, $0xb8;
	[tilespmem:$0x12000] =	vst v63  }
0x77: {  	s28 =	simm.s32 $0xCC00  }
0x78: {  	[tilespmem:s28], [sflag:$0x2] =	stream.indirect.gather [hbm4b:s3+s10], $0x1, s24, s10, $0xb8;
	[tilespmem:$0x12000] =	vst v63  }
0x79: {  	s7 =	simm.s32 $0x6C80;
	s24 =	simm.s32 $0xC80  }
0x7a: {  	[tilespmem:s7], [sflag:$0x1] =	stream.indirect.gather [hbm4b:s2+s10], $0x1, s24, s10, $0xb8;
	[tilespmem:$0x12000] =	vst v63  }
0x7b: {  	s28 =	simm.s32 $0xCC80  }
0x7c: {  	[tilespmem:s28], [sflag:$0x2] =	stream.indirect.gather [hbm4b:s3+s10], $0x1, s24, s10, $0xb8;
	[tilespmem:$0x12000] =	vst v63  }
0x7d: {  	s7 =	simm.s32 $0x6D00;
	s24 =	simm.s32 $0xD00  }
0x7e: {  	[tilespmem:s7], [sflag:$0x1] =	stream.indirect.gather [hbm4b:s2+s10], $0x1, s24, s10, $0xb8;
	[tilespmem:$0x12000] =	vst v63  }
0x7f: {  	s28 =	simm.s32 $0xCD00  }
0x80: {  	[tilespmem:s28], [sflag:$0x2] =	stream.indirect.gather [hbm4b:s3+s10], $0x1, s24, s10, $0xb8;
	[tilespmem:$0x12000] =	vst v63  }
0x81: {  	s7 =	simm.s32 $0x6D80;
	s24 =	simm.s32 $0xD80  }
0x82: {  	[tilespmem:s7], [sflag:$0x1] =	stream.indirect.gather [hbm4b:s2+s10], $0x1, s24, s10, $0xb8;
	[tilespmem:$0x12000] =	vst v63  }
0x83: {  	s28 =	simm.s32 $0xCD80  }
0x84: {  	[tilespmem:s28], [sflag:$0x2] =	stream.indirect.gather [hbm4b:s3+s10], $0x1, s24, s10, $0xb8;
	[tilespmem:$0x12000] =	vst v63  }
0x85: {  	s7 =	simm.s32 $0x6E00;
	s24 =	simm.s32 $0xE00  }
0x86: {  	[tilespmem:s7], [sflag:$0x1] =	stream.indirect.gather [hbm4b:s2+s10], $0x1, s24, s10, $0xb8;
	[tilespmem:$0x12000] =	vst v63  }
0x87: {  	s28 =	simm.s32 $0xCE00  }
0x88: {  	[tilespmem:s28], [sflag:$0x2] =	stream.indirect.gather [hbm4b:s3+s10], $0x1, s24, s10, $0xb8;
	[tilespmem:$0x12000] =	vst v63  }
0x89: {  	s7 =	simm.s32 $0x6E80;
	s24 =	simm.s32 $0xE80  }
0x8a: {  	[tilespmem:s7], [sflag:$0x1] =	stream.indirect.gather [hbm4b:s2+s10], $0x1, s24, s10, $0xb8;
	[tilespmem:$0x12000] =	vst v63  }
0x8b: {  	s28 =	simm.s32 $0xCE80  }
0x8c: {  	[tilespmem:s28], [sflag:$0x2] =	stream.indirect.gather [hbm4b:s3+s10], $0x1, s24, s10, $0xb8;
	[tilespmem:$0x12000] =	vst v63  }
0x8d: {  	s7 =	simm.s32 $0x6F00;
	s24 =	simm.s32 $0xF00  }
0x8e: {  	[tilespmem:s7], [sflag:$0x1] =	stream.indirect.gather [hbm4b:s2+s10], $0x1, s24, s10, $0xb8;
	[tilespmem:$0x12000] =	vst v63  }
0x8f: {  	s28 =	simm.s32 $0xCF00  }
0x90: {  	[tilespmem:s28], [sflag:$0x2] =	stream.indirect.gather [hbm4b:s3+s10], $0x1, s24, s10, $0xb8;
	[tilespmem:$0x12000] =	vst v63  }
0x91: {  	s7 =	simm.s32 $0x6F80;
	s24 =	simm.s32 $0xF80  }
0x92: {  	[tilespmem:s7], [sflag:$0x1] =	stream.indirect.gather [hbm4b:s2+s10], $0x1, s24, s10, $0xb8;
	[tilespmem:$0x12000] =	vst v63  }
0x93: {  	s28 =	simm.s32 $0xCF80  }
0x94: {  	[tilespmem:s28], [sflag:$0x2] =	stream.indirect.gather [hbm4b:s3+s10], $0x1, s24, s10, $0xb8;
	[tilespmem:$0x12000] =	vst v63  }
0x95: {  	s7 =	simm.s32 $0x7000;
	s24 =	simm.s32 $0x1000  }
0x96: {  	[tilespmem:s7], [sflag:$0x1] =	stream.indirect.gather [hbm4b:s2+s10], $0x1, s24, s10, $0xb8;
	[tilespmem:$0x12000] =	vst v63  }
0x97: {  	s28 =	simm.s32 $0xD000  }
0x98: {  	[tilespmem:s28], [sflag:$0x2] =	stream.indirect.gather [hbm4b:s3+s10], $0x1, s24, s10, $0xb8;
	[tilespmem:$0x12000] =	vst v63  }
0x99: {  	s7 =	simm.s32 $0x7080;
	s24 =	simm.s32 $0x1080  }
0x9a: {  	[tilespmem:s7], [sflag:$0x1] =	stream.indirect.gather [hbm4b:s2+s10], $0x1, s24, s10, $0xb8;
	[tilespmem:$0x12000] =	vst v63  }
0x9b: {  	s28 =	simm.s32 $0xD080  }
0x9c: {  	[tilespmem:s28], [sflag:$0x2] =	stream.indirect.gather [hbm4b:s3+s10], $0x1, s24, s10, $0xb8;
	[tilespmem:$0x12000] =	vst v63  }
0x9d: {  	s7 =	simm.s32 $0x7100;
	s24 =	simm.s32 $0x1100  }
0x9e: {  	[tilespmem:s7], [sflag:$0x1] =	stream.indirect.gather [hbm4b:s2+s10], $0x1, s24, s10, $0xb8;
	[tilespmem:$0x12000] =	vst v63  }
0x9f: {  	s28 =	simm.s32 $0xD100  }
0xa0: {  	[tilespmem:s28], [sflag:$0x2] =	stream.indirect.gather [hbm4b:s3+s10], $0x1, s24, s10, $0xb8;
	[tilespmem:$0x12000] =	vst v63  }
0xa1: {  	s7 =	simm.s32 $0x7180;
	s24 =	simm.s32 $0x1180  }
0xa2: {  	[tilespmem:s7], [sflag:$0x1] =	stream.indirect.gather [hbm4b:s2+s10], $0x1, s24, s10, $0xb8;
	[tilespmem:$0x12000] =	vst v63  }
0xa3: {  	s28 =	simm.s32 $0xD180  }
0xa4: {  	[tilespmem:s28], [sflag:$0x2] =	stream.indirect.gather [hbm4b:s3+s10], $0x1, s24, s10, $0xb8;
	[tilespmem:$0x12000] =	vst v63  }
0xa5: {  	s7 =	simm.s32 $0x7200;
	s24 =	simm.s32 $0x1200  }
0xa6: {  	[tilespmem:s7], [sflag:$0x1] =	stream.indirect.gather [hbm4b:s2+s10], $0x1, s24, s10, $0xb8;
	[tilespmem:$0x12000] =	vst v63  }
0xa7: {  	s28 =	simm.s32 $0xD200  }
0xa8: {  	[tilespmem:s28], [sflag:$0x2] =	stream.indirect.gather [hbm4b:s3+s10], $0x1, s24, s10, $0xb8;
	[tilespmem:$0x12000] =	vst v63  }
0xa9: {  	s7 =	simm.s32 $0x7280;
	s24 =	simm.s32 $0x1280  }
0xaa: {  	[tilespmem:s7], [sflag:$0x1] =	stream.indirect.gather [hbm4b:s2+s10], $0x1, s24, s10, $0xb8;
	[tilespmem:$0x12000] =	vst v63  }
0xab: {  	s28 =	simm.s32 $0xD280  }
0xac: {  	[tilespmem:s28], [sflag:$0x2] =	stream.indirect.gather [hbm4b:s3+s10], $0x1, s24, s10, $0xb8;
	[tilespmem:$0x12000] =	vst v63  }
0xad: {  	s7 =	simm.s32 $0x7300;
	s24 =	simm.s32 $0x1300  }
0xae: {  	[tilespmem:s7], [sflag:$0x1] =	stream.indirect.gather [hbm4b:s2+s10], $0x1, s24, s10, $0xb8;
	[tilespmem:$0x12000] =	vst v63  }
0xaf: {  	s28 =	simm.s32 $0xD300  }
0xb0: {  	[tilespmem:s28], [sflag:$0x2] =	stream.indirect.gather [hbm4b:s3+s10], $0x1, s24, s10, $0xb8;
	[tilespmem:$0x12000] =	vst v63  }
0xb1: {  	s7 =	simm.s32 $0x7380;
	s24 =	simm.s32 $0x1380  }
0xb2: {  	[tilespmem:s7], [sflag:$0x1] =	stream.indirect.gather [hbm4b:s2+s10], $0x1, s24, s10, $0xb8;
	[tilespmem:$0x12000] =	vst v63  }
0xb3: {  	s28 =	simm.s32 $0xD380  }
0xb4: {  	[tilespmem:s28], [sflag:$0x2] =	stream.indirect.gather [hbm4b:s3+s10], $0x1, s24, s10, $0xb8;
	[tilespmem:$0x12000] =	vst v63  }
0xb5: {  	s7 =	simm.s32 $0x7400;
	s24 =	simm.s32 $0x1400  }
0xb6: {  	[tilespmem:s7], [sflag:$0x1] =	stream.indirect.gather [hbm4b:s2+s10], $0x1, s24, s10, $0xb8;
	[tilespmem:$0x12000] =	vst v63  }
0xb7: {  	s28 =	simm.s32 $0xD400  }
0xb8: {  	[tilespmem:s28], [sflag:$0x2] =	stream.indirect.gather [hbm4b:s3+s10], $0x1, s24, s10, $0xb8;
	[tilespmem:$0x12000] =	vst v63  }
0xb9: {  	s7 =	simm.s32 $0x7480;
	s24 =	simm.s32 $0x1480  }
0xba: {  	[tilespmem:s7], [sflag:$0x1] =	stream.indirect.gather [hbm4b:s2+s10], $0x1, s24, s10, $0xb8;
	[tilespmem:$0x12000] =	vst v63  }
0xbb: {  	s28 =	simm.s32 $0xD480  }
0xbc: {  	[tilespmem:s28], [sflag:$0x2] =	stream.indirect.gather [hbm4b:s3+s10], $0x1, s24, s10, $0xb8;
	[tilespmem:$0x12000] =	vst v63  }
0xbd: {  	s7 =	simm.s32 $0x7500;
	s24 =	simm.s32 $0x1500  }
0xbe: {  	[tilespmem:s7], [sflag:$0x1] =	stream.indirect.gather [hbm4b:s2+s10], $0x1, s24, s10, $0xb8;
	[tilespmem:$0x12000] =	vst v63  }
0xbf: {  	s28 =	simm.s32 $0xD500  }
0xc0: {  	[tilespmem:s28], [sflag:$0x2] =	stream.indirect.gather [hbm4b:s3+s10], $0x1, s24, s10, $0xb8;
	[tilespmem:$0x12000] =	vst v63  }
0xc1: {  	s7 =	simm.s32 $0x7580;
	s24 =	simm.s32 $0x1580  }
0xc2: {  	[tilespmem:s7], [sflag:$0x1] =	stream.indirect.gather [hbm4b:s2+s10], $0x1, s24, s10, $0xb8;
	[tilespmem:$0x12000] =	vst v63  }
0xc3: {  	s28 =	simm.s32 $0xD580  }
0xc4: {  	[tilespmem:s28], [sflag:$0x2] =	stream.indirect.gather [hbm4b:s3+s10], $0x1, s24, s10, $0xb8;
	[tilespmem:$0x12000] =	vst v63  }
0xc5: {  	s7 =	simm.s32 $0x7600;
	s24 =	simm.s32 $0x1600  }
0xc6: {  	[tilespmem:s7], [sflag:$0x1] =	stream.indirect.gather [hbm4b:s2+s10], $0x1, s24, s10, $0xb8;
	[tilespmem:$0x12000] =	vst v63  }
0xc7: {  	s28 =	simm.s32 $0xD600  }
0xc8: {  	[tilespmem:s28], [sflag:$0x2] =	stream.indirect.gather [hbm4b:s3+s10], $0x1, s24, s10, $0xb8;
	[tilespmem:$0x12000] =	vst v63  }
0xc9: {  	s7 =	simm.s32 $0x7680;
	s24 =	simm.s32 $0x1680  }
0xca: {  	[tilespmem:s7], [sflag:$0x1] =	stream.indirect.gather [hbm4b:s2+s10], $0x1, s24, s10, $0xb8;
	[tilespmem:$0x12000] =	vst v63  }
0xcb: {  	s28 =	simm.s32 $0xD680  }
0xcc: {  	[tilespmem:s28], [sflag:$0x2] =	stream.indirect.gather [hbm4b:s3+s10], $0x1, s24, s10, $0xb8;
	[tilespmem:$0x12000] =	vst v63  }
0xcd: {  	s7 =	simm.s32 $0x7700;
	s24 =	simm.s32 $0x1700  }
0xce: {  	[tilespmem:s7], [sflag:$0x1] =	stream.indirect.gather [hbm4b:s2+s10], $0x1, s24, s10, $0xb8;
	[tilespmem:$0x12000] =	vst v63  }
0xcf: {  	s28 =	simm.s32 $0xD700  }
0xd0: {  	[tilespmem:s28], [sflag:$0x2] =	stream.indirect.gather [hbm4b:s3+s10], $0x1, s24, s10, $0xb8;
	[tilespmem:$0x12000] =	vst v63  }
0xd1: {  	s7 =	simm.s32 $0x7780;
	s24 =	simm.s32 $0x1780  }
0xd2: {  	[tilespmem:s7], [sflag:$0x1] =	stream.indirect.gather [hbm4b:s2+s10], $0x1, s24, s10, $0xb8;
	[tilespmem:$0x12000] =	vst v63  }
0xd3: {  	s28 =	simm.s32 $0xD780  }
0xd4: {  	[tilespmem:s28], [sflag:$0x2] =	stream.indirect.gather [hbm4b:s3+s10], $0x1, s24, s10, $0xb8;
	[tilespmem:$0x12000] =	vst v63  }
0xd5: {  	_ =	swait.ge [sflag:s15], $0x80  }
0xd6: {  	[sflag:s15] =	ssyncset.done $0x0  }
0xd7: {  	[sflag:s15] =	ssyncadd.s32 $0xFFFFFF80  }
0xd8: {  	_ =	swait.ge [sflag:s18], $0x80  }
0xd9: {  	[sflag:s18] =	ssyncset.done $0x0  }
0xda: {  	[sflag:s18] =	ssyncadd.s32 $0xFFFFFF80  }
0xdb: {  	_ =	swait.ge [sflag:s15], $0x80  }
0xdc: {  	[sflag:s15] =	ssyncset.done $0x0  }
0xdd: {  	[sflag:s15] =	ssyncadd.s32 $0xFFFFFF80  }
0xde: {  	_ =	swait.ge [sflag:s18], $0x80  }
0xdf: {  	[sflag:s18] =	ssyncset.done $0x0  }
0xe0: {  	[sflag:s18] =	ssyncadd.s32 $0xFFFFFF80  }
0xe1: {  	_ =	swait.ge [sflag:s15], $0x80  }
0xe2: {  	[sflag:s15] =	ssyncset.done $0x0  }
0xe3: {  	[sflag:s15] =	ssyncadd.s32 $0xFFFFFF80  }
0xe4: {  	_ =	swait.ge [sflag:s18], $0x80  }
0xe5: {  	[sflag:s18] =	ssyncset.done $0x0  }
0xe6: {  	[sflag:s18] =	ssyncadd.s32 $0xFFFFFF80  }
0xe7: {  	_ =	swait.ge [sflag:s15], $0x80  }
0xe8: {  	[sflag:s15] =	ssyncset.done $0x0  }
0xe9: {  	[sflag:s15] =	ssyncadd.s32 $0xFFFFFF80  }
0xea: {  	_ =	swait.ge [sflag:s18], $0x80  }
0xeb: {  	[sflag:s18] =	ssyncset.done $0x0  }
0xec: {  	[sflag:s18] =	ssyncadd.s32 $0xFFFFFF80  }
0xed: {  	_ =	swait.ge [sflag:s15], $0x80  }
0xee: {  	[sflag:s15] =	ssyncset.done $0x0  }
0xef: {  	[sflag:s15] =	ssyncadd.s32 $0xFFFFFF80  }
0xf0: {  	_ =	swait.ge [sflag:s18], $0x80  }
0xf1: {  	[sflag:s18] =	ssyncset.done $0x0  }
0xf2: {  	[sflag:s18] =	ssyncadd.s32 $0xFFFFFF80  }
0xf3: {  	_ =	swait.ge [sflag:s15], $0x80  }
0xf4: {  	[sflag:s15] =	ssyncset.done $0x0  }
0xf5: {  	[sflag:s15] =	ssyncadd.s32 $0xFFFFFF80  }
0xf6: {  	_ =	swait.ge [sflag:s18], $0x80  }
0xf7: {  	[sflag:s18] =	ssyncset.done $0x0  }
0xf8: {  	[sflag:s18] =	ssyncadd.s32 $0xFFFFFF80  }
0xf9: {  	_ =	swait.ge [sflag:s15], $0x80  }
0xfa: {  	[sflag:s15] =	ssyncset.done $0x0  }
0xfb: {  	[sflag:s15] =	ssyncadd.s32 $0xFFFFFF80  }
0xfc: {  	_ =	swait.ge [sflag:s18], $0x80  }
0xfd: {  	[sflag:s18] =	ssyncset.done $0x0  }
0xfe: {  	[sflag:s18] =	ssyncadd.s32 $0xFFFFFF80  }
0xff: {  	_ =	swait.ge [sflag:s15], $0x80  }
0x100: {  	[sflag:s15] =	ssyncset.done $0x0  }
0x101: {  	[sflag:s15] =	ssyncadd.s32 $0xFFFFFF80  }
0x102: {  	_ =	swait.ge [sflag:s18], $0x80  }
0x103: {  	[sflag:s18] =	ssyncset.done $0x0  }
0x104: {  	[sflag:s18] =	ssyncadd.s32 $0xFFFFFF80  }
0x105: {  	_ =	swait.ge [sflag:s15], $0x80  }
0x106: {  	[sflag:s15] =	ssyncset.done $0x0  }
0x107: {  	[sflag:s15] =	ssyncadd.s32 $0xFFFFFF80  }
0x108: {  	_ =	swait.ge [sflag:s18], $0x80  }
0x109: {  	[sflag:s18] =	ssyncset.done $0x0  }
0x10a: {  	[sflag:s18] =	ssyncadd.s32 $0xFFFFFF80  }
0x10b: {  	_ =	swait.ge [sflag:s15], $0x80  }
0x10c: {  	[sflag:s15] =	ssyncset.done $0x0  }
0x10d: {  	[sflag:s15] =	ssyncadd.s32 $0xFFFFFF80  }
0x10e: {  	_ =	swait.ge [sflag:s18], $0x80  }
0x10f: {  	[sflag:s18] =	ssyncset.done $0x0  }
0x110: {  	[sflag:s18] =	ssyncadd.s32 $0xFFFFFF80  }
0x111: {  	_ =	swait.ge [sflag:s15], $0x80  }
0x112: {  	[sflag:s15] =	ssyncset.done $0x0  }
0x113: {  	[sflag:s15] =	ssyncadd.s32 $0xFFFFFF80  }
0x114: {  	_ =	swait.ge [sflag:s18], $0x80  }
0x115: {  	[sflag:s18] =	ssyncset.done $0x0  }
0x116: {  	[sflag:s18] =	ssyncadd.s32 $0xFFFFFF80  }
0x117: {  	_ =	swait.ge [sflag:s15], $0x80  }
0x118: {  	[sflag:s15] =	ssyncset.done $0x0  }
0x119: {  	[sflag:s15] =	ssyncadd.s32 $0xFFFFFF80  }
0x11a: {  	_ =	swait.ge [sflag:s18], $0x80  }
0x11b: {  	[sflag:s18] =	ssyncset.done $0x0  }
0x11c: {  	[sflag:s18] =	ssyncadd.s32 $0xFFFFFF80  }
0x11d: {  	_ =	swait.ge [sflag:s15], $0x80  }
0x11e: {  	[sflag:s15] =	ssyncset.done $0x0  }
0x11f: {  	[sflag:s15] =	ssyncadd.s32 $0xFFFFFF80  }
0x120: {  	_ =	swait.ge [sflag:s18], $0x80  }
0x121: {  	[sflag:s18] =	ssyncset.done $0x0  }
0x122: {  	[sflag:s18] =	ssyncadd.s32 $0xFFFFFF80  }
0x123: {  	_ =	swait.ge [sflag:s15], $0x80  }
0x124: {  	[sflag:s15] =	ssyncset.done $0x0  }
0x125: {  	[sflag:s15] =	ssyncadd.s32 $0xFFFFFF80  }
0x126: {  	_ =	swait.ge [sflag:s18], $0x80  }
0x127: {  	[sflag:s18] =	ssyncset.done $0x0  }
0x128: {  	[sflag:s18] =	ssyncadd.s32 $0xFFFFFF80  }
0x129: {  	_ =	swait.ge [sflag:s15], $0x80  }
0x12a: {  	[sflag:s15] =	ssyncset.done $0x0  }
0x12b: {  	[sflag:s15] =	ssyncadd.s32 $0xFFFFFF80  }
0x12c: {  	_ =	swait.ge [sflag:s18], $0x80  }
0x12d: {  	[sflag:s18] =	ssyncset.done $0x0  }
0x12e: {  	[sflag:s18] =	ssyncadd.s32 $0xFFFFFF80  }
0x12f: {  	_ =	swait.ge [sflag:s15], $0x80  }
0x130: {  	[sflag:s15] =	ssyncset.done $0x0  }
0x131: {  	[sflag:s15] =	ssyncadd.s32 $0xFFFFFF80  }
0x132: {  	_ =	swait.ge [sflag:s18], $0x80  }
0x133: {  	[sflag:s18] =	ssyncset.done $0x0  }
0x134: {  	[sflag:s18] =	ssyncadd.s32 $0xFFFFFF80  }
0x135: {  	_ =	swait.ge [sflag:s15], $0x80  }
0x136: {  	[sflag:s15] =	ssyncset.done $0x0  }
0x137: {  	[sflag:s15] =	ssyncadd.s32 $0xFFFFFF80  }
0x138: {  	_ =	swait.ge [sflag:s18], $0x80  }
0x139: {  	[sflag:s18] =	ssyncset.done $0x0  }
0x13a: {  	[sflag:s18] =	ssyncadd.s32 $0xFFFFFF80  }
0x13b: {  	_ =	swait.ge [sflag:s15], $0x80  }
0x13c: {  	[sflag:s15] =	ssyncset.done $0x0  }
0x13d: {  	[sflag:s15] =	ssyncadd.s32 $0xFFFFFF80  }
0x13e: {  	_ =	swait.ge [sflag:s18], $0x80  }
0x13f: {  	[sflag:s18] =	ssyncset.done $0x0  }
0x140: {  	[sflag:s18] =	ssyncadd.s32 $0xFFFFFF80  }
0x141: {  	_ =	swait.ge [sflag:s15], $0x80  }
0x142: {  	[sflag:s15] =	ssyncset.done $0x0  }
0x143: {  	[sflag:s15] =	ssyncadd.s32 $0xFFFFFF80  }
0x144: {  	_ =	swait.ge [sflag:s18], $0x80  }
0x145: {  	[sflag:s18] =	ssyncset.done $0x0  }
0x146: {  	[sflag:s18] =	ssyncadd.s32 $0xFFFFFF80  }
0x147: {  	_ =	swait.ge [sflag:s15], $0x80  }
0x148: {  	[sflag:s15] =	ssyncset.done $0x0  }
0x149: {  	[sflag:s15] =	ssyncadd.s32 $0xFFFFFF80  }
0x14a: {  	_ =	swait.ge [sflag:s18], $0x80  }
0x14b: {  	[sflag:s18] =	ssyncset.done $0x0  }
0x14c: {  	[sflag:s18] =	ssyncadd.s32 $0xFFFFFF80  }
0x14d: {  	_ =	swait.ge [sflag:s15], $0x80  }
0x14e: {  	[sflag:s15] =	ssyncset.done $0x0  }
0x14f: {  	[sflag:s15] =	ssyncadd.s32 $0xFFFFFF80  }
0x150: {  	_ =	swait.ge [sflag:s18], $0x80  }
0x151: {  	[sflag:s18] =	ssyncset.done $0x0  }
0x152: {  	[sflag:s18] =	ssyncadd.s32 $0xFFFFFF80  }
0x153: {  	_ =	swait.ge [sflag:s15], $0x80  }
0x154: {  	[sflag:s15] =	ssyncset.done $0x0  }
0x155: {  	[sflag:s15] =	ssyncadd.s32 $0xFFFFFF80  }
0x156: {  	_ =	swait.ge [sflag:s18], $0x80  }
0x157: {  	[sflag:s18] =	ssyncset.done $0x0  }
0x158: {  	[sflag:s18] =	ssyncadd.s32 $0xFFFFFF80  }
0x159: {  	_ =	swait.ge [sflag:s15], $0x80  }
0x15a: {  	[sflag:s15] =	ssyncset.done $0x0  }
0x15b: {  	[sflag:s15] =	ssyncadd.s32 $0xFFFFFF80  }
0x15c: {  	_ =	swait.ge [sflag:s18], $0x80  }
0x15d: {  	[sflag:s18] =	ssyncset.done $0x0  }
0x15e: {  	[sflag:s18] =	ssyncadd.s32 $0xFFFFFF80  }
0x15f: {  	_ =	swait.ge [sflag:s15], $0x80  }
0x160: {  	[sflag:s15] =	ssyncset.done $0x0  }
0x161: {  	[sflag:s15] =	ssyncadd.s32 $0xFFFFFF80  }
0x162: {  	_ =	swait.ge [sflag:s18], $0x80  }
0x163: {  	s6 =	simm.s32 $0xC00;
	s24 =	simm.s32 $0x6000;
	[sflag:s18] =	ssyncset.done $0x0  }
.LBB2_2:
0x164: {  	s28 =	sadd.s32 $0x6C00, s6  }
0x165: {  	s7 =	sadd.s32 $0xC00, s6;
	[sflag:s18] =	ssyncadd.s32 $0xFFFFFF80;
	s5 =	smov.u32 s24  }
0x166: {  	[tilespmem:s28], [sflag:$0x1] =	stream.indirect.gather [hbm4b:s2+s10], $0x1, s7, s10, $0xb8;
	[tilespmem:$0x12000] =	vst v63  }
0x167: {  	p0 =	sne.s32 s24, $0x12000;
	s24 =	sadd.s32 $0x3000, s24;
	s28 =	sadd.s32 $0xCC00, s6  }
0x168: {  	[tilespmem:s28], [sflag:$0x2] =	stream.indirect.gather [hbm4b:s3+s10], $0x1, s7, s10, $0xb8;
	[tilespmem:$0x12000] =	vst v63  }
0x169: {  	s7 =	sadd.s32 $0x6C80, s6;
	s28 =	sadd.s32 $0xC80, s6  }
0x16a: {  	[tilespmem:s7], [sflag:$0x1] =	stream.indirect.gather [hbm4b:s2+s10], $0x1, s28, s10, $0xb8;
	[tilespmem:$0x12000] =	vst v63  }
0x16b: {  	s7 =	sadd.s32 $0xCC80, s6  }
0x16c: {  	[tilespmem:s7], [sflag:$0x2] =	stream.indirect.gather [hbm4b:s3+s10], $0x1, s28, s10, $0xb8;
	[tilespmem:$0x12000] =	vst v63  }
0x16d: {  	s7 =	sadd.s32 $0x6D00, s6;
	s28 =	sadd.s32 $0xD00, s6  }
0x16e: {  	[tilespmem:s7], [sflag:$0x1] =	stream.indirect.gather [hbm4b:s2+s10], $0x1, s28, s10, $0xb8;
	[tilespmem:$0x12000] =	vst v63  }
0x16f: {  	s7 =	sadd.s32 $0xCD00, s6  }
0x170: {  	[tilespmem:s7], [sflag:$0x2] =	stream.indirect.gather [hbm4b:s3+s10], $0x1, s28, s10, $0xb8;
	[tilespmem:$0x12000] =	vst v63  }
0x171: {  	s7 =	sadd.s32 $0x6D80, s6;
	s28 =	sadd.s32 $0xD80, s6  }
0x172: {  	[tilespmem:s7], [sflag:$0x1] =	stream.indirect.gather [hbm4b:s2+s10], $0x1, s28, s10, $0xb8;
	[tilespmem:$0x12000] =	vst v63  }
0x173: {  	s7 =	sadd.s32 $0xCD80, s6  }
0x174: {  	[tilespmem:s7], [sflag:$0x2] =	stream.indirect.gather [hbm4b:s3+s10], $0x1, s28, s10, $0xb8;
	[tilespmem:$0x12000] =	vst v63  }
0x175: {  	s7 =	sadd.s32 $0x6E00, s6;
	s28 =	sadd.s32 $0xE00, s6  }
0x176: {  	[tilespmem:s7], [sflag:$0x1] =	stream.indirect.gather [hbm4b:s2+s10], $0x1, s28, s10, $0xb8;
	[tilespmem:$0x12000] =	vst v63  }
0x177: {  	s7 =	sadd.s32 $0xCE00, s6  }
0x178: {  	[tilespmem:s7], [sflag:$0x2] =	stream.indirect.gather [hbm4b:s3+s10], $0x1, s28, s10, $0xb8;
	[tilespmem:$0x12000] =	vst v63  }
0x179: {  	s7 =	sadd.s32 $0x6E80, s6;
	s28 =	sadd.s32 $0xE80, s6  }
0x17a: {  	[tilespmem:s7], [sflag:$0x1] =	stream.indirect.gather [hbm4b:s2+s10], $0x1, s28, s10, $0xb8;
	[tilespmem:$0x12000] =	vst v63  }
0x17b: {  	s7 =	sadd.s32 $0xCE80, s6  }
0x17c: {  	[tilespmem:s7], [sflag:$0x2] =	stream.indirect.gather [hbm4b:s3+s10], $0x1, s28, s10, $0xb8;
	[tilespmem:$0x12000] =	vst v63  }
0x17d: {  	s7 =	sadd.s32 $0x6F00, s6;
	s28 =	sadd.s32 $0xF00, s6  }
0x17e: {  	[tilespmem:s7], [sflag:$0x1] =	stream.indirect.gather [hbm4b:s2+s10], $0x1, s28, s10, $0xb8;
	[tilespmem:$0x12000] =	vst v63  }
0x17f: {  	s7 =	sadd.s32 $0xCF00, s6  }
0x180: {  	[tilespmem:s7], [sflag:$0x2] =	stream.indirect.gather [hbm4b:s3+s10], $0x1, s28, s10, $0xb8;
	[tilespmem:$0x12000] =	vst v63  }
0x181: {  	s7 =	sadd.s32 $0x6F80, s6;
	s28 =	sadd.s32 $0xF80, s6  }
0x182: {  	[tilespmem:s7], [sflag:$0x1] =	stream.indirect.gather [hbm4b:s2+s10], $0x1, s28, s10, $0xb8;
	[tilespmem:$0x12000] =	vst v63  }
0x183: {  	s7 =	sadd.s32 $0xCF80, s6  }
0x184: {  	[tilespmem:s7], [sflag:$0x2] =	stream.indirect.gather [hbm4b:s3+s10], $0x1, s28, s10, $0xb8;
	[tilespmem:$0x12000] =	vst v63  }
0x185: {  	s7 =	sadd.s32 $0x7000, s6;
	s28 =	sadd.s32 $0x1000, s6  }
0x186: {  	[tilespmem:s7], [sflag:$0x1] =	stream.indirect.gather [hbm4b:s2+s10], $0x1, s28, s10, $0xb8;
	[tilespmem:$0x12000] =	vst v63  }
0x187: {  	s7 =	sadd.s32 $0xD000, s6  }
0x188: {  	[tilespmem:s7], [sflag:$0x2] =	stream.indirect.gather [hbm4b:s3+s10], $0x1, s28, s10, $0xb8;
	[tilespmem:$0x12000] =	vst v63  }
0x189: {  	s7 =	sadd.s32 $0x7080, s6;
	s28 =	sadd.s32 $0x1080, s6  }
0x18a: {  	[tilespmem:s7], [sflag:$0x1] =	stream.indirect.gather [hbm4b:s2+s10], $0x1, s28, s10, $0xb8;
	[tilespmem:$0x12000] =	vst v63  }
0x18b: {  	s7 =	sadd.s32 $0xD080, s6  }
0x18c: {  	[tilespmem:s7], [sflag:$0x2] =	stream.indirect.gather [hbm4b:s3+s10], $0x1, s28, s10, $0xb8;
	[tilespmem:$0x12000] =	vst v63  }
0x18d: {  	s7 =	sadd.s32 $0x7100, s6;
	s28 =	sadd.s32 $0x1100, s6  }
0x18e: {  	[tilespmem:s7], [sflag:$0x1] =	stream.indirect.gather [hbm4b:s2+s10], $0x1, s28, s10, $0xb8;
	[tilespmem:$0x12000] =	vst v63  }
0x18f: {  	s7 =	sadd.s32 $0xD100, s6  }
0x190: {  	[tilespmem:s7], [sflag:$0x2] =	stream.indirect.gather [hbm4b:s3+s10], $0x1, s28, s10, $0xb8;
	[tilespmem:$0x12000] =	vst v63  }
0x191: {  	s7 =	sadd.s32 $0x7180, s6;
	s28 =	sadd.s32 $0x1180, s6  }
0x192: {  	[tilespmem:s7], [sflag:$0x1] =	stream.indirect.gather [hbm4b:s2+s10], $0x1, s28, s10, $0xb8;
	[tilespmem:$0x12000] =	vst v63  }
0x193: {  	s7 =	sadd.s32 $0xD180, s6  }
0x194: {  	[tilespmem:s7], [sflag:$0x2] =	stream.indirect.gather [hbm4b:s3+s10], $0x1, s28, s10, $0xb8;
	[tilespmem:$0x12000] =	vst v63  }
0x195: {  	s7 =	sadd.s32 $0x7200, s6;
	s28 =	sadd.s32 $0x1200, s6  }
0x196: {  	[tilespmem:s7], [sflag:$0x1] =	stream.indirect.gather [hbm4b:s2+s10], $0x1, s28, s10, $0xb8;
	[tilespmem:$0x12000] =	vst v63  }
0x197: {  	s7 =	sadd.s32 $0xD200, s6  }
0x198: {  	[tilespmem:s7], [sflag:$0x2] =	stream.indirect.gather [hbm4b:s3+s10], $0x1, s28, s10, $0xb8;
	[tilespmem:$0x12000] =	vst v63  }
0x199: {  	s7 =	sadd.s32 $0x7280, s6;
	s28 =	sadd.s32 $0x1280, s6  }
0x19a: {  	[tilespmem:s7], [sflag:$0x1] =	stream.indirect.gather [hbm4b:s2+s10], $0x1, s28, s10, $0xb8;
	[tilespmem:$0x12000] =	vst v63  }
0x19b: {  	s7 =	sadd.s32 $0xD280, s6  }
0x19c: {  	[tilespmem:s7], [sflag:$0x2] =	stream.indirect.gather [hbm4b:s3+s10], $0x1, s28, s10, $0xb8;
	[tilespmem:$0x12000] =	vst v63  }
0x19d: {  	s7 =	sadd.s32 $0x7300, s6;
	s28 =	sadd.s32 $0x1300, s6  }
0x19e: {  	[tilespmem:s7], [sflag:$0x1] =	stream.indirect.gather [hbm4b:s2+s10], $0x1, s28, s10, $0xb8;
	[tilespmem:$0x12000] =	vst v63  }
0x19f: {  	s7 =	sadd.s32 $0xD300, s6  }
0x1a0: {  	[tilespmem:s7], [sflag:$0x2] =	stream.indirect.gather [hbm4b:s3+s10], $0x1, s28, s10, $0xb8;
	[tilespmem:$0x12000] =	vst v63  }
0x1a1: {  	s7 =	sadd.s32 $0x7380, s6;
	s28 =	sadd.s32 $0x1380, s6  }
0x1a2: {  	[tilespmem:s7], [sflag:$0x1] =	stream.indirect.gather [hbm4b:s2+s10], $0x1, s28, s10, $0xb8;
	[tilespmem:$0x12000] =	vst v63  }
0x1a3: {  	s7 =	sadd.s32 $0xD380, s6  }
0x1a4: {  	[tilespmem:s7], [sflag:$0x2] =	stream.indirect.gather [hbm4b:s3+s10], $0x1, s28, s10, $0xb8;
	[tilespmem:$0x12000] =	vst v63  }
0x1a5: {  	s7 =	sadd.s32 $0x7400, s6;
	s28 =	sadd.s32 $0x1400, s6  }
0x1a6: {  	[tilespmem:s7], [sflag:$0x1] =	stream.indirect.gather [hbm4b:s2+s10], $0x1, s28, s10, $0xb8;
	[tilespmem:$0x12000] =	vst v63  }
0x1a7: {  	s7 =	sadd.s32 $0xD400, s6  }
0x1a8: {  	[tilespmem:s7], [sflag:$0x2] =	stream.indirect.gather [hbm4b:s3+s10], $0x1, s28, s10, $0xb8;
	[tilespmem:$0x12000] =	vst v63  }
0x1a9: {  	s7 =	sadd.s32 $0x7480, s6;
	s28 =	sadd.s32 $0x1480, s6  }
0x1aa: {  	[tilespmem:s7], [sflag:$0x1] =	stream.indirect.gather [hbm4b:s2+s10], $0x1, s28, s10, $0xb8;
	[tilespmem:$0x12000] =	vst v63  }
0x1ab: {  	s7 =	sadd.s32 $0xD480, s6  }
0x1ac: {  	[tilespmem:s7], [sflag:$0x2] =	stream.indirect.gather [hbm4b:s3+s10], $0x1, s28, s10, $0xb8;
	[tilespmem:$0x12000] =	vst v63  }
0x1ad: {  	s7 =	sadd.s32 $0x7500, s6;
	s28 =	sadd.s32 $0x1500, s6  }
0x1ae: {  	[tilespmem:s7], [sflag:$0x1] =	stream.indirect.gather [hbm4b:s2+s10], $0x1, s28, s10, $0xb8;
	[tilespmem:$0x12000] =	vst v63  }
0x1af: {  	s7 =	sadd.s32 $0xD500, s6  }
0x1b0: {  	[tilespmem:s7], [sflag:$0x2] =	stream.indirect.gather [hbm4b:s3+s10], $0x1, s28, s10, $0xb8;
	[tilespmem:$0x12000] =	vst v63  }
0x1b1: {  	s7 =	sadd.s32 $0x7580, s6;
	s28 =	sadd.s32 $0x1580, s6  }
0x1b2: {  	[tilespmem:s7], [sflag:$0x1] =	stream.indirect.gather [hbm4b:s2+s10], $0x1, s28, s10, $0xb8;
	[tilespmem:$0x12000] =	vst v63  }
0x1b3: {  	s7 =	sadd.s32 $0xD580, s6  }
0x1b4: {  	[tilespmem:s7], [sflag:$0x2] =	stream.indirect.gather [hbm4b:s3+s10], $0x1, s28, s10, $0xb8;
	[tilespmem:$0x12000] =	vst v63  }
0x1b5: {  	s7 =	sadd.s32 $0x7600, s6;
	s28 =	sadd.s32 $0x1600, s6  }
0x1b6: {  	[tilespmem:s7], [sflag:$0x1] =	stream.indirect.gather [hbm4b:s2+s10], $0x1, s28, s10, $0xb8;
	[tilespmem:$0x12000] =	vst v63  }
0x1b7: {  	s7 =	sadd.s32 $0xD600, s6  }
0x1b8: {  	[tilespmem:s7], [sflag:$0x2] =	stream.indirect.gather [hbm4b:s3+s10], $0x1, s28, s10, $0xb8;
	[tilespmem:$0x12000] =	vst v63  }
0x1b9: {  	s7 =	sadd.s32 $0x7680, s6;
	s28 =	sadd.s32 $0x1680, s6  }
0x1ba: {  	[tilespmem:s7], [sflag:$0x1] =	stream.indirect.gather [hbm4b:s2+s10], $0x1, s28, s10, $0xb8;
	[tilespmem:$0x12000] =	vst v63  }
0x1bb: {  	s7 =	sadd.s32 $0xD680, s6  }
0x1bc: {  	[tilespmem:s7], [sflag:$0x2] =	stream.indirect.gather [hbm4b:s3+s10], $0x1, s28, s10, $0xb8;
	[tilespmem:$0x12000] =	vst v63  }
0x1bd: {  	s7 =	sadd.s32 $0x7700, s6;
	s28 =	sadd.s32 $0x1700, s6  }
0x1be: {  	[tilespmem:s7], [sflag:$0x1] =	stream.indirect.gather [hbm4b:s2+s10], $0x1, s28, s10, $0xb8;
	[tilespmem:$0x12000] =	vst v63  }
0x1bf: {  	s7 =	sadd.s32 $0xD700, s6  }
0x1c0: {  	[tilespmem:s7], [sflag:$0x2] =	stream.indirect.gather [hbm4b:s3+s10], $0x1, s28, s10, $0xb8;
	[tilespmem:$0x12000] =	vst v63  }
0x1c1: {  	s7 =	sadd.s32 $0x7780, s6;
	s28 =	sadd.s32 $0x1780, s6  }
0x1c2: {  	[tilespmem:s7], [sflag:$0x1] =	stream.indirect.gather [hbm4b:s2+s10], $0x1, s28, s10, $0xb8;
	[tilespmem:$0x12000] =	vst v63  }
0x1c3: {  	s6 =	sadd.s32 $0xD780, s6  }
0x1c4: {  	[tilespmem:s6], [sflag:$0x2] =	stream.indirect.gather [hbm4b:s3+s10], $0x1, s28, s10, $0xb8;
	[tilespmem:$0x12000] =	vst v63  }
0x1c5: {  	_ =	swait.ge [sflag:s15], $0x80  }
0x1c6: {  	[sflag:s15] =	ssyncset.done $0x0  }
0x1c7: {  	[sflag:s15] =	ssyncadd.s32 $0xFFFFFF80  }
0x1c8: {  	_ =	swait.ge [sflag:s18], $0x80  }
0x1c9: {  	[sflag:s18] =	ssyncset.done $0x0  }
0x1ca: {  	[sflag:s18] =	ssyncadd.s32 $0xFFFFFF80  }
0x1cb: {  	_ =	swait.ge [sflag:s15], $0x80  }
0x1cc: {  	[sflag:s15] =	ssyncset.done $0x0  }
0x1cd: {  	[sflag:s15] =	ssyncadd.s32 $0xFFFFFF80  }
0x1ce: {  	_ =	swait.ge [sflag:s18], $0x80  }
0x1cf: {  	[sflag:s18] =	ssyncset.done $0x0  }
0x1d0: {  	[sflag:s18] =	ssyncadd.s32 $0xFFFFFF80  }
0x1d1: {  	_ =	swait.ge [sflag:s15], $0x80  }
0x1d2: {  	[sflag:s15] =	ssyncset.done $0x0  }
0x1d3: {  	[sflag:s15] =	ssyncadd.s32 $0xFFFFFF80  }
0x1d4: {  	_ =	swait.ge [sflag:s18], $0x80  }
0x1d5: {  	[sflag:s18] =	ssyncset.done $0x0  }
0x1d6: {  	[sflag:s18] =	ssyncadd.s32 $0xFFFFFF80  }
0x1d7: {  	_ =	swait.ge [sflag:s15], $0x80  }
0x1d8: {  	[sflag:s15] =	ssyncset.done $0x0  }
0x1d9: {  	[sflag:s15] =	ssyncadd.s32 $0xFFFFFF80  }
0x1da: {  	_ =	swait.ge [sflag:s18], $0x80  }
0x1db: {  	[sflag:s18] =	ssyncset.done $0x0  }
0x1dc: {  	[sflag:s18] =	ssyncadd.s32 $0xFFFFFF80  }
0x1dd: {  	_ =	swait.ge [sflag:s15], $0x80  }
0x1de: {  	[sflag:s15] =	ssyncset.done $0x0  }
0x1df: {  	[sflag:s15] =	ssyncadd.s32 $0xFFFFFF80  }
0x1e0: {  	_ =	swait.ge [sflag:s18], $0x80  }
0x1e1: {  	[sflag:s18] =	ssyncset.done $0x0  }
0x1e2: {  	[sflag:s18] =	ssyncadd.s32 $0xFFFFFF80  }
0x1e3: {  	_ =	swait.ge [sflag:s15], $0x80  }
0x1e4: {  	[sflag:s15] =	ssyncset.done $0x0  }
0x1e5: {  	[sflag:s15] =	ssyncadd.s32 $0xFFFFFF80  }
0x1e6: {  	_ =	swait.ge [sflag:s18], $0x80  }
0x1e7: {  	[sflag:s18] =	ssyncset.done $0x0  }
0x1e8: {  	[sflag:s18] =	ssyncadd.s32 $0xFFFFFF80  }
0x1e9: {  	_ =	swait.ge [sflag:s15], $0x80  }
0x1ea: {  	[sflag:s15] =	ssyncset.done $0x0  }
0x1eb: {  	[sflag:s15] =	ssyncadd.s32 $0xFFFFFF80  }
0x1ec: {  	_ =	swait.ge [sflag:s18], $0x80  }
0x1ed: {  	[sflag:s18] =	ssyncset.done $0x0  }
0x1ee: {  	[sflag:s18] =	ssyncadd.s32 $0xFFFFFF80  }
0x1ef: {  	_ =	swait.ge [sflag:s15], $0x80  }
0x1f0: {  	[sflag:s15] =	ssyncset.done $0x0  }
0x1f1: {  	[sflag:s15] =	ssyncadd.s32 $0xFFFFFF80  }
0x1f2: {  	_ =	swait.ge [sflag:s18], $0x80  }
0x1f3: {  	[sflag:s18] =	ssyncset.done $0x0  }
0x1f4: {  	[sflag:s18] =	ssyncadd.s32 $0xFFFFFF80  }
0x1f5: {  	_ =	swait.ge [sflag:s15], $0x80  }
0x1f6: {  	[sflag:s15] =	ssyncset.done $0x0  }
0x1f7: {  	[sflag:s15] =	ssyncadd.s32 $0xFFFFFF80  }
0x1f8: {  	_ =	swait.ge [sflag:s18], $0x80  }
0x1f9: {  	[sflag:s18] =	ssyncset.done $0x0  }
0x1fa: {  	[sflag:s18] =	ssyncadd.s32 $0xFFFFFF80  }
0x1fb: {  	_ =	swait.ge [sflag:s15], $0x80  }
0x1fc: {  	[sflag:s15] =	ssyncset.done $0x0  }
0x1fd: {  	[sflag:s15] =	ssyncadd.s32 $0xFFFFFF80  }
0x1fe: {  	_ =	swait.ge [sflag:s18], $0x80  }
0x1ff: {  	[sflag:s18] =	ssyncset.done $0x0  }
0x200: {  	[sflag:s18] =	ssyncadd.s32 $0xFFFFFF80  }
0x201: {  	_ =	swait.ge [sflag:s15], $0x80  }
0x202: {  	[sflag:s15] =	ssyncset.done $0x0  }
0x203: {  	[sflag:s15] =	ssyncadd.s32 $0xFFFFFF80  }
0x204: {  	_ =	swait.ge [sflag:s18], $0x80  }
0x205: {  	[sflag:s18] =	ssyncset.done $0x0  }
0x206: {  	[sflag:s18] =	ssyncadd.s32 $0xFFFFFF80  }
0x207: {  	_ =	swait.ge [sflag:s15], $0x80  }
0x208: {  	[sflag:s15] =	ssyncset.done $0x0  }
0x209: {  	[sflag:s15] =	ssyncadd.s32 $0xFFFFFF80  }
0x20a: {  	_ =	swait.ge [sflag:s18], $0x80  }
0x20b: {  	[sflag:s18] =	ssyncset.done $0x0  }
0x20c: {  	[sflag:s18] =	ssyncadd.s32 $0xFFFFFF80  }
0x20d: {  	_ =	swait.ge [sflag:s15], $0x80  }
0x20e: {  	[sflag:s15] =	ssyncset.done $0x0  }
0x20f: {  	[sflag:s15] =	ssyncadd.s32 $0xFFFFFF80  }
0x210: {  	_ =	swait.ge [sflag:s18], $0x80  }
0x211: {  	[sflag:s18] =	ssyncset.done $0x0  }
0x212: {  	[sflag:s18] =	ssyncadd.s32 $0xFFFFFF80  }
0x213: {  	_ =	swait.ge [sflag:s15], $0x80  }
0x214: {  	[sflag:s15] =	ssyncset.done $0x0  }
0x215: {  	[sflag:s15] =	ssyncadd.s32 $0xFFFFFF80  }
0x216: {  	_ =	swait.ge [sflag:s18], $0x80  }
0x217: {  	[sflag:s18] =	ssyncset.done $0x0  }
0x218: {  	[sflag:s18] =	ssyncadd.s32 $0xFFFFFF80  }
0x219: {  	_ =	swait.ge [sflag:s15], $0x80  }
0x21a: {  	[sflag:s15] =	ssyncset.done $0x0  }
0x21b: {  	[sflag:s15] =	ssyncadd.s32 $0xFFFFFF80  }
0x21c: {  	_ =	swait.ge [sflag:s18], $0x80  }
0x21d: {  	[sflag:s18] =	ssyncset.done $0x0  }
0x21e: {  	[sflag:s18] =	ssyncadd.s32 $0xFFFFFF80  }
0x21f: {  	_ =	swait.ge [sflag:s15], $0x80  }
0x220: {  	[sflag:s15] =	ssyncset.done $0x0  }
0x221: {  	[sflag:s15] =	ssyncadd.s32 $0xFFFFFF80  }
0x222: {  	_ =	swait.ge [sflag:s18], $0x80  }
0x223: {  	[sflag:s18] =	ssyncset.done $0x0  }
0x224: {  	[sflag:s18] =	ssyncadd.s32 $0xFFFFFF80  }
0x225: {  	_ =	swait.ge [sflag:s15], $0x80  }
0x226: {  	[sflag:s15] =	ssyncset.done $0x0  }
0x227: {  	[sflag:s15] =	ssyncadd.s32 $0xFFFFFF80  }
0x228: {  	_ =	swait.ge [sflag:s18], $0x80  }
0x229: {  	[sflag:s18] =	ssyncset.done $0x0  }
0x22a: {  	[sflag:s18] =	ssyncadd.s32 $0xFFFFFF80  }
0x22b: {  	_ =	swait.ge [sflag:s15], $0x80  }
0x22c: {  	[sflag:s15] =	ssyncset.done $0x0  }
0x22d: {  	[sflag:s15] =	ssyncadd.s32 $0xFFFFFF80  }
0x22e: {  	_ =	swait.ge [sflag:s18], $0x80  }
0x22f: {  	[sflag:s18] =	ssyncset.done $0x0  }
0x230: {  	[sflag:s18] =	ssyncadd.s32 $0xFFFFFF80  }
0x231: {  	_ =	swait.ge [sflag:s15], $0x80  }
0x232: {  	[sflag:s15] =	ssyncset.done $0x0  }
0x233: {  	[sflag:s15] =	ssyncadd.s32 $0xFFFFFF80  }
0x234: {  	_ =	swait.ge [sflag:s18], $0x80  }
0x235: {  	[sflag:s18] =	ssyncset.done $0x0  }
0x236: {  	[sflag:s18] =	ssyncadd.s32 $0xFFFFFF80  }
0x237: {  	_ =	swait.ge [sflag:s15], $0x80  }
0x238: {  	[sflag:s15] =	ssyncset.done $0x0  }
0x239: {  	[sflag:s15] =	ssyncadd.s32 $0xFFFFFF80  }
0x23a: {  	_ =	swait.ge [sflag:s18], $0x80  }
0x23b: {  	[sflag:s18] =	ssyncset.done $0x0  }
0x23c: {  	[sflag:s18] =	ssyncadd.s32 $0xFFFFFF80  }
0x23d: {  	_ =	swait.ge [sflag:s15], $0x80  }
0x23e: {  	[sflag:s15] =	ssyncset.done $0x0  }
0x23f: {  	[sflag:s15] =	ssyncadd.s32 $0xFFFFFF80  }
0x240: {  	_ =	swait.ge [sflag:s18], $0x80  }
0x241: {  	[sflag:s18] =	ssyncset.done $0x0  }
0x242: {  	[sflag:s18] =	ssyncadd.s32 $0xFFFFFF80  }
0x243: {  	_ =	swait.ge [sflag:s15], $0x80  }
0x244: {  	[sflag:s15] =	ssyncset.done $0x0  }
0x245: {  	[sflag:s15] =	ssyncadd.s32 $0xFFFFFF80  }
0x246: {  	_ =	swait.ge [sflag:s18], $0x80  }
0x247: {  	[sflag:s18] =	ssyncset.done $0x0  }
0x248: {  	[sflag:s18] =	ssyncadd.s32 $0xFFFFFF80  }
0x249: {  	_ =	swait.ge [sflag:s15], $0x80  }
0x24a: {  	[sflag:s15] =	ssyncset.done $0x0  }
0x24b: {  	[sflag:s15] =	ssyncadd.s32 $0xFFFFFF80  }
0x24c: {  	_ =	swait.ge [sflag:s18], $0x80  }
0x24d: {  	[sflag:s18] =	ssyncset.done $0x0  }
0x24e: {  	[sflag:s18] =	ssyncadd.s32 $0xFFFFFF80  }
.Ltmp0:
0x24f: {  	_ =	swait.ge [sflag:s15], $0x80;
	(pc) =	sbr.rel @p0 .LBB2_2-.Ltmp0, $4  }
0x250: {  	[sflag:s15] =	ssyncset.done $0x0  }
0x251: {  	[sflag:s15] =	ssyncadd.s32 $0xFFFFFF80  }
0x252: {  	_ =	swait.ge [sflag:s18], $0x80  }
0x253: {  	s6 =	sshra.s32 s5, $0x2;
	[sflag:s18] =	ssyncset.done $0x0  }
0x254: {  	s5 =	sadd.s32 $0x6C00, s6;
	s7 =	sadd.s32 $0xC00, s6;
	[sflag:s18] =	ssyncadd.s32 $0xFFFFFF80  }
0x255: {  	[tilespmem:s5], [sflag:$0x1] =	stream.indirect.gather [hbm4b:s2+s10], $0x1, s7, s10, $0xb8;
	[tilespmem:$0x12000] =	vst v63  }
0x256: {  	s28 =	sadd.s32 $0xCC00, s6  }
0x257: {  	[tilespmem:s28], [sflag:$0x2] =	stream.indirect.gather [hbm4b:s3+s10], $0x1, s7, s10, $0xb8;
	[tilespmem:$0x12000] =	vst v63  }
0x258: {  	s24 =	sadd.s32 $0xC80, s6;
	s7 =	sadd.s32 $0x6C80, s6  }
0x259: {  	[tilespmem:s7], [sflag:$0x1] =	stream.indirect.gather [hbm4b:s2+s10], $0x1, s24, s10, $0xb8;
	[tilespmem:$0x12000] =	vst v63  }
0x25a: {  	s28 =	sadd.s32 $0xCC80, s6  }
0x25b: {  	[tilespmem:s28], [sflag:$0x2] =	stream.indirect.gather [hbm4b:s3+s10], $0x1, s24, s10, $0xb8;
	[tilespmem:$0x12000] =	vst v63  }
0x25c: {  	s7 =	sadd.s32 $0x6D00, s6;
	s24 =	sadd.s32 $0xD00, s6  }
0x25d: {  	[tilespmem:s7], [sflag:$0x1] =	stream.indirect.gather [hbm4b:s2+s10], $0x1, s24, s10, $0xb8;
	[tilespmem:$0x12000] =	vst v63  }
0x25e: {  	s28 =	sadd.s32 $0xCD00, s6  }
0x25f: {  	[tilespmem:s28], [sflag:$0x2] =	stream.indirect.gather [hbm4b:s3+s10], $0x1, s24, s10, $0xb8;
	[tilespmem:$0x12000] =	vst v63  }
0x260: {  	s7 =	sadd.s32 $0x6D80, s6;
	s24 =	sadd.s32 $0xD80, s6  }
0x261: {  	[tilespmem:s7], [sflag:$0x1] =	stream.indirect.gather [hbm4b:s2+s10], $0x1, s24, s10, $0xb8;
	[tilespmem:$0x12000] =	vst v63  }
0x262: {  	s28 =	sadd.s32 $0xCD80, s6  }
0x263: {  	[tilespmem:s28], [sflag:$0x2] =	stream.indirect.gather [hbm4b:s3+s10], $0x1, s24, s10, $0xb8;
	[tilespmem:$0x12000] =	vst v63  }
0x264: {  	s7 =	sadd.s32 $0x6E00, s6;
	s24 =	sadd.s32 $0xE00, s6  }
0x265: {  	[tilespmem:s7], [sflag:$0x1] =	stream.indirect.gather [hbm4b:s2+s10], $0x1, s24, s10, $0xb8;
	[tilespmem:$0x12000] =	vst v63  }
0x266: {  	s28 =	sadd.s32 $0xCE00, s6  }
0x267: {  	[tilespmem:s28], [sflag:$0x2] =	stream.indirect.gather [hbm4b:s3+s10], $0x1, s24, s10, $0xb8;
	[tilespmem:$0x12000] =	vst v63  }
0x268: {  	s7 =	sadd.s32 $0x6E80, s6;
	s24 =	sadd.s32 $0xE80, s6  }
0x269: {  	[tilespmem:s7], [sflag:$0x1] =	stream.indirect.gather [hbm4b:s2+s10], $0x1, s24, s10, $0xb8;
	[tilespmem:$0x12000] =	vst v63  }
0x26a: {  	s28 =	sadd.s32 $0xCE80, s6  }
0x26b: {  	[tilespmem:s28], [sflag:$0x2] =	stream.indirect.gather [hbm4b:s3+s10], $0x1, s24, s10, $0xb8;
	[tilespmem:$0x12000] =	vst v63  }
0x26c: {  	s7 =	sadd.s32 $0x6F00, s6;
	s24 =	sadd.s32 $0xF00, s6  }
0x26d: {  	[tilespmem:s7], [sflag:$0x1] =	stream.indirect.gather [hbm4b:s2+s10], $0x1, s24, s10, $0xb8;
	[tilespmem:$0x12000] =	vst v63  }
0x26e: {  	s28 =	sadd.s32 $0xCF00, s6  }
0x26f: {  	[tilespmem:s28], [sflag:$0x2] =	stream.indirect.gather [hbm4b:s3+s10], $0x1, s24, s10, $0xb8;
	[tilespmem:$0x12000] =	vst v63  }
0x270: {  	s7 =	sadd.s32 $0x6F80, s6;
	s24 =	sadd.s32 $0xF80, s6  }
0x271: {  	[tilespmem:s7], [sflag:$0x1] =	stream.indirect.gather [hbm4b:s2+s10], $0x1, s24, s10, $0xb8;
	[tilespmem:$0x12000] =	vst v63  }
0x272: {  	s28 =	sadd.s32 $0xCF80, s6  }
0x273: {  	[tilespmem:s28], [sflag:$0x2] =	stream.indirect.gather [hbm4b:s3+s10], $0x1, s24, s10, $0xb8;
	[tilespmem:$0x12000] =	vst v63  }
0x274: {  	s7 =	sadd.s32 $0x7000, s6;
	s24 =	sadd.s32 $0x1000, s6  }
0x275: {  	[tilespmem:s7], [sflag:$0x1] =	stream.indirect.gather [hbm4b:s2+s10], $0x1, s24, s10, $0xb8;
	[tilespmem:$0x12000] =	vst v63  }
0x276: {  	s28 =	sadd.s32 $0xD000, s6  }
0x277: {  	[tilespmem:s28], [sflag:$0x2] =	stream.indirect.gather [hbm4b:s3+s10], $0x1, s24, s10, $0xb8;
	[tilespmem:$0x12000] =	vst v63  }
0x278: {  	s7 =	sadd.s32 $0x7080, s6;
	s24 =	sadd.s32 $0x1080, s6  }
0x279: {  	[tilespmem:s7], [sflag:$0x1] =	stream.indirect.gather [hbm4b:s2+s10], $0x1, s24, s10, $0xb8;
	[tilespmem:$0x12000] =	vst v63  }
0x27a: {  	s28 =	sadd.s32 $0xD080, s6  }
0x27b: {  	[tilespmem:s28], [sflag:$0x2] =	stream.indirect.gather [hbm4b:s3+s10], $0x1, s24, s10, $0xb8;
	[tilespmem:$0x12000] =	vst v63  }
0x27c: {  	s7 =	sadd.s32 $0x7100, s6;
	s24 =	sadd.s32 $0x1100, s6  }
0x27d: {  	[tilespmem:s7], [sflag:$0x1] =	stream.indirect.gather [hbm4b:s2+s10], $0x1, s24, s10, $0xb8;
	[tilespmem:$0x12000] =	vst v63  }
0x27e: {  	s28 =	sadd.s32 $0xD100, s6  }
0x27f: {  	[tilespmem:s28], [sflag:$0x2] =	stream.indirect.gather [hbm4b:s3+s10], $0x1, s24, s10, $0xb8;
	[tilespmem:$0x12000] =	vst v63  }
0x280: {  	s7 =	sadd.s32 $0x7180, s6;
	s24 =	sadd.s32 $0x1180, s6  }
0x281: {  	[tilespmem:s7], [sflag:$0x1] =	stream.indirect.gather [hbm4b:s2+s10], $0x1, s24, s10, $0xb8;
	[tilespmem:$0x12000] =	vst v63  }
0x282: {  	s28 =	sadd.s32 $0xD180, s6  }
0x283: {  	[tilespmem:s28], [sflag:$0x2] =	stream.indirect.gather [hbm4b:s3+s10], $0x1, s24, s10, $0xb8;
	[tilespmem:$0x12000] =	vst v63  }
0x284: {  	s7 =	sadd.s32 $0x7200, s6;
	s24 =	sadd.s32 $0x1200, s6  }
0x285: {  	[tilespmem:s7], [sflag:$0x1] =	stream.indirect.gather [hbm4b:s2+s10], $0x1, s24, s10, $0xb8;
	[tilespmem:$0x12000] =	vst v63  }
0x286: {  	s28 =	sadd.s32 $0xD200, s6  }
0x287: {  	[tilespmem:s28], [sflag:$0x2] =	stream.indirect.gather [hbm4b:s3+s10], $0x1, s24, s10, $0xb8;
	[tilespmem:$0x12000] =	vst v63  }
0x288: {  	s7 =	sadd.s32 $0x7280, s6;
	s24 =	sadd.s32 $0x1280, s6  }
0x289: {  	[tilespmem:s7], [sflag:$0x1] =	stream.indirect.gather [hbm4b:s2+s10], $0x1, s24, s10, $0xb8;
	[tilespmem:$0x12000] =	vst v63  }
0x28a: {  	s28 =	sadd.s32 $0xD280, s6  }
0x28b: {  	[tilespmem:s28], [sflag:$0x2] =	stream.indirect.gather [hbm4b:s3+s10], $0x1, s24, s10, $0xb8;
	[tilespmem:$0x12000] =	vst v63  }
0x28c: {  	s7 =	sadd.s32 $0x7300, s6;
	s24 =	sadd.s32 $0x1300, s6  }
0x28d: {  	[tilespmem:s7], [sflag:$0x1] =	stream.indirect.gather [hbm4b:s2+s10], $0x1, s24, s10, $0xb8;
	[tilespmem:$0x12000] =	vst v63  }
0x28e: {  	s28 =	sadd.s32 $0xD300, s6  }
0x28f: {  	[tilespmem:s28], [sflag:$0x2] =	stream.indirect.gather [hbm4b:s3+s10], $0x1, s24, s10, $0xb8;
	[tilespmem:$0x12000] =	vst v63  }
0x290: {  	s7 =	sadd.s32 $0x7380, s6;
	s24 =	sadd.s32 $0x1380, s6  }
0x291: {  	[tilespmem:s7], [sflag:$0x1] =	stream.indirect.gather [hbm4b:s2+s10], $0x1, s24, s10, $0xb8;
	[tilespmem:$0x12000] =	vst v63  }
0x292: {  	s28 =	sadd.s32 $0xD380, s6  }
0x293: {  	[tilespmem:s28], [sflag:$0x2] =	stream.indirect.gather [hbm4b:s3+s10], $0x1, s24, s10, $0xb8;
	[tilespmem:$0x12000] =	vst v63  }
0x294: {  	s7 =	sadd.s32 $0x7400, s6;
	s24 =	sadd.s32 $0x1400, s6  }
0x295: {  	[tilespmem:s7], [sflag:$0x1] =	stream.indirect.gather [hbm4b:s2+s10], $0x1, s24, s10, $0xb8;
	[tilespmem:$0x12000] =	vst v63  }
0x296: {  	s28 =	sadd.s32 $0xD400, s6  }
0x297: {  	[tilespmem:s28], [sflag:$0x2] =	stream.indirect.gather [hbm4b:s3+s10], $0x1, s24, s10, $0xb8;
	[tilespmem:$0x12000] =	vst v63  }
0x298: {  	s7 =	sadd.s32 $0x7480, s6;
	s24 =	sadd.s32 $0x1480, s6  }
0x299: {  	[tilespmem:s7], [sflag:$0x1] =	stream.indirect.gather [hbm4b:s2+s10], $0x1, s24, s10, $0xb8;
	[tilespmem:$0x12000] =	vst v63  }
0x29a: {  	s28 =	sadd.s32 $0xD480, s6  }
0x29b: {  	[tilespmem:s28], [sflag:$0x2] =	stream.indirect.gather [hbm4b:s3+s10], $0x1, s24, s10, $0xb8;
	[tilespmem:$0x12000] =	vst v63  }
0x29c: {  	s7 =	sadd.s32 $0x7500, s6;
	s24 =	sadd.s32 $0x1500, s6  }
0x29d: {  	[tilespmem:s7], [sflag:$0x1] =	stream.indirect.gather [hbm4b:s2+s10], $0x1, s24, s10, $0xb8;
	[tilespmem:$0x12000] =	vst v63  }
0x29e: {  	s28 =	sadd.s32 $0xD500, s6  }
0x29f: {  	[tilespmem:s28], [sflag:$0x2] =	stream.indirect.gather [hbm4b:s3+s10], $0x1, s24, s10, $0xb8;
	[tilespmem:$0x12000] =	vst v63  }
0x2a0: {  	s7 =	sadd.s32 $0x7580, s6;
	s24 =	sadd.s32 $0x1580, s6  }
0x2a1: {  	[tilespmem:s7], [sflag:$0x1] =	stream.indirect.gather [hbm4b:s2+s10], $0x1, s24, s10, $0xb8;
	[tilespmem:$0x12000] =	vst v63  }
0x2a2: {  	s28 =	sadd.s32 $0xD580, s6  }
0x2a3: {  	[tilespmem:s28], [sflag:$0x2] =	stream.indirect.gather [hbm4b:s3+s10], $0x1, s24, s10, $0xb8;
	[tilespmem:$0x12000] =	vst v63  }
0x2a4: {  	s7 =	sadd.s32 $0x7600, s6;
	s24 =	sadd.s32 $0x1600, s6  }
0x2a5: {  	[tilespmem:s7], [sflag:$0x1] =	stream.indirect.gather [hbm4b:s2+s10], $0x1, s24, s10, $0xb8;
	[tilespmem:$0x12000] =	vst v63  }
0x2a6: {  	s28 =	sadd.s32 $0xD600, s6  }
0x2a7: {  	[tilespmem:s28], [sflag:$0x2] =	stream.indirect.gather [hbm4b:s3+s10], $0x1, s24, s10, $0xb8;
	[tilespmem:$0x12000] =	vst v63  }
0x2a8: {  	s7 =	sadd.s32 $0x7680, s6;
	s24 =	sadd.s32 $0x1680, s6  }
0x2a9: {  	[tilespmem:s7], [sflag:$0x1] =	stream.indirect.gather [hbm4b:s2+s10], $0x1, s24, s10, $0xb8;
	[tilespmem:$0x12000] =	vst v63  }
0x2aa: {  	s28 =	sadd.s32 $0xD680, s6  }
0x2ab: {  	[tilespmem:s28], [sflag:$0x2] =	stream.indirect.gather [hbm4b:s3+s10], $0x1, s24, s10, $0xb8;
	[tilespmem:$0x12000] =	vst v63  }
0x2ac: {  	s7 =	sadd.s32 $0x7700, s6;
	s24 =	sadd.s32 $0x1700, s6  }
0x2ad: {  	[tilespmem:s7], [sflag:$0x1] =	stream.indirect.gather [hbm4b:s2+s10], $0x1, s24, s10, $0xb8;
	[tilespmem:$0x12000] =	vst v63  }
0x2ae: {  	s28 =	sadd.s32 $0xD700, s6  }
0x2af: {  	[tilespmem:s28], [sflag:$0x2] =	stream.indirect.gather [hbm4b:s3+s10], $0x1, s24, s10, $0xb8;
	[tilespmem:$0x12000] =	vst v63  }
0x2b0: {  	s24 =	sadd.s32 $0x7780, s6;
	s28 =	sadd.s32 $0x1780, s6  }
0x2b1: {  	[tilespmem:s24], [sflag:$0x1] =	stream.indirect.gather [hbm4b:s2+s10], $0x1, s28, s10, $0xb8;
	[tilespmem:$0x12000] =	vst v63  }
0x2b2: {  	s6 =	sadd.s32 $0xD780, s6  }
0x2b3: {  	[tilespmem:s6], [sflag:$0x2] =	stream.indirect.gather [hbm4b:s3+s10], $0x1, s28, s10, $0xb8;
	[tilespmem:$0x12000] =	vst v63  }
0x2b4: {  	_ =	swait.ge [sflag:s15], $0x80  }
0x2b5: {  	[sflag:s15] =	ssyncset.done $0x0  }
0x2b6: {  	[sflag:s15] =	ssyncadd.s32 $0xFFFFFF80  }
0x2b7: {  	_ =	swait.ge [sflag:s18], $0x80  }
0x2b8: {  	[sflag:s18] =	ssyncset.done $0x0  }
0x2b9: {  	[sflag:s18] =	ssyncadd.s32 $0xFFFFFF80  }
0x2ba: {  	_ =	swait.ge [sflag:s15], $0x80  }
0x2bb: {  	[sflag:s15] =	ssyncset.done $0x0  }
0x2bc: {  	[sflag:s15] =	ssyncadd.s32 $0xFFFFFF80  }
0x2bd: {  	_ =	swait.ge [sflag:s18], $0x80  }
0x2be: {  	[sflag:s18] =	ssyncset.done $0x0  }
0x2bf: {  	[sflag:s18] =	ssyncadd.s32 $0xFFFFFF80  }
0x2c0: {  	_ =	swait.ge [sflag:s15], $0x80  }
0x2c1: {  	[sflag:s15] =	ssyncset.done $0x0  }
0x2c2: {  	[sflag:s15] =	ssyncadd.s32 $0xFFFFFF80  }
0x2c3: {  	_ =	swait.ge [sflag:s18], $0x80  }
0x2c4: {  	[sflag:s18] =	ssyncset.done $0x0  }
0x2c5: {  	[sflag:s18] =	ssyncadd.s32 $0xFFFFFF80  }
0x2c6: {  	_ =	swait.ge [sflag:s15], $0x80  }
0x2c7: {  	[sflag:s15] =	ssyncset.done $0x0  }
0x2c8: {  	[sflag:s15] =	ssyncadd.s32 $0xFFFFFF80  }
0x2c9: {  	_ =	swait.ge [sflag:s18], $0x80  }
0x2ca: {  	[sflag:s18] =	ssyncset.done $0x0  }
0x2cb: {  	[sflag:s18] =	ssyncadd.s32 $0xFFFFFF80  }
0x2cc: {  	_ =	swait.ge [sflag:s15], $0x80  }
0x2cd: {  	[sflag:s15] =	ssyncset.done $0x0  }
0x2ce: {  	[sflag:s15] =	ssyncadd.s32 $0xFFFFFF80  }
0x2cf: {  	_ =	swait.ge [sflag:s18], $0x80  }
0x2d0: {  	[sflag:s18] =	ssyncset.done $0x0  }
0x2d1: {  	[sflag:s18] =	ssyncadd.s32 $0xFFFFFF80  }
0x2d2: {  	_ =	swait.ge [sflag:s15], $0x80  }
0x2d3: {  	[sflag:s15] =	ssyncset.done $0x0  }
0x2d4: {  	[sflag:s15] =	ssyncadd.s32 $0xFFFFFF80  }
0x2d5: {  	_ =	swait.ge [sflag:s18], $0x80  }
0x2d6: {  	[sflag:s18] =	ssyncset.done $0x0  }
0x2d7: {  	[sflag:s18] =	ssyncadd.s32 $0xFFFFFF80  }
0x2d8: {  	_ =	swait.ge [sflag:s15], $0x80  }
0x2d9: {  	[sflag:s15] =	ssyncset.done $0x0  }
0x2da: {  	[sflag:s15] =	ssyncadd.s32 $0xFFFFFF80  }
0x2db: {  	_ =	swait.ge [sflag:s18], $0x80  }
0x2dc: {  	[sflag:s18] =	ssyncset.done $0x0  }
0x2dd: {  	[sflag:s18] =	ssyncadd.s32 $0xFFFFFF80  }
0x2de: {  	_ =	swait.ge [sflag:s15], $0x80  }
0x2df: {  	[sflag:s15] =	ssyncset.done $0x0  }
0x2e0: {  	[sflag:s15] =	ssyncadd.s32 $0xFFFFFF80  }
0x2e1: {  	_ =	swait.ge [sflag:s18], $0x80  }
0x2e2: {  	[sflag:s18] =	ssyncset.done $0x0  }
0x2e3: {  	[sflag:s18] =	ssyncadd.s32 $0xFFFFFF80  }
0x2e4: {  	_ =	swait.ge [sflag:s15], $0x80  }
0x2e5: {  	[sflag:s15] =	ssyncset.done $0x0  }
0x2e6: {  	[sflag:s15] =	ssyncadd.s32 $0xFFFFFF80  }
0x2e7: {  	_ =	swait.ge [sflag:s18], $0x80  }
0x2e8: {  	[sflag:s18] =	ssyncset.done $0x0  }
0x2e9: {  	[sflag:s18] =	ssyncadd.s32 $0xFFFFFF80  }
0x2ea: {  	_ =	swait.ge [sflag:s15], $0x80  }
0x2eb: {  	[sflag:s15] =	ssyncset.done $0x0  }
0x2ec: {  	[sflag:s15] =	ssyncadd.s32 $0xFFFFFF80  }
0x2ed: {  	_ =	swait.ge [sflag:s18], $0x80  }
0x2ee: {  	[sflag:s18] =	ssyncset.done $0x0  }
0x2ef: {  	[sflag:s18] =	ssyncadd.s32 $0xFFFFFF80  }
0x2f0: {  	_ =	swait.ge [sflag:s15], $0x80  }
0x2f1: {  	[sflag:s15] =	ssyncset.done $0x0  }
0x2f2: {  	[sflag:s15] =	ssyncadd.s32 $0xFFFFFF80  }
0x2f3: {  	_ =	swait.ge [sflag:s18], $0x80  }
0x2f4: {  	[sflag:s18] =	ssyncset.done $0x0  }
0x2f5: {  	[sflag:s18] =	ssyncadd.s32 $0xFFFFFF80  }
0x2f6: {  	_ =	swait.ge [sflag:s15], $0x80  }
0x2f7: {  	[sflag:s15] =	ssyncset.done $0x0  }
0x2f8: {  	[sflag:s15] =	ssyncadd.s32 $0xFFFFFF80  }
0x2f9: {  	_ =	swait.ge [sflag:s18], $0x80  }
0x2fa: {  	[sflag:s18] =	ssyncset.done $0x0  }
0x2fb: {  	[sflag:s18] =	ssyncadd.s32 $0xFFFFFF80  }
0x2fc: {  	_ =	swait.ge [sflag:s15], $0x80  }
0x2fd: {  	[sflag:s15] =	ssyncset.done $0x0  }
0x2fe: {  	[sflag:s15] =	ssyncadd.s32 $0xFFFFFF80  }
0x2ff: {  	_ =	swait.ge [sflag:s18], $0x80  }
0x300: {  	[sflag:s18] =	ssyncset.done $0x0  }
0x301: {  	[sflag:s18] =	ssyncadd.s32 $0xFFFFFF80  }
0x302: {  	_ =	swait.ge [sflag:s15], $0x80  }
0x303: {  	[sflag:s15] =	ssyncset.done $0x0  }
0x304: {  	[sflag:s15] =	ssyncadd.s32 $0xFFFFFF80  }
0x305: {  	_ =	swait.ge [sflag:s18], $0x80  }
0x306: {  	[sflag:s18] =	ssyncset.done $0x0  }
0x307: {  	[sflag:s18] =	ssyncadd.s32 $0xFFFFFF80  }
0x308: {  	_ =	swait.ge [sflag:s15], $0x80  }
0x309: {  	[sflag:s15] =	ssyncset.done $0x0  }
0x30a: {  	[sflag:s15] =	ssyncadd.s32 $0xFFFFFF80  }
0x30b: {  	_ =	swait.ge [sflag:s18], $0x80  }
0x30c: {  	[sflag:s18] =	ssyncset.done $0x0  }
0x30d: {  	[sflag:s18] =	ssyncadd.s32 $0xFFFFFF80  }
0x30e: {  	_ =	swait.ge [sflag:s15], $0x80  }
0x30f: {  	[sflag:s15] =	ssyncset.done $0x0  }
0x310: {  	[sflag:s15] =	ssyncadd.s32 $0xFFFFFF80  }
0x311: {  	_ =	swait.ge [sflag:s18], $0x80  }
0x312: {  	[sflag:s18] =	ssyncset.done $0x0  }
0x313: {  	[sflag:s18] =	ssyncadd.s32 $0xFFFFFF80  }
0x314: {  	_ =	swait.ge [sflag:s15], $0x80  }
0x315: {  	[sflag:s15] =	ssyncset.done $0x0  }
0x316: {  	[sflag:s15] =	ssyncadd.s32 $0xFFFFFF80  }
0x317: {  	_ =	swait.ge [sflag:s18], $0x80  }
0x318: {  	[sflag:s18] =	ssyncset.done $0x0  }
0x319: {  	[sflag:s18] =	ssyncadd.s32 $0xFFFFFF80  }
0x31a: {  	_ =	swait.ge [sflag:s15], $0x80  }
0x31b: {  	[sflag:s15] =	ssyncset.done $0x0  }
0x31c: {  	[sflag:s15] =	ssyncadd.s32 $0xFFFFFF80  }
0x31d: {  	_ =	swait.ge [sflag:s18], $0x80  }
0x31e: {  	[sflag:s18] =	ssyncset.done $0x0  }
0x31f: {  	[sflag:s18] =	ssyncadd.s32 $0xFFFFFF80  }
0x320: {  	_ =	swait.ge [sflag:s15], $0x80  }
0x321: {  	[sflag:s15] =	ssyncset.done $0x0  }
0x322: {  	[sflag:s15] =	ssyncadd.s32 $0xFFFFFF80  }
0x323: {  	_ =	swait.ge [sflag:s18], $0x80  }
0x324: {  	[sflag:s18] =	ssyncset.done $0x0  }
0x325: {  	[sflag:s18] =	ssyncadd.s32 $0xFFFFFF80  }
0x326: {  	_ =	swait.ge [sflag:s15], $0x80  }
0x327: {  	[sflag:s15] =	ssyncset.done $0x0  }
0x328: {  	[sflag:s15] =	ssyncadd.s32 $0xFFFFFF80  }
0x329: {  	_ =	swait.ge [sflag:s18], $0x80  }
0x32a: {  	[sflag:s18] =	ssyncset.done $0x0  }
0x32b: {  	[sflag:s18] =	ssyncadd.s32 $0xFFFFFF80  }
0x32c: {  	_ =	swait.ge [sflag:s15], $0x80  }
0x32d: {  	[sflag:s15] =	ssyncset.done $0x0  }
0x32e: {  	[sflag:s15] =	ssyncadd.s32 $0xFFFFFF80  }
0x32f: {  	_ =	swait.ge [sflag:s18], $0x80  }
0x330: {  	[sflag:s18] =	ssyncset.done $0x0  }
0x331: {  	[sflag:s18] =	ssyncadd.s32 $0xFFFFFF80  }
0x332: {  	_ =	swait.ge [sflag:s15], $0x80  }
0x333: {  	[sflag:s15] =	ssyncset.done $0x0  }
0x334: {  	[sflag:s15] =	ssyncadd.s32 $0xFFFFFF80  }
0x335: {  	_ =	swait.ge [sflag:s18], $0x80  }
0x336: {  	[sflag:s18] =	ssyncset.done $0x0  }
0x337: {  	[sflag:s18] =	ssyncadd.s32 $0xFFFFFF80  }
0x338: {  	_ =	swait.ge [sflag:s15], $0x80  }
0x339: {  	[sflag:s15] =	ssyncset.done $0x0  }
0x33a: {  	[sflag:s15] =	ssyncadd.s32 $0xFFFFFF80  }
0x33b: {  	_ =	swait.ge [sflag:s18], $0x80  }
0x33c: {  	[sflag:s18] =	ssyncset.done $0x0  }
0x33d: {  	[sflag:s18] =	ssyncadd.s32 $0xFFFFFF80  }
0x33e: {  	_ =	swait.ge [sflag:s15], $0x80  }
0x33f: {  	[sflag:s15] =	ssyncset.done $0x0  }
0x340: {  	[sflag:s15] =	ssyncadd.s32 $0xFFFFFF80  }
0x341: {  	_ =	swait.ge [sflag:s18], $0x80  }
0x342: {  	[sflag:s18] =	ssyncset.done $0x0  }
0x343: {  	[sflag:s18] =	ssyncadd.s32 $0xFFFFFF80  }
0x344: {  	_ =	swait.ge [sflag:s15], $0x80  }
0x345: {  	[sflag:s15] =	ssyncset.done $0x0  }
0x346: {  	[sflag:s15] =	ssyncadd.s32 $0xFFFFFF80  }
0x347: {  	_ =	swait.ge [sflag:s18], $0x80  }
0x348: {  	[sflag:s18] =	ssyncset.done $0x0  }
0x349: {  	[sflag:s18] =	ssyncadd.s32 $0xFFFFFF80  }
0x34a: {  	_ =	swait.ge [sflag:s15], $0x80  }
0x34b: {  	[sflag:s15] =	ssyncset.done $0x0  }
0x34c: {  	[sflag:s15] =	ssyncadd.s32 $0xFFFFFF80  }
0x34d: {  	_ =	swait.ge [sflag:s18], $0x80  }
0x34e: {  	[sflag:s18] =	ssyncset.done $0x0  }
0x34f: {  	[sflag:s18] =	ssyncadd.s32 $0xFFFFFF80  }
0x350: {  	_ =	swait.ge [sflag:s15], $0x80  }
0x351: {  	[sflag:s15] =	ssyncset.done $0x0  }
0x352: {  	[sflag:s15] =	ssyncadd.s32 $0xFFFFFF80  }
0x353: {  	_ =	swait.ge [sflag:s18], $0x80  }
0x354: {  	[sflag:s18] =	ssyncset.done $0x0  }
0x355: {  	[sflag:s18] =	ssyncadd.s32 $0xFFFFFF80  }
0x356: {  	_ =	swait.ge [sflag:s15], $0x80  }
0x357: {  	[sflag:s15] =	ssyncset.done $0x0  }
0x358: {  	[sflag:s15] =	ssyncadd.s32 $0xFFFFFF80  }
0x359: {  	_ =	swait.ge [sflag:s18], $0x80  }
0x35a: {  	[sflag:s18] =	ssyncset.done $0x0  }
0x35b: {  	[sflag:s18] =	ssyncadd.s32 $0xFFFFFF80  }
0x35c: {  	_ =	swait.ge [sflag:s15], $0x80  }
0x35d: {  	[sflag:s15] =	ssyncset.done $0x0  }
0x35e: {  	[sflag:s15] =	ssyncadd.s32 $0xFFFFFF80  }
0x35f: {  	_ =	swait.ge [sflag:s18], $0x80  }
0x360: {  	[sflag:s18] =	ssyncset.done $0x0  }
0x361: {  	[sflag:s18] =	ssyncadd.s32 $0xFFFFFF80  }
0x362: {  	_ =	swait.ge [sflag:s15], $0x80  }
0x363: {  	[sflag:s15] =	ssyncset.done $0x0  }
0x364: {  	[sflag:s15] =	ssyncadd.s32 $0xFFFFFF80  }
0x365: {  	_ =	swait.ge [sflag:s18], $0x80  }
0x366: {  	[sflag:s18] =	ssyncset.done $0x0  }
0x367: {  	[sflag:s18] =	ssyncadd.s32 $0xFFFFFF80  }
0x368: {  	_ =	swait.ge [sflag:s15], $0x80  }
0x369: {  	[sflag:s15] =	ssyncset.done $0x0  }
0x36a: {  	[sflag:s15] =	ssyncadd.s32 $0xFFFFFF80  }
0x36b: {  	_ =	swait.ge [sflag:s18], $0x80  }
0x36c: {  	[sflag:s18] =	ssyncset.done $0x0  }
0x36d: {  	[sflag:s18] =	ssyncadd.s32 $0xFFFFFF80  }
0x36e: {  	_ =	swait.ge [sflag:s15], $0x80  }
0x36f: {  	[sflag:s15] =	ssyncset.done $0x0  }
0x370: {  	[sflag:s15] =	ssyncadd.s32 $0xFFFFFF80  }
0x371: {  	_ =	swait.ge [sflag:s18], $0x80  }
0x372: {  	[sflag:s18] =	ssyncset.done $0x0  }
0x373: {  	[sflag:s18] =	ssyncadd.s32 $0xFFFFFF80  }
0x374: {  	_ =	swait.ge [sflag:s15], $0x80  }
0x375: {  	[sflag:s15] =	ssyncset.done $0x0  }
0x376: {  	[sflag:s15] =	ssyncadd.s32 $0xFFFFFF80  }
0x377: {  	_ =	swait.ge [sflag:s18], $0x80  }
0x378: {  	[sflag:s18] =	ssyncset.done $0x0  }
0x379: {  	[sflag:s18] =	ssyncadd.s32 $0xFFFFFF80  }
0x37a: {  	_ =	swait.ge [sflag:s15], $0x80  }
0x37b: {  	[sflag:s15] =	ssyncset.done $0x0  }
0x37c: {  	[sflag:s15] =	ssyncadd.s32 $0xFFFFFF80  }
0x37d: {  	_ =	swait.ge [sflag:s18], $0x80  }
0x37e: {  	[sflag:s18] =	ssyncset.done $0x0  }
0x37f: {  	[sflag:s18] =	ssyncadd.s32 $0xFFFFFF80  }
0x380: {  	_ =	swait.ge [sflag:s15], $0x80  }
0x381: {  	[sflag:s15] =	ssyncset.done $0x0  }
0x382: {  	[sflag:s15] =	ssyncadd.s32 $0xFFFFFF80  }
0x383: {  	_ =	swait.ge [sflag:s18], $0x80  }
0x384: {  	[sflag:s18] =	ssyncset.done $0x0  }
0x385: {  	[sflag:s18] =	ssyncadd.s32 $0xFFFFFF80  }
0x386: {  	_ =	swait.ge [sflag:s15], $0x80  }
0x387: {  	[sflag:s15] =	ssyncset.done $0x0  }
0x388: {  	[sflag:s15] =	ssyncadd.s32 $0xFFFFFF80  }
0x389: {  	_ =	swait.ge [sflag:s18], $0x80  }
0x38a: {  	[sflag:s18] =	ssyncset.done $0x0  }
0x38b: {  	[sflag:s18] =	ssyncadd.s32 $0xFFFFFF80  }
0x38c: {  	_ =	swait.ge [sflag:s15], $0x80  }
0x38d: {  	[sflag:s15] =	ssyncset.done $0x0  }
0x38e: {  	[sflag:s15] =	ssyncadd.s32 $0xFFFFFF80  }
0x38f: {  	_ =	swait.ge [sflag:s18], $0x80  }
0x390: {  	[sflag:s18] =	ssyncset.done $0x0  }
0x391: {  	[sflag:s18] =	ssyncadd.s32 $0xFFFFFF80  }
0x392: {  	_ =	swait.ge [sflag:s15], $0x80  }
0x393: {  	[sflag:s15] =	ssyncset.done $0x0  }
0x394: {  	[sflag:s15] =	ssyncadd.s32 $0xFFFFFF80  }
0x395: {  	_ =	swait.ge [sflag:s18], $0x80  }
0x396: {  	[sflag:s18] =	ssyncset.done $0x0  }
0x397: {  	[sflag:s18] =	ssyncadd.s32 $0xFFFFFF80  }
0x398: {  	_ =	swait.ge [sflag:s15], $0x80  }
0x399: {  	[sflag:s15] =	ssyncset.done $0x0  }
0x39a: {  	[sflag:s15] =	ssyncadd.s32 $0xFFFFFF80  }
0x39b: {  	_ =	swait.ge [sflag:s18], $0x80  }
0x39c: {  	[sflag:s18] =	ssyncset.done $0x0  }
0x39d: {  	[sflag:s18] =	ssyncadd.s32 $0xFFFFFF80  }
0x39e: {  	_ =	swait.ge [sflag:s15], $0x80  }
0x39f: {  	[sflag:s15] =	ssyncset.done $0x0  }
0x3a0: {  	[sflag:s15] =	ssyncadd.s32 $0xFFFFFF80  }
0x3a1: {  	_ =	swait.ge [sflag:s18], $0x80  }
0x3a2: {  	[sflag:s18] =	ssyncset.done $0x0  }
0x3a3: {  	[sflag:s18] =	ssyncadd.s32 $0xFFFFFF80  }
0x3a4: {  	_ =	swait.ge [sflag:s15], $0x80  }
0x3a5: {  	[sflag:s15] =	ssyncset.done $0x0  }
0x3a6: {  	[sflag:s15] =	ssyncadd.s32 $0xFFFFFF80  }
0x3a7: {  	_ =	swait.ge [sflag:s18], $0x80  }
0x3a8: {  	[sflag:s18] =	ssyncset.done $0x0  }
0x3a9: {  	[sflag:s18] =	ssyncadd.s32 $0xFFFFFF80  }
0x3aa: {  	_ =	swait.ge [sflag:s15], $0x80  }
0x3ab: {  	[sflag:s15] =	ssyncset.done $0x0  }
0x3ac: {  	[sflag:s15] =	ssyncadd.s32 $0xFFFFFF80  }
0x3ad: {  	_ =	swait.ge [sflag:s18], $0x80  }
0x3ae: {  	[sflag:s18] =	ssyncset.done $0x0  }
0x3af: {  	[sflag:s18] =	ssyncadd.s32 $0xFFFFFF80  }
0x3b0: {  	_ =	swait.ge [sflag:s15], $0x80  }
0x3b1: {  	[sflag:s15] =	ssyncset.done $0x0  }
0x3b2: {  	[sflag:s15] =	ssyncadd.s32 $0xFFFFFF80  }
0x3b3: {  	_ =	swait.ge [sflag:s18], $0x80  }
0x3b4: {  	[sflag:s18] =	ssyncset.done $0x0  }
0x3b5: {  	[sflag:s18] =	ssyncadd.s32 $0xFFFFFF80  }
0x3b6: {  	_ =	swait.ge [sflag:s15], $0x80  }
0x3b7: {  	[sflag:s15] =	ssyncset.done $0x0  }
0x3b8: {  	[sflag:s15] =	ssyncadd.s32 $0xFFFFFF80  }
0x3b9: {  	_ =	swait.ge [sflag:s18], $0x80  }
0x3ba: {  	[sflag:s18] =	ssyncset.done $0x0  }
0x3bb: {  	[sflag:s18] =	ssyncadd.s32 $0xFFFFFF80  }
0x3bc: {  	_ =	swait.ge [sflag:s15], $0x80  }
0x3bd: {  	[sflag:s15] =	ssyncset.done $0x0  }
0x3be: {  	[sflag:s15] =	ssyncadd.s32 $0xFFFFFF80  }
0x3bf: {  	_ =	swait.ge [sflag:s18], $0x80  }
0x3c0: {  	[sflag:s18] =	ssyncset.done $0x0  }
0x3c1: {  	[sflag:s18] =	ssyncadd.s32 $0xFFFFFF80  }
0x3c2: {  	_ =	swait.ge [sflag:s15], $0x80  }
0x3c3: {  	[sflag:s15] =	ssyncset.done $0x0  }
0x3c4: {  	[sflag:s15] =	ssyncadd.s32 $0xFFFFFF80  }
0x3c5: {  	_ =	swait.ge [sflag:s18], $0x80  }
0x3c6: {  	[sflag:s18] =	ssyncset.done $0x0  }
0x3c7: {  	[sflag:s18] =	ssyncadd.s32 $0xFFFFFF80  }
0x3c8: {  	_ =	swait.ge [sflag:s15], $0x80  }
0x3c9: {  	[sflag:s15] =	ssyncset.done $0x0  }
0x3ca: {  	[sflag:s15] =	ssyncadd.s32 $0xFFFFFF80  }
0x3cb: {  	_ =	swait.ge [sflag:s18], $0x80  }
0x3cc: {  	[sflag:s18] =	ssyncset.done $0x0  }
0x3cd: {  	[sflag:s18] =	ssyncadd.s32 $0xFFFFFF80  }
0x3ce: {  	_ =	swait.ge [sflag:s15], $0x80  }
0x3cf: {  	[sflag:s15] =	ssyncset.done $0x0  }
0x3d0: {  	[sflag:s15] =	ssyncadd.s32 $0xFFFFFF80  }
0x3d1: {  	_ =	swait.ge [sflag:s18], $0x80  }
0x3d2: {  	[sflag:s18] =	ssyncset.done $0x0  }
0x3d3: {  	s6 =	simm.s32 $0x6000;
	s24 =	rddreg [dreg:$0x5];
	[sflag:s18] =	ssyncadd.s32 $0xFFFFFF80  }
0x3d4: {  	[hbm4b:s24+s4] =	stream.linear.scatter [tilespmem:s6], [sflag:$0x3], $0x6000, $0x38;
	[tilespmem:$0x12000] =	vst v63  }
0x3d5: {  	s21 =	sadd.s32 $0x1, s21;
	_ =	swait.ge [sflag:s9], $0x6000  }
0x3d6: {  	p0 =	sne.s32 s21, s8;
	s7 =	simm.s32 $0xC000;
	[sflag:s9] =	ssyncset.done $0x0  }
.Ltmp1:
0x3d7: {  	s28 =	rddreg [dreg:$0x6];
	[sflag:s9] =	ssyncadd.s32 $0xFFFFA000;
	(pc) =	sbr.rel @p0 .LBB2_1-.Ltmp1, $4  }
0x3d8: {  	[hbm4b:s28+s4] =	stream.linear.scatter [tilespmem:s7], [sflag:$0x3], $0x6000, $0x38;
	[tilespmem:$0x12000] =	vst v63  }
0x3d9: {  	_ =	swait.ge [sflag:s9], $0x6000  }
0x3da: {  	[sflag:s9] =	ssyncset.done $0x0  }
0x3db: {  	[sflag:s9] =	ssyncadd.s32 $0xFFFFA000  }
0x3dc: {  	_ =	sfence.sel $0x180000  }
0x3dd: {  	[bflag:$0x0] =	sbarrier.arrive $0xFFFF  }
0x3de: {  	_ =	strace $0x90000047  }
0x3df: {  	s0 =	stileid.u32;
	[bflag:$0x2] =	sbarrier.arrive $0xFFFF  }
0x3e0: {  	p0 =	sne.s32 s0, $0x0;
	s0 =	rddreg [dreg:$0x3]  }
0x3e1: {  	s0 =	sadd.s32 @!p0 $0x100000, s0  }
0x3e2: {  	[sflag:s0] =	ssyncadd.tile.s32 @!p0 $0x1;
	_ =	shalt  }
.Lfunc_end2:
_tile_overlayer_lowered:
.L_overlay_start_2:
0x3e3: {  	(tag) =	ssettag $0x2  }
0x3e4: {  	s0 =	rddreg [dreg:$0x0];
	s2 =	stileid.u32  }
0x3e5: {  	s1 =	rddreg [dreg:$0x1];
	p0 =	sne.s32 s2, $0x0  }
0x3e6: {  	s3 =	rddreg [dreg:$0x2];
	[bflag:$0x3] =	sbarrier.arrive $0xFFFF;
	s2 =	simm.s32 @!p0 $0x1C03  }
0x3e7: {  	[timem:s3], [sflag:s2] =	dma.local @!p0 [hbm:s0], s1  }
0x3e8: {  	s0 =	simm.s32 @!p0 $0x3  }
0x3e9: {  	_ =	swait.ge @!p0 [sflag:s0], s1  }
0x3ea: {  	s1 =	ssub.s32 @!p0 $0x0, s1;
	[sflag:s0] =	ssyncset.done @!p0 $0x0  }
0x3eb: {  	[sflag:s0] =	ssyncadd.s32 @!p0 s1  }
0x3ec: {  	[bflag:$0x3] =	sbarrier.arrive $0xFFFF  }
0x3ed: {  	_ =	shalt  }

</sc_bundles>
